<compile_context>
chip_gen: v7x
topology: tpu7x:2x2x1
jax: 0.10.2.dev20260603
libtpu: 0.0.44.dev20260713+nightly
codegen_flags: <defaults>
</compile_context>

<pallas_src>
import functools

import jax
import jax.numpy as jnp
from jax import lax
from jax.experimental import pallas as pl
from jax.experimental.pallas import tpu as pltpu
from jax.experimental.pallas import tpu_sc as plsc

N = 10000
E = 320000
D = 128
C = 10
G = 64

NC = 2
NS = 16
LANES = 16
EPC = E // NC
EPT = EPC // NS
CHUNK = 80
CPT = EPT // CHUNK
K2 = 2
NPAIR = CPT // (2 * K2)
N_PAD = 10240
RPT = N_PAD // NS

BLK = 1000
GRID = N // BLK

_mesh = plsc.VectorSubcoreMesh(core_axis_name="c", subcore_axis_name="s")
_sc_params = pltpu.CompilerParams(use_tc_tiling_on_sc=False)



def _sc_deg(dst2d, zeros16):

    @functools.partial(
        pl.kernel,
        mesh=_mesh,
        out_type=jax.ShapeDtypeStruct((NC * N_PAD, LANES), jnp.float32),
        scratch_types=[
            pltpu.VMEM((CPT, CHUNK), jnp.int32),
            pltpu.VMEM((CHUNK, LANES), jnp.float32),
            pltpu.VMEM_SHARED((N_PAD, LANES), jnp.float32),
            pltpu.SemaphoreType.DMA,
        ],
        compiler_params=_sc_params,
    )
    def k(dst_hbm, z_hbm, out_hbm, didx, ones_v, acc_sh, ssem):
        c = lax.axis_index("c")
        s = lax.axis_index("s")

        @pl.loop(0, CHUNK)
        def _(i):
            ones_v[i, :] = jnp.ones((LANES,), jnp.float32)

        pltpu.sync_copy(z_hbm.at[pl.ds(s * RPT, RPT)],
                        acc_sh.at[pl.ds(s * RPT, RPT)])

        cbase = (c * NS + s) * CPT
        pltpu.sync_copy(dst_hbm.at[pl.ds(cbase, CPT)], didx)

        plsc.subcore_barrier()

        @pl.loop(0, CPT)
        def _(t):
            pltpu.async_copy(ones_v, acc_sh.at[didx.at[t]], ssem, add=True)

        @pl.loop(0, CPT)
        def _(t):
            pltpu.make_async_copy(ones_v, acc_sh.at[didx.at[t]], ssem).wait()

        plsc.subcore_barrier()

        pltpu.sync_copy(acc_sh.at[pl.ds(s * RPT, RPT)],
                        out_hbm.at[pl.ds(c * N_PAD + s * RPT, RPT)])

    return k(dst2d, zeros16)


def _sc_prop(g, eidx2d, zeros128):

    @functools.partial(
        pl.kernel,
        mesh=_mesh,
        out_type=jax.ShapeDtypeStruct((NC * N_PAD, D), jnp.float32),
        scratch_types=[
            pltpu.VMEM((2, K2, 2, CHUNK), jnp.int32),
            pltpu.VMEM((2, K2, CHUNK, D), jnp.float32),
            pltpu.VMEM_SHARED((N_PAD, D), jnp.float32),
            pltpu.SemaphoreType.DMA,
            pltpu.SemaphoreType.DMA,
        ],
        compiler_params=_sc_params,
    )
    def k(g_hbm, eidx_hbm, z_hbm, out_hbm, bidx, rows, acc_sh,
          gsem, ssem):
        c = lax.axis_index("c")
        s = lax.axis_index("s")

        pltpu.sync_copy(z_hbm.at[pl.ds(s * RPT, RPT)],
                        acc_sh.at[pl.ds(s * RPT, RPT)])

        cbase = (c * NS + s) * CPT

        plsc.subcore_barrier()

        def idxload(grp, p):
            pltpu.sync_copy(eidx_hbm.at[pl.ds(cbase + grp * K2, K2)],
                            bidx.at[p])

        def gath_issue(p):
            for j in range(K2):
                pltpu.async_copy(g_hbm.at[bidx.at[p, j, 0]], rows.at[p, j],
                                 gsem)

        def gath_wait(p):
            for j in range(K2):
                pltpu.make_async_copy(g_hbm.at[bidx.at[p, j, 0]],
                                      rows.at[p, j], gsem).wait()

        def scat_issue(p):
            for j in range(K2):
                pltpu.async_copy(rows.at[p, j], acc_sh.at[bidx.at[p, j, 1]],
                                 ssem, add=True)

        def scat_wait(p):
            for j in range(K2):
                pltpu.make_async_copy(rows.at[p, j],
                                      acc_sh.at[bidx.at[p, j, 1]],
                                      ssem).wait()

        idxload(0, 0)
        gath_issue(0)

        @pl.loop(0, NPAIR)
        def _(i):
            gath_wait(0)
            scat_issue(0)

            @pl.when(i > 0)
            def _():
                scat_wait(1)

            idxload(2 * i + 1, 1)
            gath_issue(1)
            scat_wait(0)

            @pl.when(i + 1 < NPAIR)
            def _():
                idxload(2 * i + 2, 0)
                gath_issue(0)

            gath_wait(1)
            scat_issue(1)

        scat_wait(1)

        for t in range(2 * NPAIR * K2, CPT):
            pltpu.sync_copy(eidx_hbm.at[pl.ds(cbase + t, 1)],
                            bidx.at[0, pl.ds(0, 1)])
            pltpu.async_copy(g_hbm.at[bidx.at[0, 0, 0]], rows.at[0, 0],
                             gsem).wait()
            pltpu.sync_copy(rows.at[0, 0], acc_sh.at[bidx.at[0, 0, 1]],
                            add=True)

        plsc.subcore_barrier()

        pltpu.sync_copy(acc_sh.at[pl.ds(s * RPT, RPT)],
                        out_hbm.at[pl.ds(c * N_PAD + s * RPT, RPT)])

    return k(g, eidx2d, zeros128)



def _leaky(v):
    return jnp.where(v >= 0, v, 0.01 * v)


def _tc_matmul(x, w):
    def body(x_ref, w_ref, o_ref):
        o_ref[...] = jnp.dot(x_ref[...], w_ref[...],
                             preferred_element_type=jnp.float32)

    return pl.pallas_call(
        body,
        grid=(GRID,),
        in_specs=[
            pl.BlockSpec((BLK, D), lambda i: (i, 0)),
            pl.BlockSpec((D, D), lambda i: (0, 0)),
        ],
        out_specs=pl.BlockSpec((BLK, D), lambda i: (i, 0)),
        out_shape=jax.ShapeDtypeStruct((N, D), jnp.float32),
    )(x, w)


def _tc_prep(degp, t1):

    def body(p0_ref, p1_ref, t_ref, g_ref, dinv_ref):
        deg = p0_ref[0, :, :1] + p1_ref[0, :, :1] + 1.0
        dinv = lax.rsqrt(deg)
        dinv_ref[...] = dinv
        g_ref[...] = dinv * t_ref[...]

    return pl.pallas_call(
        body,
        grid=(GRID,),
        in_specs=[
            pl.BlockSpec((1, BLK, LANES), lambda i: (0, i, 0)),
            pl.BlockSpec((1, BLK, LANES), lambda i: (1, i, 0)),
            pl.BlockSpec((BLK, D), lambda i: (i, 0)),
        ],
        out_specs=[
            pl.BlockSpec((BLK, D), lambda i: (i, 0)),
            pl.BlockSpec((BLK, 1), lambda i: (i, 0)),
        ],
        out_shape=[
            jax.ShapeDtypeStruct((N, D), jnp.float32),
            jax.ShapeDtypeStruct((N, 1), jnp.float32),
        ],
    )(degp, degp, t1)


def _tc_mid(sp, g_prev, dinv, b, w_next):

    def body(s0_ref, s1_ref, g_ref, d_ref, b_ref, w_ref, o_ref):
        dinv = d_ref[...]
        h = _leaky(dinv * (s0_ref[0] + s1_ref[0] + g_ref[...])
                   + b_ref[...])
        o_ref[...] = dinv * jnp.dot(h, w_ref[...],
                                    preferred_element_type=jnp.float32)

    return pl.pallas_call(
        body,
        grid=(GRID,),
        in_specs=[
            pl.BlockSpec((1, BLK, D), lambda i: (0, i, 0)),
            pl.BlockSpec((1, BLK, D), lambda i: (1, i, 0)),
            pl.BlockSpec((BLK, D), lambda i: (i, 0)),
            pl.BlockSpec((BLK, 1), lambda i: (i, 0)),
            pl.BlockSpec((1, D), lambda i: (0, 0)),
            pl.BlockSpec((D, D), lambda i: (0, 0)),
        ],
        out_specs=pl.BlockSpec((BLK, D), lambda i: (i, 0)),
        out_shape=jax.ShapeDtypeStruct((N, D), jnp.float32),
    )(sp, sp, g_prev, dinv, b, w_next)


def _tc_final(sp, g_prev, dinv, b, batch3d, wc, bc):

    def body(s0_ref, s1_ref, g_ref, d_ref, b_ref, bat_ref, wc_ref, bc_ref,
             o_ref, sums_ref, cnt_ref):
        i = pl.program_id(0)

        @pl.when(i == 0)
        def _():
            sums_ref[...] = jnp.zeros_like(sums_ref)
            cnt_ref[...] = jnp.zeros_like(cnt_ref)

        dinv = d_ref[...]
        h = _leaky(dinv * (s0_ref[0] + s1_ref[0] + g_ref[...])
                   + b_ref[...])
        brow = bat_ref[0]
        gids = lax.broadcasted_iota(jnp.int32, (G, BLK), 0)
        mask = (brow == gids).astype(jnp.float32)
        sums_ref[...] += jnp.dot(mask, h, preferred_element_type=jnp.float32)
        cnt_ref[:, :1] += jnp.sum(mask, axis=1, keepdims=True)

        @pl.when(i == GRID - 1)
        def _():
            pooled = sums_ref[...] / jnp.maximum(cnt_ref[:, :1], 1.0)
            logits = jnp.dot(pooled, wc_ref[...],
                             preferred_element_type=jnp.float32) + bc_ref[...]
            m = jnp.max(logits, axis=1, keepdims=True)
            e = jnp.exp(logits - m)
            o_ref[...] = e / jnp.sum(e, axis=1, keepdims=True)

    return pl.pallas_call(
        body,
        grid=(GRID,),
        in_specs=[
            pl.BlockSpec((1, BLK, D), lambda i: (0, i, 0)),
            pl.BlockSpec((1, BLK, D), lambda i: (1, i, 0)),
            pl.BlockSpec((BLK, D), lambda i: (i, 0)),
            pl.BlockSpec((BLK, 1), lambda i: (i, 0)),
            pl.BlockSpec((1, D), lambda i: (0, 0)),
            pl.BlockSpec((1, 1, BLK), lambda i: (i, 0, 0)),
            pl.BlockSpec((D, C), lambda i: (0, 0)),
            pl.BlockSpec((1, C), lambda i: (0, 0)),
        ],
        out_specs=pl.BlockSpec((G, C), lambda i: (0, 0)),
        out_shape=jax.ShapeDtypeStruct((G, C), jnp.float32),
        scratch_shapes=[
            pltpu.VMEM((G, D), jnp.float32),
            pltpu.VMEM((G, D), jnp.float32),
        ],
    )(sp, sp, g_prev, dinv, b, batch3d, wc, bc)



def kernel(x, edge_index, batch, W1, b1, W2, b2, W3, b3, Wc, bc):
    dst2d = edge_index[1].reshape(E // CHUNK, CHUNK)
    eidx2d = jnp.stack([edge_index[0].reshape(E // CHUNK, CHUNK), dst2d],
                       axis=1)
    zeros16 = jnp.zeros((N_PAD, LANES), jnp.float32)
    zeros128 = jnp.zeros((N_PAD, D), jnp.float32)

    degp = _sc_deg(dst2d, zeros16).reshape(NC, N_PAD, LANES)
    t1 = _tc_matmul(x, W1)
    g1, dinv = _tc_prep(degp, t1)

    s1 = _sc_prop(g1, eidx2d, zeros128).reshape(NC, N_PAD, D)
    g2 = _tc_mid(s1, g1, dinv, b1.reshape(1, D), W2)
    s2 = _sc_prop(g2, eidx2d, zeros128).reshape(NC, N_PAD, D)
    g3 = _tc_mid(s2, g2, dinv, b2.reshape(1, D), W3)
    s3 = _sc_prop(g3, eidx2d, zeros128).reshape(NC, N_PAD, D)

    return _tc_final(s3, g3, dinv, b3.reshape(1, D),
                     batch.reshape(GRID, 1, BLK), Wc, bc.reshape(1, C))

# --- scband reference (transcript-rebuilt; emitter-appended) ---
"""Pipeline reference for scband-graph-classifier-48473000903347 (READ-ONLY COPY).

The authoritative reference and input builder live on the scoring server;
editing this copy changes nothing except your own understanding.
"""

import jax, jax.numpy as jnp
import numpy as np

N = 10000
E = 320000
D = 128
H = 128
C = 10
G = 64

def setup_inputs(seed: int = 0):
    key = jax.random.key(seed)
    ks = jax.random.split(key, 12)
    x = jax.random.normal(ks[0], (N, D), dtype=jnp.float32)
    edge_index = jax.random.randint(ks[1], (2, E), 0, N, dtype=jnp.int32)
    batch = jnp.sort(jax.random.randint(ks[2], (N,), 0, G, dtype=jnp.int32))
    W1 = jax.random.normal(ks[3], (D, H), dtype=jnp.float32) * 0.05
    b1 = jnp.zeros((H,), dtype=jnp.float32)
    W2 = jax.random.normal(ks[4], (H, H), dtype=jnp.float32) * 0.05
    b2 = jnp.zeros((H,), dtype=jnp.float32)
    W3 = jax.random.normal(ks[5], (H, H), dtype=jnp.float32) * 0.05
    b3 = jnp.zeros((H,), dtype=jnp.float32)
    Wc = jax.random.normal(ks[6], (H, C), dtype=jnp.float32) * 0.05
    bc = jnp.zeros((C,), dtype=jnp.float32)
    return {"x": x, "edge_index": edge_index, "batch": batch, "W1": W1, "b1": b1, "W2": W2, "b2": b2, "W3": W3, "b3": b3, "Wc": Wc, "bc": bc}

def _leaky_relu(v):
    return jnp.where(v >= 0, v, 0.01 * v)

def _gcn_conv(x, src, dst, norm, W, b):
    # GCNConv: out = D^{-1/2} (A + I) D^{-1/2} X W + b
    h = x @ W
    msg = norm[:, None] * h[src]
    out = jax.ops.segment_sum(msg, dst, num_segments=N)
    return out + b

def reference(x, edge_index, batch, W1, b1, W2, b2, W3, b3, Wc, bc):
    loop = jnp.arange(N, dtype=edge_index.dtype)
    src = jnp.concatenate([edge_index[0], loop])
    dst = jnp.concatenate([edge_index[1], loop])
    deg = jax.ops.segment_sum(jnp.ones_like(dst, dtype=x.dtype), dst, num_segments=N)
    dinv = jnp.where(deg > 0, jax.lax.rsqrt(deg), 0.0)
    norm = dinv[src] * dinv[dst]
    h = _leaky_relu(_gcn_conv(x, src, dst, norm, W1, b1))
    h = _leaky_relu(_gcn_conv(h, src, dst, norm, W2, b2))
    h = _leaky_relu(_gcn_conv(h, src, dst, norm, W3, b3))
    sums = jax.ops.segment_sum(h, batch, num_segments=G)
    cnt = jax.ops.segment_sum(jnp.ones((N,), dtype=h.dtype), batch, num_segments=G)
    pooled = sums / jnp.clip(cnt, 1.0)[:, None]
    logits = pooled @ Wc + bc
    return jax.nn.softmax(logits, axis=1)

if __name__ == "__main__":
    import jax
    _d = setup_inputs()
    print(jax.jit(kernel)(*tuple(_d.values())))

</pallas_src>

<mosaic_0001>
#map = affine_map<(d0, d1) -> (0, 0)>
#map1 = affine_map<(d0, d1) -> (0, 0, 0)>
module attributes {stable_mosaic.version = 14 : i64} {
  func.func @k(%arg0: i32, %arg1: i32, %arg2: memref<10000x128xf32, #tpu.memory_space<hbm>>, %arg3: memref<4000x2x80xi32, #tpu.memory_space<hbm>>, %arg4: memref<10240x128xf32, #tpu.memory_space<hbm>>, %arg5: memref<20480x128xf32, #tpu.memory_space<hbm>>, %arg6: memref<2x2x2x80xi32, #tpu.memory_space<vmem>>, %arg7: memref<2x2x80x128xf32, #tpu.memory_space<vmem>>, %arg8: memref<10240x128xf32, #tpu.memory_space<vmem_shared>>, %arg9: memref<!tpu.dma_semaphore, #tpu.memory_space<semaphore_mem>>, %arg10: memref<!tpu.dma_semaphore, #tpu.memory_space<semaphore_mem>>) attributes {dimension_semantics = [#tpu.dimension_semantics<core_parallel>, #tpu.dimension_semantics<subcore_parallel>], iteration_bounds = array<i64: 2, 16>, scalar_prefetch = 0 : i64, scratch_operands = 5 : i64, tpu.core_type = #tpu.core_type<sc_vector_subcore>, window_params = [{transform_indices = #map}, {transform_indices = #map1}, {transform_indices = #map}, {transform_indices = #map}]} {
    %mul3A = arith.constant 640 : i32
    %mul3A_0 = arith.muli %arg1, %mul3A : i32
    %mul3A_1 = arith.constant 640 : i32
    %mul3A_2 = arith.muli %arg1, %mul3A_1 : i32
    "tpu.region"() ({
      %run_scoped3A_117 = tpu.sem_alloc : memref<!tpu.dma_semaphore, #tpu.memory_space<semaphore_mem>>
      %dma_start3A_118 = arith.constant 0 : i32
      %dma_start3A_119 = tpu.memref_slice %arg8[%mul3A_2, %dma_start3A_118] : memref<10240x128xf32, #tpu.memory_space<vmem_shared>> -> memref<640x128xf32, #tpu.memory_space<vmem_shared>>
      %dma_start3A_120 = arith.constant 0 : i32
      %dma_start3A_121 = tpu.memref_slice %arg4[%mul3A_0, %dma_start3A_120] : memref<10240x128xf32, #tpu.memory_space<hbm>> -> memref<640x128xf32, #tpu.memory_space<hbm>>
      tpu.enqueue_dma source(%dma_start3A_121 : memref<640x128xf32, #tpu.memory_space<hbm>>) target(%dma_start3A_119 : memref<640x128xf32, #tpu.memory_space<vmem_shared>>) target_semaphore(%run_scoped3A_117 : memref<!tpu.dma_semaphore, #tpu.memory_space<semaphore_mem>>)
      %dma_wait3A_122 = arith.constant 0 : i32
      %dma_wait3A_123 = tpu.memref_slice %arg8[%mul3A_2, %dma_wait3A_122] : memref<10240x128xf32, #tpu.memory_space<vmem_shared>> -> memref<640x128xf32, #tpu.memory_space<vmem_shared>>
      %dma_wait3A_124 = arith.constant 0 : i32
      %dma_wait3A_125 = tpu.memref_slice %arg4[%mul3A_0, %dma_wait3A_124] : memref<10240x128xf32, #tpu.memory_space<hbm>> -> memref<640x128xf32, #tpu.memory_space<hbm>>
      tpu.wait_dma2 semaphore(%run_scoped3A_117 : memref<!tpu.dma_semaphore, #tpu.memory_space<semaphore_mem>>) src(%dma_wait3A_125 : memref<640x128xf32, #tpu.memory_space<hbm>>) dst(%dma_wait3A_123 : memref<640x128xf32, #tpu.memory_space<vmem_shared>>)
      tpu.yield
    }) : () -> ()
    %mul3A_3 = arith.constant 16 : i32
    %mul3A_4 = arith.muli %arg0, %mul3A_3 : i32
    %add3A = arith.addi %mul3A_4, %arg1 : i32
    %mul3A_5 = arith.constant 125 : i32
    %mul3A_6 = arith.muli %add3A, %mul3A_5 : i32
    %barrier3A = arith.constant 0 : index
    tpu.barrier barrier_id(%barrier3A)
    %add3A_7 = arith.constant 0 : i32
    %add3A_8 = arith.addi %mul3A_6, %add3A_7 : i32
    %run_scoped3A = arith.constant 0 : i32
    "tpu.region"() ({
      %run_scoped3A_117 = tpu.sem_alloc : memref<!tpu.dma_semaphore, #tpu.memory_space<semaphore_mem>>
      %dma_start3A_118 = arith.constant 0 : i32
      %dma_start3A_119 = arith.constant 0 : i32
      %dma_start3A_120 = arith.constant 0 : i32
      %dma_start3A_121 = tpu.memref_slice %arg6[%run_scoped3A, %dma_start3A_118, %dma_start3A_119, %dma_start3A_120] : memref<2x2x2x80xi32, #tpu.memory_space<vmem>> -> memref<1x2x2x80xi32, #tpu.memory_space<vmem>>
      %dma_start3A_122 = tpu.memref_squeeze %dma_start3A_121 : memref<1x2x2x80xi32, #tpu.memory_space<vmem>> -> memref<2x2x80xi32, #tpu.memory_space<vmem>>
      %dma_start3A_123 = arith.constant 0 : i32
      %dma_start3A_124 = arith.constant 0 : i32
      %dma_start3A_125 = tpu.memref_slice %arg3[%add3A_8, %dma_start3A_123, %dma_start3A_124] : memref<4000x2x80xi32, #tpu.memory_space<hbm>> -> memref<2x2x80xi32, #tpu.memory_space<hbm>>
      %dma_start3A_126 = arith.constant 0 : i32
      %dma_start3A_127 = arith.constant 0 : i32
      %dma_start3A_128 = arith.constant 0 : i32
      %dma_start3A_129 = tpu.memref_slice %arg6[%run_scoped3A, %dma_start3A_126, %dma_start3A_127, %dma_start3A_128] : memref<2x2x2x80xi32, #tpu.memory_space<vmem>> -> memref<1x2x2x80xi32, #tpu.memory_space<vmem>>
      %dma_start3A_130 = tpu.memref_squeeze %dma_start3A_129 : memref<1x2x2x80xi32, #tpu.memory_space<vmem>> -> memref<2x2x80xi32, #tpu.memory_space<vmem>>
      %dma_start3A_131 = arith.constant 0 : i32
      %dma_start3A_132 = arith.constant 0 : i32
      %dma_start3A_133 = tpu.memref_slice %arg3[%add3A_8, %dma_start3A_131, %dma_start3A_132] : memref<4000x2x80xi32, #tpu.memory_space<hbm>> -> memref<2x2x80xi32, #tpu.memory_space<hbm>>
      tpu.enqueue_dma source(%dma_start3A_133 : memref<2x2x80xi32, #tpu.memory_space<hbm>>) target(%dma_start3A_130 : memref<2x2x80xi32, #tpu.memory_space<vmem>>) target_semaphore(%run_scoped3A_117 : memref<!tpu.dma_semaphore, #tpu.memory_space<semaphore_mem>>)
      %dma_wait3A_134 = arith.constant 0 : i32
      %dma_wait3A_135 = arith.constant 0 : i32
      %dma_wait3A_136 = arith.constant 0 : i32
      %dma_wait3A_137 = tpu.memref_slice %arg6[%run_scoped3A, %dma_wait3A_134, %dma_wait3A_135, %dma_wait3A_136] : memref<2x2x2x80xi32, #tpu.memory_space<vmem>> -> memref<1x2x2x80xi32, #tpu.memory_space<vmem>>
      %dma_wait3A_138 = tpu.memref_squeeze %dma_wait3A_137 : memref<1x2x2x80xi32, #tpu.memory_space<vmem>> -> memref<2x2x80xi32, #tpu.memory_space<vmem>>
      %dma_wait3A_139 = arith.constant 0 : i32
      %dma_wait3A_140 = arith.constant 0 : i32
      %dma_wait3A_141 = tpu.memref_slice %arg3[%add3A_8, %dma_wait3A_139, %dma_wait3A_140] : memref<4000x2x80xi32, #tpu.memory_space<hbm>> -> memref<2x2x80xi32, #tpu.memory_space<hbm>>
      %dma_wait3A_142 = arith.constant 0 : i32
      %dma_wait3A_143 = arith.constant 0 : i32
      %dma_wait3A_144 = arith.constant 0 : i32
      %dma_wait3A_145 = tpu.memref_slice %arg6[%run_scoped3A, %dma_wait3A_142, %dma_wait3A_143, %dma_wait3A_144] : memref<2x2x2x80xi32, #tpu.memory_space<vmem>> -> memref<1x2x2x80xi32, #tpu.memory_space<vmem>>
      %dma_wait3A_146 = tpu.memref_squeeze %dma_wait3A_145 : memref<1x2x2x80xi32, #tpu.memory_space<vmem>> -> memref<2x2x80xi32, #tpu.memory_space<vmem>>
      %dma_wait3A_147 = arith.constant 0 : i32
      %dma_wait3A_148 = arith.constant 0 : i32
      %dma_wait3A_149 = tpu.memref_slice %arg3[%add3A_8, %dma_wait3A_147, %dma_wait3A_148] : memref<4000x2x80xi32, #tpu.memory_space<hbm>> -> memref<2x2x80xi32, #tpu.memory_space<hbm>>
      tpu.wait_dma2 semaphore(%run_scoped3A_117 : memref<!tpu.dma_semaphore, #tpu.memory_space<semaphore_mem>>) src(%dma_wait3A_149 : memref<2x2x80xi32, #tpu.memory_space<hbm>>) dst(%dma_wait3A_146 : memref<2x2x80xi32, #tpu.memory_space<vmem>>)
      tpu.yield
    }) : () -> ()
    %dma_start3A = arith.constant 0 : i32
    %dma_start3A_9 = arith.constant 0 : i32
    %dma_start3A_10 = arith.constant 0 : i32
    %dma_start3A_11 = arith.constant 0 : i32
    %dma_start3A_12 = arith.constant 0 : i32
    %dma_start3A_13 = arith.constant 0 : i32
    %dma_start3A_14 = arith.constant 0 : i32
    %dma_start3A_15 = tpu.memref_slice %arg7[%dma_start3A_11, %dma_start3A_12, %dma_start3A_13, %dma_start3A_14] : memref<2x2x80x128xf32, #tpu.memory_space<vmem>> -> memref<1x1x80x128xf32, #tpu.memory_space<vmem>>
    %dma_start3A_16 = tpu.memref_squeeze %dma_start3A_15 : memref<1x1x80x128xf32, #tpu.memory_space<vmem>> -> memref<80x128xf32, #tpu.memory_space<vmem>>
    %dma_start3A_17 = arith.constant 0 : i32
    %dma_start3A_18 = tpu.memref_slice %arg6[%dma_start3A, %dma_start3A_9, %dma_start3A_10, %dma_start3A_17] : memref<2x2x2x80xi32, #tpu.memory_space<vmem>> -> memref<1x1x1x80xi32, #tpu.memory_space<vmem>>
    %dma_start3A_19 = tpu.memref_squeeze %dma_start3A_18 : memref<1x1x1x80xi32, #tpu.memory_space<vmem>> -> memref<80xi32, #tpu.memory_space<vmem>>
    %dma_start3A_20 = arith.constant 0 : i32
    %dma_start3A_21 = arith.constant 0 : i32
    %dma_start3A_22 = tpu.memref_slice %arg2[%dma_start3A_20, %dma_start3A_21] : memref<10000x128xf32, #tpu.memory_space<hbm>> -> memref<10000x128xf32, #tpu.memory_space<hbm>>
    tpu.enqueue_indirect_dma source(%dma_start3A_22 : memref<10000x128xf32, #tpu.memory_space<hbm>>) target(%dma_start3A_16 : memref<80x128xf32, #tpu.memory_space<vmem>>) offsets(%dma_start3A_19 : memref<80xi32, #tpu.memory_space<vmem>>) semaphore(%arg9 : memref<!tpu.dma_semaphore, #tpu.memory_space<semaphore_mem>>)
    %dma_start3A_23 = arith.constant 0 : i32
    %dma_start3A_24 = arith.constant 1 : i32
    %dma_start3A_25 = arith.constant 0 : i32
    %dma_start3A_26 = arith.constant 0 : i32
    %dma_start3A_27 = arith.constant 1 : i32
    %dma_start3A_28 = arith.constant 0 : i32
    %dma_start3A_29 = arith.constant 0 : i32
    %dma_start3A_30 = tpu.memref_slice %arg7[%dma_start3A_26, %dma_start3A_27, %dma_start3A_28, %dma_start3A_29] : memref<2x2x80x128xf32, #tpu.memory_space<vmem>> -> memref<1x1x80x128xf32, #tpu.memory_space<vmem>>
    %dma_start3A_31 = tpu.memref_squeeze %dma_start3A_30 : memref<1x1x80x128xf32, #tpu.memory_space<vmem>> -> memref<80x128xf32, #tpu.memory_space<vmem>>
    %dma_start3A_32 = arith.constant 0 : i32
    %dma_start3A_33 = tpu.memref_slice %arg6[%dma_start3A_23, %dma_start3A_24, %dma_start3A_25, %dma_start3A_32] : memref<2x2x2x80xi32, #tpu.memory_space<vmem>> -> memref<1x1x1x80xi32, #tpu.memory_space<vmem>>
    %dma_start3A_34 = tpu.memref_squeeze %dma_start3A_33 : memref<1x1x1x80xi32, #tpu.memory_space<vmem>> -> memref<80xi32, #tpu.memory_space<vmem>>
    %dma_start3A_35 = arith.constant 0 : i32
    %dma_start3A_36 = arith.constant 0 : i32
    %dma_start3A_37 = tpu.memref_slice %arg2[%dma_start3A_35, %dma_start3A_36] : memref<10000x128xf32, #tpu.memory_space<hbm>> -> memref<10000x128xf32, #tpu.memory_space<hbm>>
    tpu.enqueue_indirect_dma source(%dma_start3A_37 : memref<10000x128xf32, #tpu.memory_space<hbm>>) target(%dma_start3A_31 : memref<80x128xf32, #tpu.memory_space<vmem>>) offsets(%dma_start3A_34 : memref<80xi32, #tpu.memory_space<vmem>>) semaphore(%arg9 : memref<!tpu.dma_semaphore, #tpu.memory_space<semaphore_mem>>)
    %scan3A = arith.constant 0 : i32
    %scan3A_38 = arith.constant 31 : i32
    %scan3A_39 = arith.addi %scan3A, %scan3A_38 : i32
    %scan3A_40 = arith.constant 1 : i32
    scf.for %scan3A_117 = %scan3A to %scan3A_39 step %scan3A_40  : i32 {
      %mul3A_118 = arith.constant 1 : i32
      %mul3A_119 = arith.muli %scan3A_117, %mul3A_118 : i32
      %add3A_120 = arith.constant 0 : i32
      %add3A_121 = arith.addi %add3A_120, %mul3A_119 : i32
      %dma_wait3A_122 = arith.constant 0 : i32
      %dma_wait3A_123 = arith.constant 0 : i32
      %dma_wait3A_124 = arith.constant 0 : i32
      %dma_wait3A_125 = arith.constant 0 : i32
      %dma_wait3A_126 = arith.constant 0 : i32
      %dma_wait3A_127 = arith.constant 0 : i32
      %dma_wait3A_128 = arith.constant 0 : i32
      %dma_wait3A_129 = tpu.memref_slice %arg7[%dma_wait3A_125, %dma_wait3A_126, %dma_wait3A_127, %dma_wait3A_128] : memref<2x2x80x128xf32, #tpu.memory_space<vmem>> -> memref<1x1x80x128xf32, #tpu.memory_space<vmem>>
      %dma_wait3A_130 = tpu.memref_squeeze %dma_wait3A_129 : memref<1x1x80x128xf32, #tpu.memory_space<vmem>> -> memref<80x128xf32, #tpu.memory_space<vmem>>
      %dma_wait3A_131 = arith.constant 0 : i32
      %dma_wait3A_132 = tpu.memref_slice %arg6[%dma_wait3A_122, %dma_wait3A_123, %dma_wait3A_124, %dma_wait3A_131] : memref<2x2x2x80xi32, #tpu.memory_space<vmem>> -> memref<1x1x1x80xi32, #tpu.memory_space<vmem>>
      %dma_wait3A_133 = tpu.memref_squeeze %dma_wait3A_132 : memref<1x1x1x80xi32, #tpu.memory_space<vmem>> -> memref<80xi32, #tpu.memory_space<vmem>>
      %dma_wait3A_134 = arith.constant 0 : i32
      %dma_wait3A_135 = arith.constant 0 : i32
      %dma_wait3A_136 = tpu.memref_slice %arg2[%dma_wait3A_134, %dma_wait3A_135] : memref<10000x128xf32, #tpu.memory_space<hbm>> -> memref<10000x128xf32, #tpu.memory_space<hbm>>
      tpu.wait_indirect_dma semaphore(%arg9 : memref<!tpu.dma_semaphore, #tpu.memory_space<semaphore_mem>>) src(%dma_wait3A_136 : memref<10000x128xf32, #tpu.memory_space<hbm>>) dst(%dma_wait3A_130 : memref<80x128xf32, #tpu.memory_space<vmem>>)
      %dma_wait3A_137 = arith.constant 0 : i32
      %dma_wait3A_138 = arith.constant 1 : i32
      %dma_wait3A_139 = arith.constant 0 : i32
      %dma_wait3A_140 = arith.constant 0 : i32
      %dma_wait3A_141 = arith.constant 1 : i32
      %dma_wait3A_142 = arith.constant 0 : i32
      %dma_wait3A_143 = arith.constant 0 : i32
      %dma_wait3A_144 = tpu.memref_slice %arg7[%dma_wait3A_140, %dma_wait3A_141, %dma_wait3A_142, %dma_wait3A_143] : memref<2x2x80x128xf32, #tpu.memory_space<vmem>> -> memref<1x1x80x128xf32, #tpu.memory_space<vmem>>
      %dma_wait3A_145 = tpu.memref_squeeze %dma_wait3A_144 : memref<1x1x80x128xf32, #tpu.memory_space<vmem>> -> memref<80x128xf32, #tpu.memory_space<vmem>>
      %dma_wait3A_146 = arith.constant 0 : i32
      %dma_wait3A_147 = tpu.memref_slice %arg6[%dma_wait3A_137, %dma_wait3A_138, %dma_wait3A_139, %dma_wait3A_146] : memref<2x2x2x80xi32, #tpu.memory_space<vmem>> -> memref<1x1x1x80xi32, #tpu.memory_space<vmem>>
      %dma_wait3A_148 = tpu.memref_squeeze %dma_wait3A_147 : memref<1x1x1x80xi32, #tpu.memory_space<vmem>> -> memref<80xi32, #tpu.memory_space<vmem>>
      %dma_wait3A_149 = arith.constant 0 : i32
      %dma_wait3A_150 = arith.constant 0 : i32
      %dma_wait3A_151 = tpu.memref_slice %arg2[%dma_wait3A_149, %dma_wait3A_150] : memref<10000x128xf32, #tpu.memory_space<hbm>> -> memref<10000x128xf32, #tpu.memory_space<hbm>>
      tpu.wait_indirect_dma semaphore(%arg9 : memref<!tpu.dma_semaphore, #tpu.memory_space<semaphore_mem>>) src(%dma_wait3A_151 : memref<10000x128xf32, #tpu.memory_space<hbm>>) dst(%dma_wait3A_145 : memref<80x128xf32, #tpu.memory_space<vmem>>)
      %dma_start3A_152 = arith.constant 0 : i32
      %dma_start3A_153 = arith.constant 0 : i32
      %dma_start3A_154 = arith.constant 0 : i32
      %dma_start3A_155 = arith.constant 0 : i32
      %dma_start3A_156 = arith.constant 1 : i32
      %dma_start3A_157 = arith.constant 0 : i32
      %dma_start3A_158 = arith.constant 0 : i32
      %dma_start3A_159 = tpu.memref_slice %arg7[%dma_start3A_152, %dma_start3A_153, %dma_start3A_157, %dma_start3A_158] : memref<2x2x80x128xf32, #tpu.memory_space<vmem>> -> memref<1x1x80x128xf32, #tpu.memory_space<vmem>>
      %dma_start3A_160 = tpu.memref_squeeze %dma_start3A_159 : memref<1x1x80x128xf32, #tpu.memory_space<vmem>> -> memref<80x128xf32, #tpu.memory_space<vmem>>
      %dma_start3A_161 = arith.constant 0 : i32
      %dma_start3A_162 = tpu.memref_slice %arg6[%dma_start3A_154, %dma_start3A_155, %dma_start3A_156, %dma_start3A_161] : memref<2x2x2x80xi32, #tpu.memory_space<vmem>> -> memref<1x1x1x80xi32, #tpu.memory_space<vmem>>
      %dma_start3A_163 = tpu.memref_squeeze %dma_start3A_162 : memref<1x1x1x80xi32, #tpu.memory_space<vmem>> -> memref<80xi32, #tpu.memory_space<vmem>>
      %dma_start3A_164 = arith.constant 0 : i32
      %dma_start3A_165 = arith.constant 0 : i32
      %dma_start3A_166 = tpu.memref_slice %arg8[%dma_start3A_164, %dma_start3A_165] : memref<10240x128xf32, #tpu.memory_space<vmem_shared>> -> memref<10240x128xf32, #tpu.memory_space<vmem_shared>>
      tpu.enqueue_indirect_dma source(%dma_start3A_160 : memref<80x128xf32, #tpu.memory_space<vmem>>) target(%dma_start3A_166 : memref<10240x128xf32, #tpu.memory_space<vmem_shared>>) offsets(%dma_start3A_163 : memref<80xi32, #tpu.memory_space<vmem>>) semaphore(%arg10 : memref<!tpu.dma_semaphore, #tpu.memory_space<semaphore_mem>>) {add = true}
      %dma_start3A_167 = arith.constant 0 : i32
      %dma_start3A_168 = arith.constant 1 : i32
      %dma_start3A_169 = arith.constant 0 : i32
      %dma_start3A_170 = arith.constant 1 : i32
      %dma_start3A_171 = arith.constant 1 : i32
      %dma_start3A_172 = arith.constant 0 : i32
      %dma_start3A_173 = arith.constant 0 : i32
      %dma_start3A_174 = tpu.memref_slice %arg7[%dma_start3A_167, %dma_start3A_168, %dma_start3A_172, %dma_start3A_173] : memref<2x2x80x128xf32, #tpu.memory_space<vmem>> -> memref<1x1x80x128xf32, #tpu.memory_space<vmem>>
      %dma_start3A_175 = tpu.memref_squeeze %dma_start3A_174 : memref<1x1x80x128xf32, #tpu.memory_space<vmem>> -> memref<80x128xf32, #tpu.memory_space<vmem>>
      %dma_start3A_176 = arith.constant 0 : i32
      %dma_start3A_177 = tpu.memref_slice %arg6[%dma_start3A_169, %dma_start3A_170, %dma_start3A_171, %dma_start3A_176] : memref<2x2x2x80xi32, #tpu.memory_space<vmem>> -> memref<1x1x1x80xi32, #tpu.memory_space<vmem>>
      %dma_start3A_178 = tpu.memref_squeeze %dma_start3A_177 : memref<1x1x1x80xi32, #tpu.memory_space<vmem>> -> memref<80xi32, #tpu.memory_space<vmem>>
      %dma_start3A_179 = arith.constant 0 : i32
      %dma_start3A_180 = arith.constant 0 : i32
      %dma_start3A_181 = tpu.memref_slice %arg8[%dma_start3A_179, %dma_start3A_180] : memref<10240x128xf32, #tpu.memory_space<vmem_shared>> -> memref<10240x128xf32, #tpu.memory_space<vmem_shared>>
      tpu.enqueue_indirect_dma source(%dma_start3A_175 : memref<80x128xf32, #tpu.memory_space<vmem>>) target(%dma_start3A_181 : memref<10240x128xf32, #tpu.memory_space<vmem_shared>>) offsets(%dma_start3A_178 : memref<80xi32, #tpu.memory_space<vmem>>) semaphore(%arg10 : memref<!tpu.dma_semaphore, #tpu.memory_space<semaphore_mem>>) {add = true}
      %gt3A = arith.constant 0 : i32
      %gt3A_182 = arith.cmpi sgt, %add3A_121, %gt3A : i32
      %convert_element_type3A = arith.extui %gt3A_182 : i1 to i32
      %cond3A = arith.constant 0 : i32
      %cond3A_183 = arith.cmpi ne, %convert_element_type3A, %cond3A : i32
      scf.if %cond3A_183 {
        %dma_wait3A_318 = arith.constant 1 : i32
        %dma_wait3A_319 = arith.constant 0 : i32
        %dma_wait3A_320 = arith.constant 1 : i32
        %dma_wait3A_321 = arith.constant 0 : i32
        %dma_wait3A_322 = arith.constant 1 : i32
        %dma_wait3A_323 = arith.constant 0 : i32
        %dma_wait3A_324 = arith.constant 0 : i32
        %dma_wait3A_325 = tpu.memref_slice %arg7[%dma_wait3A_318, %dma_wait3A_319, %dma_wait3A_323, %dma_wait3A_324] : memref<2x2x80x128xf32, #tpu.memory_space<vmem>> -> memref<1x1x80x128xf32, #tpu.memory_space<vmem>>
        %dma_wait3A_326 = tpu.memref_squeeze %dma_wait3A_325 : memref<1x1x80x128xf32, #tpu.memory_space<vmem>> -> memref<80x128xf32, #tpu.memory_space<vmem>>
        %dma_wait3A_327 = arith.constant 0 : i32
        %dma_wait3A_328 = tpu.memref_slice %arg6[%dma_wait3A_320, %dma_wait3A_321, %dma_wait3A_322, %dma_wait3A_327] : memref<2x2x2x80xi32, #tpu.memory_space<vmem>> -> memref<1x1x1x80xi32, #tpu.memory_space<vmem>>
        %dma_wait3A_329 = tpu.memref_squeeze %dma_wait3A_328 : memref<1x1x1x80xi32, #tpu.memory_space<vmem>> -> memref<80xi32, #tpu.memory_space<vmem>>
        %dma_wait3A_330 = arith.constant 0 : i32
        %dma_wait3A_331 = arith.constant 0 : i32
        %dma_wait3A_332 = tpu.memref_slice %arg8[%dma_wait3A_330, %dma_wait3A_331] : memref<10240x128xf32, #tpu.memory_space<vmem_shared>> -> memref<10240x128xf32, #tpu.memory_space<vmem_shared>>
        tpu.wait_indirect_dma semaphore(%arg10 : memref<!tpu.dma_semaphore, #tpu.memory_space<semaphore_mem>>) src(%dma_wait3A_326 : memref<80x128xf32, #tpu.memory_space<vmem>>) dst(%dma_wait3A_332 : memref<10240x128xf32, #tpu.memory_space<vmem_shared>>)
        %dma_wait3A_333 = arith.constant 1 : i32
        %dma_wait3A_334 = arith.constant 1 : i32
        %dma_wait3A_335 = arith.constant 1 : i32
        %dma_wait3A_336 = arith.constant 1 : i32
        %dma_wait3A_337 = arith.constant 1 : i32
        %dma_wait3A_338 = arith.constant 0 : i32
        %dma_wait3A_339 = arith.constant 0 : i32
        %dma_wait3A_340 = tpu.memref_slice %arg7[%dma_wait3A_333, %dma_wait3A_334, %dma_wait3A_338, %dma_wait3A_339] : memref<2x2x80x128xf32, #tpu.memory_space<vmem>> -> memref<1x1x80x128xf32, #tpu.memory_space<vmem>>
        %dma_wait3A_341 = tpu.memref_squeeze %dma_wait3A_340 : memref<1x1x80x128xf32, #tpu.memory_space<vmem>> -> memref<80x128xf32, #tpu.memory_space<vmem>>
        %dma_wait3A_342 = arith.constant 0 : i32
        %dma_wait3A_343 = tpu.memref_slice %arg6[%dma_wait3A_335, %dma_wait3A_336, %dma_wait3A_337, %dma_wait3A_342] : memref<2x2x2x80xi32, #tpu.memory_space<vmem>> -> memref<1x1x1x80xi32, #tpu.memory_space<vmem>>
        %dma_wait3A_344 = tpu.memref_squeeze %dma_wait3A_343 : memref<1x1x1x80xi32, #tpu.memory_space<vmem>> -> memref<80xi32, #tpu.memory_space<vmem>>
        %dma_wait3A_345 = arith.constant 0 : i32
        %dma_wait3A_346 = arith.constant 0 : i32
        %dma_wait3A_347 = tpu.memref_slice %arg8[%dma_wait3A_345, %dma_wait3A_346] : memref<10240x128xf32, #tpu.memory_space<vmem_shared>> -> memref<10240x128xf32, #tpu.memory_space<vmem_shared>>
        tpu.wait_indirect_dma semaphore(%arg10 : memref<!tpu.dma_semaphore, #tpu.memory_space<semaphore_mem>>) src(%dma_wait3A_341 : memref<80x128xf32, #tpu.memory_space<vmem>>) dst(%dma_wait3A_347 : memref<10240x128xf32, #tpu.memory_space<vmem_shared>>)
      } else {
      }
      %mul3A_184 = arith.constant 2 : i32
      %mul3A_185 = arith.muli %mul3A_184, %add3A_121 : i32
      %add3A_186 = arith.constant 1 : i32
      %add3A_187 = arith.addi %mul3A_185, %add3A_186 : i32
      %mul3A_188 = arith.constant 2 : i32
      %mul3A_189 = arith.muli %add3A_187, %mul3A_188 : i32
      %add3A_190 = arith.addi %mul3A_6, %mul3A_189 : i32
      %run_scoped3A_191 = arith.constant 1 : i32
      "tpu.region"() ({
        %run_scoped3A_318 = tpu.sem_alloc : memref<!tpu.dma_semaphore, #tpu.memory_space<semaphore_mem>>
        %dma_start3A_319 = arith.constant 0 : i32
        %dma_start3A_320 = arith.constant 0 : i32
        %dma_start3A_321 = arith.constant 0 : i32
        %dma_start3A_322 = tpu.memref_slice %arg6[%run_scoped3A_191, %dma_start3A_319, %dma_start3A_320, %dma_start3A_321] : memref<2x2x2x80xi32, #tpu.memory_space<vmem>> -> memref<1x2x2x80xi32, #tpu.memory_space<vmem>>
        %dma_start3A_323 = tpu.memref_squeeze %dma_start3A_322 : memref<1x2x2x80xi32, #tpu.memory_space<vmem>> -> memref<2x2x80xi32, #tpu.memory_space<vmem>>
        %dma_start3A_324 = arith.constant 0 : i32
        %dma_start3A_325 = arith.constant 0 : i32
        %dma_start3A_326 = tpu.memref_slice %arg3[%add3A_190, %dma_start3A_324, %dma_start3A_325] : memref<4000x2x80xi32, #tpu.memory_space<hbm>> -> memref<2x2x80xi32, #tpu.memory_space<hbm>>
        %dma_start3A_327 = arith.constant 0 : i32
        %dma_start3A_328 = arith.constant 0 : i32
        %dma_start3A_329 = arith.constant 0 : i32
        %dma_start3A_330 = tpu.memref_slice %arg6[%run_scoped3A_191, %dma_start3A_327, %dma_start3A_328, %dma_start3A_329] : memref<2x2x2x80xi32, #tpu.memory_space<vmem>> -> memref<1x2x2x80xi32, #tpu.memory_space<vmem>>
        %dma_start3A_331 = tpu.memref_squeeze %dma_start3A_330 : memref<1x2x2x80xi32, #tpu.memory_space<vmem>> -> memref<2x2x80xi32, #tpu.memory_space<vmem>>
        %dma_start3A_332 = arith.constant 0 : i32
        %dma_start3A_333 = arith.constant 0 : i32
        %dma_start3A_334 = tpu.memref_slice %arg3[%add3A_190, %dma_start3A_332, %dma_start3A_333] : memref<4000x2x80xi32, #tpu.memory_space<hbm>> -> memref<2x2x80xi32, #tpu.memory_space<hbm>>
        tpu.enqueue_dma source(%dma_start3A_334 : memref<2x2x80xi32, #tpu.memory_space<hbm>>) target(%dma_start3A_331 : memref<2x2x80xi32, #tpu.memory_space<vmem>>) target_semaphore(%run_scoped3A_318 : memref<!tpu.dma_semaphore, #tpu.memory_space<semaphore_mem>>)
        %dma_wait3A_335 = arith.constant 0 : i32
        %dma_wait3A_336 = arith.constant 0 : i32
        %dma_wait3A_337 = arith.constant 0 : i32
        %dma_wait3A_338 = tpu.memref_slice %arg6[%run_scoped3A_191, %dma_wait3A_335, %dma_wait3A_336, %dma_wait3A_337] : memref<2x2x2x80xi32, #tpu.memory_space<vmem>> -> memref<1x2x2x80xi32, #tpu.memory_space<vmem>>
        %dma_wait3A_339 = tpu.memref_squeeze %dma_wait3A_338 : memref<1x2x2x80xi32, #tpu.memory_space<vmem>> -> memref<2x2x80xi32, #tpu.memory_space<vmem>>
        %dma_wait3A_340 = arith.constant 0 : i32
        %dma_wait3A_341 = arith.constant 0 : i32
        %dma_wait3A_342 = tpu.memref_slice %arg3[%add3A_190, %dma_wait3A_340, %dma_wait3A_341] : memref<4000x2x80xi32, #tpu.memory_space<hbm>> -> memref<2x2x80xi32, #tpu.memory_space<hbm>>
        %dma_wait3A_343 = arith.constant 0 : i32
        %dma_wait3A_344 = arith.constant 0 : i32
        %dma_wait3A_345 = arith.constant 0 : i32
        %dma_wait3A_346 = tpu.memref_slice %arg6[%run_scoped3A_191, %dma_wait3A_343, %dma_wait3A_344, %dma_wait3A_345] : memref<2x2x2x80xi32, #tpu.memory_space<vmem>> -> memref<1x2x2x80xi32, #tpu.memory_space<vmem>>
        %dma_wait3A_347 = tpu.memref_squeeze %dma_wait3A_346 : memref<1x2x2x80xi32, #tpu.memory_space<vmem>> -> memref<2x2x80xi32, #tpu.memory_space<vmem>>
        %dma_wait3A_348 = arith.constant 0 : i32
        %dma_wait3A_349 = arith.constant 0 : i32
        %dma_wait3A_350 = tpu.memref_slice %arg3[%add3A_190, %dma_wait3A_348, %dma_wait3A_349] : memref<4000x2x80xi32, #tpu.memory_space<hbm>> -> memref<2x2x80xi32, #tpu.memory_space<hbm>>
        tpu.wait_dma2 semaphore(%run_scoped3A_318 : memref<!tpu.dma_semaphore, #tpu.memory_space<semaphore_mem>>) src(%dma_wait3A_350 : memref<2x2x80xi32, #tpu.memory_space<hbm>>) dst(%dma_wait3A_347 : memref<2x2x80xi32, #tpu.memory_space<vmem>>)
        tpu.yield
      }) : () -> ()
      %dma_start3A_192 = arith.constant 1 : i32
      %dma_start3A_193 = arith.constant 0 : i32
      %dma_start3A_194 = arith.constant 0 : i32
      %dma_start3A_195 = arith.constant 1 : i32
      %dma_start3A_196 = arith.constant 0 : i32
      %dma_start3A_197 = arith.constant 0 : i32
      %dma_start3A_198 = arith.constant 0 : i32
      %dma_start3A_199 = tpu.memref_slice %arg7[%dma_start3A_195, %dma_start3A_196, %dma_start3A_197, %dma_start3A_198] : memref<2x2x80x128xf32, #tpu.memory_space<vmem>> -> memref<1x1x80x128xf32, #tpu.memory_space<vmem>>
      %dma_start3A_200 = tpu.memref_squeeze %dma_start3A_199 : memref<1x1x80x128xf32, #tpu.memory_space<vmem>> -> memref<80x128xf32, #tpu.memory_space<vmem>>
      %dma_start3A_201 = arith.constant 0 : i32
      %dma_start3A_202 = tpu.memref_slice %arg6[%dma_start3A_192, %dma_start3A_193, %dma_start3A_194, %dma_start3A_201] : memref<2x2x2x80xi32, #tpu.memory_space<vmem>> -> memref<1x1x1x80xi32, #tpu.memory_space<vmem>>
      %dma_start3A_203 = tpu.memref_squeeze %dma_start3A_202 : memref<1x1x1x80xi32, #tpu.memory_space<vmem>> -> memref<80xi32, #tpu.memory_space<vmem>>
      %dma_start3A_204 = arith.constant 0 : i32
      %dma_start3A_205 = arith.constant 0 : i32
      %dma_start3A_206 = tpu.memref_slice %arg2[%dma_start3A_204, %dma_start3A_205] : memref<10000x128xf32, #tpu.memory_space<hbm>> -> memref<10000x128xf32, #tpu.memory_space<hbm>>
      tpu.enqueue_indirect_dma source(%dma_start3A_206 : memref<10000x128xf32, #tpu.memory_space<hbm>>) target(%dma_start3A_200 : memref<80x128xf32, #tpu.memory_space<vmem>>) offsets(%dma_start3A_203 : memref<80xi32, #tpu.memory_space<vmem>>) semaphore(%arg9 : memref<!tpu.dma_semaphore, #tpu.memory_space<semaphore_mem>>)
      %dma_start3A_207 = arith.constant 1 : i32
      %dma_start3A_208 = arith.constant 1 : i32
      %dma_start3A_209 = arith.constant 0 : i32
      %dma_start3A_210 = arith.constant 1 : i32
      %dma_start3A_211 = arith.constant 1 : i32
      %dma_start3A_212 = arith.constant 0 : i32
      %dma_start3A_213 = arith.constant 0 : i32
      %dma_start3A_214 = tpu.memref_slice %arg7[%dma_start3A_210, %dma_start3A_211, %dma_start3A_212, %dma_start3A_213] : memref<2x2x80x128xf32, #tpu.memory_space<vmem>> -> memref<1x1x80x128xf32, #tpu.memory_space<vmem>>
      %dma_start3A_215 = tpu.memref_squeeze %dma_start3A_214 : memref<1x1x80x128xf32, #tpu.memory_space<vmem>> -> memref<80x128xf32, #tpu.memory_space<vmem>>
      %dma_start3A_216 = arith.constant 0 : i32
      %dma_start3A_217 = tpu.memref_slice %arg6[%dma_start3A_207, %dma_start3A_208, %dma_start3A_209, %dma_start3A_216] : memref<2x2x2x80xi32, #tpu.memory_space<vmem>> -> memref<1x1x1x80xi32, #tpu.memory_space<vmem>>
      %dma_start3A_218 = tpu.memref_squeeze %dma_start3A_217 : memref<1x1x1x80xi32, #tpu.memory_space<vmem>> -> memref<80xi32, #tpu.memory_space<vmem>>
      %dma_start3A_219 = arith.constant 0 : i32
      %dma_start3A_220 = arith.constant 0 : i32
      %dma_start3A_221 = tpu.memref_slice %arg2[%dma_start3A_219, %dma_start3A_220] : memref<10000x128xf32, #tpu.memory_space<hbm>> -> memref<10000x128xf32, #tpu.memory_space<hbm>>
      tpu.enqueue_indirect_dma source(%dma_start3A_221 : memref<10000x128xf32, #tpu.memory_space<hbm>>) target(%dma_start3A_215 : memref<80x128xf32, #tpu.memory_space<vmem>>) offsets(%dma_start3A_218 : memref<80xi32, #tpu.memory_space<vmem>>) semaphore(%arg9 : memref<!tpu.dma_semaphore, #tpu.memory_space<semaphore_mem>>)
      %dma_wait3A_222 = arith.constant 0 : i32
      %dma_wait3A_223 = arith.constant 0 : i32
      %dma_wait3A_224 = arith.constant 0 : i32
      %dma_wait3A_225 = arith.constant 0 : i32
      %dma_wait3A_226 = arith.constant 1 : i32
      %dma_wait3A_227 = arith.constant 0 : i32
      %dma_wait3A_228 = arith.constant 0 : i32
      %dma_wait3A_229 = tpu.memref_slice %arg7[%dma_wait3A_222, %dma_wait3A_223, %dma_wait3A_227, %dma_wait3A_228] : memref<2x2x80x128xf32, #tpu.memory_space<vmem>> -> memref<1x1x80x128xf32, #tpu.memory_space<vmem>>
      %dma_wait3A_230 = tpu.memref_squeeze %dma_wait3A_229 : memref<1x1x80x128xf32, #tpu.memory_space<vmem>> -> memref<80x128xf32, #tpu.memory_space<vmem>>
      %dma_wait3A_231 = arith.constant 0 : i32
      %dma_wait3A_232 = tpu.memref_slice %arg6[%dma_wait3A_224, %dma_wait3A_225, %dma_wait3A_226, %dma_wait3A_231] : memref<2x2x2x80xi32, #tpu.memory_space<vmem>> -> memref<1x1x1x80xi32, #tpu.memory_space<vmem>>
      %dma_wait3A_233 = tpu.memref_squeeze %dma_wait3A_232 : memref<1x1x1x80xi32, #tpu.memory_space<vmem>> -> memref<80xi32, #tpu.memory_space<vmem>>
      %dma_wait3A_234 = arith.constant 0 : i32
      %dma_wait3A_235 = arith.constant 0 : i32
      %dma_wait3A_236 = tpu.memref_slice %arg8[%dma_wait3A_234, %dma_wait3A_235] : memref<10240x128xf32, #tpu.memory_space<vmem_shared>> -> memref<10240x128xf32, #tpu.memory_space<vmem_shared>>
      tpu.wait_indirect_dma semaphore(%arg10 : memref<!tpu.dma_semaphore, #tpu.memory_space<semaphore_mem>>) src(%dma_wait3A_230 : memref<80x128xf32, #tpu.memory_space<vmem>>) dst(%dma_wait3A_236 : memref<10240x128xf32, #tpu.memory_space<vmem_shared>>)
      %dma_wait3A_237 = arith.constant 0 : i32
      %dma_wait3A_238 = arith.constant 1 : i32
      %dma_wait3A_239 = arith.constant 0 : i32
      %dma_wait3A_240 = arith.constant 1 : i32
      %dma_wait3A_241 = arith.constant 1 : i32
      %dma_wait3A_242 = arith.constant 0 : i32
      %dma_wait3A_243 = arith.constant 0 : i32
      %dma_wait3A_244 = tpu.memref_slice %arg7[%dma_wait3A_237, %dma_wait3A_238, %dma_wait3A_242, %dma_wait3A_243] : memref<2x2x80x128xf32, #tpu.memory_space<vmem>> -> memref<1x1x80x128xf32, #tpu.memory_space<vmem>>
      %dma_wait3A_245 = tpu.memref_squeeze %dma_wait3A_244 : memref<1x1x80x128xf32, #tpu.memory_space<vmem>> -> memref<80x128xf32, #tpu.memory_space<vmem>>
      %dma_wait3A_246 = arith.constant 0 : i32
      %dma_wait3A_247 = tpu.memref_slice %arg6[%dma_wait3A_239, %dma_wait3A_240, %dma_wait3A_241, %dma_wait3A_246] : memref<2x2x2x80xi32, #tpu.memory_space<vmem>> -> memref<1x1x1x80xi32, #tpu.memory_space<vmem>>
      %dma_wait3A_248 = tpu.memref_squeeze %dma_wait3A_247 : memref<1x1x1x80xi32, #tpu.memory_space<vmem>> -> memref<80xi32, #tpu.memory_space<vmem>>
      %dma_wait3A_249 = arith.constant 0 : i32
      %dma_wait3A_250 = arith.constant 0 : i32
      %dma_wait3A_251 = tpu.memref_slice %arg8[%dma_wait3A_249, %dma_wait3A_250] : memref<10240x128xf32, #tpu.memory_space<vmem_shared>> -> memref<10240x128xf32, #tpu.memory_space<vmem_shared>>
      tpu.wait_indirect_dma semaphore(%arg10 : memref<!tpu.dma_semaphore, #tpu.memory_space<semaphore_mem>>) src(%dma_wait3A_245 : memref<80x128xf32, #tpu.memory_space<vmem>>) dst(%dma_wait3A_251 : memref<10240x128xf32, #tpu.memory_space<vmem_shared>>)
      %add3A_252 = arith.constant 1 : i32
      %add3A_253 = arith.addi %add3A_121, %add3A_252 : i32
      %lt3A = arith.constant 31 : i32
      %lt3A_254 = arith.cmpi slt, %add3A_253, %lt3A : i32
      %convert_element_type3A_255 = arith.extui %lt3A_254 : i1 to i32
      %cond3A_256 = arith.constant 0 : i32
      %cond3A_257 = arith.cmpi ne, %convert_element_type3A_255, %cond3A_256 : i32
      scf.if %cond3A_257 {
        %mul3A_318 = arith.constant 2 : i32
        %mul3A_319 = arith.muli %mul3A_318, %add3A_121 : i32
        %add3A_320 = arith.constant 2 : i32
        %add3A_321 = arith.addi %mul3A_319, %add3A_320 : i32
        %mul3A_322 = arith.constant 2 : i32
        %mul3A_323 = arith.muli %add3A_321, %mul3A_322 : i32
        %add3A_324 = arith.addi %mul3A_6, %mul3A_323 : i32
        %run_scoped3A_325 = arith.constant 0 : i32
        "tpu.region"() ({
          %run_scoped3A_356 = tpu.sem_alloc : memref<!tpu.dma_semaphore, #tpu.memory_space<semaphore_mem>>
          %dma_start3A_357 = arith.constant 0 : i32
          %dma_start3A_358 = arith.constant 0 : i32
          %dma_start3A_359 = arith.constant 0 : i32
          %dma_start3A_360 = tpu.memref_slice %arg6[%run_scoped3A_325, %dma_start3A_357, %dma_start3A_358, %dma_start3A_359] : memref<2x2x2x80xi32, #tpu.memory_space<vmem>> -> memref<1x2x2x80xi32, #tpu.memory_space<vmem>>
          %dma_start3A_361 = tpu.memref_squeeze %dma_start3A_360 : memref<1x2x2x80xi32, #tpu.memory_space<vmem>> -> memref<2x2x80xi32, #tpu.memory_space<vmem>>
          %dma_start3A_362 = arith.constant 0 : i32
          %dma_start3A_363 = arith.constant 0 : i32
          %dma_start3A_364 = tpu.memref_slice %arg3[%add3A_324, %dma_start3A_362, %dma_start3A_363] : memref<4000x2x80xi32, #tpu.memory_space<hbm>> -> memref<2x2x80xi32, #tpu.memory_space<hbm>>
          %dma_start3A_365 = arith.constant 0 : i32
          %dma_start3A_366 = arith.constant 0 : i32
          %dma_start3A_367 = arith.constant 0 : i32
          %dma_start3A_368 = tpu.memref_slice %arg6[%run_scoped3A_325, %dma_start3A_365, %dma_start3A_366, %dma_start3A_367] : memref<2x2x2x80xi32, #tpu.memory_space<vmem>> -> memref<1x2x2x80xi32, #tpu.memory_space<vmem>>
          %dma_start3A_369 = tpu.memref_squeeze %dma_start3A_368 : memref<1x2x2x80xi32, #tpu.memory_space<vmem>> -> memref<2x2x80xi32, #tpu.memory_space<vmem>>
          %dma_start3A_370 = arith.constant 0 : i32
          %dma_start3A_371 = arith.constant 0 : i32
          %dma_start3A_372 = tpu.memref_slice %arg3[%add3A_324, %dma_start3A_370, %dma_start3A_371] : memref<4000x2x80xi32, #tpu.memory_space<hbm>> -> memref<2x2x80xi32, #tpu.memory_space<hbm>>
          tpu.enqueue_dma source(%dma_start3A_372 : memref<2x2x80xi32, #tpu.memory_space<hbm>>) target(%dma_start3A_369 : memref<2x2x80xi32, #tpu.memory_space<vmem>>) target_semaphore(%run_scoped3A_356 : memref<!tpu.dma_semaphore, #tpu.memory_space<semaphore_mem>>)
          %dma_wait3A_373 = arith.constant 0 : i32
          %dma_wait3A_374 = arith.constant 0 : i32
          %dma_wait3A_375 = arith.constant 0 : i32
          %dma_wait3A_376 = tpu.memref_slice %arg6[%run_scoped3A_325, %dma_wait3A_373, %dma_wait3A_374, %dma_wait3A_375] : memref<2x2x2x80xi32, #tpu.memory_space<vmem>> -> memref<1x2x2x80xi32, #tpu.memory_space<vmem>>
          %dma_wait3A_377 = tpu.memref_squeeze %dma_wait3A_376 : memref<1x2x2x80xi32, #tpu.memory_space<vmem>> -> memref<2x2x80xi32, #tpu.memory_space<vmem>>
          %dma_wait3A_378 = arith.constant 0 : i32
          %dma_wait3A_379 = arith.constant 0 : i32
          %dma_wait3A_380 = tpu.memref_slice %arg3[%add3A_324, %dma_wait3A_378, %dma_wait3A_379] : memref<4000x2x80xi32, #tpu.memory_space<hbm>> -> memref<2x2x80xi32, #tpu.memory_space<hbm>>
          %dma_wait3A_381 = arith.constant 0 : i32
          %dma_wait3A_382 = arith.constant 0 : i32
          %dma_wait3A_383 = arith.constant 0 : i32
          %dma_wait3A_384 = tpu.memref_slice %arg6[%run_scoped3A_325, %dma_wait3A_381, %dma_wait3A_382, %dma_wait3A_383] : memref<2x2x2x80xi32, #tpu.memory_space<vmem>> -> memref<1x2x2x80xi32, #tpu.memory_space<vmem>>
          %dma_wait3A_385 = tpu.memref_squeeze %dma_wait3A_384 : memref<1x2x2x80xi32, #tpu.memory_space<vmem>> -> memref<2x2x80xi32, #tpu.memory_space<vmem>>
          %dma_wait3A_386 = arith.constant 0 : i32
          %dma_wait3A_387 = arith.constant 0 : i32
          %dma_wait3A_388 = tpu.memref_slice %arg3[%add3A_324, %dma_wait3A_386, %dma_wait3A_387] : memref<4000x2x80xi32, #tpu.memory_space<hbm>> -> memref<2x2x80xi32, #tpu.memory_space<hbm>>
          tpu.wait_dma2 semaphore(%run_scoped3A_356 : memref<!tpu.dma_semaphore, #tpu.memory_space<semaphore_mem>>) src(%dma_wait3A_388 : memref<2x2x80xi32, #tpu.memory_space<hbm>>) dst(%dma_wait3A_385 : memref<2x2x80xi32, #tpu.memory_space<vmem>>)
          tpu.yield
        }) : () -> ()
        %dma_start3A_326 = arith.constant 0 : i32
        %dma_start3A_327 = arith.constant 0 : i32
        %dma_start3A_328 = arith.constant 0 : i32
        %dma_start3A_329 = arith.constant 0 : i32
        %dma_start3A_330 = arith.constant 0 : i32
        %dma_start3A_331 = arith.constant 0 : i32
        %dma_start3A_332 = arith.constant 0 : i32
        %dma_start3A_333 = tpu.memref_slice %arg7[%dma_start3A_329, %dma_start3A_330, %dma_start3A_331, %dma_start3A_332] : memref<2x2x80x128xf32, #tpu.memory_space<vmem>> -> memref<1x1x80x128xf32, #tpu.memory_space<vmem>>
        %dma_start3A_334 = tpu.memref_squeeze %dma_start3A_333 : memref<1x1x80x128xf32, #tpu.memory_space<vmem>> -> memref<80x128xf32, #tpu.memory_space<vmem>>
        %dma_start3A_335 = arith.constant 0 : i32
        %dma_start3A_336 = tpu.memref_slice %arg6[%dma_start3A_326, %dma_start3A_327, %dma_start3A_328, %dma_start3A_335] : memref<2x2x2x80xi32, #tpu.memory_space<vmem>> -> memref<1x1x1x80xi32, #tpu.memory_space<vmem>>
        %dma_start3A_337 = tpu.memref_squeeze %dma_start3A_336 : memref<1x1x1x80xi32, #tpu.memory_space<vmem>> -> memref<80xi32, #tpu.memory_space<vmem>>
        %dma_start3A_338 = arith.constant 0 : i32
        %dma_start3A_339 = arith.constant 0 : i32
        %dma_start3A_340 = tpu.memref_slice %arg2[%dma_start3A_338, %dma_start3A_339] : memref<10000x128xf32, #tpu.memory_space<hbm>> -> memref<10000x128xf32, #tpu.memory_space<hbm>>
        tpu.enqueue_indirect_dma source(%dma_start3A_340 : memref<10000x128xf32, #tpu.memory_space<hbm>>) target(%dma_start3A_334 : memref<80x128xf32, #tpu.memory_space<vmem>>) offsets(%dma_start3A_337 : memref<80xi32, #tpu.memory_space<vmem>>) semaphore(%arg9 : memref<!tpu.dma_semaphore, #tpu.memory_space<semaphore_mem>>)
        %dma_start3A_341 = arith.constant 0 : i32
        %dma_start3A_342 = arith.constant 1 : i32
        %dma_start3A_343 = arith.constant 0 : i32
        %dma_start3A_344 = arith.constant 0 : i32
        %dma_start3A_345 = arith.constant 1 : i32
        %dma_start3A_346 = arith.constant 0 : i32
        %dma_start3A_347 = arith.constant 0 : i32
        %dma_start3A_348 = tpu.memref_slice %arg7[%dma_start3A_344, %dma_start3A_345, %dma_start3A_346, %dma_start3A_347] : memref<2x2x80x128xf32, #tpu.memory_space<vmem>> -> memref<1x1x80x128xf32, #tpu.memory_space<vmem>>
        %dma_start3A_349 = tpu.memref_squeeze %dma_start3A_348 : memref<1x1x80x128xf32, #tpu.memory_space<vmem>> -> memref<80x128xf32, #tpu.memory_space<vmem>>
        %dma_start3A_350 = arith.constant 0 : i32
        %dma_start3A_351 = tpu.memref_slice %arg6[%dma_start3A_341, %dma_start3A_342, %dma_start3A_343, %dma_start3A_350] : memref<2x2x2x80xi32, #tpu.memory_space<vmem>> -> memref<1x1x1x80xi32, #tpu.memory_space<vmem>>
        %dma_start3A_352 = tpu.memref_squeeze %dma_start3A_351 : memref<1x1x1x80xi32, #tpu.memory_space<vmem>> -> memref<80xi32, #tpu.memory_space<vmem>>
        %dma_start3A_353 = arith.constant 0 : i32
        %dma_start3A_354 = arith.constant 0 : i32
        %dma_start3A_355 = tpu.memref_slice %arg2[%dma_start3A_353, %dma_start3A_354] : memref<10000x128xf32, #tpu.memory_space<hbm>> -> memref<10000x128xf32, #tpu.memory_space<hbm>>
        tpu.enqueue_indirect_dma source(%dma_start3A_355 : memref<10000x128xf32, #tpu.memory_space<hbm>>) target(%dma_start3A_349 : memref<80x128xf32, #tpu.memory_space<vmem>>) offsets(%dma_start3A_352 : memref<80xi32, #tpu.memory_space<vmem>>) semaphore(%arg9 : memref<!tpu.dma_semaphore, #tpu.memory_space<semaphore_mem>>)
      } else {
      }
      %dma_wait3A_258 = arith.constant 1 : i32
      %dma_wait3A_259 = arith.constant 0 : i32
      %dma_wait3A_260 = arith.constant 0 : i32
      %dma_wait3A_261 = arith.constant 1 : i32
      %dma_wait3A_262 = arith.constant 0 : i32
      %dma_wait3A_263 = arith.constant 0 : i32
      %dma_wait3A_264 = arith.constant 0 : i32
      %dma_wait3A_265 = tpu.memref_slice %arg7[%dma_wait3A_261, %dma_wait3A_262, %dma_wait3A_263, %dma_wait3A_264] : memref<2x2x80x128xf32, #tpu.memory_space<vmem>> -> memref<1x1x80x128xf32, #tpu.memory_space<vmem>>
      %dma_wait3A_266 = tpu.memref_squeeze %dma_wait3A_265 : memref<1x1x80x128xf32, #tpu.memory_space<vmem>> -> memref<80x128xf32, #tpu.memory_space<vmem>>
      %dma_wait3A_267 = arith.constant 0 : i32
      %dma_wait3A_268 = tpu.memref_slice %arg6[%dma_wait3A_258, %dma_wait3A_259, %dma_wait3A_260, %dma_wait3A_267] : memref<2x2x2x80xi32, #tpu.memory_space<vmem>> -> memref<1x1x1x80xi32, #tpu.memory_space<vmem>>
      %dma_wait3A_269 = tpu.memref_squeeze %dma_wait3A_268 : memref<1x1x1x80xi32, #tpu.memory_space<vmem>> -> memref<80xi32, #tpu.memory_space<vmem>>
      %dma_wait3A_270 = arith.constant 0 : i32
      %dma_wait3A_271 = arith.constant 0 : i32
      %dma_wait3A_272 = tpu.memref_slice %arg2[%dma_wait3A_270, %dma_wait3A_271] : memref<10000x128xf32, #tpu.memory_space<hbm>> -> memref<10000x128xf32, #tpu.memory_space<hbm>>
      tpu.wait_indirect_dma semaphore(%arg9 : memref<!tpu.dma_semaphore, #tpu.memory_space<semaphore_mem>>) src(%dma_wait3A_272 : memref<10000x128xf32, #tpu.memory_space<hbm>>) dst(%dma_wait3A_266 : memref<80x128xf32, #tpu.memory_space<vmem>>)
      %dma_wait3A_273 = arith.constant 1 : i32
      %dma_wait3A_274 = arith.constant 1 : i32
      %dma_wait3A_275 = arith.constant 0 : i32
      %dma_wait3A_276 = arith.constant 1 : i32
      %dma_wait3A_277 = arith.constant 1 : i32
      %dma_wait3A_278 = arith.constant 0 : i32
      %dma_wait3A_279 = arith.constant 0 : i32
      %dma_wait3A_280 = tpu.memref_slice %arg7[%dma_wait3A_276, %dma_wait3A_277, %dma_wait3A_278, %dma_wait3A_279] : memref<2x2x80x128xf32, #tpu.memory_space<vmem>> -> memref<1x1x80x128xf32, #tpu.memory_space<vmem>>
      %dma_wait3A_281 = tpu.memref_squeeze %dma_wait3A_280 : memref<1x1x80x128xf32, #tpu.memory_space<vmem>> -> memref<80x128xf32, #tpu.memory_space<vmem>>
      %dma_wait3A_282 = arith.constant 0 : i32
      %dma_wait3A_283 = tpu.memref_slice %arg6[%dma_wait3A_273, %dma_wait3A_274, %dma_wait3A_275, %dma_wait3A_282] : memref<2x2x2x80xi32, #tpu.memory_space<vmem>> -> memref<1x1x1x80xi32, #tpu.memory_space<vmem>>
      %dma_wait3A_284 = tpu.memref_squeeze %dma_wait3A_283 : memref<1x1x1x80xi32, #tpu.memory_space<vmem>> -> memref<80xi32, #tpu.memory_space<vmem>>
      %dma_wait3A_285 = arith.constant 0 : i32
      %dma_wait3A_286 = arith.constant 0 : i32
      %dma_wait3A_287 = tpu.memref_slice %arg2[%dma_wait3A_285, %dma_wait3A_286] : memref<10000x128xf32, #tpu.memory_space<hbm>> -> memref<10000x128xf32, #tpu.memory_space<hbm>>
      tpu.wait_indirect_dma semaphore(%arg9 : memref<!tpu.dma_semaphore, #tpu.memory_space<semaphore_mem>>) src(%dma_wait3A_287 : memref<10000x128xf32, #tpu.memory_space<hbm>>) dst(%dma_wait3A_281 : memref<80x128xf32, #tpu.memory_space<vmem>>)
      %dma_start3A_288 = arith.constant 1 : i32
      %dma_start3A_289 = arith.constant 0 : i32
      %dma_start3A_290 = arith.constant 1 : i32
      %dma_start3A_291 = arith.constant 0 : i32
      %dma_start3A_292 = arith.constant 1 : i32
      %dma_start3A_293 = arith.constant 0 : i32
      %dma_start3A_294 = arith.constant 0 : i32
      %dma_start3A_295 = tpu.memref_slice %arg7[%dma_start3A_288, %dma_start3A_289, %dma_start3A_293, %dma_start3A_294] : memref<2x2x80x128xf32, #tpu.memory_space<vmem>> -> memref<1x1x80x128xf32, #tpu.memory_space<vmem>>
      %dma_start3A_296 = tpu.memref_squeeze %dma_start3A_295 : memref<1x1x80x128xf32, #tpu.memory_space<vmem>> -> memref<80x128xf32, #tpu.memory_space<vmem>>
      %dma_start3A_297 = arith.constant 0 : i32
      %dma_start3A_298 = tpu.memref_slice %arg6[%dma_start3A_290, %dma_start3A_291, %dma_start3A_292, %dma_start3A_297] : memref<2x2x2x80xi32, #tpu.memory_space<vmem>> -> memref<1x1x1x80xi32, #tpu.memory_space<vmem>>
      %dma_start3A_299 = tpu.memref_squeeze %dma_start3A_298 : memref<1x1x1x80xi32, #tpu.memory_space<vmem>> -> memref<80xi32, #tpu.memory_space<vmem>>
      %dma_start3A_300 = arith.constant 0 : i32
      %dma_start3A_301 = arith.constant 0 : i32
      %dma_start3A_302 = tpu.memref_slice %arg8[%dma_start3A_300, %dma_start3A_301] : memref<10240x128xf32, #tpu.memory_space<vmem_shared>> -> memref<10240x128xf32, #tpu.memory_space<vmem_shared>>
      tpu.enqueue_indirect_dma source(%dma_start3A_296 : memref<80x128xf32, #tpu.memory_space<vmem>>) target(%dma_start3A_302 : memref<10240x128xf32, #tpu.memory_space<vmem_shared>>) offsets(%dma_start3A_299 : memref<80xi32, #tpu.memory_space<vmem>>) semaphore(%arg10 : memref<!tpu.dma_semaphore, #tpu.memory_space<semaphore_mem>>) {add = true}
      %dma_start3A_303 = arith.constant 1 : i32
      %dma_start3A_304 = arith.constant 1 : i32
      %dma_start3A_305 = arith.constant 1 : i32
      %dma_start3A_306 = arith.constant 1 : i32
      %dma_start3A_307 = arith.constant 1 : i32
      %dma_start3A_308 = arith.constant 0 : i32
      %dma_start3A_309 = arith.constant 0 : i32
      %dma_start3A_310 = tpu.memref_slice %arg7[%dma_start3A_303, %dma_start3A_304, %dma_start3A_308, %dma_start3A_309] : memref<2x2x80x128xf32, #tpu.memory_space<vmem>> -> memref<1x1x80x128xf32, #tpu.memory_space<vmem>>
      %dma_start3A_311 = tpu.memref_squeeze %dma_start3A_310 : memref<1x1x80x128xf32, #tpu.memory_space<vmem>> -> memref<80x128xf32, #tpu.memory_space<vmem>>
      %dma_start3A_312 = arith.constant 0 : i32
      %dma_start3A_313 = tpu.memref_slice %arg6[%dma_start3A_305, %dma_start3A_306, %dma_start3A_307, %dma_start3A_312] : memref<2x2x2x80xi32, #tpu.memory_space<vmem>> -> memref<1x1x1x80xi32, #tpu.memory_space<vmem>>
      %dma_start3A_314 = tpu.memref_squeeze %dma_start3A_313 : memref<1x1x1x80xi32, #tpu.memory_space<vmem>> -> memref<80xi32, #tpu.memory_space<vmem>>
      %dma_start3A_315 = arith.constant 0 : i32
      %dma_start3A_316 = arith.constant 0 : i32
      %dma_start3A_317 = tpu.memref_slice %arg8[%dma_start3A_315, %dma_start3A_316] : memref<10240x128xf32, #tpu.memory_space<vmem_shared>> -> memref<10240x128xf32, #tpu.memory_space<vmem_shared>>
      tpu.enqueue_indirect_dma source(%dma_start3A_311 : memref<80x128xf32, #tpu.memory_space<vmem>>) target(%dma_start3A_317 : memref<10240x128xf32, #tpu.memory_space<vmem_shared>>) offsets(%dma_start3A_314 : memref<80xi32, #tpu.memory_space<vmem>>) semaphore(%arg10 : memref<!tpu.dma_semaphore, #tpu.memory_space<semaphore_mem>>) {add = true}
    }
    %scan3A_41 = arith.constant 31 : i32
    %dma_wait3A = arith.constant 1 : i32
    %dma_wait3A_42 = arith.constant 0 : i32
    %dma_wait3A_43 = arith.constant 1 : i32
    %dma_wait3A_44 = arith.constant 0 : i32
    %dma_wait3A_45 = arith.constant 1 : i32
    %dma_wait3A_46 = arith.constant 0 : i32
    %dma_wait3A_47 = arith.constant 0 : i32
    %dma_wait3A_48 = tpu.memref_slice %arg7[%dma_wait3A, %dma_wait3A_42, %dma_wait3A_46, %dma_wait3A_47] : memref<2x2x80x128xf32, #tpu.memory_space<vmem>> -> memref<1x1x80x128xf32, #tpu.memory_space<vmem>>
    %dma_wait3A_49 = tpu.memref_squeeze %dma_wait3A_48 : memref<1x1x80x128xf32, #tpu.memory_space<vmem>> -> memref<80x128xf32, #tpu.memory_space<vmem>>
    %dma_wait3A_50 = arith.constant 0 : i32
    %dma_wait3A_51 = tpu.memref_slice %arg6[%dma_wait3A_43, %dma_wait3A_44, %dma_wait3A_45, %dma_wait3A_50] : memref<2x2x2x80xi32, #tpu.memory_space<vmem>> -> memref<1x1x1x80xi32, #tpu.memory_space<vmem>>
    %dma_wait3A_52 = tpu.memref_squeeze %dma_wait3A_51 : memref<1x1x1x80xi32, #tpu.memory_space<vmem>> -> memref<80xi32, #tpu.memory_space<vmem>>
    %dma_wait3A_53 = arith.constant 0 : i32
    %dma_wait3A_54 = arith.constant 0 : i32
    %dma_wait3A_55 = tpu.memref_slice %arg8[%dma_wait3A_53, %dma_wait3A_54] : memref<10240x128xf32, #tpu.memory_space<vmem_shared>> -> memref<10240x128xf32, #tpu.memory_space<vmem_shared>>
    tpu.wait_indirect_dma semaphore(%arg10 : memref<!tpu.dma_semaphore, #tpu.memory_space<semaphore_mem>>) src(%dma_wait3A_49 : memref<80x128xf32, #tpu.memory_space<vmem>>) dst(%dma_wait3A_55 : memref<10240x128xf32, #tpu.memory_space<vmem_shared>>)
    %dma_wait3A_56 = arith.constant 1 : i32
    %dma_wait3A_57 = arith.constant 1 : i32
    %dma_wait3A_58 = arith.constant 1 : i32
    %dma_wait3A_59 = arith.constant 1 : i32
    %dma_wait3A_60 = arith.constant 1 : i32
    %dma_wait3A_61 = arith.constant 0 : i32
    %dma_wait3A_62 = arith.constant 0 : i32
    %dma_wait3A_63 = tpu.memref_slice %arg7[%dma_wait3A_56, %dma_wait3A_57, %dma_wait3A_61, %dma_wait3A_62] : memref<2x2x80x128xf32, #tpu.memory_space<vmem>> -> memref<1x1x80x128xf32, #tpu.memory_space<vmem>>
    %dma_wait3A_64 = tpu.memref_squeeze %dma_wait3A_63 : memref<1x1x80x128xf32, #tpu.memory_space<vmem>> -> memref<80x128xf32, #tpu.memory_space<vmem>>
    %dma_wait3A_65 = arith.constant 0 : i32
    %dma_wait3A_66 = tpu.memref_slice %arg6[%dma_wait3A_58, %dma_wait3A_59, %dma_wait3A_60, %dma_wait3A_65] : memref<2x2x2x80xi32, #tpu.memory_space<vmem>> -> memref<1x1x1x80xi32, #tpu.memory_space<vmem>>
    %dma_wait3A_67 = tpu.memref_squeeze %dma_wait3A_66 : memref<1x1x1x80xi32, #tpu.memory_space<vmem>> -> memref<80xi32, #tpu.memory_space<vmem>>
    %dma_wait3A_68 = arith.constant 0 : i32
    %dma_wait3A_69 = arith.constant 0 : i32
    %dma_wait3A_70 = tpu.memref_slice %arg8[%dma_wait3A_68, %dma_wait3A_69] : memref<10240x128xf32, #tpu.memory_space<vmem_shared>> -> memref<10240x128xf32, #tpu.memory_space<vmem_shared>>
    tpu.wait_indirect_dma semaphore(%arg10 : memref<!tpu.dma_semaphore, #tpu.memory_space<semaphore_mem>>) src(%dma_wait3A_64 : memref<80x128xf32, #tpu.memory_space<vmem>>) dst(%dma_wait3A_70 : memref<10240x128xf32, #tpu.memory_space<vmem_shared>>)
    %add3A_71 = arith.constant 124 : i32
    %add3A_72 = arith.addi %mul3A_6, %add3A_71 : i32
    %run_scoped3A_73 = arith.constant 0 : i32
    "tpu.region"() ({
      %run_scoped3A_117 = tpu.sem_alloc : memref<!tpu.dma_semaphore, #tpu.memory_space<semaphore_mem>>
      %dma_start3A_118 = arith.constant 0 : i32
      %dma_start3A_119 = arith.constant 0 : i32
      %dma_start3A_120 = arith.constant 0 : i32
      %dma_start3A_121 = tpu.memref_slice %arg6[%run_scoped3A_73, %dma_start3A_118, %dma_start3A_119, %dma_start3A_120] : memref<2x2x2x80xi32, #tpu.memory_space<vmem>> -> memref<1x1x2x80xi32, #tpu.memory_space<vmem>>
      %dma_start3A_122 = tpu.memref_squeeze %dma_start3A_121 : memref<1x1x2x80xi32, #tpu.memory_space<vmem>> -> memref<1x2x80xi32, #tpu.memory_space<vmem>>
      %dma_start3A_123 = arith.constant 0 : i32
      %dma_start3A_124 = arith.constant 0 : i32
      %dma_start3A_125 = tpu.memref_slice %arg3[%add3A_72, %dma_start3A_123, %dma_start3A_124] : memref<4000x2x80xi32, #tpu.memory_space<hbm>> -> memref<1x2x80xi32, #tpu.memory_space<hbm>>
      %dma_start3A_126 = arith.constant 0 : i32
      %dma_start3A_127 = arith.constant 0 : i32
      %dma_start3A_128 = arith.constant 0 : i32
      %dma_start3A_129 = tpu.memref_slice %arg6[%run_scoped3A_73, %dma_start3A_126, %dma_start3A_127, %dma_start3A_128] : memref<2x2x2x80xi32, #tpu.memory_space<vmem>> -> memref<1x1x2x80xi32, #tpu.memory_space<vmem>>
      %dma_start3A_130 = tpu.memref_squeeze %dma_start3A_129 : memref<1x1x2x80xi32, #tpu.memory_space<vmem>> -> memref<1x2x80xi32, #tpu.memory_space<vmem>>
      %dma_start3A_131 = arith.constant 0 : i32
      %dma_start3A_132 = arith.constant 0 : i32
      %dma_start3A_133 = tpu.memref_slice %arg3[%add3A_72, %dma_start3A_131, %dma_start3A_132] : memref<4000x2x80xi32, #tpu.memory_space<hbm>> -> memref<1x2x80xi32, #tpu.memory_space<hbm>>
      tpu.enqueue_dma source(%dma_start3A_133 : memref<1x2x80xi32, #tpu.memory_space<hbm>>) target(%dma_start3A_130 : memref<1x2x80xi32, #tpu.memory_space<vmem>>) target_semaphore(%run_scoped3A_117 : memref<!tpu.dma_semaphore, #tpu.memory_space<semaphore_mem>>)
      %dma_wait3A_134 = arith.constant 0 : i32
      %dma_wait3A_135 = arith.constant 0 : i32
      %dma_wait3A_136 = arith.constant 0 : i32
      %dma_wait3A_137 = tpu.memref_slice %arg6[%run_scoped3A_73, %dma_wait3A_134, %dma_wait3A_135, %dma_wait3A_136] : memref<2x2x2x80xi32, #tpu.memory_space<vmem>> -> memref<1x1x2x80xi32, #tpu.memory_space<vmem>>
      %dma_wait3A_138 = tpu.memref_squeeze %dma_wait3A_137 : memref<1x1x2x80xi32, #tpu.memory_space<vmem>> -> memref<1x2x80xi32, #tpu.memory_space<vmem>>
      %dma_wait3A_139 = arith.constant 0 : i32
      %dma_wait3A_140 = arith.constant 0 : i32
      %dma_wait3A_141 = tpu.memref_slice %arg3[%add3A_72, %dma_wait3A_139, %dma_wait3A_140] : memref<4000x2x80xi32, #tpu.memory_space<hbm>> -> memref<1x2x80xi32, #tpu.memory_space<hbm>>
      %dma_wait3A_142 = arith.constant 0 : i32
      %dma_wait3A_143 = arith.constant 0 : i32
      %dma_wait3A_144 = arith.constant 0 : i32
      %dma_wait3A_145 = tpu.memref_slice %arg6[%run_scoped3A_73, %dma_wait3A_142, %dma_wait3A_143, %dma_wait3A_144] : memref<2x2x2x80xi32, #tpu.memory_space<vmem>> -> memref<1x1x2x80xi32, #tpu.memory_space<vmem>>
      %dma_wait3A_146 = tpu.memref_squeeze %dma_wait3A_145 : memref<1x1x2x80xi32, #tpu.memory_space<vmem>> -> memref<1x2x80xi32, #tpu.memory_space<vmem>>
      %dma_wait3A_147 = arith.constant 0 : i32
      %dma_wait3A_148 = arith.constant 0 : i32
      %dma_wait3A_149 = tpu.memref_slice %arg3[%add3A_72, %dma_wait3A_147, %dma_wait3A_148] : memref<4000x2x80xi32, #tpu.memory_space<hbm>> -> memref<1x2x80xi32, #tpu.memory_space<hbm>>
      tpu.wait_dma2 semaphore(%run_scoped3A_117 : memref<!tpu.dma_semaphore, #tpu.memory_space<semaphore_mem>>) src(%dma_wait3A_149 : memref<1x2x80xi32, #tpu.memory_space<hbm>>) dst(%dma_wait3A_146 : memref<1x2x80xi32, #tpu.memory_space<vmem>>)
      tpu.yield
    }) : () -> ()
    %dma_start3A_74 = arith.constant 0 : i32
    %dma_start3A_75 = arith.constant 0 : i32
    %dma_start3A_76 = arith.constant 0 : i32
    %dma_start3A_77 = arith.constant 0 : i32
    %dma_start3A_78 = arith.constant 0 : i32
    %dma_start3A_79 = arith.constant 0 : i32
    %dma_start3A_80 = arith.constant 0 : i32
    %dma_start3A_81 = tpu.memref_slice %arg7[%dma_start3A_77, %dma_start3A_78, %dma_start3A_79, %dma_start3A_80] : memref<2x2x80x128xf32, #tpu.memory_space<vmem>> -> memref<1x1x80x128xf32, #tpu.memory_space<vmem>>
    %dma_start3A_82 = tpu.memref_squeeze %dma_start3A_81 : memref<1x1x80x128xf32, #tpu.memory_space<vmem>> -> memref<80x128xf32, #tpu.memory_space<vmem>>
    %dma_start3A_83 = arith.constant 0 : i32
    %dma_start3A_84 = tpu.memref_slice %arg6[%dma_start3A_74, %dma_start3A_75, %dma_start3A_76, %dma_start3A_83] : memref<2x2x2x80xi32, #tpu.memory_space<vmem>> -> memref<1x1x1x80xi32, #tpu.memory_space<vmem>>
    %dma_start3A_85 = tpu.memref_squeeze %dma_start3A_84 : memref<1x1x1x80xi32, #tpu.memory_space<vmem>> -> memref<80xi32, #tpu.memory_space<vmem>>
    %dma_start3A_86 = arith.constant 0 : i32
    %dma_start3A_87 = arith.constant 0 : i32
    %dma_start3A_88 = tpu.memref_slice %arg2[%dma_start3A_86, %dma_start3A_87] : memref<10000x128xf32, #tpu.memory_space<hbm>> -> memref<10000x128xf32, #tpu.memory_space<hbm>>
    tpu.enqueue_indirect_dma source(%dma_start3A_88 : memref<10000x128xf32, #tpu.memory_space<hbm>>) target(%dma_start3A_82 : memref<80x128xf32, #tpu.memory_space<vmem>>) offsets(%dma_start3A_85 : memref<80xi32, #tpu.memory_space<vmem>>) semaphore(%arg9 : memref<!tpu.dma_semaphore, #tpu.memory_space<semaphore_mem>>)
    %dma_wait3A_89 = arith.constant 0 : i32
    %dma_wait3A_90 = arith.constant 0 : i32
    %dma_wait3A_91 = arith.constant 0 : i32
    %dma_wait3A_92 = arith.constant 0 : i32
    %dma_wait3A_93 = arith.constant 0 : i32
    %dma_wait3A_94 = arith.constant 0 : i32
    %dma_wait3A_95 = arith.constant 0 : i32
    %dma_wait3A_96 = tpu.memref_slice %arg7[%dma_wait3A_92, %dma_wait3A_93, %dma_wait3A_94, %dma_wait3A_95] : memref<2x2x80x128xf32, #tpu.memory_space<vmem>> -> memref<1x1x80x128xf32, #tpu.memory_space<vmem>>
    %dma_wait3A_97 = tpu.memref_squeeze %dma_wait3A_96 : memref<1x1x80x128xf32, #tpu.memory_space<vmem>> -> memref<80x128xf32, #tpu.memory_space<vmem>>
    %dma_wait3A_98 = arith.constant 0 : i32
    %dma_wait3A_99 = tpu.memref_slice %arg6[%dma_wait3A_89, %dma_wait3A_90, %dma_wait3A_91, %dma_wait3A_98] : memref<2x2x2x80xi32, #tpu.memory_space<vmem>> -> memref<1x1x1x80xi32, #tpu.memory_space<vmem>>
    %dma_wait3A_100 = tpu.memref_squeeze %dma_wait3A_99 : memref<1x1x1x80xi32, #tpu.memory_space<vmem>> -> memref<80xi32, #tpu.memory_space<vmem>>
    %dma_wait3A_101 = arith.constant 0 : i32
    %dma_wait3A_102 = arith.constant 0 : i32
    %dma_wait3A_103 = tpu.memref_slice %arg2[%dma_wait3A_101, %dma_wait3A_102] : memref<10000x128xf32, #tpu.memory_space<hbm>> -> memref<10000x128xf32, #tpu.memory_space<hbm>>
    tpu.wait_indirect_dma semaphore(%arg9 : memref<!tpu.dma_semaphore, #tpu.memory_space<semaphore_mem>>) src(%dma_wait3A_103 : memref<10000x128xf32, #tpu.memory_space<hbm>>) dst(%dma_wait3A_97 : memref<80x128xf32, #tpu.memory_space<vmem>>)
    %run_scoped3A_104 = arith.constant 0 : i32
    %run_scoped3A_105 = arith.constant 0 : i32
    %run_scoped3A_106 = arith.constant 0 : i32
    %run_scoped3A_107 = arith.constant 0 : i32
    %run_scoped3A_108 = arith.constant 1 : i32
    "tpu.region"() ({
      %run_scoped3A_117 = tpu.sem_alloc : memref<!tpu.dma_semaphore, #tpu.memory_space<semaphore_mem>>
      %dma_start3A_118 = arith.constant 0 : i32
      %dma_start3A_119 = arith.constant 0 : i32
      %dma_start3A_120 = tpu.memref_slice %arg7[%run_scoped3A_104, %run_scoped3A_105, %dma_start3A_118, %dma_start3A_119] : memref<2x2x80x128xf32, #tpu.memory_space<vmem>> -> memref<1x1x80x128xf32, #tpu.memory_space<vmem>>
      %dma_start3A_121 = tpu.memref_squeeze %dma_start3A_120 : memref<1x1x80x128xf32, #tpu.memory_space<vmem>> -> memref<80x128xf32, #tpu.memory_space<vmem>>
      %dma_start3A_122 = arith.constant 0 : i32
      %dma_start3A_123 = tpu.memref_slice %arg6[%run_scoped3A_106, %run_scoped3A_107, %run_scoped3A_108, %dma_start3A_122] : memref<2x2x2x80xi32, #tpu.memory_space<vmem>> -> memref<1x1x1x80xi32, #tpu.memory_space<vmem>>
      %dma_start3A_124 = tpu.memref_squeeze %dma_start3A_123 : memref<1x1x1x80xi32, #tpu.memory_space<vmem>> -> memref<80xi32, #tpu.memory_space<vmem>>
      %dma_start3A_125 = arith.constant 0 : i32
      %dma_start3A_126 = arith.constant 0 : i32
      %dma_start3A_127 = tpu.memref_slice %arg8[%dma_start3A_125, %dma_start3A_126] : memref<10240x128xf32, #tpu.memory_space<vmem_shared>> -> memref<10240x128xf32, #tpu.memory_space<vmem_shared>>
      tpu.enqueue_indirect_dma source(%dma_start3A_121 : memref<80x128xf32, #tpu.memory_space<vmem>>) target(%dma_start3A_127 : memref<10240x128xf32, #tpu.memory_space<vmem_shared>>) offsets(%dma_start3A_124 : memref<80xi32, #tpu.memory_space<vmem>>) semaphore(%run_scoped3A_117 : memref<!tpu.dma_semaphore, #tpu.memory_space<semaphore_mem>>) {add = true}
      %dma_wait3A_128 = arith.constant 0 : i32
      %dma_wait3A_129 = arith.constant 0 : i32
      %dma_wait3A_130 = tpu.memref_slice %arg7[%run_scoped3A_104, %run_scoped3A_105, %dma_wait3A_128, %dma_wait3A_129] : memref<2x2x80x128xf32, #tpu.memory_space<vmem>> -> memref<1x1x80x128xf32, #tpu.memory_space<vmem>>
      %dma_wait3A_131 = tpu.memref_squeeze %dma_wait3A_130 : memref<1x1x80x128xf32, #tpu.memory_space<vmem>> -> memref<80x128xf32, #tpu.memory_space<vmem>>
      %dma_wait3A_132 = arith.constant 0 : i32
      %dma_wait3A_133 = tpu.memref_slice %arg6[%run_scoped3A_106, %run_scoped3A_107, %run_scoped3A_108, %dma_wait3A_132] : memref<2x2x2x80xi32, #tpu.memory_space<vmem>> -> memref<1x1x1x80xi32, #tpu.memory_space<vmem>>
      %dma_wait3A_134 = tpu.memref_squeeze %dma_wait3A_133 : memref<1x1x1x80xi32, #tpu.memory_space<vmem>> -> memref<80xi32, #tpu.memory_space<vmem>>
      %dma_wait3A_135 = arith.constant 0 : i32
      %dma_wait3A_136 = arith.constant 0 : i32
      %dma_wait3A_137 = tpu.memref_slice %arg8[%dma_wait3A_135, %dma_wait3A_136] : memref<10240x128xf32, #tpu.memory_space<vmem_shared>> -> memref<10240x128xf32, #tpu.memory_space<vmem_shared>>
      tpu.wait_indirect_dma semaphore(%run_scoped3A_117 : memref<!tpu.dma_semaphore, #tpu.memory_space<semaphore_mem>>) src(%dma_wait3A_131 : memref<80x128xf32, #tpu.memory_space<vmem>>) dst(%dma_wait3A_137 : memref<10240x128xf32, #tpu.memory_space<vmem_shared>>)
      tpu.yield
    }) : () -> ()
    %barrier3A_109 = arith.constant 0 : index
    tpu.barrier barrier_id(%barrier3A_109)
    %mul3A_110 = arith.constant 640 : i32
    %mul3A_111 = arith.muli %arg1, %mul3A_110 : i32
    %mul3A_112 = arith.constant 10240 : i32
    %mul3A_113 = arith.muli %arg0, %mul3A_112 : i32
    %mul3A_114 = arith.constant 640 : i32
    %mul3A_115 = arith.muli %arg1, %mul3A_114 : i32
    %add3A_116 = arith.addi %mul3A_113, %mul3A_115 : i32
    "tpu.region"() ({
      %run_scoped3A_117 = tpu.sem_alloc : memref<!tpu.dma_semaphore, #tpu.memory_space<semaphore_mem>>
      %dma_start3A_118 = arith.constant 0 : i32
      %dma_start3A_119 = tpu.memref_slice %arg5[%add3A_116, %dma_start3A_118] : memref<20480x128xf32, #tpu.memory_space<hbm>> -> memref<640x128xf32, #tpu.memory_space<hbm>>
      %dma_start3A_120 = arith.constant 0 : i32
      %dma_start3A_121 = tpu.memref_slice %arg8[%mul3A_111, %dma_start3A_120] : memref<10240x128xf32, #tpu.memory_space<vmem_shared>> -> memref<640x128xf32, #tpu.memory_space<vmem_shared>>
      tpu.enqueue_dma source(%dma_start3A_121 : memref<640x128xf32, #tpu.memory_space<vmem_shared>>) target(%dma_start3A_119 : memref<640x128xf32, #tpu.memory_space<hbm>>) target_semaphore(%run_scoped3A_117 : memref<!tpu.dma_semaphore, #tpu.memory_space<semaphore_mem>>)
      %dma_wait3A_122 = arith.constant 0 : i32
      %dma_wait3A_123 = tpu.memref_slice %arg5[%add3A_116, %dma_wait3A_122] : memref<20480x128xf32, #tpu.memory_space<hbm>> -> memref<640x128xf32, #tpu.memory_space<hbm>>
      %dma_wait3A_124 = arith.constant 0 : i32
      %dma_wait3A_125 = tpu.memref_slice %arg8[%mul3A_111, %dma_wait3A_124] : memref<10240x128xf32, #tpu.memory_space<vmem_shared>> -> memref<640x128xf32, #tpu.memory_space<vmem_shared>>
      tpu.wait_dma2 semaphore(%run_scoped3A_117 : memref<!tpu.dma_semaphore, #tpu.memory_space<semaphore_mem>>) src(%dma_wait3A_125 : memref<640x128xf32, #tpu.memory_space<vmem_shared>>) dst(%dma_wait3A_123 : memref<640x128xf32, #tpu.memory_space<hbm>>)
      tpu.yield
    }) : () -> ()
    return
  }
}

#map = affine_map<(d0, d1) -> (0, 0)>
module attributes {stable_mosaic.version = 14 : i64} {
  func.func @k(%arg0: i32, %arg1: i32, %arg2: memref<4000x80xi32, #tpu.memory_space<hbm>>, %arg3: memref<10240x16xf32, #tpu.memory_space<hbm>>, %arg4: memref<20480x16xf32, #tpu.memory_space<hbm>>, %arg5: memref<125x80xi32, #tpu.memory_space<vmem>>, %arg6: memref<80x16xf32, #tpu.memory_space<vmem>>, %arg7: memref<10240x16xf32, #tpu.memory_space<vmem_shared>>, %arg8: memref<!tpu.dma_semaphore, #tpu.memory_space<semaphore_mem>>) attributes {dimension_semantics = [#tpu.dimension_semantics<core_parallel>, #tpu.dimension_semantics<subcore_parallel>], iteration_bounds = array<i64: 2, 16>, scalar_prefetch = 0 : i64, scratch_operands = 4 : i64, tpu.core_type = #tpu.core_type<sc_vector_subcore>, window_params = [{transform_indices = #map}, {transform_indices = #map}, {transform_indices = #map}]} {
    %scan3A = arith.constant 0 : i32
    %scan3A_0 = arith.constant 80 : i32
    %scan3A_1 = arith.addi %scan3A, %scan3A_0 : i32
    %scan3A_2 = arith.constant 1 : i32
    scf.for %scan3A_29 = %scan3A to %scan3A_1 step %scan3A_2  : i32 {
      %mul3A_30 = arith.constant 1 : i32
      %mul3A_31 = arith.muli %scan3A_29, %mul3A_30 : i32
      %add3A_32 = arith.constant 0 : i32
      %add3A_33 = arith.addi %add3A_32, %mul3A_31 : i32
      %broadcast_in_dim3A = arith.constant 1.000000e+00 : f32
      %broadcast_in_dim3A_34 = vector.broadcast %broadcast_in_dim3A : f32 to vector<16xf32>
      %swap3A = arith.index_cast %add3A_33 : i32 to index
      %swap3A_35 = arith.constant 0 : index
      %swap3A_36 = tpu.vector_load %arg6[%swap3A, %swap3A_35] {strides = array<i32>} : memref<80x16xf32, #tpu.memory_space<vmem>>, vector<1x16xf32>,
      %swap3A_37 = vector.shape_cast %swap3A_36 : vector<1x16xf32> to vector<16xf32>
      %swap3A_38 = vector.shape_cast %broadcast_in_dim3A_34 : vector<16xf32> to vector<1x16xf32>
      tpu.vector_store %arg6[%swap3A, %swap3A_35], %swap3A_38 {strides = array<i32>} : memref<80x16xf32, #tpu.memory_space<vmem>>, vector<1x16xf32>,
    }
    %scan3A_3 = arith.constant 80 : i32
    %mul3A = arith.constant 640 : i32
    %mul3A_4 = arith.muli %arg1, %mul3A : i32
    %mul3A_5 = arith.constant 640 : i32
    %mul3A_6 = arith.muli %arg1, %mul3A_5 : i32
    "tpu.region"() ({
      %run_scoped3A = tpu.sem_alloc : memref<!tpu.dma_semaphore, #tpu.memory_space<semaphore_mem>>
      %dma_start3A = arith.constant 0 : i32
      %dma_start3A_29 = tpu.memref_slice %arg7[%mul3A_6, %dma_start3A] : memref<10240x16xf32, #tpu.memory_space<vmem_shared>> -> memref<640x16xf32, #tpu.memory_space<vmem_shared>>
      %dma_start3A_30 = arith.constant 0 : i32
      %dma_start3A_31 = tpu.memref_slice %arg3[%mul3A_4, %dma_start3A_30] : memref<10240x16xf32, #tpu.memory_space<hbm>> -> memref<640x16xf32, #tpu.memory_space<hbm>>
      tpu.enqueue_dma source(%dma_start3A_31 : memref<640x16xf32, #tpu.memory_space<hbm>>) target(%dma_start3A_29 : memref<640x16xf32, #tpu.memory_space<vmem_shared>>) target_semaphore(%run_scoped3A : memref<!tpu.dma_semaphore, #tpu.memory_space<semaphore_mem>>)
      %dma_wait3A = arith.constant 0 : i32
      %dma_wait3A_32 = tpu.memref_slice %arg7[%mul3A_6, %dma_wait3A] : memref<10240x16xf32, #tpu.memory_space<vmem_shared>> -> memref<640x16xf32, #tpu.memory_space<vmem_shared>>
      %dma_wait3A_33 = arith.constant 0 : i32
      %dma_wait3A_34 = tpu.memref_slice %arg3[%mul3A_4, %dma_wait3A_33] : memref<10240x16xf32, #tpu.memory_space<hbm>> -> memref<640x16xf32, #tpu.memory_space<hbm>>
      tpu.wait_dma2 semaphore(%run_scoped3A : memref<!tpu.dma_semaphore, #tpu.memory_space<semaphore_mem>>) src(%dma_wait3A_34 : memref<640x16xf32, #tpu.memory_space<hbm>>) dst(%dma_wait3A_32 : memref<640x16xf32, #tpu.memory_space<vmem_shared>>)
      tpu.yield
    }) : () -> ()
    %mul3A_7 = arith.constant 16 : i32
    %mul3A_8 = arith.muli %arg0, %mul3A_7 : i32
    %add3A = arith.addi %mul3A_8, %arg1 : i32
    %mul3A_9 = arith.constant 125 : i32
    %mul3A_10 = arith.muli %add3A, %mul3A_9 : i32
    "tpu.region"() ({
      %run_scoped3A = tpu.sem_alloc : memref<!tpu.dma_semaphore, #tpu.memory_space<semaphore_mem>>
      %dma_start3A = arith.constant 0 : i32
      %dma_start3A_29 = tpu.memref_slice %arg2[%mul3A_10, %dma_start3A] : memref<4000x80xi32, #tpu.memory_space<hbm>> -> memref<125x80xi32, #tpu.memory_space<hbm>>
      %dma_start3A_30 = arith.constant 0 : i32
      %dma_start3A_31 = tpu.memref_slice %arg2[%mul3A_10, %dma_start3A_30] : memref<4000x80xi32, #tpu.memory_space<hbm>> -> memref<125x80xi32, #tpu.memory_space<hbm>>
      tpu.enqueue_dma source(%dma_start3A_31 : memref<125x80xi32, #tpu.memory_space<hbm>>) target(%arg5 : memref<125x80xi32, #tpu.memory_space<vmem>>) target_semaphore(%run_scoped3A : memref<!tpu.dma_semaphore, #tpu.memory_space<semaphore_mem>>)
      %dma_wait3A = arith.constant 0 : i32
      %dma_wait3A_32 = tpu.memref_slice %arg2[%mul3A_10, %dma_wait3A] : memref<4000x80xi32, #tpu.memory_space<hbm>> -> memref<125x80xi32, #tpu.memory_space<hbm>>
      %dma_wait3A_33 = arith.constant 0 : i32
      %dma_wait3A_34 = tpu.memref_slice %arg2[%mul3A_10, %dma_wait3A_33] : memref<4000x80xi32, #tpu.memory_space<hbm>> -> memref<125x80xi32, #tpu.memory_space<hbm>>
      tpu.wait_dma2 semaphore(%run_scoped3A : memref<!tpu.dma_semaphore, #tpu.memory_space<semaphore_mem>>) src(%dma_wait3A_34 : memref<125x80xi32, #tpu.memory_space<hbm>>) dst(%arg5 : memref<125x80xi32, #tpu.memory_space<vmem>>)
      tpu.yield
    }) : () -> ()
    %barrier3A = arith.constant 0 : index
    tpu.barrier barrier_id(%barrier3A)
    %scan3A_11 = arith.constant 0 : i32
    %scan3A_12 = arith.constant 125 : i32
    %scan3A_13 = arith.addi %scan3A_11, %scan3A_12 : i32
    %scan3A_14 = arith.constant 1 : i32
    scf.for %scan3A_29 = %scan3A_11 to %scan3A_13 step %scan3A_14  : i32 {
      %mul3A_30 = arith.constant 1 : i32
      %mul3A_31 = arith.muli %scan3A_29, %mul3A_30 : i32
      %add3A_32 = arith.constant 0 : i32
      %add3A_33 = arith.addi %add3A_32, %mul3A_31 : i32
      %dma_start3A = arith.constant 0 : i32
      %dma_start3A_34 = tpu.memref_slice %arg5[%add3A_33, %dma_start3A] : memref<125x80xi32, #tpu.memory_space<vmem>> -> memref<1x80xi32, #tpu.memory_space<vmem>>
      %dma_start3A_35 = tpu.memref_squeeze %dma_start3A_34 : memref<1x80xi32, #tpu.memory_space<vmem>> -> memref<80xi32, #tpu.memory_space<vmem>>
      %dma_start3A_36 = arith.constant 0 : i32
      %dma_start3A_37 = arith.constant 0 : i32
      %dma_start3A_38 = tpu.memref_slice %arg7[%dma_start3A_36, %dma_start3A_37] : memref<10240x16xf32, #tpu.memory_space<vmem_shared>> -> memref<10240x16xf32, #tpu.memory_space<vmem_shared>>
      tpu.enqueue_indirect_dma source(%arg6 : memref<80x16xf32, #tpu.memory_space<vmem>>) target(%dma_start3A_38 : memref<10240x16xf32, #tpu.memory_space<vmem_shared>>) offsets(%dma_start3A_35 : memref<80xi32, #tpu.memory_space<vmem>>) semaphore(%arg8 : memref<!tpu.dma_semaphore, #tpu.memory_space<semaphore_mem>>) {add = true}
    }
    %scan3A_15 = arith.constant 125 : i32
    %scan3A_16 = arith.constant 0 : i32
    %scan3A_17 = arith.constant 125 : i32
    %scan3A_18 = arith.addi %scan3A_16, %scan3A_17 : i32
    %scan3A_19 = arith.constant 1 : i32
    scf.for %scan3A_29 = %scan3A_16 to %scan3A_18 step %scan3A_19  : i32 {
      %mul3A_30 = arith.constant 1 : i32
      %mul3A_31 = arith.muli %scan3A_29, %mul3A_30 : i32
      %add3A_32 = arith.constant 0 : i32
      %add3A_33 = arith.addi %add3A_32, %mul3A_31 : i32
      %dma_wait3A = arith.constant 0 : i32
      %dma_wait3A_34 = tpu.memref_slice %arg5[%add3A_33, %dma_wait3A] : memref<125x80xi32, #tpu.memory_space<vmem>> -> memref<1x80xi32, #tpu.memory_space<vmem>>
      %dma_wait3A_35 = tpu.memref_squeeze %dma_wait3A_34 : memref<1x80xi32, #tpu.memory_space<vmem>> -> memref<80xi32, #tpu.memory_space<vmem>>
      %dma_wait3A_36 = arith.constant 0 : i32
      %dma_wait3A_37 = arith.constant 0 : i32
      %dma_wait3A_38 = tpu.memref_slice %arg7[%dma_wait3A_36, %dma_wait3A_37] : memref<10240x16xf32, #tpu.memory_space<vmem_shared>> -> memref<10240x16xf32, #tpu.memory_space<vmem_shared>>
      tpu.wait_indirect_dma semaphore(%arg8 : memref<!tpu.dma_semaphore, #tpu.memory_space<semaphore_mem>>) src(%arg6 : memref<80x16xf32, #tpu.memory_space<vmem>>) dst(%dma_wait3A_38 : memref<10240x16xf32, #tpu.memory_space<vmem_shared>>)
    }
    %scan3A_20 = arith.constant 125 : i32
    %barrier3A_21 = arith.constant 0 : index
    tpu.barrier barrier_id(%barrier3A_21)
    %mul3A_22 = arith.constant 640 : i32
    %mul3A_23 = arith.muli %arg1, %mul3A_22 : i32
    %mul3A_24 = arith.constant 10240 : i32
    %mul3A_25 = arith.muli %arg0, %mul3A_24 : i32
    %mul3A_26 = arith.constant 640 : i32
    %mul3A_27 = arith.muli %arg1, %mul3A_26 : i32
    %add3A_28 = arith.addi %mul3A_25, %mul3A_27 : i32
    "tpu.region"() ({
      %run_scoped3A = tpu.sem_alloc : memref<!tpu.dma_semaphore, #tpu.memory_space<semaphore_mem>>
      %dma_start3A = arith.constant 0 : i32
      %dma_start3A_29 = tpu.memref_slice %arg4[%add3A_28, %dma_start3A] : memref<20480x16xf32, #tpu.memory_space<hbm>> -> memref<640x16xf32, #tpu.memory_space<hbm>>
      %dma_start3A_30 = arith.constant 0 : i32
      %dma_start3A_31 = tpu.memref_slice %arg7[%mul3A_23, %dma_start3A_30] : memref<10240x16xf32, #tpu.memory_space<vmem_shared>> -> memref<640x16xf32, #tpu.memory_space<vmem_shared>>
      tpu.enqueue_dma source(%dma_start3A_31 : memref<640x16xf32, #tpu.memory_space<vmem_shared>>) target(%dma_start3A_29 : memref<640x16xf32, #tpu.memory_space<hbm>>) target_semaphore(%run_scoped3A : memref<!tpu.dma_semaphore, #tpu.memory_space<semaphore_mem>>)
      %dma_wait3A = arith.constant 0 : i32
      %dma_wait3A_32 = tpu.memref_slice %arg4[%add3A_28, %dma_wait3A] : memref<20480x16xf32, #tpu.memory_space<hbm>> -> memref<640x16xf32, #tpu.memory_space<hbm>>
      %dma_wait3A_33 = arith.constant 0 : i32
      %dma_wait3A_34 = tpu.memref_slice %arg7[%mul3A_23, %dma_wait3A_33] : memref<10240x16xf32, #tpu.memory_space<vmem_shared>> -> memref<640x16xf32, #tpu.memory_space<vmem_shared>>
      tpu.wait_dma2 semaphore(%run_scoped3A : memref<!tpu.dma_semaphore, #tpu.memory_space<semaphore_mem>>) src(%dma_wait3A_34 : memref<640x16xf32, #tpu.memory_space<vmem_shared>>) dst(%dma_wait3A_32 : memref<640x16xf32, #tpu.memory_space<hbm>>)
      tpu.yield
    }) : () -> ()
    return
  }
}

#map = affine_map<(d0, d1) -> (0, 0)>
#map1 = affine_map<(d0, d1) -> (0, 0, 0)>
module attributes {stable_mosaic.version = 14 : i64} {
  func.func @k(%arg0: i32, %arg1: i32, %arg2: memref<10000x128xf32, #tpu.memory_space<hbm>>, %arg3: memref<4000x2x80xi32, #tpu.memory_space<hbm>>, %arg4: memref<10240x128xf32, #tpu.memory_space<hbm>>, %arg5: memref<20480x128xf32, #tpu.memory_space<hbm>>, %arg6: memref<2x2x2x80xi32, #tpu.memory_space<vmem>>, %arg7: memref<2x2x80x128xf32, #tpu.memory_space<vmem>>, %arg8: memref<10240x128xf32, #tpu.memory_space<vmem_shared>>, %arg9: memref<!tpu.dma_semaphore, #tpu.memory_space<semaphore_mem>>, %arg10: memref<!tpu.dma_semaphore, #tpu.memory_space<semaphore_mem>>) attributes {dimension_semantics = [#tpu.dimension_semantics<core_parallel>, #tpu.dimension_semantics<subcore_parallel>], iteration_bounds = array<i64: 2, 16>, scalar_prefetch = 0 : i64, scratch_operands = 5 : i64, tpu.core_type = #tpu.core_type<sc_vector_subcore>, window_params = [{transform_indices = #map}, {transform_indices = #map1}, {transform_indices = #map}, {transform_indices = #map}]} {
    %mul3A = arith.constant 640 : i32
    %mul3A_0 = arith.muli %arg1, %mul3A : i32
    %mul3A_1 = arith.constant 640 : i32
    %mul3A_2 = arith.muli %arg1, %mul3A_1 : i32
    "tpu.region"() ({
      %run_scoped3A_117 = tpu.sem_alloc : memref<!tpu.dma_semaphore, #tpu.memory_space<semaphore_mem>>
      %dma_start3A_118 = arith.constant 0 : i32
      %dma_start3A_119 = tpu.memref_slice %arg8[%mul3A_2, %dma_start3A_118] : memref<10240x128xf32, #tpu.memory_space<vmem_shared>> -> memref<640x128xf32, #tpu.memory_space<vmem_shared>>
      %dma_start3A_120 = arith.constant 0 : i32
      %dma_start3A_121 = tpu.memref_slice %arg4[%mul3A_0, %dma_start3A_120] : memref<10240x128xf32, #tpu.memory_space<hbm>> -> memref<640x128xf32, #tpu.memory_space<hbm>>
      tpu.enqueue_dma source(%dma_start3A_121 : memref<640x128xf32, #tpu.memory_space<hbm>>) target(%dma_start3A_119 : memref<640x128xf32, #tpu.memory_space<vmem_shared>>) target_semaphore(%run_scoped3A_117 : memref<!tpu.dma_semaphore, #tpu.memory_space<semaphore_mem>>)
      %dma_wait3A_122 = arith.constant 0 : i32
      %dma_wait3A_123 = tpu.memref_slice %arg8[%mul3A_2, %dma_wait3A_122] : memref<10240x128xf32, #tpu.memory_space<vmem_shared>> -> memref<640x128xf32, #tpu.memory_space<vmem_shared>>
      %dma_wait3A_124 = arith.constant 0 : i32
      %dma_wait3A_125 = tpu.memref_slice %arg4[%mul3A_0, %dma_wait3A_124] : memref<10240x128xf32, #tpu.memory_space<hbm>> -> memref<640x128xf32, #tpu.memory_space<hbm>>
      tpu.wait_dma2 semaphore(%run_scoped3A_117 : memref<!tpu.dma_semaphore, #tpu.memory_space<semaphore_mem>>) src(%dma_wait3A_125 : memref<640x128xf32, #tpu.memory_space<hbm>>) dst(%dma_wait3A_123 : memref<640x128xf32, #tpu.memory_space<vmem_shared>>)
      tpu.yield
    }) : () -> ()
    %mul3A_3 = arith.constant 16 : i32
    %mul3A_4 = arith.muli %arg0, %mul3A_3 : i32
    %add3A = arith.addi %mul3A_4, %arg1 : i32
    %mul3A_5 = arith.constant 125 : i32
    %mul3A_6 = arith.muli %add3A, %mul3A_5 : i32
    %barrier3A = arith.constant 0 : index
    tpu.barrier barrier_id(%barrier3A)
    %add3A_7 = arith.constant 0 : i32
    %add3A_8 = arith.addi %mul3A_6, %add3A_7 : i32
    %run_scoped3A = arith.constant 0 : i32
    "tpu.region"() ({
      %run_scoped3A_117 = tpu.sem_alloc : memref<!tpu.dma_semaphore, #tpu.memory_space<semaphore_mem>>
      %dma_start3A_118 = arith.constant 0 : i32
      %dma_start3A_119 = arith.constant 0 : i32
      %dma_start3A_120 = arith.constant 0 : i32
      %dma_start3A_121 = tpu.memref_slice %arg6[%run_scoped3A, %dma_start3A_118, %dma_start3A_119, %dma_start3A_120] : memref<2x2x2x80xi32, #tpu.memory_space<vmem>> -> memref<1x2x2x80xi32, #tpu.memory_space<vmem>>
      %dma_start3A_122 = tpu.memref_squeeze %dma_start3A_121 : memref<1x2x2x80xi32, #tpu.memory_space<vmem>> -> memref<2x2x80xi32, #tpu.memory_space<vmem>>
      %dma_start3A_123 = arith.constant 0 : i32
      %dma_start3A_124 = arith.constant 0 : i32
      %dma_start3A_125 = tpu.memref_slice %arg3[%add3A_8, %dma_start3A_123, %dma_start3A_124] : memref<4000x2x80xi32, #tpu.memory_space<hbm>> -> memref<2x2x80xi32, #tpu.memory_space<hbm>>
      %dma_start3A_126 = arith.constant 0 : i32
      %dma_start3A_127 = arith.constant 0 : i32
      %dma_start3A_128 = arith.constant 0 : i32
      %dma_start3A_129 = tpu.memref_slice %arg6[%run_scoped3A, %dma_start3A_126, %dma_start3A_127, %dma_start3A_128] : memref<2x2x2x80xi32, #tpu.memory_space<vmem>> -> memref<1x2x2x80xi32, #tpu.memory_space<vmem>>
      %dma_start3A_130 = tpu.memref_squeeze %dma_start3A_129 : memref<1x2x2x80xi32, #tpu.memory_space<vmem>> -> memref<2x2x80xi32, #tpu.memory_space<vmem>>
      %dma_start3A_131 = arith.constant 0 : i32
      %dma_start3A_132 = arith.constant 0 : i32
      %dma_start3A_133 = tpu.memref_slice %arg3[%add3A_8, %dma_start3A_131, %dma_start3A_132] : memref<4000x2x80xi32, #tpu.memory_space<hbm>> -> memref<2x2x80xi32, #tpu.memory_space<hbm>>
      tpu.enqueue_dma source(%dma_start3A_133 : memref<2x2x80xi32, #tpu.memory_space<hbm>>) target(%dma_start3A_130 : memref<2x2x80xi32, #tpu.memory_space<vmem>>) target_semaphore(%run_scoped3A_117 : memref<!tpu.dma_semaphore, #tpu.memory_space<semaphore_mem>>)
      %dma_wait3A_134 = arith.constant 0 : i32
      %dma_wait3A_135 = arith.constant 0 : i32
      %dma_wait3A_136 = arith.constant 0 : i32
      %dma_wait3A_137 = tpu.memref_slice %arg6[%run_scoped3A, %dma_wait3A_134, %dma_wait3A_135, %dma_wait3A_136] : memref<2x2x2x80xi32, #tpu.memory_space<vmem>> -> memref<1x2x2x80xi32, #tpu.memory_space<vmem>>
      %dma_wait3A_138 = tpu.memref_squeeze %dma_wait3A_137 : memref<1x2x2x80xi32, #tpu.memory_space<vmem>> -> memref<2x2x80xi32, #tpu.memory_space<vmem>>
      %dma_wait3A_139 = arith.constant 0 : i32
      %dma_wait3A_140 = arith.constant 0 : i32
      %dma_wait3A_141 = tpu.memref_slice %arg3[%add3A_8, %dma_wait3A_139, %dma_wait3A_140] : memref<4000x2x80xi32, #tpu.memory_space<hbm>> -> memref<2x2x80xi32, #tpu.memory_space<hbm>>
      %dma_wait3A_142 = arith.constant 0 : i32
      %dma_wait3A_143 = arith.constant 0 : i32
      %dma_wait3A_144 = arith.constant 0 : i32
      %dma_wait3A_145 = tpu.memref_slice %arg6[%run_scoped3A, %dma_wait3A_142, %dma_wait3A_143, %dma_wait3A_144] : memref<2x2x2x80xi32, #tpu.memory_space<vmem>> -> memref<1x2x2x80xi32, #tpu.memory_space<vmem>>
      %dma_wait3A_146 = tpu.memref_squeeze %dma_wait3A_145 : memref<1x2x2x80xi32, #tpu.memory_space<vmem>> -> memref<2x2x80xi32, #tpu.memory_space<vmem>>
      %dma_wait3A_147 = arith.constant 0 : i32
      %dma_wait3A_148 = arith.constant 0 : i32
      %dma_wait3A_149 = tpu.memref_slice %arg3[%add3A_8, %dma_wait3A_147, %dma_wait3A_148] : memref<4000x2x80xi32, #tpu.memory_space<hbm>> -> memref<2x2x80xi32, #tpu.memory_space<hbm>>
      tpu.wait_dma2 semaphore(%run_scoped3A_117 : memref<!tpu.dma_semaphore, #tpu.memory_space<semaphore_mem>>) src(%dma_wait3A_149 : memref<2x2x80xi32, #tpu.memory_space<hbm>>) dst(%dma_wait3A_146 : memref<2x2x80xi32, #tpu.memory_space<vmem>>)
      tpu.yield
    }) : () -> ()
    %dma_start3A = arith.constant 0 : i32
    %dma_start3A_9 = arith.constant 0 : i32
    %dma_start3A_10 = arith.constant 0 : i32
    %dma_start3A_11 = arith.constant 0 : i32
    %dma_start3A_12 = arith.constant 0 : i32
    %dma_start3A_13 = arith.constant 0 : i32
    %dma_start3A_14 = arith.constant 0 : i32
    %dma_start3A_15 = tpu.memref_slice %arg7[%dma_start3A_11, %dma_start3A_12, %dma_start3A_13, %dma_start3A_14] : memref<2x2x80x128xf32, #tpu.memory_space<vmem>> -> memref<1x1x80x128xf32, #tpu.memory_space<vmem>>
    %dma_start3A_16 = tpu.memref_squeeze %dma_start3A_15 : memref<1x1x80x128xf32, #tpu.memory_space<vmem>> -> memref<80x128xf32, #tpu.memory_space<vmem>>
    %dma_start3A_17 = arith.constant 0 : i32
    %dma_start3A_18 = tpu.memref_slice %arg6[%dma_start3A, %dma_start3A_9, %dma_start3A_10, %dma_start3A_17] : memref<2x2x2x80xi32, #tpu.memory_space<vmem>> -> memref<1x1x1x80xi32, #tpu.memory_space<vmem>>
    %dma_start3A_19 = tpu.memref_squeeze %dma_start3A_18 : memref<1x1x1x80xi32, #tpu.memory_space<vmem>> -> memref<80xi32, #tpu.memory_space<vmem>>
    %dma_start3A_20 = arith.constant 0 : i32
    %dma_start3A_21 = arith.constant 0 : i32
    %dma_start3A_22 = tpu.memref_slice %arg2[%dma_start3A_20, %dma_start3A_21] : memref<10000x128xf32, #tpu.memory_space<hbm>> -> memref<10000x128xf32, #tpu.memory_space<hbm>>
    tpu.enqueue_indirect_dma source(%dma_start3A_22 : memref<10000x128xf32, #tpu.memory_space<hbm>>) target(%dma_start3A_16 : memref<80x128xf32, #tpu.memory_space<vmem>>) offsets(%dma_start3A_19 : memref<80xi32, #tpu.memory_space<vmem>>) semaphore(%arg9 : memref<!tpu.dma_semaphore, #tpu.memory_space<semaphore_mem>>)
    %dma_start3A_23 = arith.constant 0 : i32
    %dma_start3A_24 = arith.constant 1 : i32
    %dma_start3A_25 = arith.constant 0 : i32
    %dma_start3A_26 = arith.constant 0 : i32
    %dma_start3A_27 = arith.constant 1 : i32
    %dma_start3A_28 = arith.constant 0 : i32
    %dma_start3A_29 = arith.constant 0 : i32
    %dma_start3A_30 = tpu.memref_slice %arg7[%dma_start3A_26, %dma_start3A_27, %dma_start3A_28, %dma_start3A_29] : memref<2x2x80x128xf32, #tpu.memory_space<vmem>> -> memref<1x1x80x128xf32, #tpu.memory_space<vmem>>
    %dma_start3A_31 = tpu.memref_squeeze %dma_start3A_30 : memref<1x1x80x128xf32, #tpu.memory_space<vmem>> -> memref<80x128xf32, #tpu.memory_space<vmem>>
    %dma_start3A_32 = arith.constant 0 : i32
    %dma_start3A_33 = tpu.memref_slice %arg6[%dma_start3A_23, %dma_start3A_24, %dma_start3A_25, %dma_start3A_32] : memref<2x2x2x80xi32, #tpu.memory_space<vmem>> -> memref<1x1x1x80xi32, #tpu.memory_space<vmem>>
    %dma_start3A_34 = tpu.memref_squeeze %dma_start3A_33 : memref<1x1x1x80xi32, #tpu.memory_space<vmem>> -> memref<80xi32, #tpu.memory_space<vmem>>
    %dma_start3A_35 = arith.constant 0 : i32
    %dma_start3A_36 = arith.constant 0 : i32
    %dma_start3A_37 = tpu.memref_slice %arg2[%dma_start3A_35, %dma_start3A_36] : memref<10000x128xf32, #tpu.memory_space<hbm>> -> memref<10000x128xf32, #tpu.memory_space<hbm>>
    tpu.enqueue_indirect_dma source(%dma_start3A_37 : memref<10000x128xf32, #tpu.memory_space<hbm>>) target(%dma_start3A_31 : memref<80x128xf32, #tpu.memory_space<vmem>>) offsets(%dma_start3A_34 : memref<80xi32, #tpu.memory_space<vmem>>) semaphore(%arg9 : memref<!tpu.dma_semaphore, #tpu.memory_space<semaphore_mem>>)
    %scan3A = arith.constant 0 : i32
    %scan3A_38 = arith.constant 31 : i32
    %scan3A_39 = arith.addi %scan3A, %scan3A_38 : i32
    %scan3A_40 = arith.constant 1 : i32
    scf.for %scan3A_117 = %scan3A to %scan3A_39 step %scan3A_40  : i32 {
      %mul3A_118 = arith.constant 1 : i32
      %mul3A_119 = arith.muli %scan3A_117, %mul3A_118 : i32
      %add3A_120 = arith.constant 0 : i32
      %add3A_121 = arith.addi %add3A_120, %mul3A_119 : i32
      %dma_wait3A_122 = arith.constant 0 : i32
      %dma_wait3A_123 = arith.constant 0 : i32
      %dma_wait3A_124 = arith.constant 0 : i32
      %dma_wait3A_125 = arith.constant 0 : i32
      %dma_wait3A_126 = arith.constant 0 : i32
      %dma_wait3A_127 = arith.constant 0 : i32
      %dma_wait3A_128 = arith.constant 0 : i32
      %dma_wait3A_129 = tpu.memref_slice %arg7[%dma_wait3A_125, %dma_wait3A_126, %dma_wait3A_127, %dma_wait3A_128] : memref<2x2x80x128xf32, #tpu.memory_space<vmem>> -> memref<1x1x80x128xf32, #tpu.memory_space<vmem>>
      %dma_wait3A_130 = tpu.memref_squeeze %dma_wait3A_129 : memref<1x1x80x128xf32, #tpu.memory_space<vmem>> -> memref<80x128xf32, #tpu.memory_space<vmem>>
      %dma_wait3A_131 = arith.constant 0 : i32
      %dma_wait3A_132 = tpu.memref_slice %arg6[%dma_wait3A_122, %dma_wait3A_123, %dma_wait3A_124, %dma_wait3A_131] : memref<2x2x2x80xi32, #tpu.memory_space<vmem>> -> memref<1x1x1x80xi32, #tpu.memory_space<vmem>>
      %dma_wait3A_133 = tpu.memref_squeeze %dma_wait3A_132 : memref<1x1x1x80xi32, #tpu.memory_space<vmem>> -> memref<80xi32, #tpu.memory_space<vmem>>
      %dma_wait3A_134 = arith.constant 0 : i32
      %dma_wait3A_135 = arith.constant 0 : i32
      %dma_wait3A_136 = tpu.memref_slice %arg2[%dma_wait3A_134, %dma_wait3A_135] : memref<10000x128xf32, #tpu.memory_space<hbm>> -> memref<10000x128xf32, #tpu.memory_space<hbm>>
      tpu.wait_indirect_dma semaphore(%arg9 : memref<!tpu.dma_semaphore, #tpu.memory_space<semaphore_mem>>) src(%dma_wait3A_136 : memref<10000x128xf32, #tpu.memory_space<hbm>>) dst(%dma_wait3A_130 : memref<80x128xf32, #tpu.memory_space<vmem>>)
      %dma_wait3A_137 = arith.constant 0 : i32
      %dma_wait3A_138 = arith.constant 1 : i32
      %dma_wait3A_139 = arith.constant 0 : i32
      %dma_wait3A_140 = arith.constant 0 : i32
      %dma_wait3A_141 = arith.constant 1 : i32
      %dma_wait3A_142 = arith.constant 0 : i32
      %dma_wait3A_143 = arith.constant 0 : i32
      %dma_wait3A_144 = tpu.memref_slice %arg7[%dma_wait3A_140, %dma_wait3A_141, %dma_wait3A_142, %dma_wait3A_143] : memref<2x2x80x128xf32, #tpu.memory_space<vmem>> -> memref<1x1x80x128xf32, #tpu.memory_space<vmem>>
      %dma_wait3A_145 = tpu.memref_squeeze %dma_wait3A_144 : memref<1x1x80x128xf32, #tpu.memory_space<vmem>> -> memref<80x128xf32, #tpu.memory_space<vmem>>
      %dma_wait3A_146 = arith.constant 0 : i32
      %dma_wait3A_147 = tpu.memref_slice %arg6[%dma_wait3A_137, %dma_wait3A_138, %dma_wait3A_139, %dma_wait3A_146] : memref<2x2x2x80xi32, #tpu.memory_space<vmem>> -> memref<1x1x1x80xi32, #tpu.memory_space<vmem>>
      %dma_wait3A_148 = tpu.memref_squeeze %dma_wait3A_147 : memref<1x1x1x80xi32, #tpu.memory_space<vmem>> -> memref<80xi32, #tpu.memory_space<vmem>>
      %dma_wait3A_149 = arith.constant 0 : i32
      %dma_wait3A_150 = arith.constant 0 : i32
      %dma_wait3A_151 = tpu.memref_slice %arg2[%dma_wait3A_149, %dma_wait3A_150] : memref<10000x128xf32, #tpu.memory_space<hbm>> -> memref<10000x128xf32, #tpu.memory_space<hbm>>
      tpu.wait_indirect_dma semaphore(%arg9 : memref<!tpu.dma_semaphore, #tpu.memory_space<semaphore_mem>>) src(%dma_wait3A_151 : memref<10000x128xf32, #tpu.memory_space<hbm>>) dst(%dma_wait3A_145 : memref<80x128xf32, #tpu.memory_space<vmem>>)
      %dma_start3A_152 = arith.constant 0 : i32
      %dma_start3A_153 = arith.constant 0 : i32
      %dma_start3A_154 = arith.constant 0 : i32
      %dma_start3A_155 = arith.constant 0 : i32
      %dma_start3A_156 = arith.constant 1 : i32
      %dma_start3A_157 = arith.constant 0 : i32
      %dma_start3A_158 = arith.constant 0 : i32
      %dma_start3A_159 = tpu.memref_slice %arg7[%dma_start3A_152, %dma_start3A_153, %dma_start3A_157, %dma_start3A_158] : memref<2x2x80x128xf32, #tpu.memory_space<vmem>> -> memref<1x1x80x128xf32, #tpu.memory_space<vmem>>
      %dma_start3A_160 = tpu.memref_squeeze %dma_start3A_159 : memref<1x1x80x128xf32, #tpu.memory_space<vmem>> -> memref<80x128xf32, #tpu.memory_space<vmem>>
      %dma_start3A_161 = arith.constant 0 : i32
      %dma_start3A_162 = tpu.memref_slice %arg6[%dma_start3A_154, %dma_start3A_155, %dma_start3A_156, %dma_start3A_161] : memref<2x2x2x80xi32, #tpu.memory_space<vmem>> -> memref<1x1x1x80xi32, #tpu.memory_space<vmem>>
      %dma_start3A_163 = tpu.memref_squeeze %dma_start3A_162 : memref<1x1x1x80xi32, #tpu.memory_space<vmem>> -> memref<80xi32, #tpu.memory_space<vmem>>
      %dma_start3A_164 = arith.constant 0 : i32
      %dma_start3A_165 = arith.constant 0 : i32
      %dma_start3A_166 = tpu.memref_slice %arg8[%dma_start3A_164, %dma_start3A_165] : memref<10240x128xf32, #tpu.memory_space<vmem_shared>> -> memref<10240x128xf32, #tpu.memory_space<vmem_shared>>
      tpu.enqueue_indirect_dma source(%dma_start3A_160 : memref<80x128xf32, #tpu.memory_space<vmem>>) target(%dma_start3A_166 : memref<10240x128xf32, #tpu.memory_space<vmem_shared>>) offsets(%dma_start3A_163 : memref<80xi32, #tpu.memory_space<vmem>>) semaphore(%arg10 : memref<!tpu.dma_semaphore, #tpu.memory_space<semaphore_mem>>) {add = true}
      %dma_start3A_167 = arith.constant 0 : i32
      %dma_start3A_168 = arith.constant 1 : i32
      %dma_start3A_169 = arith.constant 0 : i32
      %dma_start3A_170 = arith.constant 1 : i32
      %dma_start3A_171 = arith.constant 1 : i32
      %dma_start3A_172 = arith.constant 0 : i32
      %dma_start3A_173 = arith.constant 0 : i32
      %dma_start3A_174 = tpu.memref_slice %arg7[%dma_start3A_167, %dma_start3A_168, %dma_start3A_172, %dma_start3A_173] : memref<2x2x80x128xf32, #tpu.memory_space<vmem>> -> memref<1x1x80x128xf32, #tpu.memory_space<vmem>>
      %dma_start3A_175 = tpu.memref_squeeze %dma_start3A_174 : memref<1x1x80x128xf32, #tpu.memory_space<vmem>> -> memref<80x128xf32, #tpu.memory_space<vmem>>
      %dma_start3A_176 = arith.constant 0 : i32
      %dma_start3A_177 = tpu.memref_slice %arg6[%dma_start3A_169, %dma_start3A_170, %dma_start3A_171, %dma_start3A_176] : memref<2x2x2x80xi32, #tpu.memory_space<vmem>> -> memref<1x1x1x80xi32, #tpu.memory_space<vmem>>
      %dma_start3A_178 = tpu.memref_squeeze %dma_start3A_177 : memref<1x1x1x80xi32, #tpu.memory_space<vmem>> -> memref<80xi32, #tpu.memory_space<vmem>>
      %dma_start3A_179 = arith.constant 0 : i32
      %dma_start3A_180 = arith.constant 0 : i32
      %dma_start3A_181 = tpu.memref_slice %arg8[%dma_start3A_179, %dma_start3A_180] : memref<10240x128xf32, #tpu.memory_space<vmem_shared>> -> memref<10240x128xf32, #tpu.memory_space<vmem_shared>>
      tpu.enqueue_indirect_dma source(%dma_start3A_175 : memref<80x128xf32, #tpu.memory_space<vmem>>) target(%dma_start3A_181 : memref<10240x128xf32, #tpu.memory_space<vmem_shared>>) offsets(%dma_start3A_178 : memref<80xi32, #tpu.memory_space<vmem>>) semaphore(%arg10 : memref<!tpu.dma_semaphore, #tpu.memory_space<semaphore_mem>>) {add = true}
      %gt3A = arith.constant 0 : i32
      %gt3A_182 = arith.cmpi sgt, %add3A_121, %gt3A : i32
      %convert_element_type3A = arith.extui %gt3A_182 : i1 to i32
      %cond3A = arith.constant 0 : i32
      %cond3A_183 = arith.cmpi ne, %convert_element_type3A, %cond3A : i32
      scf.if %cond3A_183 {
        %dma_wait3A_318 = arith.constant 1 : i32
        %dma_wait3A_319 = arith.constant 0 : i32
        %dma_wait3A_320 = arith.constant 1 : i32
        %dma_wait3A_321 = arith.constant 0 : i32
        %dma_wait3A_322 = arith.constant 1 : i32
        %dma_wait3A_323 = arith.constant 0 : i32
        %dma_wait3A_324 = arith.constant 0 : i32
        %dma_wait3A_325 = tpu.memref_slice %arg7[%dma_wait3A_318, %dma_wait3A_319, %dma_wait3A_323, %dma_wait3A_324] : memref<2x2x80x128xf32, #tpu.memory_space<vmem>> -> memref<1x1x80x128xf32, #tpu.memory_space<vmem>>
        %dma_wait3A_326 = tpu.memref_squeeze %dma_wait3A_325 : memref<1x1x80x128xf32, #tpu.memory_space<vmem>> -> memref<80x128xf32, #tpu.memory_space<vmem>>
        %dma_wait3A_327 = arith.constant 0 : i32
        %dma_wait3A_328 = tpu.memref_slice %arg6[%dma_wait3A_320, %dma_wait3A_321, %dma_wait3A_322, %dma_wait3A_327] : memref<2x2x2x80xi32, #tpu.memory_space<vmem>> -> memref<1x1x1x80xi32, #tpu.memory_space<vmem>>
        %dma_wait3A_329 = tpu.memref_squeeze %dma_wait3A_328 : memref<1x1x1x80xi32, #tpu.memory_space<vmem>> -> memref<80xi32, #tpu.memory_space<vmem>>
        %dma_wait3A_330 = arith.constant 0 : i32
        %dma_wait3A_331 = arith.constant 0 : i32
        %dma_wait3A_332 = tpu.memref_slice %arg8[%dma_wait3A_330, %dma_wait3A_331] : memref<10240x128xf32, #tpu.memory_space<vmem_shared>> -> memref<10240x128xf32, #tpu.memory_space<vmem_shared>>
        tpu.wait_indirect_dma semaphore(%arg10 : memref<!tpu.dma_semaphore, #tpu.memory_space<semaphore_mem>>) src(%dma_wait3A_326 : memref<80x128xf32, #tpu.memory_space<vmem>>) dst(%dma_wait3A_332 : memref<10240x128xf32, #tpu.memory_space<vmem_shared>>)
        %dma_wait3A_333 = arith.constant 1 : i32
        %dma_wait3A_334 = arith.constant 1 : i32
        %dma_wait3A_335 = arith.constant 1 : i32
        %dma_wait3A_336 = arith.constant 1 : i32
        %dma_wait3A_337 = arith.constant 1 : i32
        %dma_wait3A_338 = arith.constant 0 : i32
        %dma_wait3A_339 = arith.constant 0 : i32
        %dma_wait3A_340 = tpu.memref_slice %arg7[%dma_wait3A_333, %dma_wait3A_334, %dma_wait3A_338, %dma_wait3A_339] : memref<2x2x80x128xf32, #tpu.memory_space<vmem>> -> memref<1x1x80x128xf32, #tpu.memory_space<vmem>>
        %dma_wait3A_341 = tpu.memref_squeeze %dma_wait3A_340 : memref<1x1x80x128xf32, #tpu.memory_space<vmem>> -> memref<80x128xf32, #tpu.memory_space<vmem>>
        %dma_wait3A_342 = arith.constant 0 : i32
        %dma_wait3A_343 = tpu.memref_slice %arg6[%dma_wait3A_335, %dma_wait3A_336, %dma_wait3A_337, %dma_wait3A_342] : memref<2x2x2x80xi32, #tpu.memory_space<vmem>> -> memref<1x1x1x80xi32, #tpu.memory_space<vmem>>
        %dma_wait3A_344 = tpu.memref_squeeze %dma_wait3A_343 : memref<1x1x1x80xi32, #tpu.memory_space<vmem>> -> memref<80xi32, #tpu.memory_space<vmem>>
        %dma_wait3A_345 = arith.constant 0 : i32
        %dma_wait3A_346 = arith.constant 0 : i32
        %dma_wait3A_347 = tpu.memref_slice %arg8[%dma_wait3A_345, %dma_wait3A_346] : memref<10240x128xf32, #tpu.memory_space<vmem_shared>> -> memref<10240x128xf32, #tpu.memory_space<vmem_shared>>
        tpu.wait_indirect_dma semaphore(%arg10 : memref<!tpu.dma_semaphore, #tpu.memory_space<semaphore_mem>>) src(%dma_wait3A_341 : memref<80x128xf32, #tpu.memory_space<vmem>>) dst(%dma_wait3A_347 : memref<10240x128xf32, #tpu.memory_space<vmem_shared>>)
      } else {
      }
      %mul3A_184 = arith.constant 2 : i32
      %mul3A_185 = arith.muli %mul3A_184, %add3A_121 : i32
      %add3A_186 = arith.constant 1 : i32
      %add3A_187 = arith.addi %mul3A_185, %add3A_186 : i32
      %mul3A_188 = arith.constant 2 : i32
      %mul3A_189 = arith.muli %add3A_187, %mul3A_188 : i32
      %add3A_190 = arith.addi %mul3A_6, %mul3A_189 : i32
      %run_scoped3A_191 = arith.constant 1 : i32
      "tpu.region"() ({
        %run_scoped3A_318 = tpu.sem_alloc : memref<!tpu.dma_semaphore, #tpu.memory_space<semaphore_mem>>
        %dma_start3A_319 = arith.constant 0 : i32
        %dma_start3A_320 = arith.constant 0 : i32
        %dma_start3A_321 = arith.constant 0 : i32
        %dma_start3A_322 = tpu.memref_slice %arg6[%run_scoped3A_191, %dma_start3A_319, %dma_start3A_320, %dma_start3A_321] : memref<2x2x2x80xi32, #tpu.memory_space<vmem>> -> memref<1x2x2x80xi32, #tpu.memory_space<vmem>>
        %dma_start3A_323 = tpu.memref_squeeze %dma_start3A_322 : memref<1x2x2x80xi32, #tpu.memory_space<vmem>> -> memref<2x2x80xi32, #tpu.memory_space<vmem>>
        %dma_start3A_324 = arith.constant 0 : i32
        %dma_start3A_325 = arith.constant 0 : i32
        %dma_start3A_326 = tpu.memref_slice %arg3[%add3A_190, %dma_start3A_324, %dma_start3A_325] : memref<4000x2x80xi32, #tpu.memory_space<hbm>> -> memref<2x2x80xi32, #tpu.memory_space<hbm>>
        %dma_start3A_327 = arith.constant 0 : i32
        %dma_start3A_328 = arith.constant 0 : i32
        %dma_start3A_329 = arith.constant 0 : i32
        %dma_start3A_330 = tpu.memref_slice %arg6[%run_scoped3A_191, %dma_start3A_327, %dma_start3A_328, %dma_start3A_329] : memref<2x2x2x80xi32, #tpu.memory_space<vmem>> -> memref<1x2x2x80xi32, #tpu.memory_space<vmem>>
        %dma_start3A_331 = tpu.memref_squeeze %dma_start3A_330 : memref<1x2x2x80xi32, #tpu.memory_space<vmem>> -> memref<2x2x80xi32, #tpu.memory_space<vmem>>
        %dma_start3A_332 = arith.constant 0 : i32
        %dma_start3A_333 = arith.constant 0 : i32
        %dma_start3A_334 = tpu.memref_slice %arg3[%add3A_190, %dma_start3A_332, %dma_start3A_333] : memref<4000x2x80xi32, #tpu.memory_space<hbm>> -> memref<2x2x80xi32, #tpu.memory_space<hbm>>
        tpu.enqueue_dma source(%dma_start3A_334 : memref<2x2x80xi32, #tpu.memory_space<hbm>>) target(%dma_start3A_331 : memref<2x2x80xi32, #tpu.memory_space<vmem>>) target_semaphore(%run_scoped3A_318 : memref<!tpu.dma_semaphore, #tpu.memory_space<semaphore_mem>>)
        %dma_wait3A_335 = arith.constant 0 : i32
        %dma_wait3A_336 = arith.constant 0 : i32
        %dma_wait3A_337 = arith.constant 0 : i32
        %dma_wait3A_338 = tpu.memref_slice %arg6[%run_scoped3A_191, %dma_wait3A_335, %dma_wait3A_336, %dma_wait3A_337] : memref<2x2x2x80xi32, #tpu.memory_space<vmem>> -> memref<1x2x2x80xi32, #tpu.memory_space<vmem>>
        %dma_wait3A_339 = tpu.memref_squeeze %dma_wait3A_338 : memref<1x2x2x80xi32, #tpu.memory_space<vmem>> -> memref<2x2x80xi32, #tpu.memory_space<vmem>>
        %dma_wait3A_340 = arith.constant 0 : i32
        %dma_wait3A_341 = arith.constant 0 : i32
        %dma_wait3A_342 = tpu.memref_slice %arg3[%add3A_190, %dma_wait3A_340, %dma_wait3A_341] : memref<4000x2x80xi32, #tpu.memory_space<hbm>> -> memref<2x2x80xi32, #tpu.memory_space<hbm>>
        %dma_wait3A_343 = arith.constant 0 : i32
        %dma_wait3A_344 = arith.constant 0 : i32
        %dma_wait3A_345 = arith.constant 0 : i32
        %dma_wait3A_346 = tpu.memref_slice %arg6[%run_scoped3A_191, %dma_wait3A_343, %dma_wait3A_344, %dma_wait3A_345] : memref<2x2x2x80xi32, #tpu.memory_space<vmem>> -> memref<1x2x2x80xi32, #tpu.memory_space<vmem>>
        %dma_wait3A_347 = tpu.memref_squeeze %dma_wait3A_346 : memref<1x2x2x80xi32, #tpu.memory_space<vmem>> -> memref<2x2x80xi32, #tpu.memory_space<vmem>>
        %dma_wait3A_348 = arith.constant 0 : i32
        %dma_wait3A_349 = arith.constant 0 : i32
        %dma_wait3A_350 = tpu.memref_slice %arg3[%add3A_190, %dma_wait3A_348, %dma_wait3A_349] : memref<4000x2x80xi32, #tpu.memory_space<hbm>> -> memref<2x2x80xi32, #tpu.memory_space<hbm>>
        tpu.wait_dma2 semaphore(%run_scoped3A_318 : memref<!tpu.dma_semaphore, #tpu.memory_space<semaphore_mem>>) src(%dma_wait3A_350 : memref<2x2x80xi32, #tpu.memory_space<hbm>>) dst(%dma_wait3A_347 : memref<2x2x80xi32, #tpu.memory_space<vmem>>)
        tpu.yield
      }) : () -> ()
      %dma_start3A_192 = arith.constant 1 : i32
      %dma_start3A_193 = arith.constant 0 : i32
      %dma_start3A_194 = arith.constant 0 : i32
      %dma_start3A_195 = arith.constant 1 : i32
      %dma_start3A_196 = arith.constant 0 : i32
      %dma_start3A_197 = arith.constant 0 : i32
      %dma_start3A_198 = arith.constant 0 : i32
      %dma_start3A_199 = tpu.memref_slice %arg7[%dma_start3A_195, %dma_start3A_196, %dma_start3A_197, %dma_start3A_198] : memref<2x2x80x128xf32, #tpu.memory_space<vmem>> -> memref<1x1x80x128xf32, #tpu.memory_space<vmem>>
      %dma_start3A_200 = tpu.memref_squeeze %dma_start3A_199 : memref<1x1x80x128xf32, #tpu.memory_space<vmem>> -> memref<80x128xf32, #tpu.memory_space<vmem>>
      %dma_start3A_201 = arith.constant 0 : i32
      %dma_start3A_202 = tpu.memref_slice %arg6[%dma_start3A_192, %dma_start3A_193, %dma_start3A_194, %dma_start3A_201] : memref<2x2x2x80xi32, #tpu.memory_space<vmem>> -> memref<1x1x1x80xi32, #tpu.memory_space<vmem>>
      %dma_start3A_203 = tpu.memref_squeeze %dma_start3A_202 : memref<1x1x1x80xi32, #tpu.memory_space<vmem>> -> memref<80xi32, #tpu.memory_space<vmem>>
      %dma_start3A_204 = arith.constant 0 : i32
      %dma_start3A_205 = arith.constant 0 : i32
      %dma_start3A_206 = tpu.memref_slice %arg2[%dma_start3A_204, %dma_start3A_205] : memref<10000x128xf32, #tpu.memory_space<hbm>> -> memref<10000x128xf32, #tpu.memory_space<hbm>>
      tpu.enqueue_indirect_dma source(%dma_start3A_206 : memref<10000x128xf32, #tpu.memory_space<hbm>>) target(%dma_start3A_200 : memref<80x128xf32, #tpu.memory_space<vmem>>) offsets(%dma_start3A_203 : memref<80xi32, #tpu.memory_space<vmem>>) semaphore(%arg9 : memref<!tpu.dma_semaphore, #tpu.memory_space<semaphore_mem>>)
      %dma_start3A_207 = arith.constant 1 : i32
      %dma_start3A_208 = arith.constant 1 : i32
      %dma_start3A_209 = arith.constant 0 : i32
      %dma_start3A_210 = arith.constant 1 : i32
      %dma_start3A_211 = arith.constant 1 : i32
      %dma_start3A_212 = arith.constant 0 : i32
      %dma_start3A_213 = arith.constant 0 : i32
      %dma_start3A_214 = tpu.memref_slice %arg7[%dma_start3A_210, %dma_start3A_211, %dma_start3A_212, %dma_start3A_213] : memref<2x2x80x128xf32, #tpu.memory_space<vmem>> -> memref<1x1x80x128xf32, #tpu.memory_space<vmem>>
      %dma_start3A_215 = tpu.memref_squeeze %dma_start3A_214 : memref<1x1x80x128xf32, #tpu.memory_space<vmem>> -> memref<80x128xf32, #tpu.memory_space<vmem>>
      %dma_start3A_216 = arith.constant 0 : i32
      %dma_start3A_217 = tpu.memref_slice %arg6[%dma_start3A_207, %dma_start3A_208, %dma_start3A_209, %dma_start3A_216] : memref<2x2x2x80xi32, #tpu.memory_space<vmem>> -> memref<1x1x1x80xi32, #tpu.memory_space<vmem>>
      %dma_start3A_218 = tpu.memref_squeeze %dma_start3A_217 : memref<1x1x1x80xi32, #tpu.memory_space<vmem>> -> memref<80xi32, #tpu.memory_space<vmem>>
      %dma_start3A_219 = arith.constant 0 : i32
      %dma_start3A_220 = arith.constant 0 : i32
      %dma_start3A_221 = tpu.memref_slice %arg2[%dma_start3A_219, %dma_start3A_220] : memref<10000x128xf32, #tpu.memory_space<hbm>> -> memref<10000x128xf32, #tpu.memory_space<hbm>>
      tpu.enqueue_indirect_dma source(%dma_start3A_221 : memref<10000x128xf32, #tpu.memory_space<hbm>>) target(%dma_start3A_215 : memref<80x128xf32, #tpu.memory_space<vmem>>) offsets(%dma_start3A_218 : memref<80xi32, #tpu.memory_space<vmem>>) semaphore(%arg9 : memref<!tpu.dma_semaphore, #tpu.memory_space<semaphore_mem>>)
      %dma_wait3A_222 = arith.constant 0 : i32
      %dma_wait3A_223 = arith.constant 0 : i32
      %dma_wait3A_224 = arith.constant 0 : i32
      %dma_wait3A_225 = arith.constant 0 : i32
      %dma_wait3A_226 = arith.constant 1 : i32
      %dma_wait3A_227 = arith.constant 0 : i32
      %dma_wait3A_228 = arith.constant 0 : i32
      %dma_wait3A_229 = tpu.memref_slice %arg7[%dma_wait3A_222, %dma_wait3A_223, %dma_wait3A_227, %dma_wait3A_228] : memref<2x2x80x128xf32, #tpu.memory_space<vmem>> -> memref<1x1x80x128xf32, #tpu.memory_space<vmem>>
      %dma_wait3A_230 = tpu.memref_squeeze %dma_wait3A_229 : memref<1x1x80x128xf32, #tpu.memory_space<vmem>> -> memref<80x128xf32, #tpu.memory_space<vmem>>
      %dma_wait3A_231 = arith.constant 0 : i32
      %dma_wait3A_232 = tpu.memref_slice %arg6[%dma_wait3A_224, %dma_wait3A_225, %dma_wait3A_226, %dma_wait3A_231] : memref<2x2x2x80xi32, #tpu.memory_space<vmem>> -> memref<1x1x1x80xi32, #tpu.memory_space<vmem>>
      %dma_wait3A_233 = tpu.memref_squeeze %dma_wait3A_232 : memref<1x1x1x80xi32, #tpu.memory_space<vmem>> -> memref<80xi32, #tpu.memory_space<vmem>>
      %dma_wait3A_234 = arith.constant 0 : i32
      %dma_wait3A_235 = arith.constant 0 : i32
      %dma_wait3A_236 = tpu.memref_slice %arg8[%dma_wait3A_234, %dma_wait3A_235] : memref<10240x128xf32, #tpu.memory_space<vmem_shared>> -> memref<10240x128xf32, #tpu.memory_space<vmem_shared>>
      tpu.wait_indirect_dma semaphore(%arg10 : memref<!tpu.dma_semaphore, #tpu.memory_space<semaphore_mem>>) src(%dma_wait3A_230 : memref<80x128xf32, #tpu.memory_space<vmem>>) dst(%dma_wait3A_236 : memref<10240x128xf32, #tpu.memory_space<vmem_shared>>)
      %dma_wait3A_237 = arith.constant 0 : i32
      %dma_wait3A_238 = arith.constant 1 : i32
      %dma_wait3A_239 = arith.constant 0 : i32
      %dma_wait3A_240 = arith.constant 1 : i32
      %dma_wait3A_241 = arith.constant 1 : i32
      %dma_wait3A_242 = arith.constant 0 : i32
      %dma_wait3A_243 = arith.constant 0 : i32
      %dma_wait3A_244 = tpu.memref_slice %arg7[%dma_wait3A_237, %dma_wait3A_238, %dma_wait3A_242, %dma_wait3A_243] : memref<2x2x80x128xf32, #tpu.memory_space<vmem>> -> memref<1x1x80x128xf32, #tpu.memory_space<vmem>>
      %dma_wait3A_245 = tpu.memref_squeeze %dma_wait3A_244 : memref<1x1x80x128xf32, #tpu.memory_space<vmem>> -> memref<80x128xf32, #tpu.memory_space<vmem>>
      %dma_wait3A_246 = arith.constant 0 : i32
      %dma_wait3A_247 = tpu.memref_slice %arg6[%dma_wait3A_239, %dma_wait3A_240, %dma_wait3A_241, %dma_wait3A_246] : memref<2x2x2x80xi32, #tpu.memory_space<vmem>> -> memref<1x1x1x80xi32, #tpu.memory_space<vmem>>
      %dma_wait3A_248 = tpu.memref_squeeze %dma_wait3A_247 : memref<1x1x1x80xi32, #tpu.memory_space<vmem>> -> memref<80xi32, #tpu.memory_space<vmem>>
      %dma_wait3A_249 = arith.constant 0 : i32
      %dma_wait3A_250 = arith.constant 0 : i32
      %dma_wait3A_251 = tpu.memref_slice %arg8[%dma_wait3A_249, %dma_wait3A_250] : memref<10240x128xf32, #tpu.memory_space<vmem_shared>> -> memref<10240x128xf32, #tpu.memory_space<vmem_shared>>
      tpu.wait_indirect_dma semaphore(%arg10 : memref<!tpu.dma_semaphore, #tpu.memory_space<semaphore_mem>>) src(%dma_wait3A_245 : memref<80x128xf32, #tpu.memory_space<vmem>>) dst(%dma_wait3A_251 : memref<10240x128xf32, #tpu.memory_space<vmem_shared>>)
      %add3A_252 = arith.constant 1 : i32
      %add3A_253 = arith.addi %add3A_121, %add3A_252 : i32
      %lt3A = arith.constant 31 : i32
      %lt3A_254 = arith.cmpi slt, %add3A_253, %lt3A : i32
      %convert_element_type3A_255 = arith.extui %lt3A_254 : i1 to i32
      %cond3A_256 = arith.constant 0 : i32
      %cond3A_257 = arith.cmpi ne, %convert_element_type3A_255, %cond3A_256 : i32
      scf.if %cond3A_257 {
        %mul3A_318 = arith.constant 2 : i32
        %mul3A_319 = arith.muli %mul3A_318, %add3A_121 : i32
        %add3A_320 = arith.constant 2 : i32
        %add3A_321 = arith.addi %mul3A_319, %add3A_320 : i32
        %mul3A_322 = arith.constant 2 : i32
        %mul3A_323 = arith.muli %add3A_321, %mul3A_322 : i32
        %add3A_324 = arith.addi %mul3A_6, %mul3A_323 : i32
        %run_scoped3A_325 = arith.constant 0 : i32
        "tpu.region"() ({
          %run_scoped3A_356 = tpu.sem_alloc : memref<!tpu.dma_semaphore, #tpu.memory_space<semaphore_mem>>
          %dma_start3A_357 = arith.constant 0 : i32
          %dma_start3A_358 = arith.constant 0 : i32
          %dma_start3A_359 = arith.constant 0 : i32
          %dma_start3A_360 = tpu.memref_slice %arg6[%run_scoped3A_325, %dma_start3A_357, %dma_start3A_358, %dma_start3A_359] : memref<2x2x2x80xi32, #tpu.memory_space<vmem>> -> memref<1x2x2x80xi32, #tpu.memory_space<vmem>>
          %dma_start3A_361 = tpu.memref_squeeze %dma_start3A_360 : memref<1x2x2x80xi32, #tpu.memory_space<vmem>> -> memref<2x2x80xi32, #tpu.memory_space<vmem>>
          %dma_start3A_362 = arith.constant 0 : i32
          %dma_start3A_363 = arith.constant 0 : i32
          %dma_start3A_364 = tpu.memref_slice %arg3[%add3A_324, %dma_start3A_362, %dma_start3A_363] : memref<4000x2x80xi32, #tpu.memory_space<hbm>> -> memref<2x2x80xi32, #tpu.memory_space<hbm>>
          %dma_start3A_365 = arith.constant 0 : i32
          %dma_start3A_366 = arith.constant 0 : i32
          %dma_start3A_367 = arith.constant 0 : i32
          %dma_start3A_368 = tpu.memref_slice %arg6[%run_scoped3A_325, %dma_start3A_365, %dma_start3A_366, %dma_start3A_367] : memref<2x2x2x80xi32, #tpu.memory_space<vmem>> -> memref<1x2x2x80xi32, #tpu.memory_space<vmem>>
          %dma_start3A_369 = tpu.memref_squeeze %dma_start3A_368 : memref<1x2x2x80xi32, #tpu.memory_space<vmem>> -> memref<2x2x80xi32, #tpu.memory_space<vmem>>
          %dma_start3A_370 = arith.constant 0 : i32
          %dma_start3A_371 = arith.constant 0 : i32
          %dma_start3A_372 = tpu.memref_slice %arg3[%add3A_324, %dma_start3A_370, %dma_start3A_371] : memref<4000x2x80xi32, #tpu.memory_space<hbm>> -> memref<2x2x80xi32, #tpu.memory_space<hbm>>
          tpu.enqueue_dma source(%dma_start3A_372 : memref<2x2x80xi32, #tpu.memory_space<hbm>>) target(%dma_start3A_369 : memref<2x2x80xi32, #tpu.memory_space<vmem>>) target_semaphore(%run_scoped3A_356 : memref<!tpu.dma_semaphore, #tpu.memory_space<semaphore_mem>>)
          %dma_wait3A_373 = arith.constant 0 : i32
          %dma_wait3A_374 = arith.constant 0 : i32
          %dma_wait3A_375 = arith.constant 0 : i32
          %dma_wait3A_376 = tpu.memref_slice %arg6[%run_scoped3A_325, %dma_wait3A_373, %dma_wait3A_374, %dma_wait3A_375] : memref<2x2x2x80xi32, #tpu.memory_space<vmem>> -> memref<1x2x2x80xi32, #tpu.memory_space<vmem>>
          %dma_wait3A_377 = tpu.memref_squeeze %dma_wait3A_376 : memref<1x2x2x80xi32, #tpu.memory_space<vmem>> -> memref<2x2x80xi32, #tpu.memory_space<vmem>>
          %dma_wait3A_378 = arith.constant 0 : i32
          %dma_wait3A_379 = arith.constant 0 : i32
          %dma_wait3A_380 = tpu.memref_slice %arg3[%add3A_324, %dma_wait3A_378, %dma_wait3A_379] : memref<4000x2x80xi32, #tpu.memory_space<hbm>> -> memref<2x2x80xi32, #tpu.memory_space<hbm>>
          %dma_wait3A_381 = arith.constant 0 : i32
          %dma_wait3A_382 = arith.constant 0 : i32
          %dma_wait3A_383 = arith.constant 0 : i32
          %dma_wait3A_384 = tpu.memref_slice %arg6[%run_scoped3A_325, %dma_wait3A_381, %dma_wait3A_382, %dma_wait3A_383] : memref<2x2x2x80xi32, #tpu.memory_space<vmem>> -> memref<1x2x2x80xi32, #tpu.memory_space<vmem>>
          %dma_wait3A_385 = tpu.memref_squeeze %dma_wait3A_384 : memref<1x2x2x80xi32, #tpu.memory_space<vmem>> -> memref<2x2x80xi32, #tpu.memory_space<vmem>>
          %dma_wait3A_386 = arith.constant 0 : i32
          %dma_wait3A_387 = arith.constant 0 : i32
          %dma_wait3A_388 = tpu.memref_slice %arg3[%add3A_324, %dma_wait3A_386, %dma_wait3A_387] : memref<4000x2x80xi32, #tpu.memory_space<hbm>> -> memref<2x2x80xi32, #tpu.memory_space<hbm>>
          tpu.wait_dma2 semaphore(%run_scoped3A_356 : memref<!tpu.dma_semaphore, #tpu.memory_space<semaphore_mem>>) src(%dma_wait3A_388 : memref<2x2x80xi32, #tpu.memory_space<hbm>>) dst(%dma_wait3A_385 : memref<2x2x80xi32, #tpu.memory_space<vmem>>)
          tpu.yield
        }) : () -> ()
        %dma_start3A_326 = arith.constant 0 : i32
        %dma_start3A_327 = arith.constant 0 : i32
        %dma_start3A_328 = arith.constant 0 : i32
        %dma_start3A_329 = arith.constant 0 : i32
        %dma_start3A_330 = arith.constant 0 : i32
        %dma_start3A_331 = arith.constant 0 : i32
        %dma_start3A_332 = arith.constant 0 : i32
        %dma_start3A_333 = tpu.memref_slice %arg7[%dma_start3A_329, %dma_start3A_330, %dma_start3A_331, %dma_start3A_332] : memref<2x2x80x128xf32, #tpu.memory_space<vmem>> -> memref<1x1x80x128xf32, #tpu.memory_space<vmem>>
        %dma_start3A_334 = tpu.memref_squeeze %dma_start3A_333 : memref<1x1x80x128xf32, #tpu.memory_space<vmem>> -> memref<80x128xf32, #tpu.memory_space<vmem>>
        %dma_start3A_335 = arith.constant 0 : i32
        %dma_start3A_336 = tpu.memref_slice %arg6[%dma_start3A_326, %dma_start3A_327, %dma_start3A_328, %dma_start3A_335] : memref<2x2x2x80xi32, #tpu.memory_space<vmem>> -> memref<1x1x1x80xi32, #tpu.memory_space<vmem>>
        %dma_start3A_337 = tpu.memref_squeeze %dma_start3A_336 : memref<1x1x1x80xi32, #tpu.memory_space<vmem>> -> memref<80xi32, #tpu.memory_space<vmem>>
        %dma_start3A_338 = arith.constant 0 : i32
        %dma_start3A_339 = arith.constant 0 : i32
        %dma_start3A_340 = tpu.memref_slice %arg2[%dma_start3A_338, %dma_start3A_339] : memref<10000x128xf32, #tpu.memory_space<hbm>> -> memref<10000x128xf32, #tpu.memory_space<hbm>>
        tpu.enqueue_indirect_dma source(%dma_start3A_340 : memref<10000x128xf32, #tpu.memory_space<hbm>>) target(%dma_start3A_334 : memref<80x128xf32, #tpu.memory_space<vmem>>) offsets(%dma_start3A_337 : memref<80xi32, #tpu.memory_space<vmem>>) semaphore(%arg9 : memref<!tpu.dma_semaphore, #tpu.memory_space<semaphore_mem>>)
        %dma_start3A_341 = arith.constant 0 : i32
        %dma_start3A_342 = arith.constant 1 : i32
        %dma_start3A_343 = arith.constant 0 : i32
        %dma_start3A_344 = arith.constant 0 : i32
        %dma_start3A_345 = arith.constant 1 : i32
        %dma_start3A_346 = arith.constant 0 : i32
        %dma_start3A_347 = arith.constant 0 : i32
        %dma_start3A_348 = tpu.memref_slice %arg7[%dma_start3A_344, %dma_start3A_345, %dma_start3A_346, %dma_start3A_347] : memref<2x2x80x128xf32, #tpu.memory_space<vmem>> -> memref<1x1x80x128xf32, #tpu.memory_space<vmem>>
        %dma_start3A_349 = tpu.memref_squeeze %dma_start3A_348 : memref<1x1x80x128xf32, #tpu.memory_space<vmem>> -> memref<80x128xf32, #tpu.memory_space<vmem>>
        %dma_start3A_350 = arith.constant 0 : i32
        %dma_start3A_351 = tpu.memref_slice %arg6[%dma_start3A_341, %dma_start3A_342, %dma_start3A_343, %dma_start3A_350] : memref<2x2x2x80xi32, #tpu.memory_space<vmem>> -> memref<1x1x1x80xi32, #tpu.memory_space<vmem>>
        %dma_start3A_352 = tpu.memref_squeeze %dma_start3A_351 : memref<1x1x1x80xi32, #tpu.memory_space<vmem>> -> memref<80xi32, #tpu.memory_space<vmem>>
        %dma_start3A_353 = arith.constant 0 : i32
        %dma_start3A_354 = arith.constant 0 : i32
        %dma_start3A_355 = tpu.memref_slice %arg2[%dma_start3A_353, %dma_start3A_354] : memref<10000x128xf32, #tpu.memory_space<hbm>> -> memref<10000x128xf32, #tpu.memory_space<hbm>>
        tpu.enqueue_indirect_dma source(%dma_start3A_355 : memref<10000x128xf32, #tpu.memory_space<hbm>>) target(%dma_start3A_349 : memref<80x128xf32, #tpu.memory_space<vmem>>) offsets(%dma_start3A_352 : memref<80xi32, #tpu.memory_space<vmem>>) semaphore(%arg9 : memref<!tpu.dma_semaphore, #tpu.memory_space<semaphore_mem>>)
      } else {
      }
      %dma_wait3A_258 = arith.constant 1 : i32
      %dma_wait3A_259 = arith.constant 0 : i32
      %dma_wait3A_260 = arith.constant 0 : i32
      %dma_wait3A_261 = arith.constant 1 : i32
      %dma_wait3A_262 = arith.constant 0 : i32
      %dma_wait3A_263 = arith.constant 0 : i32
      %dma_wait3A_264 = arith.constant 0 : i32
      %dma_wait3A_265 = tpu.memref_slice %arg7[%dma_wait3A_261, %dma_wait3A_262, %dma_wait3A_263, %dma_wait3A_264] : memref<2x2x80x128xf32, #tpu.memory_space<vmem>> -> memref<1x1x80x128xf32, #tpu.memory_space<vmem>>
      %dma_wait3A_266 = tpu.memref_squeeze %dma_wait3A_265 : memref<1x1x80x128xf32, #tpu.memory_space<vmem>> -> memref<80x128xf32, #tpu.memory_space<vmem>>
      %dma_wait3A_267 = arith.constant 0 : i32
      %dma_wait3A_268 = tpu.memref_slice %arg6[%dma_wait3A_258, %dma_wait3A_259, %dma_wait3A_260, %dma_wait3A_267] : memref<2x2x2x80xi32, #tpu.memory_space<vmem>> -> memref<1x1x1x80xi32, #tpu.memory_space<vmem>>
      %dma_wait3A_269 = tpu.memref_squeeze %dma_wait3A_268 : memref<1x1x1x80xi32, #tpu.memory_space<vmem>> -> memref<80xi32, #tpu.memory_space<vmem>>
      %dma_wait3A_270 = arith.constant 0 : i32
      %dma_wait3A_271 = arith.constant 0 : i32
      %dma_wait3A_272 = tpu.memref_slice %arg2[%dma_wait3A_270, %dma_wait3A_271] : memref<10000x128xf32, #tpu.memory_space<hbm>> -> memref<10000x128xf32, #tpu.memory_space<hbm>>
      tpu.wait_indirect_dma semaphore(%arg9 : memref<!tpu.dma_semaphore, #tpu.memory_space<semaphore_mem>>) src(%dma_wait3A_272 : memref<10000x128xf32, #tpu.memory_space<hbm>>) dst(%dma_wait3A_266 : memref<80x128xf32, #tpu.memory_space<vmem>>)
      %dma_wait3A_273 = arith.constant 1 : i32
      %dma_wait3A_274 = arith.constant 1 : i32
      %dma_wait3A_275 = arith.constant 0 : i32
      %dma_wait3A_276 = arith.constant 1 : i32
      %dma_wait3A_277 = arith.constant 1 : i32
      %dma_wait3A_278 = arith.constant 0 : i32
      %dma_wait3A_279 = arith.constant 0 : i32
      %dma_wait3A_280 = tpu.memref_slice %arg7[%dma_wait3A_276, %dma_wait3A_277, %dma_wait3A_278, %dma_wait3A_279] : memref<2x2x80x128xf32, #tpu.memory_space<vmem>> -> memref<1x1x80x128xf32, #tpu.memory_space<vmem>>
      %dma_wait3A_281 = tpu.memref_squeeze %dma_wait3A_280 : memref<1x1x80x128xf32, #tpu.memory_space<vmem>> -> memref<80x128xf32, #tpu.memory_space<vmem>>
      %dma_wait3A_282 = arith.constant 0 : i32
      %dma_wait3A_283 = tpu.memref_slice %arg6[%dma_wait3A_273, %dma_wait3A_274, %dma_wait3A_275, %dma_wait3A_282] : memref<2x2x2x80xi32, #tpu.memory_space<vmem>> -> memref<1x1x1x80xi32, #tpu.memory_space<vmem>>
      %dma_wait3A_284 = tpu.memref_squeeze %dma_wait3A_283 : memref<1x1x1x80xi32, #tpu.memory_space<vmem>> -> memref<80xi32, #tpu.memory_space<vmem>>
      %dma_wait3A_285 = arith.constant 0 : i32
      %dma_wait3A_286 = arith.constant 0 : i32
      %dma_wait3A_287 = tpu.memref_slice %arg2[%dma_wait3A_285, %dma_wait3A_286] : memref<10000x128xf32, #tpu.memory_space<hbm>> -> memref<10000x128xf32, #tpu.memory_space<hbm>>
      tpu.wait_indirect_dma semaphore(%arg9 : memref<!tpu.dma_semaphore, #tpu.memory_space<semaphore_mem>>) src(%dma_wait3A_287 : memref<10000x128xf32, #tpu.memory_space<hbm>>) dst(%dma_wait3A_281 : memref<80x128xf32, #tpu.memory_space<vmem>>)
      %dma_start3A_288 = arith.constant 1 : i32
      %dma_start3A_289 = arith.constant 0 : i32
      %dma_start3A_290 = arith.constant 1 : i32
      %dma_start3A_291 = arith.constant 0 : i32
      %dma_start3A_292 = arith.constant 1 : i32
      %dma_start3A_293 = arith.constant 0 : i32
      %dma_start3A_294 = arith.constant 0 : i32
      %dma_start3A_295 = tpu.memref_slice %arg7[%dma_start3A_288, %dma_start3A_289, %dma_start3A_293, %dma_start3A_294] : memref<2x2x80x128xf32, #tpu.memory_space<vmem>> -> memref<1x1x80x128xf32, #tpu.memory_space<vmem>>
      %dma_start3A_296 = tpu.memref_squeeze %dma_start3A_295 : memref<1x1x80x128xf32, #tpu.memory_space<vmem>> -> memref<80x128xf32, #tpu.memory_space<vmem>>
      %dma_start3A_297 = arith.constant 0 : i32
      %dma_start3A_298 = tpu.memref_slice %arg6[%dma_start3A_290, %dma_start3A_291, %dma_start3A_292, %dma_start3A_297] : memref<2x2x2x80xi32, #tpu.memory_space<vmem>> -> memref<1x1x1x80xi32, #tpu.memory_space<vmem>>
      %dma_start3A_299 = tpu.memref_squeeze %dma_start3A_298 : memref<1x1x1x80xi32, #tpu.memory_space<vmem>> -> memref<80xi32, #tpu.memory_space<vmem>>
      %dma_start3A_300 = arith.constant 0 : i32
      %dma_start3A_301 = arith.constant 0 : i32
      %dma_start3A_302 = tpu.memref_slice %arg8[%dma_start3A_300, %dma_start3A_301] : memref<10240x128xf32, #tpu.memory_space<vmem_shared>> -> memref<10240x128xf32, #tpu.memory_space<vmem_shared>>
      tpu.enqueue_indirect_dma source(%dma_start3A_296 : memref<80x128xf32, #tpu.memory_space<vmem>>) target(%dma_start3A_302 : memref<10240x128xf32, #tpu.memory_space<vmem_shared>>) offsets(%dma_start3A_299 : memref<80xi32, #tpu.memory_space<vmem>>) semaphore(%arg10 : memref<!tpu.dma_semaphore, #tpu.memory_space<semaphore_mem>>) {add = true}
      %dma_start3A_303 = arith.constant 1 : i32
      %dma_start3A_304 = arith.constant 1 : i32
      %dma_start3A_305 = arith.constant 1 : i32
      %dma_start3A_306 = arith.constant 1 : i32
      %dma_start3A_307 = arith.constant 1 : i32
      %dma_start3A_308 = arith.constant 0 : i32
      %dma_start3A_309 = arith.constant 0 : i32
      %dma_start3A_310 = tpu.memref_slice %arg7[%dma_start3A_303, %dma_start3A_304, %dma_start3A_308, %dma_start3A_309] : memref<2x2x80x128xf32, #tpu.memory_space<vmem>> -> memref<1x1x80x128xf32, #tpu.memory_space<vmem>>
      %dma_start3A_311 = tpu.memref_squeeze %dma_start3A_310 : memref<1x1x80x128xf32, #tpu.memory_space<vmem>> -> memref<80x128xf32, #tpu.memory_space<vmem>>
      %dma_start3A_312 = arith.constant 0 : i32
      %dma_start3A_313 = tpu.memref_slice %arg6[%dma_start3A_305, %dma_start3A_306, %dma_start3A_307, %dma_start3A_312] : memref<2x2x2x80xi32, #tpu.memory_space<vmem>> -> memref<1x1x1x80xi32, #tpu.memory_space<vmem>>
      %dma_start3A_314 = tpu.memref_squeeze %dma_start3A_313 : memref<1x1x1x80xi32, #tpu.memory_space<vmem>> -> memref<80xi32, #tpu.memory_space<vmem>>
      %dma_start3A_315 = arith.constant 0 : i32
      %dma_start3A_316 = arith.constant 0 : i32
      %dma_start3A_317 = tpu.memref_slice %arg8[%dma_start3A_315, %dma_start3A_316] : memref<10240x128xf32, #tpu.memory_space<vmem_shared>> -> memref<10240x128xf32, #tpu.memory_space<vmem_shared>>
      tpu.enqueue_indirect_dma source(%dma_start3A_311 : memref<80x128xf32, #tpu.memory_space<vmem>>) target(%dma_start3A_317 : memref<10240x128xf32, #tpu.memory_space<vmem_shared>>) offsets(%dma_start3A_314 : memref<80xi32, #tpu.memory_space<vmem>>) semaphore(%arg10 : memref<!tpu.dma_semaphore, #tpu.memory_space<semaphore_mem>>) {add = true}
    }
    %scan3A_41 = arith.constant 31 : i32
    %dma_wait3A = arith.constant 1 : i32
    %dma_wait3A_42 = arith.constant 0 : i32
    %dma_wait3A_43 = arith.constant 1 : i32
    %dma_wait3A_44 = arith.constant 0 : i32
    %dma_wait3A_45 = arith.constant 1 : i32
    %dma_wait3A_46 = arith.constant 0 : i32
    %dma_wait3A_47 = arith.constant 0 : i32
    %dma_wait3A_48 = tpu.memref_slice %arg7[%dma_wait3A, %dma_wait3A_42, %dma_wait3A_46, %dma_wait3A_47] : memref<2x2x80x128xf32, #tpu.memory_space<vmem>> -> memref<1x1x80x128xf32, #tpu.memory_space<vmem>>
    %dma_wait3A_49 = tpu.memref_squeeze %dma_wait3A_48 : memref<1x1x80x128xf32, #tpu.memory_space<vmem>> -> memref<80x128xf32, #tpu.memory_space<vmem>>
    %dma_wait3A_50 = arith.constant 0 : i32
    %dma_wait3A_51 = tpu.memref_slice %arg6[%dma_wait3A_43, %dma_wait3A_44, %dma_wait3A_45, %dma_wait3A_50] : memref<2x2x2x80xi32, #tpu.memory_space<vmem>> -> memref<1x1x1x80xi32, #tpu.memory_space<vmem>>
    %dma_wait3A_52 = tpu.memref_squeeze %dma_wait3A_51 : memref<1x1x1x80xi32, #tpu.memory_space<vmem>> -> memref<80xi32, #tpu.memory_space<vmem>>
    %dma_wait3A_53 = arith.constant 0 : i32
    %dma_wait3A_54 = arith.constant 0 : i32
    %dma_wait3A_55 = tpu.memref_slice %arg8[%dma_wait3A_53, %dma_wait3A_54] : memref<10240x128xf32, #tpu.memory_space<vmem_shared>> -> memref<10240x128xf32, #tpu.memory_space<vmem_shared>>
    tpu.wait_indirect_dma semaphore(%arg10 : memref<!tpu.dma_semaphore, #tpu.memory_space<semaphore_mem>>) src(%dma_wait3A_49 : memref<80x128xf32, #tpu.memory_space<vmem>>) dst(%dma_wait3A_55 : memref<10240x128xf32, #tpu.memory_space<vmem_shared>>)
    %dma_wait3A_56 = arith.constant 1 : i32
    %dma_wait3A_57 = arith.constant 1 : i32
    %dma_wait3A_58 = arith.constant 1 : i32
    %dma_wait3A_59 = arith.constant 1 : i32
    %dma_wait3A_60 = arith.constant 1 : i32
    %dma_wait3A_61 = arith.constant 0 : i32
    %dma_wait3A_62 = arith.constant 0 : i32
    %dma_wait3A_63 = tpu.memref_slice %arg7[%dma_wait3A_56, %dma_wait3A_57, %dma_wait3A_61, %dma_wait3A_62] : memref<2x2x80x128xf32, #tpu.memory_space<vmem>> -> memref<1x1x80x128xf32, #tpu.memory_space<vmem>>
    %dma_wait3A_64 = tpu.memref_squeeze %dma_wait3A_63 : memref<1x1x80x128xf32, #tpu.memory_space<vmem>> -> memref<80x128xf32, #tpu.memory_space<vmem>>
    %dma_wait3A_65 = arith.constant 0 : i32
    %dma_wait3A_66 = tpu.memref_slice %arg6[%dma_wait3A_58, %dma_wait3A_59, %dma_wait3A_60, %dma_wait3A_65] : memref<2x2x2x80xi32, #tpu.memory_space<vmem>> -> memref<1x1x1x80xi32, #tpu.memory_space<vmem>>
    %dma_wait3A_67 = tpu.memref_squeeze %dma_wait3A_66 : memref<1x1x1x80xi32, #tpu.memory_space<vmem>> -> memref<80xi32, #tpu.memory_space<vmem>>
    %dma_wait3A_68 = arith.constant 0 : i32
    %dma_wait3A_69 = arith.constant 0 : i32
    %dma_wait3A_70 = tpu.memref_slice %arg8[%dma_wait3A_68, %dma_wait3A_69] : memref<10240x128xf32, #tpu.memory_space<vmem_shared>> -> memref<10240x128xf32, #tpu.memory_space<vmem_shared>>
    tpu.wait_indirect_dma semaphore(%arg10 : memref<!tpu.dma_semaphore, #tpu.memory_space<semaphore_mem>>) src(%dma_wait3A_64 : memref<80x128xf32, #tpu.memory_space<vmem>>) dst(%dma_wait3A_70 : memref<10240x128xf32, #tpu.memory_space<vmem_shared>>)
    %add3A_71 = arith.constant 124 : i32
    %add3A_72 = arith.addi %mul3A_6, %add3A_71 : i32
    %run_scoped3A_73 = arith.constant 0 : i32
    "tpu.region"() ({
      %run_scoped3A_117 = tpu.sem_alloc : memref<!tpu.dma_semaphore, #tpu.memory_space<semaphore_mem>>
      %dma_start3A_118 = arith.constant 0 : i32
      %dma_start3A_119 = arith.constant 0 : i32
      %dma_start3A_120 = arith.constant 0 : i32
      %dma_start3A_121 = tpu.memref_slice %arg6[%run_scoped3A_73, %dma_start3A_118, %dma_start3A_119, %dma_start3A_120] : memref<2x2x2x80xi32, #tpu.memory_space<vmem>> -> memref<1x1x2x80xi32, #tpu.memory_space<vmem>>
      %dma_start3A_122 = tpu.memref_squeeze %dma_start3A_121 : memref<1x1x2x80xi32, #tpu.memory_space<vmem>> -> memref<1x2x80xi32, #tpu.memory_space<vmem>>
      %dma_start3A_123 = arith.constant 0 : i32
      %dma_start3A_124 = arith.constant 0 : i32
      %dma_start3A_125 = tpu.memref_slice %arg3[%add3A_72, %dma_start3A_123, %dma_start3A_124] : memref<4000x2x80xi32, #tpu.memory_space<hbm>> -> memref<1x2x80xi32, #tpu.memory_space<hbm>>
      %dma_start3A_126 = arith.constant 0 : i32
      %dma_start3A_127 = arith.constant 0 : i32
      %dma_start3A_128 = arith.constant 0 : i32
      %dma_start3A_129 = tpu.memref_slice %arg6[%run_scoped3A_73, %dma_start3A_126, %dma_start3A_127, %dma_start3A_128] : memref<2x2x2x80xi32, #tpu.memory_space<vmem>> -> memref<1x1x2x80xi32, #tpu.memory_space<vmem>>
      %dma_start3A_130 = tpu.memref_squeeze %dma_start3A_129 : memref<1x1x2x80xi32, #tpu.memory_space<vmem>> -> memref<1x2x80xi32, #tpu.memory_space<vmem>>
      %dma_start3A_131 = arith.constant 0 : i32
      %dma_start3A_132 = arith.constant 0 : i32
      %dma_start3A_133 = tpu.memref_slice %arg3[%add3A_72, %dma_start3A_131, %dma_start3A_132] : memref<4000x2x80xi32, #tpu.memory_space<hbm>> -> memref<1x2x80xi32, #tpu.memory_space<hbm>>
      tpu.enqueue_dma source(%dma_start3A_133 : memref<1x2x80xi32, #tpu.memory_space<hbm>>) target(%dma_start3A_130 : memref<1x2x80xi32, #tpu.memory_space<vmem>>) target_semaphore(%run_scoped3A_117 : memref<!tpu.dma_semaphore, #tpu.memory_space<semaphore_mem>>)
      %dma_wait3A_134 = arith.constant 0 : i32
      %dma_wait3A_135 = arith.constant 0 : i32
      %dma_wait3A_136 = arith.constant 0 : i32
      %dma_wait3A_137 = tpu.memref_slice %arg6[%run_scoped3A_73, %dma_wait3A_134, %dma_wait3A_135, %dma_wait3A_136] : memref<2x2x2x80xi32, #tpu.memory_space<vmem>> -> memref<1x1x2x80xi32, #tpu.memory_space<vmem>>
      %dma_wait3A_138 = tpu.memref_squeeze %dma_wait3A_137 : memref<1x1x2x80xi32, #tpu.memory_space<vmem>> -> memref<1x2x80xi32, #tpu.memory_space<vmem>>
      %dma_wait3A_139 = arith.constant 0 : i32
      %dma_wait3A_140 = arith.constant 0 : i32
      %dma_wait3A_141 = tpu.memref_slice %arg3[%add3A_72, %dma_wait3A_139, %dma_wait3A_140] : memref<4000x2x80xi32, #tpu.memory_space<hbm>> -> memref<1x2x80xi32, #tpu.memory_space<hbm>>
      %dma_wait3A_142 = arith.constant 0 : i32
      %dma_wait3A_143 = arith.constant 0 : i32
      %dma_wait3A_144 = arith.constant 0 : i32
      %dma_wait3A_145 = tpu.memref_slice %arg6[%run_scoped3A_73, %dma_wait3A_142, %dma_wait3A_143, %dma_wait3A_144] : memref<2x2x2x80xi32, #tpu.memory_space<vmem>> -> memref<1x1x2x80xi32, #tpu.memory_space<vmem>>
      %dma_wait3A_146 = tpu.memref_squeeze %dma_wait3A_145 : memref<1x1x2x80xi32, #tpu.memory_space<vmem>> -> memref<1x2x80xi32, #tpu.memory_space<vmem>>
      %dma_wait3A_147 = arith.constant 0 : i32
      %dma_wait3A_148 = arith.constant 0 : i32
      %dma_wait3A_149 = tpu.memref_slice %arg3[%add3A_72, %dma_wait3A_147, %dma_wait3A_148] : memref<4000x2x80xi32, #tpu.memory_space<hbm>> -> memref<1x2x80xi32, #tpu.memory_space<hbm>>
      tpu.wait_dma2 semaphore(%run_scoped3A_117 : memref<!tpu.dma_semaphore, #tpu.memory_space<semaphore_mem>>) src(%dma_wait3A_149 : memref<1x2x80xi32, #tpu.memory_space<hbm>>) dst(%dma_wait3A_146 : memref<1x2x80xi32, #tpu.memory_space<vmem>>)
      tpu.yield
    }) : () -> ()
    %dma_start3A_74 = arith.constant 0 : i32
    %dma_start3A_75 = arith.constant 0 : i32
    %dma_start3A_76 = arith.constant 0 : i32
    %dma_start3A_77 = arith.constant 0 : i32
    %dma_start3A_78 = arith.constant 0 : i32
    %dma_start3A_79 = arith.constant 0 : i32
    %dma_start3A_80 = arith.constant 0 : i32
    %dma_start3A_81 = tpu.memref_slice %arg7[%dma_start3A_77, %dma_start3A_78, %dma_start3A_79, %dma_start3A_80] : memref<2x2x80x128xf32, #tpu.memory_space<vmem>> -> memref<1x1x80x128xf32, #tpu.memory_space<vmem>>
    %dma_start3A_82 = tpu.memref_squeeze %dma_start3A_81 : memref<1x1x80x128xf32, #tpu.memory_space<vmem>> -> memref<80x128xf32, #tpu.memory_space<vmem>>
    %dma_start3A_83 = arith.constant 0 : i32
    %dma_start3A_84 = tpu.memref_slice %arg6[%dma_start3A_74, %dma_start3A_75, %dma_start3A_76, %dma_start3A_83] : memref<2x2x2x80xi32, #tpu.memory_space<vmem>> -> memref<1x1x1x80xi32, #tpu.memory_space<vmem>>
    %dma_start3A_85 = tpu.memref_squeeze %dma_start3A_84 : memref<1x1x1x80xi32, #tpu.memory_space<vmem>> -> memref<80xi32, #tpu.memory_space<vmem>>
    %dma_start3A_86 = arith.constant 0 : i32
    %dma_start3A_87 = arith.constant 0 : i32
    %dma_start3A_88 = tpu.memref_slice %arg2[%dma_start3A_86, %dma_start3A_87] : memref<10000x128xf32, #tpu.memory_space<hbm>> -> memref<10000x128xf32, #tpu.memory_space<hbm>>
    tpu.enqueue_indirect_dma source(%dma_start3A_88 : memref<10000x128xf32, #tpu.memory_space<hbm>>) target(%dma_start3A_82 : memref<80x128xf32, #tpu.memory_space<vmem>>) offsets(%dma_start3A_85 : memref<80xi32, #tpu.memory_space<vmem>>) semaphore(%arg9 : memref<!tpu.dma_semaphore, #tpu.memory_space<semaphore_mem>>)
    %dma_wait3A_89 = arith.constant 0 : i32
    %dma_wait3A_90 = arith.constant 0 : i32
    %dma_wait3A_91 = arith.constant 0 : i32
    %dma_wait3A_92 = arith.constant 0 : i32
    %dma_wait3A_93 = arith.constant 0 : i32
    %dma_wait3A_94 = arith.constant 0 : i32
    %dma_wait3A_95 = arith.constant 0 : i32
    %dma_wait3A_96 = tpu.memref_slice %arg7[%dma_wait3A_92, %dma_wait3A_93, %dma_wait3A_94, %dma_wait3A_95] : memref<2x2x80x128xf32, #tpu.memory_space<vmem>> -> memref<1x1x80x128xf32, #tpu.memory_space<vmem>>
    %dma_wait3A_97 = tpu.memref_squeeze %dma_wait3A_96 : memref<1x1x80x128xf32, #tpu.memory_space<vmem>> -> memref<80x128xf32, #tpu.memory_space<vmem>>
    %dma_wait3A_98 = arith.constant 0 : i32
    %dma_wait3A_99 = tpu.memref_slice %arg6[%dma_wait3A_89, %dma_wait3A_90, %dma_wait3A_91, %dma_wait3A_98] : memref<2x2x2x80xi32, #tpu.memory_space<vmem>> -> memref<1x1x1x80xi32, #tpu.memory_space<vmem>>
    %dma_wait3A_100 = tpu.memref_squeeze %dma_wait3A_99 : memref<1x1x1x80xi32, #tpu.memory_space<vmem>> -> memref<80xi32, #tpu.memory_space<vmem>>
    %dma_wait3A_101 = arith.constant 0 : i32
    %dma_wait3A_102 = arith.constant 0 : i32
    %dma_wait3A_103 = tpu.memref_slice %arg2[%dma_wait3A_101, %dma_wait3A_102] : memref<10000x128xf32, #tpu.memory_space<hbm>> -> memref<10000x128xf32, #tpu.memory_space<hbm>>
    tpu.wait_indirect_dma semaphore(%arg9 : memref<!tpu.dma_semaphore, #tpu.memory_space<semaphore_mem>>) src(%dma_wait3A_103 : memref<10000x128xf32, #tpu.memory_space<hbm>>) dst(%dma_wait3A_97 : memref<80x128xf32, #tpu.memory_space<vmem>>)
    %run_scoped3A_104 = arith.constant 0 : i32
    %run_scoped3A_105 = arith.constant 0 : i32
    %run_scoped3A_106 = arith.constant 0 : i32
    %run_scoped3A_107 = arith.constant 0 : i32
    %run_scoped3A_108 = arith.constant 1 : i32
    "tpu.region"() ({
      %run_scoped3A_117 = tpu.sem_alloc : memref<!tpu.dma_semaphore, #tpu.memory_space<semaphore_mem>>
      %dma_start3A_118 = arith.constant 0 : i32
      %dma_start3A_119 = arith.constant 0 : i32
      %dma_start3A_120 = tpu.memref_slice %arg7[%run_scoped3A_104, %run_scoped3A_105, %dma_start3A_118, %dma_start3A_119] : memref<2x2x80x128xf32, #tpu.memory_space<vmem>> -> memref<1x1x80x128xf32, #tpu.memory_space<vmem>>
      %dma_start3A_121 = tpu.memref_squeeze %dma_start3A_120 : memref<1x1x80x128xf32, #tpu.memory_space<vmem>> -> memref<80x128xf32, #tpu.memory_space<vmem>>
      %dma_start3A_122 = arith.constant 0 : i32
      %dma_start3A_123 = tpu.memref_slice %arg6[%run_scoped3A_106, %run_scoped3A_107, %run_scoped3A_108, %dma_start3A_122] : memref<2x2x2x80xi32, #tpu.memory_space<vmem>> -> memref<1x1x1x80xi32, #tpu.memory_space<vmem>>
      %dma_start3A_124 = tpu.memref_squeeze %dma_start3A_123 : memref<1x1x1x80xi32, #tpu.memory_space<vmem>> -> memref<80xi32, #tpu.memory_space<vmem>>
      %dma_start3A_125 = arith.constant 0 : i32
      %dma_start3A_126 = arith.constant 0 : i32
      %dma_start3A_127 = tpu.memref_slice %arg8[%dma_start3A_125, %dma_start3A_126] : memref<10240x128xf32, #tpu.memory_space<vmem_shared>> -> memref<10240x128xf32, #tpu.memory_space<vmem_shared>>
      tpu.enqueue_indirect_dma source(%dma_start3A_121 : memref<80x128xf32, #tpu.memory_space<vmem>>) target(%dma_start3A_127 : memref<10240x128xf32, #tpu.memory_space<vmem_shared>>) offsets(%dma_start3A_124 : memref<80xi32, #tpu.memory_space<vmem>>) semaphore(%run_scoped3A_117 : memref<!tpu.dma_semaphore, #tpu.memory_space<semaphore_mem>>) {add = true}
      %dma_wait3A_128 = arith.constant 0 : i32
      %dma_wait3A_129 = arith.constant 0 : i32
      %dma_wait3A_130 = tpu.memref_slice %arg7[%run_scoped3A_104, %run_scoped3A_105, %dma_wait3A_128, %dma_wait3A_129] : memref<2x2x80x128xf32, #tpu.memory_space<vmem>> -> memref<1x1x80x128xf32, #tpu.memory_space<vmem>>
      %dma_wait3A_131 = tpu.memref_squeeze %dma_wait3A_130 : memref<1x1x80x128xf32, #tpu.memory_space<vmem>> -> memref<80x128xf32, #tpu.memory_space<vmem>>
      %dma_wait3A_132 = arith.constant 0 : i32
      %dma_wait3A_133 = tpu.memref_slice %arg6[%run_scoped3A_106, %run_scoped3A_107, %run_scoped3A_108, %dma_wait3A_132] : memref<2x2x2x80xi32, #tpu.memory_space<vmem>> -> memref<1x1x1x80xi32, #tpu.memory_space<vmem>>
      %dma_wait3A_134 = tpu.memref_squeeze %dma_wait3A_133 : memref<1x1x1x80xi32, #tpu.memory_space<vmem>> -> memref<80xi32, #tpu.memory_space<vmem>>
      %dma_wait3A_135 = arith.constant 0 : i32
      %dma_wait3A_136 = arith.constant 0 : i32
      %dma_wait3A_137 = tpu.memref_slice %arg8[%dma_wait3A_135, %dma_wait3A_136] : memref<10240x128xf32, #tpu.memory_space<vmem_shared>> -> memref<10240x128xf32, #tpu.memory_space<vmem_shared>>
      tpu.wait_indirect_dma semaphore(%run_scoped3A_117 : memref<!tpu.dma_semaphore, #tpu.memory_space<semaphore_mem>>) src(%dma_wait3A_131 : memref<80x128xf32, #tpu.memory_space<vmem>>) dst(%dma_wait3A_137 : memref<10240x128xf32, #tpu.memory_space<vmem_shared>>)
      tpu.yield
    }) : () -> ()
    %barrier3A_109 = arith.constant 0 : index
    tpu.barrier barrier_id(%barrier3A_109)
    %mul3A_110 = arith.constant 640 : i32
    %mul3A_111 = arith.muli %arg1, %mul3A_110 : i32
    %mul3A_112 = arith.constant 10240 : i32
    %mul3A_113 = arith.muli %arg0, %mul3A_112 : i32
    %mul3A_114 = arith.constant 640 : i32
    %mul3A_115 = arith.muli %arg1, %mul3A_114 : i32
    %add3A_116 = arith.addi %mul3A_113, %mul3A_115 : i32
    "tpu.region"() ({
      %run_scoped3A_117 = tpu.sem_alloc : memref<!tpu.dma_semaphore, #tpu.memory_space<semaphore_mem>>
      %dma_start3A_118 = arith.constant 0 : i32
      %dma_start3A_119 = tpu.memref_slice %arg5[%add3A_116, %dma_start3A_118] : memref<20480x128xf32, #tpu.memory_space<hbm>> -> memref<640x128xf32, #tpu.memory_space<hbm>>
      %dma_start3A_120 = arith.constant 0 : i32
      %dma_start3A_121 = tpu.memref_slice %arg8[%mul3A_111, %dma_start3A_120] : memref<10240x128xf32, #tpu.memory_space<vmem_shared>> -> memref<640x128xf32, #tpu.memory_space<vmem_shared>>
      tpu.enqueue_dma source(%dma_start3A_121 : memref<640x128xf32, #tpu.memory_space<vmem_shared>>) target(%dma_start3A_119 : memref<640x128xf32, #tpu.memory_space<hbm>>) target_semaphore(%run_scoped3A_117 : memref<!tpu.dma_semaphore, #tpu.memory_space<semaphore_mem>>)
      %dma_wait3A_122 = arith.constant 0 : i32
      %dma_wait3A_123 = tpu.memref_slice %arg5[%add3A_116, %dma_wait3A_122] : memref<20480x128xf32, #tpu.memory_space<hbm>> -> memref<640x128xf32, #tpu.memory_space<hbm>>
      %dma_wait3A_124 = arith.constant 0 : i32
      %dma_wait3A_125 = tpu.memref_slice %arg8[%mul3A_111, %dma_wait3A_124] : memref<10240x128xf32, #tpu.memory_space<vmem_shared>> -> memref<640x128xf32, #tpu.memory_space<vmem_shared>>
      tpu.wait_dma2 semaphore(%run_scoped3A_117 : memref<!tpu.dma_semaphore, #tpu.memory_space<semaphore_mem>>) src(%dma_wait3A_125 : memref<640x128xf32, #tpu.memory_space<vmem_shared>>) dst(%dma_wait3A_123 : memref<640x128xf32, #tpu.memory_space<hbm>>)
      tpu.yield
    }) : () -> ()
    return
  }
}

#map = affine_map<(d0, d1) -> (0, 0)>
#map1 = affine_map<(d0, d1) -> (0, 0, 0)>
module attributes {stable_mosaic.version = 14 : i64} {
  func.func @k(%arg0: i32, %arg1: i32, %arg2: memref<10000x128xf32, #tpu.memory_space<hbm>>, %arg3: memref<4000x2x80xi32, #tpu.memory_space<hbm>>, %arg4: memref<10240x128xf32, #tpu.memory_space<hbm>>, %arg5: memref<20480x128xf32, #tpu.memory_space<hbm>>, %arg6: memref<2x2x2x80xi32, #tpu.memory_space<vmem>>, %arg7: memref<2x2x80x128xf32, #tpu.memory_space<vmem>>, %arg8: memref<10240x128xf32, #tpu.memory_space<vmem_shared>>, %arg9: memref<!tpu.dma_semaphore, #tpu.memory_space<semaphore_mem>>, %arg10: memref<!tpu.dma_semaphore, #tpu.memory_space<semaphore_mem>>) attributes {dimension_semantics = [#tpu.dimension_semantics<core_parallel>, #tpu.dimension_semantics<subcore_parallel>], iteration_bounds = array<i64: 2, 16>, scalar_prefetch = 0 : i64, scratch_operands = 5 : i64, tpu.core_type = #tpu.core_type<sc_vector_subcore>, window_params = [{transform_indices = #map}, {transform_indices = #map1}, {transform_indices = #map}, {transform_indices = #map}]} {
    %mul3A = arith.constant 640 : i32
    %mul3A_0 = arith.muli %arg1, %mul3A : i32
    %mul3A_1 = arith.constant 640 : i32
    %mul3A_2 = arith.muli %arg1, %mul3A_1 : i32
    "tpu.region"() ({
      %run_scoped3A_117 = tpu.sem_alloc : memref<!tpu.dma_semaphore, #tpu.memory_space<semaphore_mem>>
      %dma_start3A_118 = arith.constant 0 : i32
      %dma_start3A_119 = tpu.memref_slice %arg8[%mul3A_2, %dma_start3A_118] : memref<10240x128xf32, #tpu.memory_space<vmem_shared>> -> memref<640x128xf32, #tpu.memory_space<vmem_shared>>
      %dma_start3A_120 = arith.constant 0 : i32
      %dma_start3A_121 = tpu.memref_slice %arg4[%mul3A_0, %dma_start3A_120] : memref<10240x128xf32, #tpu.memory_space<hbm>> -> memref<640x128xf32, #tpu.memory_space<hbm>>
      tpu.enqueue_dma source(%dma_start3A_121 : memref<640x128xf32, #tpu.memory_space<hbm>>) target(%dma_start3A_119 : memref<640x128xf32, #tpu.memory_space<vmem_shared>>) target_semaphore(%run_scoped3A_117 : memref<!tpu.dma_semaphore, #tpu.memory_space<semaphore_mem>>)
      %dma_wait3A_122 = arith.constant 0 : i32
      %dma_wait3A_123 = tpu.memref_slice %arg8[%mul3A_2, %dma_wait3A_122] : memref<10240x128xf32, #tpu.memory_space<vmem_shared>> -> memref<640x128xf32, #tpu.memory_space<vmem_shared>>
      %dma_wait3A_124 = arith.constant 0 : i32
      %dma_wait3A_125 = tpu.memref_slice %arg4[%mul3A_0, %dma_wait3A_124] : memref<10240x128xf32, #tpu.memory_space<hbm>> -> memref<640x128xf32, #tpu.memory_space<hbm>>
      tpu.wait_dma2 semaphore(%run_scoped3A_117 : memref<!tpu.dma_semaphore, #tpu.memory_space<semaphore_mem>>) src(%dma_wait3A_125 : memref<640x128xf32, #tpu.memory_space<hbm>>) dst(%dma_wait3A_123 : memref<640x128xf32, #tpu.memory_space<vmem_shared>>)
      tpu.yield
    }) : () -> ()
    %mul3A_3 = arith.constant 16 : i32
    %mul3A_4 = arith.muli %arg0, %mul3A_3 : i32
    %add3A = arith.addi %mul3A_4, %arg1 : i32
    %mul3A_5 = arith.constant 125 : i32
    %mul3A_6 = arith.muli %add3A, %mul3A_5 : i32
    %barrier3A = arith.constant 0 : index
    tpu.barrier barrier_id(%barrier3A)
    %add3A_7 = arith.constant 0 : i32
    %add3A_8 = arith.addi %mul3A_6, %add3A_7 : i32
    %run_scoped3A = arith.constant 0 : i32
    "tpu.region"() ({
      %run_scoped3A_117 = tpu.sem_alloc : memref<!tpu.dma_semaphore, #tpu.memory_space<semaphore_mem>>
      %dma_start3A_118 = arith.constant 0 : i32
      %dma_start3A_119 = arith.constant 0 : i32
      %dma_start3A_120 = arith.constant 0 : i32
      %dma_start3A_121 = tpu.memref_slice %arg6[%run_scoped3A, %dma_start3A_118, %dma_start3A_119, %dma_start3A_120] : memref<2x2x2x80xi32, #tpu.memory_space<vmem>> -> memref<1x2x2x80xi32, #tpu.memory_space<vmem>>
      %dma_start3A_122 = tpu.memref_squeeze %dma_start3A_121 : memref<1x2x2x80xi32, #tpu.memory_space<vmem>> -> memref<2x2x80xi32, #tpu.memory_space<vmem>>
      %dma_start3A_123 = arith.constant 0 : i32
      %dma_start3A_124 = arith.constant 0 : i32
      %dma_start3A_125 = tpu.memref_slice %arg3[%add3A_8, %dma_start3A_123, %dma_start3A_124] : memref<4000x2x80xi32, #tpu.memory_space<hbm>> -> memref<2x2x80xi32, #tpu.memory_space<hbm>>
      %dma_start3A_126 = arith.constant 0 : i32
      %dma_start3A_127 = arith.constant 0 : i32
      %dma_start3A_128 = arith.constant 0 : i32
      %dma_start3A_129 = tpu.memref_slice %arg6[%run_scoped3A, %dma_start3A_126, %dma_start3A_127, %dma_start3A_128] : memref<2x2x2x80xi32, #tpu.memory_space<vmem>> -> memref<1x2x2x80xi32, #tpu.memory_space<vmem>>
      %dma_start3A_130 = tpu.memref_squeeze %dma_start3A_129 : memref<1x2x2x80xi32, #tpu.memory_space<vmem>> -> memref<2x2x80xi32, #tpu.memory_space<vmem>>
      %dma_start3A_131 = arith.constant 0 : i32
      %dma_start3A_132 = arith.constant 0 : i32
      %dma_start3A_133 = tpu.memref_slice %arg3[%add3A_8, %dma_start3A_131, %dma_start3A_132] : memref<4000x2x80xi32, #tpu.memory_space<hbm>> -> memref<2x2x80xi32, #tpu.memory_space<hbm>>
      tpu.enqueue_dma source(%dma_start3A_133 : memref<2x2x80xi32, #tpu.memory_space<hbm>>) target(%dma_start3A_130 : memref<2x2x80xi32, #tpu.memory_space<vmem>>) target_semaphore(%run_scoped3A_117 : memref<!tpu.dma_semaphore, #tpu.memory_space<semaphore_mem>>)
      %dma_wait3A_134 = arith.constant 0 : i32
      %dma_wait3A_135 = arith.constant 0 : i32
      %dma_wait3A_136 = arith.constant 0 : i32
      %dma_wait3A_137 = tpu.memref_slice %arg6[%run_scoped3A, %dma_wait3A_134, %dma_wait3A_135, %dma_wait3A_136] : memref<2x2x2x80xi32, #tpu.memory_space<vmem>> -> memref<1x2x2x80xi32, #tpu.memory_space<vmem>>
      %dma_wait3A_138 = tpu.memref_squeeze %dma_wait3A_137 : memref<1x2x2x80xi32, #tpu.memory_space<vmem>> -> memref<2x2x80xi32, #tpu.memory_space<vmem>>
      %dma_wait3A_139 = arith.constant 0 : i32
      %dma_wait3A_140 = arith.constant 0 : i32
      %dma_wait3A_141 = tpu.memref_slice %arg3[%add3A_8, %dma_wait3A_139, %dma_wait3A_140] : memref<4000x2x80xi32, #tpu.memory_space<hbm>> -> memref<2x2x80xi32, #tpu.memory_space<hbm>>
      %dma_wait3A_142 = arith.constant 0 : i32
      %dma_wait3A_143 = arith.constant 0 : i32
      %dma_wait3A_144 = arith.constant 0 : i32
      %dma_wait3A_145 = tpu.memref_slice %arg6[%run_scoped3A, %dma_wait3A_142, %dma_wait3A_143, %dma_wait3A_144] : memref<2x2x2x80xi32, #tpu.memory_space<vmem>> -> memref<1x2x2x80xi32, #tpu.memory_space<vmem>>
      %dma_wait3A_146 = tpu.memref_squeeze %dma_wait3A_145 : memref<1x2x2x80xi32, #tpu.memory_space<vmem>> -> memref<2x2x80xi32, #tpu.memory_space<vmem>>
      %dma_wait3A_147 = arith.constant 0 : i32
      %dma_wait3A_148 = arith.constant 0 : i32
      %dma_wait3A_149 = tpu.memref_slice %arg3[%add3A_8, %dma_wait3A_147, %dma_wait3A_148] : memref<4000x2x80xi32, #tpu.memory_space<hbm>> -> memref<2x2x80xi32, #tpu.memory_space<hbm>>
      tpu.wait_dma2 semaphore(%run_scoped3A_117 : memref<!tpu.dma_semaphore, #tpu.memory_space<semaphore_mem>>) src(%dma_wait3A_149 : memref<2x2x80xi32, #tpu.memory_space<hbm>>) dst(%dma_wait3A_146 : memref<2x2x80xi32, #tpu.memory_space<vmem>>)
      tpu.yield
    }) : () -> ()
    %dma_start3A = arith.constant 0 : i32
    %dma_start3A_9 = arith.constant 0 : i32
    %dma_start3A_10 = arith.constant 0 : i32
    %dma_start3A_11 = arith.constant 0 : i32
    %dma_start3A_12 = arith.constant 0 : i32
    %dma_start3A_13 = arith.constant 0 : i32
    %dma_start3A_14 = arith.constant 0 : i32
    %dma_start3A_15 = tpu.memref_slice %arg7[%dma_start3A_11, %dma_start3A_12, %dma_start3A_13, %dma_start3A_14] : memref<2x2x80x128xf32, #tpu.memory_space<vmem>> -> memref<1x1x80x128xf32, #tpu.memory_space<vmem>>
    %dma_start3A_16 = tpu.memref_squeeze %dma_start3A_15 : memref<1x1x80x128xf32, #tpu.memory_space<vmem>> -> memref<80x128xf32, #tpu.memory_space<vmem>>
    %dma_start3A_17 = arith.constant 0 : i32
    %dma_start3A_18 = tpu.memref_slice %arg6[%dma_start3A, %dma_start3A_9, %dma_start3A_10, %dma_start3A_17] : memref<2x2x2x80xi32, #tpu.memory_space<vmem>> -> memref<1x1x1x80xi32, #tpu.memory_space<vmem>>
    %dma_start3A_19 = tpu.memref_squeeze %dma_start3A_18 : memref<1x1x1x80xi32, #tpu.memory_space<vmem>> -> memref<80xi32, #tpu.memory_space<vmem>>
    %dma_start3A_20 = arith.constant 0 : i32
    %dma_start3A_21 = arith.constant 0 : i32
    %dma_start3A_22 = tpu.memref_slice %arg2[%dma_start3A_20, %dma_start3A_21] : memref<10000x128xf32, #tpu.memory_space<hbm>> -> memref<10000x128xf32, #tpu.memory_space<hbm>>
    tpu.enqueue_indirect_dma source(%dma_start3A_22 : memref<10000x128xf32, #tpu.memory_space<hbm>>) target(%dma_start3A_16 : memref<80x128xf32, #tpu.memory_space<vmem>>) offsets(%dma_start3A_19 : memref<80xi32, #tpu.memory_space<vmem>>) semaphore(%arg9 : memref<!tpu.dma_semaphore, #tpu.memory_space<semaphore_mem>>)
    %dma_start3A_23 = arith.constant 0 : i32
    %dma_start3A_24 = arith.constant 1 : i32
    %dma_start3A_25 = arith.constant 0 : i32
    %dma_start3A_26 = arith.constant 0 : i32
    %dma_start3A_27 = arith.constant 1 : i32
    %dma_start3A_28 = arith.constant 0 : i32
    %dma_start3A_29 = arith.constant 0 : i32
    %dma_start3A_30 = tpu.memref_slice %arg7[%dma_start3A_26, %dma_start3A_27, %dma_start3A_28, %dma_start3A_29] : memref<2x2x80x128xf32, #tpu.memory_space<vmem>> -> memref<1x1x80x128xf32, #tpu.memory_space<vmem>>
    %dma_start3A_31 = tpu.memref_squeeze %dma_start3A_30 : memref<1x1x80x128xf32, #tpu.memory_space<vmem>> -> memref<80x128xf32, #tpu.memory_space<vmem>>
    %dma_start3A_32 = arith.constant 0 : i32
    %dma_start3A_33 = tpu.memref_slice %arg6[%dma_start3A_23, %dma_start3A_24, %dma_start3A_25, %dma_start3A_32] : memref<2x2x2x80xi32, #tpu.memory_space<vmem>> -> memref<1x1x1x80xi32, #tpu.memory_space<vmem>>
    %dma_start3A_34 = tpu.memref_squeeze %dma_start3A_33 : memref<1x1x1x80xi32, #tpu.memory_space<vmem>> -> memref<80xi32, #tpu.memory_space<vmem>>
    %dma_start3A_35 = arith.constant 0 : i32
    %dma_start3A_36 = arith.constant 0 : i32
    %dma_start3A_37 = tpu.memref_slice %arg2[%dma_start3A_35, %dma_start3A_36] : memref<10000x128xf32, #tpu.memory_space<hbm>> -> memref<10000x128xf32, #tpu.memory_space<hbm>>
    tpu.enqueue_indirect_dma source(%dma_start3A_37 : memref<10000x128xf32, #tpu.memory_space<hbm>>) target(%dma_start3A_31 : memref<80x128xf32, #tpu.memory_space<vmem>>) offsets(%dma_start3A_34 : memref<80xi32, #tpu.memory_space<vmem>>) semaphore(%arg9 : memref<!tpu.dma_semaphore, #tpu.memory_space<semaphore_mem>>)
    %scan3A = arith.constant 0 : i32
    %scan3A_38 = arith.constant 31 : i32
    %scan3A_39 = arith.addi %scan3A, %scan3A_38 : i32
    %scan3A_40 = arith.constant 1 : i32
    scf.for %scan3A_117 = %scan3A to %scan3A_39 step %scan3A_40  : i32 {
      %mul3A_118 = arith.constant 1 : i32
      %mul3A_119 = arith.muli %scan3A_117, %mul3A_118 : i32
      %add3A_120 = arith.constant 0 : i32
      %add3A_121 = arith.addi %add3A_120, %mul3A_119 : i32
      %dma_wait3A_122 = arith.constant 0 : i32
      %dma_wait3A_123 = arith.constant 0 : i32
      %dma_wait3A_124 = arith.constant 0 : i32
      %dma_wait3A_125 = arith.constant 0 : i32
      %dma_wait3A_126 = arith.constant 0 : i32
      %dma_wait3A_127 = arith.constant 0 : i32
      %dma_wait3A_128 = arith.constant 0 : i32
      %dma_wait3A_129 = tpu.memref_slice %arg7[%dma_wait3A_125, %dma_wait3A_126, %dma_wait3A_127, %dma_wait3A_128] : memref<2x2x80x128xf32, #tpu.memory_space<vmem>> -> memref<1x1x80x128xf32, #tpu.memory_space<vmem>>
      %dma_wait3A_130 = tpu.memref_squeeze %dma_wait3A_129 : memref<1x1x80x128xf32, #tpu.memory_space<vmem>> -> memref<80x128xf32, #tpu.memory_space<vmem>>
      %dma_wait3A_131 = arith.constant 0 : i32
      %dma_wait3A_132 = tpu.memref_slice %arg6[%dma_wait3A_122, %dma_wait3A_123, %dma_wait3A_124, %dma_wait3A_131] : memref<2x2x2x80xi32, #tpu.memory_space<vmem>> -> memref<1x1x1x80xi32, #tpu.memory_space<vmem>>
      %dma_wait3A_133 = tpu.memref_squeeze %dma_wait3A_132 : memref<1x1x1x80xi32, #tpu.memory_space<vmem>> -> memref<80xi32, #tpu.memory_space<vmem>>
      %dma_wait3A_134 = arith.constant 0 : i32
      %dma_wait3A_135 = arith.constant 0 : i32
      %dma_wait3A_136 = tpu.memref_slice %arg2[%dma_wait3A_134, %dma_wait3A_135] : memref<10000x128xf32, #tpu.memory_space<hbm>> -> memref<10000x128xf32, #tpu.memory_space<hbm>>
      tpu.wait_indirect_dma semaphore(%arg9 : memref<!tpu.dma_semaphore, #tpu.memory_space<semaphore_mem>>) src(%dma_wait3A_136 : memref<10000x128xf32, #tpu.memory_space<hbm>>) dst(%dma_wait3A_130 : memref<80x128xf32, #tpu.memory_space<vmem>>)
      %dma_wait3A_137 = arith.constant 0 : i32
      %dma_wait3A_138 = arith.constant 1 : i32
      %dma_wait3A_139 = arith.constant 0 : i32
      %dma_wait3A_140 = arith.constant 0 : i32
      %dma_wait3A_141 = arith.constant 1 : i32
      %dma_wait3A_142 = arith.constant 0 : i32
      %dma_wait3A_143 = arith.constant 0 : i32
      %dma_wait3A_144 = tpu.memref_slice %arg7[%dma_wait3A_140, %dma_wait3A_141, %dma_wait3A_142, %dma_wait3A_143] : memref<2x2x80x128xf32, #tpu.memory_space<vmem>> -> memref<1x1x80x128xf32, #tpu.memory_space<vmem>>
      %dma_wait3A_145 = tpu.memref_squeeze %dma_wait3A_144 : memref<1x1x80x128xf32, #tpu.memory_space<vmem>> -> memref<80x128xf32, #tpu.memory_space<vmem>>
      %dma_wait3A_146 = arith.constant 0 : i32
      %dma_wait3A_147 = tpu.memref_slice %arg6[%dma_wait3A_137, %dma_wait3A_138, %dma_wait3A_139, %dma_wait3A_146] : memref<2x2x2x80xi32, #tpu.memory_space<vmem>> -> memref<1x1x1x80xi32, #tpu.memory_space<vmem>>
      %dma_wait3A_148 = tpu.memref_squeeze %dma_wait3A_147 : memref<1x1x1x80xi32, #tpu.memory_space<vmem>> -> memref<80xi32, #tpu.memory_space<vmem>>
      %dma_wait3A_149 = arith.constant 0 : i32
      %dma_wait3A_150 = arith.constant 0 : i32
      %dma_wait3A_151 = tpu.memref_slice %arg2[%dma_wait3A_149, %dma_wait3A_150] : memref<10000x128xf32, #tpu.memory_space<hbm>> -> memref<10000x128xf32, #tpu.memory_space<hbm>>
      tpu.wait_indirect_dma semaphore(%arg9 : memref<!tpu.dma_semaphore, #tpu.memory_space<semaphore_mem>>) src(%dma_wait3A_151 : memref<10000x128xf32, #tpu.memory_space<hbm>>) dst(%dma_wait3A_145 : memref<80x128xf32, #tpu.memory_space<vmem>>)
      %dma_start3A_152 = arith.constant 0 : i32
      %dma_start3A_153 = arith.constant 0 : i32
      %dma_start3A_154 = arith.constant 0 : i32
      %dma_start3A_155 = arith.constant 0 : i32
      %dma_start3A_156 = arith.constant 1 : i32
      %dma_start3A_157 = arith.constant 0 : i32
      %dma_start3A_158 = arith.constant 0 : i32
      %dma_start3A_159 = tpu.memref_slice %arg7[%dma_start3A_152, %dma_start3A_153, %dma_start3A_157, %dma_start3A_158] : memref<2x2x80x128xf32, #tpu.memory_space<vmem>> -> memref<1x1x80x128xf32, #tpu.memory_space<vmem>>
      %dma_start3A_160 = tpu.memref_squeeze %dma_start3A_159 : memref<1x1x80x128xf32, #tpu.memory_space<vmem>> -> memref<80x128xf32, #tpu.memory_space<vmem>>
      %dma_start3A_161 = arith.constant 0 : i32
      %dma_start3A_162 = tpu.memref_slice %arg6[%dma_start3A_154, %dma_start3A_155, %dma_start3A_156, %dma_start3A_161] : memref<2x2x2x80xi32, #tpu.memory_space<vmem>> -> memref<1x1x1x80xi32, #tpu.memory_space<vmem>>
      %dma_start3A_163 = tpu.memref_squeeze %dma_start3A_162 : memref<1x1x1x80xi32, #tpu.memory_space<vmem>> -> memref<80xi32, #tpu.memory_space<vmem>>
      %dma_start3A_164 = arith.constant 0 : i32
      %dma_start3A_165 = arith.constant 0 : i32
      %dma_start3A_166 = tpu.memref_slice %arg8[%dma_start3A_164, %dma_start3A_165] : memref<10240x128xf32, #tpu.memory_space<vmem_shared>> -> memref<10240x128xf32, #tpu.memory_space<vmem_shared>>
      tpu.enqueue_indirect_dma source(%dma_start3A_160 : memref<80x128xf32, #tpu.memory_space<vmem>>) target(%dma_start3A_166 : memref<10240x128xf32, #tpu.memory_space<vmem_shared>>) offsets(%dma_start3A_163 : memref<80xi32, #tpu.memory_space<vmem>>) semaphore(%arg10 : memref<!tpu.dma_semaphore, #tpu.memory_space<semaphore_mem>>) {add = true}
      %dma_start3A_167 = arith.constant 0 : i32
      %dma_start3A_168 = arith.constant 1 : i32
      %dma_start3A_169 = arith.constant 0 : i32
      %dma_start3A_170 = arith.constant 1 : i32
      %dma_start3A_171 = arith.constant 1 : i32
      %dma_start3A_172 = arith.constant 0 : i32
      %dma_start3A_173 = arith.constant 0 : i32
      %dma_start3A_174 = tpu.memref_slice %arg7[%dma_start3A_167, %dma_start3A_168, %dma_start3A_172, %dma_start3A_173] : memref<2x2x80x128xf32, #tpu.memory_space<vmem>> -> memref<1x1x80x128xf32, #tpu.memory_space<vmem>>
      %dma_start3A_175 = tpu.memref_squeeze %dma_start3A_174 : memref<1x1x80x128xf32, #tpu.memory_space<vmem>> -> memref<80x128xf32, #tpu.memory_space<vmem>>
      %dma_start3A_176 = arith.constant 0 : i32
      %dma_start3A_177 = tpu.memref_slice %arg6[%dma_start3A_169, %dma_start3A_170, %dma_start3A_171, %dma_start3A_176] : memref<2x2x2x80xi32, #tpu.memory_space<vmem>> -> memref<1x1x1x80xi32, #tpu.memory_space<vmem>>
      %dma_start3A_178 = tpu.memref_squeeze %dma_start3A_177 : memref<1x1x1x80xi32, #tpu.memory_space<vmem>> -> memref<80xi32, #tpu.memory_space<vmem>>
      %dma_start3A_179 = arith.constant 0 : i32
      %dma_start3A_180 = arith.constant 0 : i32
      %dma_start3A_181 = tpu.memref_slice %arg8[%dma_start3A_179, %dma_start3A_180] : memref<10240x128xf32, #tpu.memory_space<vmem_shared>> -> memref<10240x128xf32, #tpu.memory_space<vmem_shared>>
      tpu.enqueue_indirect_dma source(%dma_start3A_175 : memref<80x128xf32, #tpu.memory_space<vmem>>) target(%dma_start3A_181 : memref<10240x128xf32, #tpu.memory_space<vmem_shared>>) offsets(%dma_start3A_178 : memref<80xi32, #tpu.memory_space<vmem>>) semaphore(%arg10 : memref<!tpu.dma_semaphore, #tpu.memory_space<semaphore_mem>>) {add = true}
      %gt3A = arith.constant 0 : i32
      %gt3A_182 = arith.cmpi sgt, %add3A_121, %gt3A : i32
      %convert_element_type3A = arith.extui %gt3A_182 : i1 to i32
      %cond3A = arith.constant 0 : i32
      %cond3A_183 = arith.cmpi ne, %convert_element_type3A, %cond3A : i32
      scf.if %cond3A_183 {
        %dma_wait3A_318 = arith.constant 1 : i32
        %dma_wait3A_319 = arith.constant 0 : i32
        %dma_wait3A_320 = arith.constant 1 : i32
        %dma_wait3A_321 = arith.constant 0 : i32
        %dma_wait3A_322 = arith.constant 1 : i32
        %dma_wait3A_323 = arith.constant 0 : i32
        %dma_wait3A_324 = arith.constant 0 : i32
        %dma_wait3A_325 = tpu.memref_slice %arg7[%dma_wait3A_318, %dma_wait3A_319, %dma_wait3A_323, %dma_wait3A_324] : memref<2x2x80x128xf32, #tpu.memory_space<vmem>> -> memref<1x1x80x128xf32, #tpu.memory_space<vmem>>
        %dma_wait3A_326 = tpu.memref_squeeze %dma_wait3A_325 : memref<1x1x80x128xf32, #tpu.memory_space<vmem>> -> memref<80x128xf32, #tpu.memory_space<vmem>>
        %dma_wait3A_327 = arith.constant 0 : i32
        %dma_wait3A_328 = tpu.memref_slice %arg6[%dma_wait3A_320, %dma_wait3A_321, %dma_wait3A_322, %dma_wait3A_327] : memref<2x2x2x80xi32, #tpu.memory_space<vmem>> -> memref<1x1x1x80xi32, #tpu.memory_space<vmem>>
        %dma_wait3A_329 = tpu.memref_squeeze %dma_wait3A_328 : memref<1x1x1x80xi32, #tpu.memory_space<vmem>> -> memref<80xi32, #tpu.memory_space<vmem>>
        %dma_wait3A_330 = arith.constant 0 : i32
        %dma_wait3A_331 = arith.constant 0 : i32
        %dma_wait3A_332 = tpu.memref_slice %arg8[%dma_wait3A_330, %dma_wait3A_331] : memref<10240x128xf32, #tpu.memory_space<vmem_shared>> -> memref<10240x128xf32, #tpu.memory_space<vmem_shared>>
        tpu.wait_indirect_dma semaphore(%arg10 : memref<!tpu.dma_semaphore, #tpu.memory_space<semaphore_mem>>) src(%dma_wait3A_326 : memref<80x128xf32, #tpu.memory_space<vmem>>) dst(%dma_wait3A_332 : memref<10240x128xf32, #tpu.memory_space<vmem_shared>>)
        %dma_wait3A_333 = arith.constant 1 : i32
        %dma_wait3A_334 = arith.constant 1 : i32
        %dma_wait3A_335 = arith.constant 1 : i32
        %dma_wait3A_336 = arith.constant 1 : i32
        %dma_wait3A_337 = arith.constant 1 : i32
        %dma_wait3A_338 = arith.constant 0 : i32
        %dma_wait3A_339 = arith.constant 0 : i32
        %dma_wait3A_340 = tpu.memref_slice %arg7[%dma_wait3A_333, %dma_wait3A_334, %dma_wait3A_338, %dma_wait3A_339] : memref<2x2x80x128xf32, #tpu.memory_space<vmem>> -> memref<1x1x80x128xf32, #tpu.memory_space<vmem>>
        %dma_wait3A_341 = tpu.memref_squeeze %dma_wait3A_340 : memref<1x1x80x128xf32, #tpu.memory_space<vmem>> -> memref<80x128xf32, #tpu.memory_space<vmem>>
        %dma_wait3A_342 = arith.constant 0 : i32
        %dma_wait3A_343 = tpu.memref_slice %arg6[%dma_wait3A_335, %dma_wait3A_336, %dma_wait3A_337, %dma_wait3A_342] : memref<2x2x2x80xi32, #tpu.memory_space<vmem>> -> memref<1x1x1x80xi32, #tpu.memory_space<vmem>>
        %dma_wait3A_344 = tpu.memref_squeeze %dma_wait3A_343 : memref<1x1x1x80xi32, #tpu.memory_space<vmem>> -> memref<80xi32, #tpu.memory_space<vmem>>
        %dma_wait3A_345 = arith.constant 0 : i32
        %dma_wait3A_346 = arith.constant 0 : i32
        %dma_wait3A_347 = tpu.memref_slice %arg8[%dma_wait3A_345, %dma_wait3A_346] : memref<10240x128xf32, #tpu.memory_space<vmem_shared>> -> memref<10240x128xf32, #tpu.memory_space<vmem_shared>>
        tpu.wait_indirect_dma semaphore(%arg10 : memref<!tpu.dma_semaphore, #tpu.memory_space<semaphore_mem>>) src(%dma_wait3A_341 : memref<80x128xf32, #tpu.memory_space<vmem>>) dst(%dma_wait3A_347 : memref<10240x128xf32, #tpu.memory_space<vmem_shared>>)
      } else {
      }
      %mul3A_184 = arith.constant 2 : i32
      %mul3A_185 = arith.muli %mul3A_184, %add3A_121 : i32
      %add3A_186 = arith.constant 1 : i32
      %add3A_187 = arith.addi %mul3A_185, %add3A_186 : i32
      %mul3A_188 = arith.constant 2 : i32
      %mul3A_189 = arith.muli %add3A_187, %mul3A_188 : i32
      %add3A_190 = arith.addi %mul3A_6, %mul3A_189 : i32
      %run_scoped3A_191 = arith.constant 1 : i32
      "tpu.region"() ({
        %run_scoped3A_318 = tpu.sem_alloc : memref<!tpu.dma_semaphore, #tpu.memory_space<semaphore_mem>>
        %dma_start3A_319 = arith.constant 0 : i32
        %dma_start3A_320 = arith.constant 0 : i32
        %dma_start3A_321 = arith.constant 0 : i32
        %dma_start3A_322 = tpu.memref_slice %arg6[%run_scoped3A_191, %dma_start3A_319, %dma_start3A_320, %dma_start3A_321] : memref<2x2x2x80xi32, #tpu.memory_space<vmem>> -> memref<1x2x2x80xi32, #tpu.memory_space<vmem>>
        %dma_start3A_323 = tpu.memref_squeeze %dma_start3A_322 : memref<1x2x2x80xi32, #tpu.memory_space<vmem>> -> memref<2x2x80xi32, #tpu.memory_space<vmem>>
        %dma_start3A_324 = arith.constant 0 : i32
        %dma_start3A_325 = arith.constant 0 : i32
        %dma_start3A_326 = tpu.memref_slice %arg3[%add3A_190, %dma_start3A_324, %dma_start3A_325] : memref<4000x2x80xi32, #tpu.memory_space<hbm>> -> memref<2x2x80xi32, #tpu.memory_space<hbm>>
        %dma_start3A_327 = arith.constant 0 : i32
        %dma_start3A_328 = arith.constant 0 : i32
        %dma_start3A_329 = arith.constant 0 : i32
        %dma_start3A_330 = tpu.memref_slice %arg6[%run_scoped3A_191, %dma_start3A_327, %dma_start3A_328, %dma_start3A_329] : memref<2x2x2x80xi32, #tpu.memory_space<vmem>> -> memref<1x2x2x80xi32, #tpu.memory_space<vmem>>
        %dma_start3A_331 = tpu.memref_squeeze %dma_start3A_330 : memref<1x2x2x80xi32, #tpu.memory_space<vmem>> -> memref<2x2x80xi32, #tpu.memory_space<vmem>>
        %dma_start3A_332 = arith.constant 0 : i32
        %dma_start3A_333 = arith.constant 0 : i32
        %dma_start3A_334 = tpu.memref_slice %arg3[%add3A_190, %dma_start3A_332, %dma_start3A_333] : memref<4000x2x80xi32, #tpu.memory_space<hbm>> -> memref<2x2x80xi32, #tpu.memory_space<hbm>>
        tpu.enqueue_dma source(%dma_start3A_334 : memref<2x2x80xi32, #tpu.memory_space<hbm>>) target(%dma_start3A_331 : memref<2x2x80xi32, #tpu.memory_space<vmem>>) target_semaphore(%run_scoped3A_318 : memref<!tpu.dma_semaphore, #tpu.memory_space<semaphore_mem>>)
        %dma_wait3A_335 = arith.constant 0 : i32
        %dma_wait3A_336 = arith.constant 0 : i32
        %dma_wait3A_337 = arith.constant 0 : i32
        %dma_wait3A_338 = tpu.memref_slice %arg6[%run_scoped3A_191, %dma_wait3A_335, %dma_wait3A_336, %dma_wait3A_337] : memref<2x2x2x80xi32, #tpu.memory_space<vmem>> -> memref<1x2x2x80xi32, #tpu.memory_space<vmem>>
        %dma_wait3A_339 = tpu.memref_squeeze %dma_wait3A_338 : memref<1x2x2x80xi32, #tpu.memory_space<vmem>> -> memref<2x2x80xi32, #tpu.memory_space<vmem>>
        %dma_wait3A_340 = arith.constant 0 : i32
        %dma_wait3A_341 = arith.constant 0 : i32
        %dma_wait3A_342 = tpu.memref_slice %arg3[%add3A_190, %dma_wait3A_340, %dma_wait3A_341] : memref<4000x2x80xi32, #tpu.memory_space<hbm>> -> memref<2x2x80xi32, #tpu.memory_space<hbm>>
        %dma_wait3A_343 = arith.constant 0 : i32
        %dma_wait3A_344 = arith.constant 0 : i32
        %dma_wait3A_345 = arith.constant 0 : i32
        %dma_wait3A_346 = tpu.memref_slice %arg6[%run_scoped3A_191, %dma_wait3A_343, %dma_wait3A_344, %dma_wait3A_345] : memref<2x2x2x80xi32, #tpu.memory_space<vmem>> -> memref<1x2x2x80xi32, #tpu.memory_space<vmem>>
        %dma_wait3A_347 = tpu.memref_squeeze %dma_wait3A_346 : memref<1x2x2x80xi32, #tpu.memory_space<vmem>> -> memref<2x2x80xi32, #tpu.memory_space<vmem>>
        %dma_wait3A_348 = arith.constant 0 : i32
        %dma_wait3A_349 = arith.constant 0 : i32
        %dma_wait3A_350 = tpu.memref_slice %arg3[%add3A_190, %dma_wait3A_348, %dma_wait3A_349] : memref<4000x2x80xi32, #tpu.memory_space<hbm>> -> memref<2x2x80xi32, #tpu.memory_space<hbm>>
        tpu.wait_dma2 semaphore(%run_scoped3A_318 : memref<!tpu.dma_semaphore, #tpu.memory_space<semaphore_mem>>) src(%dma_wait3A_350 : memref<2x2x80xi32, #tpu.memory_space<hbm>>) dst(%dma_wait3A_347 : memref<2x2x80xi32, #tpu.memory_space<vmem>>)
        tpu.yield
      }) : () -> ()
      %dma_start3A_192 = arith.constant 1 : i32
      %dma_start3A_193 = arith.constant 0 : i32
      %dma_start3A_194 = arith.constant 0 : i32
      %dma_start3A_195 = arith.constant 1 : i32
      %dma_start3A_196 = arith.constant 0 : i32
      %dma_start3A_197 = arith.constant 0 : i32
      %dma_start3A_198 = arith.constant 0 : i32
      %dma_start3A_199 = tpu.memref_slice %arg7[%dma_start3A_195, %dma_start3A_196, %dma_start3A_197, %dma_start3A_198] : memref<2x2x80x128xf32, #tpu.memory_space<vmem>> -> memref<1x1x80x128xf32, #tpu.memory_space<vmem>>
      %dma_start3A_200 = tpu.memref_squeeze %dma_start3A_199 : memref<1x1x80x128xf32, #tpu.memory_space<vmem>> -> memref<80x128xf32, #tpu.memory_space<vmem>>
      %dma_start3A_201 = arith.constant 0 : i32
      %dma_start3A_202 = tpu.memref_slice %arg6[%dma_start3A_192, %dma_start3A_193, %dma_start3A_194, %dma_start3A_201] : memref<2x2x2x80xi32, #tpu.memory_space<vmem>> -> memref<1x1x1x80xi32, #tpu.memory_space<vmem>>
      %dma_start3A_203 = tpu.memref_squeeze %dma_start3A_202 : memref<1x1x1x80xi32, #tpu.memory_space<vmem>> -> memref<80xi32, #tpu.memory_space<vmem>>
      %dma_start3A_204 = arith.constant 0 : i32
      %dma_start3A_205 = arith.constant 0 : i32
      %dma_start3A_206 = tpu.memref_slice %arg2[%dma_start3A_204, %dma_start3A_205] : memref<10000x128xf32, #tpu.memory_space<hbm>> -> memref<10000x128xf32, #tpu.memory_space<hbm>>
      tpu.enqueue_indirect_dma source(%dma_start3A_206 : memref<10000x128xf32, #tpu.memory_space<hbm>>) target(%dma_start3A_200 : memref<80x128xf32, #tpu.memory_space<vmem>>) offsets(%dma_start3A_203 : memref<80xi32, #tpu.memory_space<vmem>>) semaphore(%arg9 : memref<!tpu.dma_semaphore, #tpu.memory_space<semaphore_mem>>)
      %dma_start3A_207 = arith.constant 1 : i32
      %dma_start3A_208 = arith.constant 1 : i32
      %dma_start3A_209 = arith.constant 0 : i32
      %dma_start3A_210 = arith.constant 1 : i32
      %dma_start3A_211 = arith.constant 1 : i32
      %dma_start3A_212 = arith.constant 0 : i32
      %dma_start3A_213 = arith.constant 0 : i32
      %dma_start3A_214 = tpu.memref_slice %arg7[%dma_start3A_210, %dma_start3A_211, %dma_start3A_212, %dma_start3A_213] : memref<2x2x80x128xf32, #tpu.memory_space<vmem>> -> memref<1x1x80x128xf32, #tpu.memory_space<vmem>>
      %dma_start3A_215 = tpu.memref_squeeze %dma_start3A_214 : memref<1x1x80x128xf32, #tpu.memory_space<vmem>> -> memref<80x128xf32, #tpu.memory_space<vmem>>
      %dma_start3A_216 = arith.constant 0 : i32
      %dma_start3A_217 = tpu.memref_slice %arg6[%dma_start3A_207, %dma_start3A_208, %dma_start3A_209, %dma_start3A_216] : memref<2x2x2x80xi32, #tpu.memory_space<vmem>> -> memref<1x1x1x80xi32, #tpu.memory_space<vmem>>
      %dma_start3A_218 = tpu.memref_squeeze %dma_start3A_217 : memref<1x1x1x80xi32, #tpu.memory_space<vmem>> -> memref<80xi32, #tpu.memory_space<vmem>>
      %dma_start3A_219 = arith.constant 0 : i32
      %dma_start3A_220 = arith.constant 0 : i32
      %dma_start3A_221 = tpu.memref_slice %arg2[%dma_start3A_219, %dma_start3A_220] : memref<10000x128xf32, #tpu.memory_space<hbm>> -> memref<10000x128xf32, #tpu.memory_space<hbm>>
      tpu.enqueue_indirect_dma source(%dma_start3A_221 : memref<10000x128xf32, #tpu.memory_space<hbm>>) target(%dma_start3A_215 : memref<80x128xf32, #tpu.memory_space<vmem>>) offsets(%dma_start3A_218 : memref<80xi32, #tpu.memory_space<vmem>>) semaphore(%arg9 : memref<!tpu.dma_semaphore, #tpu.memory_space<semaphore_mem>>)
      %dma_wait3A_222 = arith.constant 0 : i32
      %dma_wait3A_223 = arith.constant 0 : i32
      %dma_wait3A_224 = arith.constant 0 : i32
      %dma_wait3A_225 = arith.constant 0 : i32
      %dma_wait3A_226 = arith.constant 1 : i32
      %dma_wait3A_227 = arith.constant 0 : i32
      %dma_wait3A_228 = arith.constant 0 : i32
      %dma_wait3A_229 = tpu.memref_slice %arg7[%dma_wait3A_222, %dma_wait3A_223, %dma_wait3A_227, %dma_wait3A_228] : memref<2x2x80x128xf32, #tpu.memory_space<vmem>> -> memref<1x1x80x128xf32, #tpu.memory_space<vmem>>
      %dma_wait3A_230 = tpu.memref_squeeze %dma_wait3A_229 : memref<1x1x80x128xf32, #tpu.memory_space<vmem>> -> memref<80x128xf32, #tpu.memory_space<vmem>>
      %dma_wait3A_231 = arith.constant 0 : i32
      %dma_wait3A_232 = tpu.memref_slice %arg6[%dma_wait3A_224, %dma_wait3A_225, %dma_wait3A_226, %dma_wait3A_231] : memref<2x2x2x80xi32, #tpu.memory_space<vmem>> -> memref<1x1x1x80xi32, #tpu.memory_space<vmem>>
      %dma_wait3A_233 = tpu.memref_squeeze %dma_wait3A_232 : memref<1x1x1x80xi32, #tpu.memory_space<vmem>> -> memref<80xi32, #tpu.memory_space<vmem>>
      %dma_wait3A_234 = arith.constant 0 : i32
      %dma_wait3A_235 = arith.constant 0 : i32
      %dma_wait3A_236 = tpu.memref_slice %arg8[%dma_wait3A_234, %dma_wait3A_235] : memref<10240x128xf32, #tpu.memory_space<vmem_shared>> -> memref<10240x128xf32, #tpu.memory_space<vmem_shared>>
      tpu.wait_indirect_dma semaphore(%arg10 : memref<!tpu.dma_semaphore, #tpu.memory_space<semaphore_mem>>) src(%dma_wait3A_230 : memref<80x128xf32, #tpu.memory_space<vmem>>) dst(%dma_wait3A_236 : memref<10240x128xf32, #tpu.memory_space<vmem_shared>>)
      %dma_wait3A_237 = arith.constant 0 : i32
      %dma_wait3A_238 = arith.constant 1 : i32
      %dma_wait3A_239 = arith.constant 0 : i32
      %dma_wait3A_240 = arith.constant 1 : i32
      %dma_wait3A_241 = arith.constant 1 : i32
      %dma_wait3A_242 = arith.constant 0 : i32
      %dma_wait3A_243 = arith.constant 0 : i32
      %dma_wait3A_244 = tpu.memref_slice %arg7[%dma_wait3A_237, %dma_wait3A_238, %dma_wait3A_242, %dma_wait3A_243] : memref<2x2x80x128xf32, #tpu.memory_space<vmem>> -> memref<1x1x80x128xf32, #tpu.memory_space<vmem>>
      %dma_wait3A_245 = tpu.memref_squeeze %dma_wait3A_244 : memref<1x1x80x128xf32, #tpu.memory_space<vmem>> -> memref<80x128xf32, #tpu.memory_space<vmem>>
      %dma_wait3A_246 = arith.constant 0 : i32
      %dma_wait3A_247 = tpu.memref_slice %arg6[%dma_wait3A_239, %dma_wait3A_240, %dma_wait3A_241, %dma_wait3A_246] : memref<2x2x2x80xi32, #tpu.memory_space<vmem>> -> memref<1x1x1x80xi32, #tpu.memory_space<vmem>>
      %dma_wait3A_248 = tpu.memref_squeeze %dma_wait3A_247 : memref<1x1x1x80xi32, #tpu.memory_space<vmem>> -> memref<80xi32, #tpu.memory_space<vmem>>
      %dma_wait3A_249 = arith.constant 0 : i32
      %dma_wait3A_250 = arith.constant 0 : i32
      %dma_wait3A_251 = tpu.memref_slice %arg8[%dma_wait3A_249, %dma_wait3A_250] : memref<10240x128xf32, #tpu.memory_space<vmem_shared>> -> memref<10240x128xf32, #tpu.memory_space<vmem_shared>>
      tpu.wait_indirect_dma semaphore(%arg10 : memref<!tpu.dma_semaphore, #tpu.memory_space<semaphore_mem>>) src(%dma_wait3A_245 : memref<80x128xf32, #tpu.memory_space<vmem>>) dst(%dma_wait3A_251 : memref<10240x128xf32, #tpu.memory_space<vmem_shared>>)
      %add3A_252 = arith.constant 1 : i32
      %add3A_253 = arith.addi %add3A_121, %add3A_252 : i32
      %lt3A = arith.constant 31 : i32
      %lt3A_254 = arith.cmpi slt, %add3A_253, %lt3A : i32
      %convert_element_type3A_255 = arith.extui %lt3A_254 : i1 to i32
      %cond3A_256 = arith.constant 0 : i32
      %cond3A_257 = arith.cmpi ne, %convert_element_type3A_255, %cond3A_256 : i32
      scf.if %cond3A_257 {
        %mul3A_318 = arith.constant 2 : i32
        %mul3A_319 = arith.muli %mul3A_318, %add3A_121 : i32
        %add3A_320 = arith.constant 2 : i32
        %add3A_321 = arith.addi %mul3A_319, %add3A_320 : i32
        %mul3A_322 = arith.constant 2 : i32
        %mul3A_323 = arith.muli %add3A_321, %mul3A_322 : i32
        %add3A_324 = arith.addi %mul3A_6, %mul3A_323 : i32
        %run_scoped3A_325 = arith.constant 0 : i32
        "tpu.region"() ({
          %run_scoped3A_356 = tpu.sem_alloc : memref<!tpu.dma_semaphore, #tpu.memory_space<semaphore_mem>>
          %dma_start3A_357 = arith.constant 0 : i32
          %dma_start3A_358 = arith.constant 0 : i32
          %dma_start3A_359 = arith.constant 0 : i32
          %dma_start3A_360 = tpu.memref_slice %arg6[%run_scoped3A_325, %dma_start3A_357, %dma_start3A_358, %dma_start3A_359] : memref<2x2x2x80xi32, #tpu.memory_space<vmem>> -> memref<1x2x2x80xi32, #tpu.memory_space<vmem>>
          %dma_start3A_361 = tpu.memref_squeeze %dma_start3A_360 : memref<1x2x2x80xi32, #tpu.memory_space<vmem>> -> memref<2x2x80xi32, #tpu.memory_space<vmem>>
          %dma_start3A_362 = arith.constant 0 : i32
          %dma_start3A_363 = arith.constant 0 : i32
          %dma_start3A_364 = tpu.memref_slice %arg3[%add3A_324, %dma_start3A_362, %dma_start3A_363] : memref<4000x2x80xi32, #tpu.memory_space<hbm>> -> memref<2x2x80xi32, #tpu.memory_space<hbm>>
          %dma_start3A_365 = arith.constant 0 : i32
          %dma_start3A_366 = arith.constant 0 : i32
          %dma_start3A_367 = arith.constant 0 : i32
          %dma_start3A_368 = tpu.memref_slice %arg6[%run_scoped3A_325, %dma_start3A_365, %dma_start3A_366, %dma_start3A_367] : memref<2x2x2x80xi32, #tpu.memory_space<vmem>> -> memref<1x2x2x80xi32, #tpu.memory_space<vmem>>
          %dma_start3A_369 = tpu.memref_squeeze %dma_start3A_368 : memref<1x2x2x80xi32, #tpu.memory_space<vmem>> -> memref<2x2x80xi32, #tpu.memory_space<vmem>>
          %dma_start3A_370 = arith.constant 0 : i32
          %dma_start3A_371 = arith.constant 0 : i32
          %dma_start3A_372 = tpu.memref_slice %arg3[%add3A_324, %dma_start3A_370, %dma_start3A_371] : memref<4000x2x80xi32, #tpu.memory_space<hbm>> -> memref<2x2x80xi32, #tpu.memory_space<hbm>>
          tpu.enqueue_dma source(%dma_start3A_372 : memref<2x2x80xi32, #tpu.memory_space<hbm>>) target(%dma_start3A_369 : memref<2x2x80xi32, #tpu.memory_space<vmem>>) target_semaphore(%run_scoped3A_356 : memref<!tpu.dma_semaphore, #tpu.memory_space<semaphore_mem>>)
          %dma_wait3A_373 = arith.constant 0 : i32
          %dma_wait3A_374 = arith.constant 0 : i32
          %dma_wait3A_375 = arith.constant 0 : i32
          %dma_wait3A_376 = tpu.memref_slice %arg6[%run_scoped3A_325, %dma_wait3A_373, %dma_wait3A_374, %dma_wait3A_375] : memref<2x2x2x80xi32, #tpu.memory_space<vmem>> -> memref<1x2x2x80xi32, #tpu.memory_space<vmem>>
          %dma_wait3A_377 = tpu.memref_squeeze %dma_wait3A_376 : memref<1x2x2x80xi32, #tpu.memory_space<vmem>> -> memref<2x2x80xi32, #tpu.memory_space<vmem>>
          %dma_wait3A_378 = arith.constant 0 : i32
          %dma_wait3A_379 = arith.constant 0 : i32
          %dma_wait3A_380 = tpu.memref_slice %arg3[%add3A_324, %dma_wait3A_378, %dma_wait3A_379] : memref<4000x2x80xi32, #tpu.memory_space<hbm>> -> memref<2x2x80xi32, #tpu.memory_space<hbm>>
          %dma_wait3A_381 = arith.constant 0 : i32
          %dma_wait3A_382 = arith.constant 0 : i32
          %dma_wait3A_383 = arith.constant 0 : i32
          %dma_wait3A_384 = tpu.memref_slice %arg6[%run_scoped3A_325, %dma_wait3A_381, %dma_wait3A_382, %dma_wait3A_383] : memref<2x2x2x80xi32, #tpu.memory_space<vmem>> -> memref<1x2x2x80xi32, #tpu.memory_space<vmem>>
          %dma_wait3A_385 = tpu.memref_squeeze %dma_wait3A_384 : memref<1x2x2x80xi32, #tpu.memory_space<vmem>> -> memref<2x2x80xi32, #tpu.memory_space<vmem>>
          %dma_wait3A_386 = arith.constant 0 : i32
          %dma_wait3A_387 = arith.constant 0 : i32
          %dma_wait3A_388 = tpu.memref_slice %arg3[%add3A_324, %dma_wait3A_386, %dma_wait3A_387] : memref<4000x2x80xi32, #tpu.memory_space<hbm>> -> memref<2x2x80xi32, #tpu.memory_space<hbm>>
          tpu.wait_dma2 semaphore(%run_scoped3A_356 : memref<!tpu.dma_semaphore, #tpu.memory_space<semaphore_mem>>) src(%dma_wait3A_388 : memref<2x2x80xi32, #tpu.memory_space<hbm>>) dst(%dma_wait3A_385 : memref<2x2x80xi32, #tpu.memory_space<vmem>>)
          tpu.yield
        }) : () -> ()
        %dma_start3A_326 = arith.constant 0 : i32
        %dma_start3A_327 = arith.constant 0 : i32
        %dma_start3A_328 = arith.constant 0 : i32
        %dma_start3A_329 = arith.constant 0 : i32
        %dma_start3A_330 = arith.constant 0 : i32
        %dma_start3A_331 = arith.constant 0 : i32
        %dma_start3A_332 = arith.constant 0 : i32
        %dma_start3A_333 = tpu.memref_slice %arg7[%dma_start3A_329, %dma_start3A_330, %dma_start3A_331, %dma_start3A_332] : memref<2x2x80x128xf32, #tpu.memory_space<vmem>> -> memref<1x1x80x128xf32, #tpu.memory_space<vmem>>
        %dma_start3A_334 = tpu.memref_squeeze %dma_start3A_333 : memref<1x1x80x128xf32, #tpu.memory_space<vmem>> -> memref<80x128xf32, #tpu.memory_space<vmem>>
        %dma_start3A_335 = arith.constant 0 : i32
        %dma_start3A_336 = tpu.memref_slice %arg6[%dma_start3A_326, %dma_start3A_327, %dma_start3A_328, %dma_start3A_335] : memref<2x2x2x80xi32, #tpu.memory_space<vmem>> -> memref<1x1x1x80xi32, #tpu.memory_space<vmem>>
        %dma_start3A_337 = tpu.memref_squeeze %dma_start3A_336 : memref<1x1x1x80xi32, #tpu.memory_space<vmem>> -> memref<80xi32, #tpu.memory_space<vmem>>
        %dma_start3A_338 = arith.constant 0 : i32
        %dma_start3A_339 = arith.constant 0 : i32
        %dma_start3A_340 = tpu.memref_slice %arg2[%dma_start3A_338, %dma_start3A_339] : memref<10000x128xf32, #tpu.memory_space<hbm>> -> memref<10000x128xf32, #tpu.memory_space<hbm>>
        tpu.enqueue_indirect_dma source(%dma_start3A_340 : memref<10000x128xf32, #tpu.memory_space<hbm>>) target(%dma_start3A_334 : memref<80x128xf32, #tpu.memory_space<vmem>>) offsets(%dma_start3A_337 : memref<80xi32, #tpu.memory_space<vmem>>) semaphore(%arg9 : memref<!tpu.dma_semaphore, #tpu.memory_space<semaphore_mem>>)
        %dma_start3A_341 = arith.constant 0 : i32
        %dma_start3A_342 = arith.constant 1 : i32
        %dma_start3A_343 = arith.constant 0 : i32
        %dma_start3A_344 = arith.constant 0 : i32
        %dma_start3A_345 = arith.constant 1 : i32
        %dma_start3A_346 = arith.constant 0 : i32
        %dma_start3A_347 = arith.constant 0 : i32
        %dma_start3A_348 = tpu.memref_slice %arg7[%dma_start3A_344, %dma_start3A_345, %dma_start3A_346, %dma_start3A_347] : memref<2x2x80x128xf32, #tpu.memory_space<vmem>> -> memref<1x1x80x128xf32, #tpu.memory_space<vmem>>
        %dma_start3A_349 = tpu.memref_squeeze %dma_start3A_348 : memref<1x1x80x128xf32, #tpu.memory_space<vmem>> -> memref<80x128xf32, #tpu.memory_space<vmem>>
        %dma_start3A_350 = arith.constant 0 : i32
        %dma_start3A_351 = tpu.memref_slice %arg6[%dma_start3A_341, %dma_start3A_342, %dma_start3A_343, %dma_start3A_350] : memref<2x2x2x80xi32, #tpu.memory_space<vmem>> -> memref<1x1x1x80xi32, #tpu.memory_space<vmem>>
        %dma_start3A_352 = tpu.memref_squeeze %dma_start3A_351 : memref<1x1x1x80xi32, #tpu.memory_space<vmem>> -> memref<80xi32, #tpu.memory_space<vmem>>
        %dma_start3A_353 = arith.constant 0 : i32
        %dma_start3A_354 = arith.constant 0 : i32
        %dma_start3A_355 = tpu.memref_slice %arg2[%dma_start3A_353, %dma_start3A_354] : memref<10000x128xf32, #tpu.memory_space<hbm>> -> memref<10000x128xf32, #tpu.memory_space<hbm>>
        tpu.enqueue_indirect_dma source(%dma_start3A_355 : memref<10000x128xf32, #tpu.memory_space<hbm>>) target(%dma_start3A_349 : memref<80x128xf32, #tpu.memory_space<vmem>>) offsets(%dma_start3A_352 : memref<80xi32, #tpu.memory_space<vmem>>) semaphore(%arg9 : memref<!tpu.dma_semaphore, #tpu.memory_space<semaphore_mem>>)
      } else {
      }
      %dma_wait3A_258 = arith.constant 1 : i32
      %dma_wait3A_259 = arith.constant 0 : i32
      %dma_wait3A_260 = arith.constant 0 : i32
      %dma_wait3A_261 = arith.constant 1 : i32
      %dma_wait3A_262 = arith.constant 0 : i32
      %dma_wait3A_263 = arith.constant 0 : i32
      %dma_wait3A_264 = arith.constant 0 : i32
      %dma_wait3A_265 = tpu.memref_slice %arg7[%dma_wait3A_261, %dma_wait3A_262, %dma_wait3A_263, %dma_wait3A_264] : memref<2x2x80x128xf32, #tpu.memory_space<vmem>> -> memref<1x1x80x128xf32, #tpu.memory_space<vmem>>
      %dma_wait3A_266 = tpu.memref_squeeze %dma_wait3A_265 : memref<1x1x80x128xf32, #tpu.memory_space<vmem>> -> memref<80x128xf32, #tpu.memory_space<vmem>>
      %dma_wait3A_267 = arith.constant 0 : i32
      %dma_wait3A_268 = tpu.memref_slice %arg6[%dma_wait3A_258, %dma_wait3A_259, %dma_wait3A_260, %dma_wait3A_267] : memref<2x2x2x80xi32, #tpu.memory_space<vmem>> -> memref<1x1x1x80xi32, #tpu.memory_space<vmem>>
      %dma_wait3A_269 = tpu.memref_squeeze %dma_wait3A_268 : memref<1x1x1x80xi32, #tpu.memory_space<vmem>> -> memref<80xi32, #tpu.memory_space<vmem>>
      %dma_wait3A_270 = arith.constant 0 : i32
      %dma_wait3A_271 = arith.constant 0 : i32
      %dma_wait3A_272 = tpu.memref_slice %arg2[%dma_wait3A_270, %dma_wait3A_271] : memref<10000x128xf32, #tpu.memory_space<hbm>> -> memref<10000x128xf32, #tpu.memory_space<hbm>>
      tpu.wait_indirect_dma semaphore(%arg9 : memref<!tpu.dma_semaphore, #tpu.memory_space<semaphore_mem>>) src(%dma_wait3A_272 : memref<10000x128xf32, #tpu.memory_space<hbm>>) dst(%dma_wait3A_266 : memref<80x128xf32, #tpu.memory_space<vmem>>)
      %dma_wait3A_273 = arith.constant 1 : i32
      %dma_wait3A_274 = arith.constant 1 : i32
      %dma_wait3A_275 = arith.constant 0 : i32
      %dma_wait3A_276 = arith.constant 1 : i32
      %dma_wait3A_277 = arith.constant 1 : i32
      %dma_wait3A_278 = arith.constant 0 : i32
      %dma_wait3A_279 = arith.constant 0 : i32
      %dma_wait3A_280 = tpu.memref_slice %arg7[%dma_wait3A_276, %dma_wait3A_277, %dma_wait3A_278, %dma_wait3A_279] : memref<2x2x80x128xf32, #tpu.memory_space<vmem>> -> memref<1x1x80x128xf32, #tpu.memory_space<vmem>>
      %dma_wait3A_281 = tpu.memref_squeeze %dma_wait3A_280 : memref<1x1x80x128xf32, #tpu.memory_space<vmem>> -> memref<80x128xf32, #tpu.memory_space<vmem>>
      %dma_wait3A_282 = arith.constant 0 : i32
      %dma_wait3A_283 = tpu.memref_slice %arg6[%dma_wait3A_273, %dma_wait3A_274, %dma_wait3A_275, %dma_wait3A_282] : memref<2x2x2x80xi32, #tpu.memory_space<vmem>> -> memref<1x1x1x80xi32, #tpu.memory_space<vmem>>
      %dma_wait3A_284 = tpu.memref_squeeze %dma_wait3A_283 : memref<1x1x1x80xi32, #tpu.memory_space<vmem>> -> memref<80xi32, #tpu.memory_space<vmem>>
      %dma_wait3A_285 = arith.constant 0 : i32
      %dma_wait3A_286 = arith.constant 0 : i32
      %dma_wait3A_287 = tpu.memref_slice %arg2[%dma_wait3A_285, %dma_wait3A_286] : memref<10000x128xf32, #tpu.memory_space<hbm>> -> memref<10000x128xf32, #tpu.memory_space<hbm>>
      tpu.wait_indirect_dma semaphore(%arg9 : memref<!tpu.dma_semaphore, #tpu.memory_space<semaphore_mem>>) src(%dma_wait3A_287 : memref<10000x128xf32, #tpu.memory_space<hbm>>) dst(%dma_wait3A_281 : memref<80x128xf32, #tpu.memory_space<vmem>>)
      %dma_start3A_288 = arith.constant 1 : i32
      %dma_start3A_289 = arith.constant 0 : i32
      %dma_start3A_290 = arith.constant 1 : i32
      %dma_start3A_291 = arith.constant 0 : i32
      %dma_start3A_292 = arith.constant 1 : i32
      %dma_start3A_293 = arith.constant 0 : i32
      %dma_start3A_294 = arith.constant 0 : i32
      %dma_start3A_295 = tpu.memref_slice %arg7[%dma_start3A_288, %dma_start3A_289, %dma_start3A_293, %dma_start3A_294] : memref<2x2x80x128xf32, #tpu.memory_space<vmem>> -> memref<1x1x80x128xf32, #tpu.memory_space<vmem>>
      %dma_start3A_296 = tpu.memref_squeeze %dma_start3A_295 : memref<1x1x80x128xf32, #tpu.memory_space<vmem>> -> memref<80x128xf32, #tpu.memory_space<vmem>>
      %dma_start3A_297 = arith.constant 0 : i32
      %dma_start3A_298 = tpu.memref_slice %arg6[%dma_start3A_290, %dma_start3A_291, %dma_start3A_292, %dma_start3A_297] : memref<2x2x2x80xi32, #tpu.memory_space<vmem>> -> memref<1x1x1x80xi32, #tpu.memory_space<vmem>>
      %dma_start3A_299 = tpu.memref_squeeze %dma_start3A_298 : memref<1x1x1x80xi32, #tpu.memory_space<vmem>> -> memref<80xi32, #tpu.memory_space<vmem>>
      %dma_start3A_300 = arith.constant 0 : i32
      %dma_start3A_301 = arith.constant 0 : i32
      %dma_start3A_302 = tpu.memref_slice %arg8[%dma_start3A_300, %dma_start3A_301] : memref<10240x128xf32, #tpu.memory_space<vmem_shared>> -> memref<10240x128xf32, #tpu.memory_space<vmem_shared>>
      tpu.enqueue_indirect_dma source(%dma_start3A_296 : memref<80x128xf32, #tpu.memory_space<vmem>>) target(%dma_start3A_302 : memref<10240x128xf32, #tpu.memory_space<vmem_shared>>) offsets(%dma_start3A_299 : memref<80xi32, #tpu.memory_space<vmem>>) semaphore(%arg10 : memref<!tpu.dma_semaphore, #tpu.memory_space<semaphore_mem>>) {add = true}
      %dma_start3A_303 = arith.constant 1 : i32
      %dma_start3A_304 = arith.constant 1 : i32
      %dma_start3A_305 = arith.constant 1 : i32
      %dma_start3A_306 = arith.constant 1 : i32
      %dma_start3A_307 = arith.constant 1 : i32
      %dma_start3A_308 = arith.constant 0 : i32
      %dma_start3A_309 = arith.constant 0 : i32
      %dma_start3A_310 = tpu.memref_slice %arg7[%dma_start3A_303, %dma_start3A_304, %dma_start3A_308, %dma_start3A_309] : memref<2x2x80x128xf32, #tpu.memory_space<vmem>> -> memref<1x1x80x128xf32, #tpu.memory_space<vmem>>
      %dma_start3A_311 = tpu.memref_squeeze %dma_start3A_310 : memref<1x1x80x128xf32, #tpu.memory_space<vmem>> -> memref<80x128xf32, #tpu.memory_space<vmem>>
      %dma_start3A_312 = arith.constant 0 : i32
      %dma_start3A_313 = tpu.memref_slice %arg6[%dma_start3A_305, %dma_start3A_306, %dma_start3A_307, %dma_start3A_312] : memref<2x2x2x80xi32, #tpu.memory_space<vmem>> -> memref<1x1x1x80xi32, #tpu.memory_space<vmem>>
      %dma_start3A_314 = tpu.memref_squeeze %dma_start3A_313 : memref<1x1x1x80xi32, #tpu.memory_space<vmem>> -> memref<80xi32, #tpu.memory_space<vmem>>
      %dma_start3A_315 = arith.constant 0 : i32
      %dma_start3A_316 = arith.constant 0 : i32
      %dma_start3A_317 = tpu.memref_slice %arg8[%dma_start3A_315, %dma_start3A_316] : memref<10240x128xf32, #tpu.memory_space<vmem_shared>> -> memref<10240x128xf32, #tpu.memory_space<vmem_shared>>
      tpu.enqueue_indirect_dma source(%dma_start3A_311 : memref<80x128xf32, #tpu.memory_space<vmem>>) target(%dma_start3A_317 : memref<10240x128xf32, #tpu.memory_space<vmem_shared>>) offsets(%dma_start3A_314 : memref<80xi32, #tpu.memory_space<vmem>>) semaphore(%arg10 : memref<!tpu.dma_semaphore, #tpu.memory_space<semaphore_mem>>) {add = true}
    }
    %scan3A_41 = arith.constant 31 : i32
    %dma_wait3A = arith.constant 1 : i32
    %dma_wait3A_42 = arith.constant 0 : i32
    %dma_wait3A_43 = arith.constant 1 : i32
    %dma_wait3A_44 = arith.constant 0 : i32
    %dma_wait3A_45 = arith.constant 1 : i32
    %dma_wait3A_46 = arith.constant 0 : i32
    %dma_wait3A_47 = arith.constant 0 : i32
    %dma_wait3A_48 = tpu.memref_slice %arg7[%dma_wait3A, %dma_wait3A_42, %dma_wait3A_46, %dma_wait3A_47] : memref<2x2x80x128xf32, #tpu.memory_space<vmem>> -> memref<1x1x80x128xf32, #tpu.memory_space<vmem>>
    %dma_wait3A_49 = tpu.memref_squeeze %dma_wait3A_48 : memref<1x1x80x128xf32, #tpu.memory_space<vmem>> -> memref<80x128xf32, #tpu.memory_space<vmem>>
    %dma_wait3A_50 = arith.constant 0 : i32
    %dma_wait3A_51 = tpu.memref_slice %arg6[%dma_wait3A_43, %dma_wait3A_44, %dma_wait3A_45, %dma_wait3A_50] : memref<2x2x2x80xi32, #tpu.memory_space<vmem>> -> memref<1x1x1x80xi32, #tpu.memory_space<vmem>>
    %dma_wait3A_52 = tpu.memref_squeeze %dma_wait3A_51 : memref<1x1x1x80xi32, #tpu.memory_space<vmem>> -> memref<80xi32, #tpu.memory_space<vmem>>
    %dma_wait3A_53 = arith.constant 0 : i32
    %dma_wait3A_54 = arith.constant 0 : i32
    %dma_wait3A_55 = tpu.memref_slice %arg8[%dma_wait3A_53, %dma_wait3A_54] : memref<10240x128xf32, #tpu.memory_space<vmem_shared>> -> memref<10240x128xf32, #tpu.memory_space<vmem_shared>>
    tpu.wait_indirect_dma semaphore(%arg10 : memref<!tpu.dma_semaphore, #tpu.memory_space<semaphore_mem>>) src(%dma_wait3A_49 : memref<80x128xf32, #tpu.memory_space<vmem>>) dst(%dma_wait3A_55 : memref<10240x128xf32, #tpu.memory_space<vmem_shared>>)
    %dma_wait3A_56 = arith.constant 1 : i32
    %dma_wait3A_57 = arith.constant 1 : i32
    %dma_wait3A_58 = arith.constant 1 : i32
    %dma_wait3A_59 = arith.constant 1 : i32
    %dma_wait3A_60 = arith.constant 1 : i32
    %dma_wait3A_61 = arith.constant 0 : i32
    %dma_wait3A_62 = arith.constant 0 : i32
    %dma_wait3A_63 = tpu.memref_slice %arg7[%dma_wait3A_56, %dma_wait3A_57, %dma_wait3A_61, %dma_wait3A_62] : memref<2x2x80x128xf32, #tpu.memory_space<vmem>> -> memref<1x1x80x128xf32, #tpu.memory_space<vmem>>
    %dma_wait3A_64 = tpu.memref_squeeze %dma_wait3A_63 : memref<1x1x80x128xf32, #tpu.memory_space<vmem>> -> memref<80x128xf32, #tpu.memory_space<vmem>>
    %dma_wait3A_65 = arith.constant 0 : i32
    %dma_wait3A_66 = tpu.memref_slice %arg6[%dma_wait3A_58, %dma_wait3A_59, %dma_wait3A_60, %dma_wait3A_65] : memref<2x2x2x80xi32, #tpu.memory_space<vmem>> -> memref<1x1x1x80xi32, #tpu.memory_space<vmem>>
    %dma_wait3A_67 = tpu.memref_squeeze %dma_wait3A_66 : memref<1x1x1x80xi32, #tpu.memory_space<vmem>> -> memref<80xi32, #tpu.memory_space<vmem>>
    %dma_wait3A_68 = arith.constant 0 : i32
    %dma_wait3A_69 = arith.constant 0 : i32
    %dma_wait3A_70 = tpu.memref_slice %arg8[%dma_wait3A_68, %dma_wait3A_69] : memref<10240x128xf32, #tpu.memory_space<vmem_shared>> -> memref<10240x128xf32, #tpu.memory_space<vmem_shared>>
    tpu.wait_indirect_dma semaphore(%arg10 : memref<!tpu.dma_semaphore, #tpu.memory_space<semaphore_mem>>) src(%dma_wait3A_64 : memref<80x128xf32, #tpu.memory_space<vmem>>) dst(%dma_wait3A_70 : memref<10240x128xf32, #tpu.memory_space<vmem_shared>>)
    %add3A_71 = arith.constant 124 : i32
    %add3A_72 = arith.addi %mul3A_6, %add3A_71 : i32
    %run_scoped3A_73 = arith.constant 0 : i32
    "tpu.region"() ({
      %run_scoped3A_117 = tpu.sem_alloc : memref<!tpu.dma_semaphore, #tpu.memory_space<semaphore_mem>>
      %dma_start3A_118 = arith.constant 0 : i32
      %dma_start3A_119 = arith.constant 0 : i32
      %dma_start3A_120 = arith.constant 0 : i32
      %dma_start3A_121 = tpu.memref_slice %arg6[%run_scoped3A_73, %dma_start3A_118, %dma_start3A_119, %dma_start3A_120] : memref<2x2x2x80xi32, #tpu.memory_space<vmem>> -> memref<1x1x2x80xi32, #tpu.memory_space<vmem>>
      %dma_start3A_122 = tpu.memref_squeeze %dma_start3A_121 : memref<1x1x2x80xi32, #tpu.memory_space<vmem>> -> memref<1x2x80xi32, #tpu.memory_space<vmem>>
      %dma_start3A_123 = arith.constant 0 : i32
      %dma_start3A_124 = arith.constant 0 : i32
      %dma_start3A_125 = tpu.memref_slice %arg3[%add3A_72, %dma_start3A_123, %dma_start3A_124] : memref<4000x2x80xi32, #tpu.memory_space<hbm>> -> memref<1x2x80xi32, #tpu.memory_space<hbm>>
      %dma_start3A_126 = arith.constant 0 : i32
      %dma_start3A_127 = arith.constant 0 : i32
      %dma_start3A_128 = arith.constant 0 : i32
      %dma_start3A_129 = tpu.memref_slice %arg6[%run_scoped3A_73, %dma_start3A_126, %dma_start3A_127, %dma_start3A_128] : memref<2x2x2x80xi32, #tpu.memory_space<vmem>> -> memref<1x1x2x80xi32, #tpu.memory_space<vmem>>
      %dma_start3A_130 = tpu.memref_squeeze %dma_start3A_129 : memref<1x1x2x80xi32, #tpu.memory_space<vmem>> -> memref<1x2x80xi32, #tpu.memory_space<vmem>>
      %dma_start3A_131 = arith.constant 0 : i32
      %dma_start3A_132 = arith.constant 0 : i32
      %dma_start3A_133 = tpu.memref_slice %arg3[%add3A_72, %dma_start3A_131, %dma_start3A_132] : memref<4000x2x80xi32, #tpu.memory_space<hbm>> -> memref<1x2x80xi32, #tpu.memory_space<hbm>>
      tpu.enqueue_dma source(%dma_start3A_133 : memref<1x2x80xi32, #tpu.memory_space<hbm>>) target(%dma_start3A_130 : memref<1x2x80xi32, #tpu.memory_space<vmem>>) target_semaphore(%run_scoped3A_117 : memref<!tpu.dma_semaphore, #tpu.memory_space<semaphore_mem>>)
      %dma_wait3A_134 = arith.constant 0 : i32
      %dma_wait3A_135 = arith.constant 0 : i32
      %dma_wait3A_136 = arith.constant 0 : i32
      %dma_wait3A_137 = tpu.memref_slice %arg6[%run_scoped3A_73, %dma_wait3A_134, %dma_wait3A_135, %dma_wait3A_136] : memref<2x2x2x80xi32, #tpu.memory_space<vmem>> -> memref<1x1x2x80xi32, #tpu.memory_space<vmem>>
      %dma_wait3A_138 = tpu.memref_squeeze %dma_wait3A_137 : memref<1x1x2x80xi32, #tpu.memory_space<vmem>> -> memref<1x2x80xi32, #tpu.memory_space<vmem>>
      %dma_wait3A_139 = arith.constant 0 : i32
      %dma_wait3A_140 = arith.constant 0 : i32
      %dma_wait3A_141 = tpu.memref_slice %arg3[%add3A_72, %dma_wait3A_139, %dma_wait3A_140] : memref<4000x2x80xi32, #tpu.memory_space<hbm>> -> memref<1x2x80xi32, #tpu.memory_space<hbm>>
      %dma_wait3A_142 = arith.constant 0 : i32
      %dma_wait3A_143 = arith.constant 0 : i32
      %dma_wait3A_144 = arith.constant 0 : i32
      %dma_wait3A_145 = tpu.memref_slice %arg6[%run_scoped3A_73, %dma_wait3A_142, %dma_wait3A_143, %dma_wait3A_144] : memref<2x2x2x80xi32, #tpu.memory_space<vmem>> -> memref<1x1x2x80xi32, #tpu.memory_space<vmem>>
      %dma_wait3A_146 = tpu.memref_squeeze %dma_wait3A_145 : memref<1x1x2x80xi32, #tpu.memory_space<vmem>> -> memref<1x2x80xi32, #tpu.memory_space<vmem>>
      %dma_wait3A_147 = arith.constant 0 : i32
      %dma_wait3A_148 = arith.constant 0 : i32
      %dma_wait3A_149 = tpu.memref_slice %arg3[%add3A_72, %dma_wait3A_147, %dma_wait3A_148] : memref<4000x2x80xi32, #tpu.memory_space<hbm>> -> memref<1x2x80xi32, #tpu.memory_space<hbm>>
      tpu.wait_dma2 semaphore(%run_scoped3A_117 : memref<!tpu.dma_semaphore, #tpu.memory_space<semaphore_mem>>) src(%dma_wait3A_149 : memref<1x2x80xi32, #tpu.memory_space<hbm>>) dst(%dma_wait3A_146 : memref<1x2x80xi32, #tpu.memory_space<vmem>>)
      tpu.yield
    }) : () -> ()
    %dma_start3A_74 = arith.constant 0 : i32
    %dma_start3A_75 = arith.constant 0 : i32
    %dma_start3A_76 = arith.constant 0 : i32
    %dma_start3A_77 = arith.constant 0 : i32
    %dma_start3A_78 = arith.constant 0 : i32
    %dma_start3A_79 = arith.constant 0 : i32
    %dma_start3A_80 = arith.constant 0 : i32
    %dma_start3A_81 = tpu.memref_slice %arg7[%dma_start3A_77, %dma_start3A_78, %dma_start3A_79, %dma_start3A_80] : memref<2x2x80x128xf32, #tpu.memory_space<vmem>> -> memref<1x1x80x128xf32, #tpu.memory_space<vmem>>
    %dma_start3A_82 = tpu.memref_squeeze %dma_start3A_81 : memref<1x1x80x128xf32, #tpu.memory_space<vmem>> -> memref<80x128xf32, #tpu.memory_space<vmem>>
    %dma_start3A_83 = arith.constant 0 : i32
    %dma_start3A_84 = tpu.memref_slice %arg6[%dma_start3A_74, %dma_start3A_75, %dma_start3A_76, %dma_start3A_83] : memref<2x2x2x80xi32, #tpu.memory_space<vmem>> -> memref<1x1x1x80xi32, #tpu.memory_space<vmem>>
    %dma_start3A_85 = tpu.memref_squeeze %dma_start3A_84 : memref<1x1x1x80xi32, #tpu.memory_space<vmem>> -> memref<80xi32, #tpu.memory_space<vmem>>
    %dma_start3A_86 = arith.constant 0 : i32
    %dma_start3A_87 = arith.constant 0 : i32
    %dma_start3A_88 = tpu.memref_slice %arg2[%dma_start3A_86, %dma_start3A_87] : memref<10000x128xf32, #tpu.memory_space<hbm>> -> memref<10000x128xf32, #tpu.memory_space<hbm>>
    tpu.enqueue_indirect_dma source(%dma_start3A_88 : memref<10000x128xf32, #tpu.memory_space<hbm>>) target(%dma_start3A_82 : memref<80x128xf32, #tpu.memory_space<vmem>>) offsets(%dma_start3A_85 : memref<80xi32, #tpu.memory_space<vmem>>) semaphore(%arg9 : memref<!tpu.dma_semaphore, #tpu.memory_space<semaphore_mem>>)
    %dma_wait3A_89 = arith.constant 0 : i32
    %dma_wait3A_90 = arith.constant 0 : i32
    %dma_wait3A_91 = arith.constant 0 : i32
    %dma_wait3A_92 = arith.constant 0 : i32
    %dma_wait3A_93 = arith.constant 0 : i32
    %dma_wait3A_94 = arith.constant 0 : i32
    %dma_wait3A_95 = arith.constant 0 : i32
    %dma_wait3A_96 = tpu.memref_slice %arg7[%dma_wait3A_92, %dma_wait3A_93, %dma_wait3A_94, %dma_wait3A_95] : memref<2x2x80x128xf32, #tpu.memory_space<vmem>> -> memref<1x1x80x128xf32, #tpu.memory_space<vmem>>
    %dma_wait3A_97 = tpu.memref_squeeze %dma_wait3A_96 : memref<1x1x80x128xf32, #tpu.memory_space<vmem>> -> memref<80x128xf32, #tpu.memory_space<vmem>>
    %dma_wait3A_98 = arith.constant 0 : i32
    %dma_wait3A_99 = tpu.memref_slice %arg6[%dma_wait3A_89, %dma_wait3A_90, %dma_wait3A_91, %dma_wait3A_98] : memref<2x2x2x80xi32, #tpu.memory_space<vmem>> -> memref<1x1x1x80xi32, #tpu.memory_space<vmem>>
    %dma_wait3A_100 = tpu.memref_squeeze %dma_wait3A_99 : memref<1x1x1x80xi32, #tpu.memory_space<vmem>> -> memref<80xi32, #tpu.memory_space<vmem>>
    %dma_wait3A_101 = arith.constant 0 : i32
    %dma_wait3A_102 = arith.constant 0 : i32
    %dma_wait3A_103 = tpu.memref_slice %arg2[%dma_wait3A_101, %dma_wait3A_102] : memref<10000x128xf32, #tpu.memory_space<hbm>> -> memref<10000x128xf32, #tpu.memory_space<hbm>>
    tpu.wait_indirect_dma semaphore(%arg9 : memref<!tpu.dma_semaphore, #tpu.memory_space<semaphore_mem>>) src(%dma_wait3A_103 : memref<10000x128xf32, #tpu.memory_space<hbm>>) dst(%dma_wait3A_97 : memref<80x128xf32, #tpu.memory_space<vmem>>)
    %run_scoped3A_104 = arith.constant 0 : i32
    %run_scoped3A_105 = arith.constant 0 : i32
    %run_scoped3A_106 = arith.constant 0 : i32
    %run_scoped3A_107 = arith.constant 0 : i32
    %run_scoped3A_108 = arith.constant 1 : i32
    "tpu.region"() ({
      %run_scoped3A_117 = tpu.sem_alloc : memref<!tpu.dma_semaphore, #tpu.memory_space<semaphore_mem>>
      %dma_start3A_118 = arith.constant 0 : i32
      %dma_start3A_119 = arith.constant 0 : i32
      %dma_start3A_120 = tpu.memref_slice %arg7[%run_scoped3A_104, %run_scoped3A_105, %dma_start3A_118, %dma_start3A_119] : memref<2x2x80x128xf32, #tpu.memory_space<vmem>> -> memref<1x1x80x128xf32, #tpu.memory_space<vmem>>
      %dma_start3A_121 = tpu.memref_squeeze %dma_start3A_120 : memref<1x1x80x128xf32, #tpu.memory_space<vmem>> -> memref<80x128xf32, #tpu.memory_space<vmem>>
      %dma_start3A_122 = arith.constant 0 : i32
      %dma_start3A_123 = tpu.memref_slice %arg6[%run_scoped3A_106, %run_scoped3A_107, %run_scoped3A_108, %dma_start3A_122] : memref<2x2x2x80xi32, #tpu.memory_space<vmem>> -> memref<1x1x1x80xi32, #tpu.memory_space<vmem>>
      %dma_start3A_124 = tpu.memref_squeeze %dma_start3A_123 : memref<1x1x1x80xi32, #tpu.memory_space<vmem>> -> memref<80xi32, #tpu.memory_space<vmem>>
      %dma_start3A_125 = arith.constant 0 : i32
      %dma_start3A_126 = arith.constant 0 : i32
      %dma_start3A_127 = tpu.memref_slice %arg8[%dma_start3A_125, %dma_start3A_126] : memref<10240x128xf32, #tpu.memory_space<vmem_shared>> -> memref<10240x128xf32, #tpu.memory_space<vmem_shared>>
      tpu.enqueue_indirect_dma source(%dma_start3A_121 : memref<80x128xf32, #tpu.memory_space<vmem>>) target(%dma_start3A_127 : memref<10240x128xf32, #tpu.memory_space<vmem_shared>>) offsets(%dma_start3A_124 : memref<80xi32, #tpu.memory_space<vmem>>) semaphore(%run_scoped3A_117 : memref<!tpu.dma_semaphore, #tpu.memory_space<semaphore_mem>>) {add = true}
      %dma_wait3A_128 = arith.constant 0 : i32
      %dma_wait3A_129 = arith.constant 0 : i32
      %dma_wait3A_130 = tpu.memref_slice %arg7[%run_scoped3A_104, %run_scoped3A_105, %dma_wait3A_128, %dma_wait3A_129] : memref<2x2x80x128xf32, #tpu.memory_space<vmem>> -> memref<1x1x80x128xf32, #tpu.memory_space<vmem>>
      %dma_wait3A_131 = tpu.memref_squeeze %dma_wait3A_130 : memref<1x1x80x128xf32, #tpu.memory_space<vmem>> -> memref<80x128xf32, #tpu.memory_space<vmem>>
      %dma_wait3A_132 = arith.constant 0 : i32
      %dma_wait3A_133 = tpu.memref_slice %arg6[%run_scoped3A_106, %run_scoped3A_107, %run_scoped3A_108, %dma_wait3A_132] : memref<2x2x2x80xi32, #tpu.memory_space<vmem>> -> memref<1x1x1x80xi32, #tpu.memory_space<vmem>>
      %dma_wait3A_134 = tpu.memref_squeeze %dma_wait3A_133 : memref<1x1x1x80xi32, #tpu.memory_space<vmem>> -> memref<80xi32, #tpu.memory_space<vmem>>
      %dma_wait3A_135 = arith.constant 0 : i32
      %dma_wait3A_136 = arith.constant 0 : i32
      %dma_wait3A_137 = tpu.memref_slice %arg8[%dma_wait3A_135, %dma_wait3A_136] : memref<10240x128xf32, #tpu.memory_space<vmem_shared>> -> memref<10240x128xf32, #tpu.memory_space<vmem_shared>>
      tpu.wait_indirect_dma semaphore(%run_scoped3A_117 : memref<!tpu.dma_semaphore, #tpu.memory_space<semaphore_mem>>) src(%dma_wait3A_131 : memref<80x128xf32, #tpu.memory_space<vmem>>) dst(%dma_wait3A_137 : memref<10240x128xf32, #tpu.memory_space<vmem_shared>>)
      tpu.yield
    }) : () -> ()
    %barrier3A_109 = arith.constant 0 : index
    tpu.barrier barrier_id(%barrier3A_109)
    %mul3A_110 = arith.constant 640 : i32
    %mul3A_111 = arith.muli %arg1, %mul3A_110 : i32
    %mul3A_112 = arith.constant 10240 : i32
    %mul3A_113 = arith.muli %arg0, %mul3A_112 : i32
    %mul3A_114 = arith.constant 640 : i32
    %mul3A_115 = arith.muli %arg1, %mul3A_114 : i32
    %add3A_116 = arith.addi %mul3A_113, %mul3A_115 : i32
    "tpu.region"() ({
      %run_scoped3A_117 = tpu.sem_alloc : memref<!tpu.dma_semaphore, #tpu.memory_space<semaphore_mem>>
      %dma_start3A_118 = arith.constant 0 : i32
      %dma_start3A_119 = tpu.memref_slice %arg5[%add3A_116, %dma_start3A_118] : memref<20480x128xf32, #tpu.memory_space<hbm>> -> memref<640x128xf32, #tpu.memory_space<hbm>>
      %dma_start3A_120 = arith.constant 0 : i32
      %dma_start3A_121 = tpu.memref_slice %arg8[%mul3A_111, %dma_start3A_120] : memref<10240x128xf32, #tpu.memory_space<vmem_shared>> -> memref<640x128xf32, #tpu.memory_space<vmem_shared>>
      tpu.enqueue_dma source(%dma_start3A_121 : memref<640x128xf32, #tpu.memory_space<vmem_shared>>) target(%dma_start3A_119 : memref<640x128xf32, #tpu.memory_space<hbm>>) target_semaphore(%run_scoped3A_117 : memref<!tpu.dma_semaphore, #tpu.memory_space<semaphore_mem>>)
      %dma_wait3A_122 = arith.constant 0 : i32
      %dma_wait3A_123 = tpu.memref_slice %arg5[%add3A_116, %dma_wait3A_122] : memref<20480x128xf32, #tpu.memory_space<hbm>> -> memref<640x128xf32, #tpu.memory_space<hbm>>
      %dma_wait3A_124 = arith.constant 0 : i32
      %dma_wait3A_125 = tpu.memref_slice %arg8[%mul3A_111, %dma_wait3A_124] : memref<10240x128xf32, #tpu.memory_space<vmem_shared>> -> memref<640x128xf32, #tpu.memory_space<vmem_shared>>
      tpu.wait_dma2 semaphore(%run_scoped3A_117 : memref<!tpu.dma_semaphore, #tpu.memory_space<semaphore_mem>>) src(%dma_wait3A_125 : memref<640x128xf32, #tpu.memory_space<vmem_shared>>) dst(%dma_wait3A_123 : memref<640x128xf32, #tpu.memory_space<hbm>>)
      tpu.yield
    }) : () -> ()
    return
  }
}

module attributes {stable_mosaic.version = 14 : i64} {
  func.func @body(%arg0: i32, %arg1: memref<1000x128xf32, #tpu.memory_space<vmem>>, %arg2: memref<128x128xf32, #tpu.memory_space<vmem>>, %arg3: memref<1000x128xf32, #tpu.memory_space<vmem>>) attributes {dimension_semantics = [#tpu.dimension_semantics<arbitrary>], iteration_bounds = array<i64: 10>, scalar_prefetch = 0 : i64, scratch_operands = 0 : i64, tpu.core_type = #tpu.core_type<tc>, window_params = [{transform_indices = @transform_0, window_bounds = array<i64: 1000, 128>}, {pipeline_mode = #tpu.pipeline_mode<synchronous>, transform_indices = @transform_1, window_bounds = array<i64: 128, 128>}, {transform_indices = @transform_2, window_bounds = array<i64: 1000, 128>}]} {
    %get3A = arith.constant 0 : index
    %get3A_0 = arith.constant 0 : index
    %get3A_1 = vector.load %arg1[%get3A, %get3A_0] : memref<1000x128xf32, #tpu.memory_space<vmem>>, vector<1000x128xf32>
    %get3A_2 = arith.constant 0 : index
    %get3A_3 = arith.constant 0 : index
    %get3A_4 = vector.load %arg2[%get3A_2, %get3A_3] : memref<128x128xf32, #tpu.memory_space<vmem>>, vector<128x128xf32>
    %dot_general3A = arith.constant dense<0.000000e+00> : vector<1000x128xf32>
    %dot_general3A_5 = tpu.matmul %get3A_1, %get3A_4, %dot_general3A {dimension_numbers = #tpu.dot_dimension_numbers<[1], [0], [0], [1], [0, 0, 1, 1], [], []>, transpose_lhs_hint = false} : vector<1000x128xf32>, vector<128x128xf32>, vector<1000x128xf32> -> vector<1000x128xf32>
    %swap3A = arith.constant 0 : index
    %swap3A_6 = arith.constant 0 : index
    %swap3A_7 = vector.load %arg3[%swap3A, %swap3A_6] : memref<1000x128xf32, #tpu.memory_space<vmem>>, vector<1000x128xf32>
    tpu.vector_store %arg3[%swap3A, %swap3A_6], %dot_general3A_5 {strides = array<i32>} : memref<1000x128xf32, #tpu.memory_space<vmem>>, vector<1000x128xf32>,
    return
  }
  func.func @transform_0(%arg0: i32) -> (i32, i32) {
    %c0_i32 = arith.constant 0 : i32
    %c0_i32_0 = arith.constant 0 : i32
    return %arg0, %c0_i32 : i32, i32
  }
  func.func @transform_1(%arg0: i32) -> (i32, i32) {
    %c0_i32 = arith.constant 0 : i32
    %c0_i32_0 = arith.constant 0 : i32
    %c0_i32_1 = arith.constant 0 : i32
    return %c0_i32, %c0_i32_0 : i32, i32
  }
  func.func @transform_2(%arg0: i32) -> (i32, i32) {
    %c0_i32 = arith.constant 0 : i32
    %c0_i32_0 = arith.constant 0 : i32
    return %arg0, %c0_i32 : i32, i32
  }
}

module attributes {stable_mosaic.version = 14 : i64} {
  func.func @body(%arg0: i32, %arg1: memref<1x1000x16xf32, #tpu.memory_space<vmem>>, %arg2: memref<1x1000x16xf32, #tpu.memory_space<vmem>>, %arg3: memref<1000x128xf32, #tpu.memory_space<vmem>>, %arg4: memref<1000x128xf32, #tpu.memory_space<vmem>>, %arg5: memref<1000x1xf32, #tpu.memory_space<vmem>>) attributes {dimension_semantics = [#tpu.dimension_semantics<arbitrary>], iteration_bounds = array<i64: 10>, scalar_prefetch = 0 : i64, scratch_operands = 0 : i64, tpu.core_type = #tpu.core_type<tc>, window_params = [{transform_indices = @transform_0, window_bounds = array<i64: 1, 1000, 16>}, {transform_indices = @transform_1, window_bounds = array<i64: 1, 1000, 16>}, {transform_indices = @transform_2, window_bounds = array<i64: 1000, 128>}, {transform_indices = @transform_3, window_bounds = array<i64: 1000, 128>}, {transform_indices = @transform_4, window_bounds = array<i64: 1000, 1>}]} {
    %get3A = arith.constant 0 : index
    %get3A_0 = arith.constant 0 : index
    %get3A_1 = arith.constant 0 : index
    %get3A_2 = vector.load %arg1[%get3A, %get3A_0, %get3A_1] : memref<1x1000x16xf32, #tpu.memory_space<vmem>>, vector<1x1000x1xf32>
    %get3A_3 = vector.shape_cast %get3A_2 : vector<1x1000x1xf32> to vector<1000x1xf32>
    %get3A_4 = arith.constant 0 : index
    %get3A_5 = arith.constant 0 : index
    %get3A_6 = arith.constant 0 : index
    %get3A_7 = vector.load %arg2[%get3A_4, %get3A_5, %get3A_6] : memref<1x1000x16xf32, #tpu.memory_space<vmem>>, vector<1x1000x1xf32>
    %get3A_8 = vector.shape_cast %get3A_7 : vector<1x1000x1xf32> to vector<1000x1xf32>
    %add3A = arith.addf %get3A_3, %get3A_8 : vector<1000x1xf32>
    %add3A_9 = arith.constant 1.000000e+00 : f32
    %add3A_10 = vector.broadcast %add3A_9 : f32 to vector<1000x1xf32>
    %add3A_11 = arith.addf %add3A, %add3A_10 : vector<1000x1xf32>
    %rsqrt3A = math.rsqrt %add3A_11 : vector<1000x1xf32>
    %swap3A = arith.constant 0 : index
    %swap3A_12 = arith.constant 0 : index
    %swap3A_13 = vector.load %arg5[%swap3A, %swap3A_12] : memref<1000x1xf32, #tpu.memory_space<vmem>>, vector<1000x1xf32>
    tpu.vector_store %arg5[%swap3A, %swap3A_12], %rsqrt3A {strides = array<i32>} : memref<1000x1xf32, #tpu.memory_space<vmem>>, vector<1000x1xf32>,
    %get3A_14 = arith.constant 0 : index
    %get3A_15 = arith.constant 0 : index
    %get3A_16 = vector.load %arg3[%get3A_14, %get3A_15] : memref<1000x128xf32, #tpu.memory_space<vmem>>, vector<1000x128xf32>
    %mul3A = vector.broadcast %rsqrt3A : vector<1000x1xf32> to vector<1000x128xf32>
    %mul3A_17 = arith.mulf %mul3A, %get3A_16 : vector<1000x128xf32>
    %swap3A_18 = arith.constant 0 : index
    %swap3A_19 = arith.constant 0 : index
    %swap3A_20 = vector.load %arg4[%swap3A_18, %swap3A_19] : memref<1000x128xf32, #tpu.memory_space<vmem>>, vector<1000x128xf32>
    tpu.vector_store %arg4[%swap3A_18, %swap3A_19], %mul3A_17 {strides = array<i32>} : memref<1000x128xf32, #tpu.memory_space<vmem>>, vector<1000x128xf32>,
    return
  }
  func.func @transform_0(%arg0: i32) -> (i32, i32, i32) {
    %c0_i32 = arith.constant 0 : i32
    %c0_i32_0 = arith.constant 0 : i32
    %c0_i32_1 = arith.constant 0 : i32
    return %c0_i32, %arg0, %c0_i32_0 : i32, i32, i32
  }
  func.func @transform_1(%arg0: i32) -> (i32, i32, i32) {
    %c1_i32 = arith.constant 1 : i32
    %c0_i32 = arith.constant 0 : i32
    %c0_i32_0 = arith.constant 0 : i32
    return %c1_i32, %arg0, %c0_i32 : i32, i32, i32
  }
  func.func @transform_2(%arg0: i32) -> (i32, i32) {
    %c0_i32 = arith.constant 0 : i32
    %c0_i32_0 = arith.constant 0 : i32
    return %arg0, %c0_i32 : i32, i32
  }
  func.func @transform_3(%arg0: i32) -> (i32, i32) {
    %c0_i32 = arith.constant 0 : i32
    %c0_i32_0 = arith.constant 0 : i32
    return %arg0, %c0_i32 : i32, i32
  }
  func.func @transform_4(%arg0: i32) -> (i32, i32) {
    %c0_i32 = arith.constant 0 : i32
    %c0_i32_0 = arith.constant 0 : i32
    return %arg0, %c0_i32 : i32, i32
  }
}

module attributes {stable_mosaic.version = 14 : i64} {
  func.func @body(%arg0: i32, %arg1: memref<1x1000x128xf32, #tpu.memory_space<vmem>>, %arg2: memref<1x1000x128xf32, #tpu.memory_space<vmem>>, %arg3: memref<1000x128xf32, #tpu.memory_space<vmem>>, %arg4: memref<1000x1xf32, #tpu.memory_space<vmem>>, %arg5: memref<1x128xf32, #tpu.memory_space<vmem>>, %arg6: memref<128x128xf32, #tpu.memory_space<vmem>>, %arg7: memref<1000x128xf32, #tpu.memory_space<vmem>>) attributes {dimension_semantics = [#tpu.dimension_semantics<arbitrary>], iteration_bounds = array<i64: 10>, scalar_prefetch = 0 : i64, scratch_operands = 0 : i64, tpu.core_type = #tpu.core_type<tc>, window_params = [{transform_indices = @transform_0, window_bounds = array<i64: 1, 1000, 128>}, {transform_indices = @transform_1, window_bounds = array<i64: 1, 1000, 128>}, {transform_indices = @transform_2, window_bounds = array<i64: 1000, 128>}, {transform_indices = @transform_3, window_bounds = array<i64: 1000, 1>}, {pipeline_mode = #tpu.pipeline_mode<synchronous>, transform_indices = @transform_4, window_bounds = array<i64: 1, 128>}, {pipeline_mode = #tpu.pipeline_mode<synchronous>, transform_indices = @transform_5, window_bounds = array<i64: 128, 128>}, {transform_indices = @transform_6, window_bounds = array<i64: 1000, 128>}]} {
    %get3A = arith.constant 0 : index
    %get3A_0 = arith.constant 0 : index
    %get3A_1 = vector.load %arg4[%get3A, %get3A_0] : memref<1000x1xf32, #tpu.memory_space<vmem>>, vector<1000x1xf32>
    %get3A_2 = arith.constant 0 : index
    %get3A_3 = arith.constant 0 : index
    %get3A_4 = arith.constant 0 : index
    %get3A_5 = vector.load %arg1[%get3A_2, %get3A_3, %get3A_4] : memref<1x1000x128xf32, #tpu.memory_space<vmem>>, vector<1x1000x128xf32>
    %get3A_6 = vector.shape_cast %get3A_5 : vector<1x1000x128xf32> to vector<1000x128xf32>
    %get3A_7 = arith.constant 0 : index
    %get3A_8 = arith.constant 0 : index
    %get3A_9 = arith.constant 0 : index
    %get3A_10 = vector.load %arg2[%get3A_7, %get3A_8, %get3A_9] : memref<1x1000x128xf32, #tpu.memory_space<vmem>>, vector<1x1000x128xf32>
    %get3A_11 = vector.shape_cast %get3A_10 : vector<1x1000x128xf32> to vector<1000x128xf32>
    %add3A = arith.addf %get3A_6, %get3A_11 : vector<1000x128xf32>
    %get3A_12 = arith.constant 0 : index
    %get3A_13 = arith.constant 0 : index
    %get3A_14 = vector.load %arg3[%get3A_12, %get3A_13] : memref<1000x128xf32, #tpu.memory_space<vmem>>, vector<1000x128xf32>
    %add3A_15 = arith.addf %add3A, %get3A_14 : vector<1000x128xf32>
    %mul3A = vector.broadcast %get3A_1 : vector<1000x1xf32> to vector<1000x128xf32>
    %mul3A_16 = arith.mulf %mul3A, %add3A_15 : vector<1000x128xf32>
    %get3A_17 = arith.constant 0 : index
    %get3A_18 = arith.constant 0 : index
    %get3A_19 = vector.load %arg5[%get3A_17, %get3A_18] : memref<1x128xf32, #tpu.memory_space<vmem>>, vector<1x128xf32>
    %add3A_20 = vector.broadcast %get3A_19 : vector<1x128xf32> to vector<1000x128xf32>
    %add3A_21 = arith.addf %mul3A_16, %add3A_20 : vector<1000x128xf32>
    %ge3A = arith.constant 0.000000e+00 : f32
    %ge3A_22 = vector.broadcast %ge3A : f32 to vector<1000x128xf32>
    %ge3A_23 = arith.cmpf oge, %add3A_21, %ge3A_22 : vector<1000x128xf32>
    %mul3A_24 = arith.constant 0.00999999977 : f32
    %mul3A_25 = vector.broadcast %mul3A_24 : f32 to vector<1000x128xf32>
    %mul3A_26 = arith.mulf %mul3A_25, %add3A_21 : vector<1000x128xf32>
    %select_n3A = arith.select %ge3A_23, %add3A_21, %mul3A_26 : vector<1000x128xi1>, vector<1000x128xf32>
    %get3A_27 = arith.constant 0 : index
    %get3A_28 = arith.constant 0 : index
    %get3A_29 = vector.load %arg6[%get3A_27, %get3A_28] : memref<128x128xf32, #tpu.memory_space<vmem>>, vector<128x128xf32>
    %dot_general3A = arith.constant dense<0.000000e+00> : vector<1000x128xf32>
    %dot_general3A_30 = tpu.matmul %select_n3A, %get3A_29, %dot_general3A {dimension_numbers = #tpu.dot_dimension_numbers<[1], [0], [0], [1], [0, 0, 1, 1], [], []>, transpose_lhs_hint = false} : vector<1000x128xf32>, vector<128x128xf32>, vector<1000x128xf32> -> vector<1000x128xf32>
    %mul3A_31 = vector.broadcast %get3A_1 : vector<1000x1xf32> to vector<1000x128xf32>
    %mul3A_32 = arith.mulf %mul3A_31, %dot_general3A_30 : vector<1000x128xf32>
    %swap3A = arith.constant 0 : index
    %swap3A_33 = arith.constant 0 : index
    %swap3A_34 = vector.load %arg7[%swap3A, %swap3A_33] : memref<1000x128xf32, #tpu.memory_space<vmem>>, vector<1000x128xf32>
    tpu.vector_store %arg7[%swap3A, %swap3A_33], %mul3A_32 {strides = array<i32>} : memref<1000x128xf32, #tpu.memory_space<vmem>>, vector<1000x128xf32>,
    return
  }
  func.func @transform_0(%arg0: i32) -> (i32, i32, i32) {
    %c0_i32 = arith.constant 0 : i32
    %c0_i32_0 = arith.constant 0 : i32
    %c0_i32_1 = arith.constant 0 : i32
    return %c0_i32, %arg0, %c0_i32_0 : i32, i32, i32
  }
  func.func @transform_1(%arg0: i32) -> (i32, i32, i32) {
    %c1_i32 = arith.constant 1 : i32
    %c0_i32 = arith.constant 0 : i32
    %c0_i32_0 = arith.constant 0 : i32
    return %c1_i32, %arg0, %c0_i32 : i32, i32, i32
  }
  func.func @transform_2(%arg0: i32) -> (i32, i32) {
    %c0_i32 = arith.constant 0 : i32
    %c0_i32_0 = arith.constant 0 : i32
    return %arg0, %c0_i32 : i32, i32
  }
  func.func @transform_3(%arg0: i32) -> (i32, i32) {
    %c0_i32 = arith.constant 0 : i32
    %c0_i32_0 = arith.constant 0 : i32
    return %arg0, %c0_i32 : i32, i32
  }
  func.func @transform_4(%arg0: i32) -> (i32, i32) {
    %c0_i32 = arith.constant 0 : i32
    %c0_i32_0 = arith.constant 0 : i32
    %c0_i32_1 = arith.constant 0 : i32
    return %c0_i32, %c0_i32_0 : i32, i32
  }
  func.func @transform_5(%arg0: i32) -> (i32, i32) {
    %c0_i32 = arith.constant 0 : i32
    %c0_i32_0 = arith.constant 0 : i32
    %c0_i32_1 = arith.constant 0 : i32
    return %c0_i32, %c0_i32_0 : i32, i32
  }
  func.func @transform_6(%arg0: i32) -> (i32, i32) {
    %c0_i32 = arith.constant 0 : i32
    %c0_i32_0 = arith.constant 0 : i32
    return %arg0, %c0_i32 : i32, i32
  }
}

module attributes {stable_mosaic.version = 14 : i64} {
  func.func @body(%arg0: i32, %arg1: memref<1x1000x128xf32, #tpu.memory_space<vmem>>, %arg2: memref<1x1000x128xf32, #tpu.memory_space<vmem>>, %arg3: memref<1000x128xf32, #tpu.memory_space<vmem>>, %arg4: memref<1000x1xf32, #tpu.memory_space<vmem>>, %arg5: memref<1x128xf32, #tpu.memory_space<vmem>>, %arg6: memref<1x1x1000xi32, #tpu.memory_space<vmem>>, %arg7: memref<128x10xf32, #tpu.memory_space<vmem>>, %arg8: memref<1x10xf32, #tpu.memory_space<vmem>>, %arg9: memref<64x10xf32, #tpu.memory_space<vmem>>, %arg10: memref<64x128xf32, #tpu.memory_space<vmem>>, %arg11: memref<64x128xf32, #tpu.memory_space<vmem>>) attributes {dimension_semantics = [#tpu.dimension_semantics<arbitrary>], iteration_bounds = array<i64: 10>, scalar_prefetch = 0 : i64, scratch_operands = 2 : i64, tpu.core_type = #tpu.core_type<tc>, window_params = [{transform_indices = @transform_0, window_bounds = array<i64: 1, 1000, 128>}, {transform_indices = @transform_1, window_bounds = array<i64: 1, 1000, 128>}, {transform_indices = @transform_2, window_bounds = array<i64: 1000, 128>}, {transform_indices = @transform_3, window_bounds = array<i64: 1000, 1>}, {pipeline_mode = #tpu.pipeline_mode<synchronous>, transform_indices = @transform_4, window_bounds = array<i64: 1, 128>}, {transform_indices = @transform_5, window_bounds = array<i64: 1, 1, 1000>}, {pipeline_mode = #tpu.pipeline_mode<synchronous>, transform_indices = @transform_6, window_bounds = array<i64: 128, 10>}, {pipeline_mode = #tpu.pipeline_mode<synchronous>, transform_indices = @transform_7, window_bounds = array<i64: 1, 10>}, {pipeline_mode = #tpu.pipeline_mode<synchronous>, transform_indices = @transform_8, window_bounds = array<i64: 64, 10>}]} {
    %eq3A = arith.constant 0 : i32
    %eq3A_0 = arith.cmpi eq, %arg0, %eq3A : i32
    %convert_element_type3A = arith.extui %eq3A_0 : i1 to i32
    %cond3A = arith.constant 0 : i32
    %cond3A_1 = arith.cmpi ne, %convert_element_type3A, %cond3A : i32
    scf.if %cond3A_1 {
      %broadcast_in_dim3A_58 = arith.constant 0.000000e+00 : f32
      %broadcast_in_dim3A_59 = vector.broadcast %broadcast_in_dim3A_58 : f32 to vector<64x128xf32>
      %swap3A_60 = arith.constant 0 : index
      %swap3A_61 = arith.constant 0 : index
      %swap3A_62 = vector.load %arg10[%swap3A_60, %swap3A_61] : memref<64x128xf32, #tpu.memory_space<vmem>>, vector<64x128xf32>
      tpu.vector_store %arg10[%swap3A_60, %swap3A_61], %broadcast_in_dim3A_59 {strides = array<i32>} : memref<64x128xf32, #tpu.memory_space<vmem>>, vector<64x128xf32>,
      %broadcast_in_dim3A_63 = arith.constant 0.000000e+00 : f32
      %broadcast_in_dim3A_64 = vector.broadcast %broadcast_in_dim3A_63 : f32 to vector<64x128xf32>
      %swap3A_65 = arith.constant 0 : index
      %swap3A_66 = arith.constant 0 : index
      %swap3A_67 = vector.load %arg11[%swap3A_65, %swap3A_66] : memref<64x128xf32, #tpu.memory_space<vmem>>, vector<64x128xf32>
      tpu.vector_store %arg11[%swap3A_65, %swap3A_66], %broadcast_in_dim3A_64 {strides = array<i32>} : memref<64x128xf32, #tpu.memory_space<vmem>>, vector<64x128xf32>,
    } else {
    }
    %get3A = arith.constant 0 : index
    %get3A_2 = arith.constant 0 : index
    %get3A_3 = vector.load %arg4[%get3A, %get3A_2] : memref<1000x1xf32, #tpu.memory_space<vmem>>, vector<1000x1xf32>
    %get3A_4 = arith.constant 0 : index
    %get3A_5 = arith.constant 0 : index
    %get3A_6 = arith.constant 0 : index
    %get3A_7 = vector.load %arg1[%get3A_4, %get3A_5, %get3A_6] : memref<1x1000x128xf32, #tpu.memory_space<vmem>>, vector<1x1000x128xf32>
    %get3A_8 = vector.shape_cast %get3A_7 : vector<1x1000x128xf32> to vector<1000x128xf32>
    %get3A_9 = arith.constant 0 : index
    %get3A_10 = arith.constant 0 : index
    %get3A_11 = arith.constant 0 : index
    %get3A_12 = vector.load %arg2[%get3A_9, %get3A_10, %get3A_11] : memref<1x1000x128xf32, #tpu.memory_space<vmem>>, vector<1x1000x128xf32>
    %get3A_13 = vector.shape_cast %get3A_12 : vector<1x1000x128xf32> to vector<1000x128xf32>
    %add3A = arith.addf %get3A_8, %get3A_13 : vector<1000x128xf32>
    %get3A_14 = arith.constant 0 : index
    %get3A_15 = arith.constant 0 : index
    %get3A_16 = vector.load %arg3[%get3A_14, %get3A_15] : memref<1000x128xf32, #tpu.memory_space<vmem>>, vector<1000x128xf32>
    %add3A_17 = arith.addf %add3A, %get3A_16 : vector<1000x128xf32>
    %mul3A = vector.broadcast %get3A_3 : vector<1000x1xf32> to vector<1000x128xf32>
    %mul3A_18 = arith.mulf %mul3A, %add3A_17 : vector<1000x128xf32>
    %get3A_19 = arith.constant 0 : index
    %get3A_20 = arith.constant 0 : index
    %get3A_21 = vector.load %arg5[%get3A_19, %get3A_20] : memref<1x128xf32, #tpu.memory_space<vmem>>, vector<1x128xf32>
    %add3A_22 = vector.broadcast %get3A_21 : vector<1x128xf32> to vector<1000x128xf32>
    %add3A_23 = arith.addf %mul3A_18, %add3A_22 : vector<1000x128xf32>
    %ge3A = arith.constant 0.000000e+00 : f32
    %ge3A_24 = vector.broadcast %ge3A : f32 to vector<1000x128xf32>
    %ge3A_25 = arith.cmpf oge, %add3A_23, %ge3A_24 : vector<1000x128xf32>
    %mul3A_26 = arith.constant 0.00999999977 : f32
    %mul3A_27 = vector.broadcast %mul3A_26 : f32 to vector<1000x128xf32>
    %mul3A_28 = arith.mulf %mul3A_27, %add3A_23 : vector<1000x128xf32>
    %select_n3A = arith.select %ge3A_25, %add3A_23, %mul3A_28 : vector<1000x128xi1>, vector<1000x128xf32>
    %get3A_29 = arith.constant 0 : index
    %get3A_30 = arith.constant 0 : index
    %get3A_31 = arith.constant 0 : index
    %get3A_32 = vector.load %arg6[%get3A_29, %get3A_30, %get3A_31] : memref<1x1x1000xi32, #tpu.memory_space<vmem>>, vector<1x1x1000xi32>
    %get3A_33 = vector.shape_cast %get3A_32 : vector<1x1x1000xi32> to vector<1x1000xi32>
    %iota3A = tpu.iota {dimensions = array<i32: 0>} : vector<64x1000xi32>
    %eq3A_34 = vector.broadcast %get3A_33 : vector<1x1000xi32> to vector<64x1000xi32>
    %eq3A_35 = arith.cmpi eq, %eq3A_34, %iota3A : vector<64x1000xi32>
    %convert_element_type3A_36 = arith.extui %eq3A_35 : vector<64x1000xi1> to vector<64x1000xi32>
    %convert_element_type3A_37 = arith.sitofp %convert_element_type3A_36 : vector<64x1000xi32> to vector<64x1000xf32>
    %get3A_38 = arith.constant 0 : index
    %get3A_39 = arith.constant 0 : index
    %get3A_40 = vector.load %arg10[%get3A_38, %get3A_39] : memref<64x128xf32, #tpu.memory_space<vmem>>, vector<64x128xf32>
    %dot_general3A = arith.constant dense<0.000000e+00> : vector<64x128xf32>
    %dot_general3A_41 = tpu.matmul %convert_element_type3A_37, %select_n3A, %dot_general3A {dimension_numbers = #tpu.dot_dimension_numbers<[1], [0], [0], [1], [0, 0, 1, 1], [], []>, transpose_lhs_hint = false} : vector<64x1000xf32>, vector<1000x128xf32>, vector<64x128xf32> -> vector<64x128xf32>
    %add3A_42 = arith.addf %get3A_40, %dot_general3A_41 : vector<64x128xf32>
    %swap3A = arith.constant 0 : index
    %swap3A_43 = arith.constant 0 : index
    %swap3A_44 = vector.load %arg10[%swap3A, %swap3A_43] : memref<64x128xf32, #tpu.memory_space<vmem>>, vector<64x128xf32>
    tpu.vector_store %arg10[%swap3A, %swap3A_43], %add3A_42 {strides = array<i32>} : memref<64x128xf32, #tpu.memory_space<vmem>>, vector<64x128xf32>,
    %get3A_45 = arith.constant 0 : index
    %get3A_46 = arith.constant 0 : index
    %get3A_47 = vector.load %arg11[%get3A_45, %get3A_46] : memref<64x128xf32, #tpu.memory_space<vmem>>, vector<64x1xf32>
    %reduce_sum3A = arith.constant dense<0.000000e+00> : vector<64xf32>
    %reduce_sum3A_48 = vector.multi_reduction <add>, %convert_element_type3A_37, %reduce_sum3A [1] : vector<64x1000xf32> to vector<64xf32>
    %broadcast_in_dim3A = vector.shape_cast %reduce_sum3A_48 : vector<64xf32> to vector<64x1xf32>
    %add3A_49 = arith.addf %get3A_47, %broadcast_in_dim3A : vector<64x1xf32>
    %swap3A_50 = arith.constant 0 : index
    %swap3A_51 = arith.constant 0 : index
    %swap3A_52 = vector.load %arg11[%swap3A_50, %swap3A_51] : memref<64x128xf32, #tpu.memory_space<vmem>>, vector<64x1xf32>
    tpu.vector_store %arg11[%swap3A_50, %swap3A_51], %add3A_49 {strides = array<i32>} : memref<64x128xf32, #tpu.memory_space<vmem>>, vector<64x1xf32>,
    %eq3A_53 = arith.constant 9 : i32
    %eq3A_54 = arith.cmpi eq, %arg0, %eq3A_53 : i32
    %convert_element_type3A_55 = arith.extui %eq3A_54 : i1 to i32
    %cond3A_56 = arith.constant 0 : i32
    %cond3A_57 = arith.cmpi ne, %convert_element_type3A_55, %cond3A_56 : i32
    scf.if %cond3A_57 {
      %get3A_58 = arith.constant 0 : index
      %get3A_59 = arith.constant 0 : index
      %get3A_60 = vector.load %arg10[%get3A_58, %get3A_59] : memref<64x128xf32, #tpu.memory_space<vmem>>, vector<64x128xf32>
      %get3A_61 = arith.constant 0 : index
      %get3A_62 = arith.constant 0 : index
      %get3A_63 = vector.load %arg11[%get3A_61, %get3A_62] : memref<64x128xf32, #tpu.memory_space<vmem>>, vector<64x1xf32>
      %max3A = arith.constant 1.000000e+00 : f32
      %max3A_64 = vector.broadcast %max3A : f32 to vector<64x1xf32>
      %max3A_65 = arith.maximumf %get3A_63, %max3A_64 : vector<64x1xf32>
      %div3A = vector.broadcast %max3A_65 : vector<64x1xf32> to vector<64x128xf32>
      %div3A_66 = arith.divf %get3A_60, %div3A : vector<64x128xf32>
      %get3A_67 = arith.constant 0 : index
      %get3A_68 = arith.constant 0 : index
      %get3A_69 = vector.load %arg7[%get3A_67, %get3A_68] : memref<128x10xf32, #tpu.memory_space<vmem>>, vector<128x10xf32>
      %dot_general3A_70 = arith.constant dense<0.000000e+00> : vector<64x10xf32>
      %dot_general3A_71 = tpu.matmul %div3A_66, %get3A_69, %dot_general3A_70 {dimension_numbers = #tpu.dot_dimension_numbers<[1], [0], [0], [1], [0, 0, 1, 1], [], []>, transpose_lhs_hint = false} : vector<64x128xf32>, vector<128x10xf32>, vector<64x10xf32> -> vector<64x10xf32>
      %get3A_72 = arith.constant 0 : index
      %get3A_73 = arith.constant 0 : index
      %get3A_74 = vector.load %arg8[%get3A_72, %get3A_73] : memref<1x10xf32, #tpu.memory_space<vmem>>, vector<1x10xf32>
      %add3A_75 = vector.broadcast %get3A_74 : vector<1x10xf32> to vector<64x10xf32>
      %add3A_76 = arith.addf %dot_general3A_71, %add3A_75 : vector<64x10xf32>
      %reduce_max3A = arith.constant dense<0xFF800000> : vector<64xf32>
      %reduce_max3A_77 = vector.multi_reduction <maximumf>, %add3A_76, %reduce_max3A [1] : vector<64x10xf32> to vector<64xf32>
      %broadcast_in_dim3A_78 = vector.shape_cast %reduce_max3A_77 : vector<64xf32> to vector<64x1xf32>
      %sub3A = vector.broadcast %broadcast_in_dim3A_78 : vector<64x1xf32> to vector<64x10xf32>
      %sub3A_79 = arith.subf %add3A_76, %sub3A : vector<64x10xf32>
      %exp3A = math.exp %sub3A_79 : vector<64x10xf32>
      %reduce_sum3A_80 = arith.constant dense<0.000000e+00> : vector<64xf32>
      %reduce_sum3A_81 = vector.multi_reduction <add>, %exp3A, %reduce_sum3A_80 [1] : vector<64x10xf32> to vector<64xf32>
      %broadcast_in_dim3A_82 = vector.shape_cast %reduce_sum3A_81 : vector<64xf32> to vector<64x1xf32>
      %div3A_83 = vector.broadcast %broadcast_in_dim3A_82 : vector<64x1xf32> to vector<64x10xf32>
      %div3A_84 = arith.divf %exp3A, %div3A_83 : vector<64x10xf32>
      %swap3A_85 = arith.constant 0 : index
      %swap3A_86 = arith.constant 0 : index
      %swap3A_87 = vector.load %arg9[%swap3A_85, %swap3A_86] : memref<64x10xf32, #tpu.memory_space<vmem>>, vector<64x10xf32>
      tpu.vector_store %arg9[%swap3A_85, %swap3A_86], %div3A_84 {strides = array<i32>} : memref<64x10xf32, #tpu.memory_space<vmem>>, vector<64x10xf32>,
    } else {
    }
    return
  }
  func.func @transform_0(%arg0: i32) -> (i32, i32, i32) {
    %c0_i32 = arith.constant 0 : i32
    %c0_i32_0 = arith.constant 0 : i32
    %c0_i32_1 = arith.constant 0 : i32
    return %c0_i32, %arg0, %c0_i32_0 : i32, i32, i32
  }
  func.func @transform_1(%arg0: i32) -> (i32, i32, i32) {
    %c1_i32 = arith.constant 1 : i32
    %c0_i32 = arith.constant 0 : i32
    %c0_i32_0 = arith.constant 0 : i32
    return %c1_i32, %arg0, %c0_i32 : i32, i32, i32
  }
  func.func @transform_2(%arg0: i32) -> (i32, i32) {
    %c0_i32 = arith.constant 0 : i32
    %c0_i32_0 = arith.constant 0 : i32
    return %arg0, %c0_i32 : i32, i32
  }
  func.func @transform_3(%arg0: i32) -> (i32, i32) {
    %c0_i32 = arith.constant 0 : i32
    %c0_i32_0 = arith.constant 0 : i32
    return %arg0, %c0_i32 : i32, i32
  }
  func.func @transform_4(%arg0: i32) -> (i32, i32) {
    %c0_i32 = arith.constant 0 : i32
    %c0_i32_0 = arith.constant 0 : i32
    %c0_i32_1 = arith.constant 0 : i32
    return %c0_i32, %c0_i32_0 : i32, i32
  }
  func.func @transform_5(%arg0: i32) -> (i32, i32, i32) {
    %c0_i32 = arith.constant 0 : i32
    %c0_i32_0 = arith.constant 0 : i32
    %c0_i32_1 = arith.constant 0 : i32
    return %arg0, %c0_i32, %c0_i32_0 : i32, i32, i32
  }
  func.func @transform_6(%arg0: i32) -> (i32, i32) {
    %c0_i32 = arith.constant 0 : i32
    %c0_i32_0 = arith.constant 0 : i32
    %c0_i32_1 = arith.constant 0 : i32
    return %c0_i32, %c0_i32_0 : i32, i32
  }
  func.func @transform_7(%arg0: i32) -> (i32, i32) {
    %c0_i32 = arith.constant 0 : i32
    %c0_i32_0 = arith.constant 0 : i32
    %c0_i32_1 = arith.constant 0 : i32
    return %c0_i32, %c0_i32_0 : i32, i32
  }
  func.func @transform_8(%arg0: i32) -> (i32, i32) {
    %c0_i32 = arith.constant 0 : i32
    %c0_i32_0 = arith.constant 0 : i32
    %c0_i32_1 = arith.constant 0 : i32
    return %c0_i32, %c0_i32_0 : i32, i32
  }
}

</mosaic_0001>

<sc_bundles>
// kernel: kernel.11.cloned.1.call-start
scs
__scs_entry_jumppad:
0x0: {  	(pc) =	sbr.rel $0x88, $3  }
0x1: {  	(tag) =	ssettag $0x0;
	lr =	simm.s32 $0x1  }
0x2: {  	[smem:$0x3F96] =	sst lr;
	_ =	strace $0xD0000000  }
0x3: {  	_ = 	snop  }
0x4: {  	_ = 	snop  }
0x5: {  	_ = 	snop  }
0x6: {  	_ = 	snop  }
0x7: {  	_ = 	snop  }
__scs_overlays_trampoline_lowered:
0x8: {  	[smem:$0x3FA5] =	sst s0  }
0x9: {  	[smem:$0x3FA6] =	sst s1  }
0xa: {  	[smem:$0x3FA7] =	sst s2  }
0xb: {  	[smem:$0x3FA8] =	sst s3  }
0xc: {  	[smem:$0x3FA9] =	sst s4  }
0xd: {  	[smem:$0x3FAA] =	sst s5  }
0xe: {  	[smem:$0x3FAB] =	sst s6  }
0xf: {  	[smem:$0x3FAC] =	sst s7  }
0x10: {  	[smem:$0x3FAD] =	sst s8  }
0x11: {  	[smem:$0x3FAE] =	sst s9;
	s0 =	simm.s32 @!p0 $0x0  }
0x12: {  	s1 =	sld [smem:$0x3F94];
	s0 =	simm.s32 @p0 $0x1  }
0x13: {  	[smem:$0x3FAF] =	sst s0;
	s0 =	simm.s32 @!p1 $0x0  }
0x14: {  	s2 =	sld [smem:$0x3F93];
	s0 =	simm.s32 @p1 $0x1  }
0x15: {  	[smem:$0x3FB0] =	sst s0;
	s0 =	simm.s32 @!p2 $0x0  }
0x16: {  	s3 =	sld [smem:$0x3FDB];
	s0 =	simm.s32 @p2 $0x1  }
0x17: {  	s4 =	simm.s32 $0x1BF5;
	[smem:$0x3FB2] =	sst s0  }
0x18: {  	s0 =	sld [smem:$0x3F95];
	_ =	swait.ge [sflag:s4], $0x0  }
0x19: {  	s7 =	sld [smem:$0x3F96]  }
0x1a: {  	s8 =	sadd.s32 $0xFFFFE003, lr  }
0x1b: {  	s9 =	sadd.s32 $0xFFFFFEF7, lr;
	s5 =	simm.s32 $0xFFFFFFFF;
	p2 =	slt.u32 s8, $0xFFFFF086  }
0x1c: {  	p1 =	slt.u32 s9, $0xF7A;
	s5 =	simm.s32 @!p2 $0x0  }
0x1d: {  	s5 =	simm.s32 @p1 $0x1;
	p0 =	seq.s32 s7, s2  }
0x1e: {  	s7 =	smul.u32 @!p0 $0xF7A, s2;
	p2 =	seq.s32 @!p0 s5, $0x0  }
0x1f: {  	s9 =	smul.u32 $0xF7A, s1;
	s8 =	simm.s32 @!p0 $0x1BF5;
	p2 =	por !p2, p0  }
0x20: {  	[sflag:s8] =	ssyncset.s32 @!p0 $0xFFFFF086;
	s6 =	sadd.s32 @!p0 s3, s7;
	s7 =	simm.s32 @!p0 $0x108  }
0x21: {  	s3 =	sadd.s32 s3, s9;
	s6 =	sadd.s32 @!p0 $0x88, s6;
	s7 =	simm.s32 @p2 $0x1082  }
0x22: {  	[simem:s7], [sflag:s8] =	dma.local @!p0 [hbm:s6], $0xF7A  }
0x23: {  	s9 =	sor.u32 $0xD0000000, s2;
	s6 =	simm.s32 $0x108;
	_ =	swait.ge @!p0 [sflag:s8], $0x0  }
0x24: {  	s3 =	sadd.s32 $0x88, s3;
	s6 =	simm.s32 @!p1 $0x1082;
	[sflag:s4] =	ssyncset.s32 $0xFFFFF086  }
0x25: {  	[simem:s6], [sflag:s4] =	dma.local [hbm:s3], $0xF7A  }
0x26: {  	[smem:$0x3F96] =	sst s1;
	(tag) =	ssettag s2;
	_ =	strace s9  }
0x27: {  	s1 =	sld [smem:$0x3FA6]  }
0x28: {  	s2 =	sld [smem:$0x3FA7]  }
0x29: {  	s4 =	sld [smem:$0x3FA9]  }
0x2a: {  	p0 =	seq.s32 s5, $0x0;
	s5 =	sld [smem:$0x3FAA]  }
0x2b: {  	s6 =	sld [smem:$0x3FAB]  }
0x2c: {  	s7 =	sld [smem:$0x3FAC]  }
0x2d: {  	s3 =	simm.s32 $0x108;
	s8 =	sld [smem:$0x3FAD]  }
0x2e: {  	s3 =	simm.s32 @!p0 $0x1082;
	s9 =	sld [smem:$0x3FAE]  }
0x2f: {  	lr =	sadd.s32 s0, s3;
	s0 =	sld [smem:$0x3FA5]  }
0x30: {  	s3 =	sld [smem:$0x3FA8]  }
0x31: {  	[smem:$0x3FB1] =	sst s10  }
0x32: {  	s10 =	sld [smem:$0x3FAF];
	_ =	sdelay $0x3  }
0x33: {  	p0 =	seq.s32 s10, $0x1;
	s10 =	sld [smem:$0x3FB1];
	_ =	sdelay $0x3  }
0x34: {  	[smem:$0x3FB1] =	sst s10  }
0x35: {  	s10 =	sld [smem:$0x3FB0];
	_ =	sdelay $0x3  }
0x36: {  	p1 =	seq.s32 s10, $0x1;
	s10 =	sld [smem:$0x3FB1];
	_ =	sdelay $0x3  }
0x37: {  	[smem:$0x3FB1] =	sst s10  }
0x38: {  	s10 =	sld [smem:$0x3FB2]  }
0x39: {  	_ = 	snop;
	(pc) =	sbr.ind lr, $3  }
0x3a: {  	_ = 	snop  }
0x3b: {  	_ = 	snop  }
0x3c: {  	p2 =	seq.s32 s10, $0x1;
	s10 =	sld [smem:$0x3FB1]  }
0x3d: {  	_ =	shalt  }
0x3e: {  	_ =	shalt  }
0x3f: {  	_ =	shalt  }
0x40: {  	_ =	shalt  }
0x41: {  	_ =	shalt  }
0x42: {  	_ =	shalt  }
0x43: {  	_ =	shalt  }
0x44: {  	_ =	shalt  }
0x45: {  	_ =	shalt  }
0x46: {  	_ =	shalt  }
0x47: {  	_ =	shalt  }
0x48: {  	_ =	shalt  }
0x49: {  	_ =	shalt  }
0x4a: {  	_ =	shalt  }
0x4b: {  	_ =	shalt  }
0x4c: {  	_ =	shalt  }
0x4d: {  	_ =	shalt  }
0x4e: {  	_ =	shalt  }
0x4f: {  	_ =	shalt  }
0x50: {  	_ =	shalt  }
0x51: {  	_ =	shalt  }
0x52: {  	_ =	shalt  }
0x53: {  	_ =	shalt  }
0x54: {  	_ =	shalt  }
0x55: {  	_ =	shalt  }
0x56: {  	_ =	shalt  }
0x57: {  	_ =	shalt  }
0x58: {  	_ =	shalt  }
0x59: {  	_ =	shalt  }
0x5a: {  	_ =	shalt  }
0x5b: {  	_ =	shalt  }
0x5c: {  	_ =	shalt  }
0x5d: {  	_ =	shalt  }
0x5e: {  	_ =	shalt  }
0x5f: {  	_ =	shalt  }
0x60: {  	_ =	shalt  }
0x61: {  	_ =	shalt  }
0x62: {  	_ =	shalt  }
0x63: {  	_ =	shalt  }
0x64: {  	_ =	shalt  }
0x65: {  	_ =	shalt  }
0x66: {  	_ =	shalt  }
0x67: {  	_ =	shalt  }
0x68: {  	_ =	shalt  }
0x69: {  	_ =	shalt  }
0x6a: {  	_ =	shalt  }
0x6b: {  	_ =	shalt  }
0x6c: {  	_ =	shalt  }
0x6d: {  	_ =	shalt  }
0x6e: {  	_ =	shalt  }
0x6f: {  	_ =	shalt  }
0x70: {  	_ =	shalt  }
0x71: {  	_ =	shalt  }
0x72: {  	_ =	shalt  }
0x73: {  	_ =	shalt  }
0x74: {  	_ =	shalt  }
0x75: {  	_ =	shalt  }
0x76: {  	_ =	shalt  }
0x77: {  	_ =	shalt  }
0x78: {  	_ =	shalt  }
0x79: {  	_ =	shalt  }
0x7a: {  	_ =	shalt  }
0x7b: {  	_ =	shalt  }
0x7c: {  	_ =	shalt  }
0x7d: {  	_ =	shalt  }
0x7e: {  	_ =	shalt  }
0x7f: {  	_ =	shalt  }
0x80: {  	_ =	shalt  }
0x81: {  	_ =	shalt  }
0x82: {  	_ =	shalt  }
0x83: {  	_ =	shalt  }
0x84: {  	_ =	shalt  }
0x85: {  	_ =	shalt  }
0x86: {  	_ =	shalt  }
0x87: {  	_ =	shalt  }
.Lfunc_end0:
.L_simem_size_0:
called_computation_lowered:
.L_overlay_start_0:
0x88: {  	s2 =	sld [smem:$0x3FD9]  }
0x89: {  	s3 =	sld [smem:$0x3FFE];
	_ =	sdelay $0x1  }
0x8a: {  	s1 =	srdreg.scid  }
0x8b: {  	s0 =	sand.u32 $0x1, s1  }
0x8c: {  	s16 =	sshll.u32 s0, $0xA;
	s2 =	sadd.s32 s3, s2  }
0x8d: {  	s2 =	sadd.s32 s2, s16  }
0x8e: {  	[smem:$0x3FBD] =	sst s2  }
0x8f: {  	_ = 	snop  }
0x90: {  	(tm) =	ssettm $0x1  }
0x91: {  	s17 =	sld [smem:$0x3FFB];
	_ =	sdelay $0x3  }
0x92: {  	_ =	strace s17  }
0x93: {  	s2 =	sld [smem:$0x3FFC];
	_ =	sdelay $0x3  }
0x94: {  	_ =	strace s2  }
0x95: {  	s2 =	sld [smem:$0x3FFD];
	_ =	sdelay $0x3  }
0x96: {  	_ =	strace s2  }
0x97: {  	_ =	strace $0x8FFFFFFF  }
0x98: {  	s18 =	sld [smem:$0x3FDB];
	_ =	sdelay $0x1  }
0x99: {  	s19 =	simm.s32 $_scs_section_size  }
0x9a: {  	s4 =	simm.s32 $_size__tile_overlayer_lowered;
	s5 =	simm.s32 $_tile_overlayer_lowered  }
0x9b: {  	s22 =	simm.s32 $0x1BFF;
	s21 =	sshll.u32 s5, $0x1;
	s2 =	sadd.s32 s19, s18  }
0x9c: {  	s6 =	simm.s32 $0x0;
	s20 =	sshll.u32 s4, $0x1;
	s4 =	sadd.s32 s21, s2  }
0x9d: {  	[timem:s6], [sflag:s22] =	dma.local [hbm:s4], s20  }
0x9e: {  	_ =	swait.ge [sflag:s22], s20  }
0x9f: {  	s3 =	ssub.s32 $0x0, s20;
	[sflag:s22] =	ssyncset.done $0x0  }
0xa0: {  	[sflag:s22] =	ssyncadd.s32 s3;
	_ =	sdelay $0x1  }
0xa1: {  	s23 =	simm.s32 $0x1B8B  }
0xa2: {  	_ =	swait.ge [sflag:s23], $0x1  }
0xa3: {  	[sflag:s23] =	ssyncset.done $0x0  }
0xa4: {  	s25 =	simm.s32 $0x1B8E;
	s24 =	sld [smem:$0x3FFE];
	[sflag:s23] =	ssyncadd.s32 $0xFFFFFFFF  }
0xa5: {  	s26 =	simm.s32 $execute0_lowered;
	[smem:$0x3FD2] =	sst s25  }
0xa6: {  	s4 =	sshll.u32 s26, $0x1;
	_ =	strace $0x80000046;
	[dreg:$0x1] =	wrdreg $0xFFFFFFFF  }
0xa7: {  	s28 =	simm.s32 $_size_execute0_lowered;
	s2 =	sadd.s32 s2, s4;
	[dreg:$0x0] =	wrdreg $0x0  }
0xa8: {  	s4 =	sshll.u32 s28, $0x1;
	[dreg:$0x2] =	wrdreg s2  }
0xa9: {  	[dreg:$0x3] =	wrdreg s4  }
0xaa: {  	[dreg:$0x4] =	wrdreg $0xC0  }
0xab: {  	_ =	task [dreg:s6], $0x5FFFF  }
0xac: {  	[dreg:$0x1] =	wrdreg $0xFFFFFFFF  }
0xad: {  	[dreg:$0x0] =	wrdreg $0x60  }
0xae: {  	[dreg:$0x2] =	wrdreg s24  }
0xaf: {  	[dreg:$0x3] =	wrdreg $0x2C100  }
0xb0: {  	[dreg:$0x4] =	wrdreg $0x9  }
0xb1: {  	_ =	task.clear_ibuf [dreg:s6], $0x5FFFF;
	_ =	strace $0x90000046  }
0xb2: {  	s29 =	simm.s32 $0x9;
	_ =	strace $0x80000048  }
0xb3: {  	_ =	swait.ge [sflag:s29], $0x1  }
0xb4: {  	[sflag:s29] =	ssyncadd.s32 $0xFFFFFFFF  }
0xb5: {  	_ =	strace $0x90000048  }
0xb6: {  	_ =	sfence  }
0xb7: {  	s30 =	sld [smem:$0x0];
	_ =	sdelay $0x2  }
0xb8: {  	s31 =	sshll.u32 s1, $0xD;
	s1 =	sshrl.u32 s1, $0x2  }
0xb9: {  	s3 =	sand.u32 $0x4000, s31;
	s1 =	sadd.s32 s1, s30  }
0xba: {  	s0 =	sor.u32 s3, s0;
	s1 =	sshll.u32 s1, $0x11  }
0xbb: {  	s0 =	sor.u32 s1, s0  }
0xbc: {  	s0 =	sadd.s32 $0x8F2B, s0  }
0xbd: {  	[sflag:s0] =	ssyncadd.remote.s32 $0x1  }
0xbe: {  	_ =	sfence.sel $0xFFFF  }
0xbf: {  	[dreg:$0x0] =	wrdreg $0xFFFFFFFF;
	(pc) =	sbr.abs _section_cstart, $3  }
0xc0: {  	[dreg:$0x1] =	wrdreg $0xFFFFFFFF  }
0xc1: {  	_ =	task.clear_ibuf [dreg:s6], $0x2FFFF;
	_ =	strace $0x9FFFFFFF  }
0xc2: {  	(tm) =	ssettm $0x7FFFFFFF  }
0xc3: {  	_ =	shalt  }
tec
execute0_lowered:
.L_overlay_start_1:
0x0: {  	(tag) =	ssettag $0x1  }
0x1: {  	s0 =	srdreg.scid;
	s5 =	rddreg [dreg:$0x0]  }
0x2: {  	s2 =	rddreg [dreg:$0x1];
	s4 =	sand.u32 $0x1, s0;
	s0 =	stileid.u32  }
0x3: {  	s3 =	simm.s32 $0x0;
	s12 =	simm.s32 $0x2710;
	s7 =	smul.u32 $0x2800, s0  }
0x4: {  	s13 =	simm.s32 $0x1;
	[smem:$0x7FF] =	sst s3;
	s8 =	smul.u32 $0x500, s0  }
0x5: {  	s1 =	sshll.u32 s4, $0x4;
	s9 =	smul.u32 $0x5000, s4;
	s4 =	ssub.s32 $0x2, s4  }
0x6: {  	s31 =	sshll.u32 s0, $0x6;
	s1 =	sor.u32 s0, s1;
	s30 =	sshrl.u32 s4, $0x1  }
0x7: {  	s6 =	smul.u32 $0x4E2, s1;
	s1 =	rddreg [dreg:$0x2];
	_ =	strace $0x80000047  }
0x8: {  	s10 =	sshrl.u32 s7, $0x3;
	s8 =	sadd.s32 s8, s9;
	s9 =	ssub.s32 s4, s30  }
0x9: {  	s11 =	sadd.s32 s7, s2;
	s10 =	sadd.s32 s10, s5;
	s8 =	sadd.s32 s8, s5  }
0xa: {  	s6 =	sadd.s32 s6, s5;
	s4 =	sadd.s32 $0xD200, s10;
	s5 =	sor.u32 $0x1C02, s31  }
0xb: {  	s7 =	sadd.s32 $0x12200, s8;
	s8 =	smax.u32 s9, $0x1;
	s9 =	sshrl.u32 s11, $0x3  }
0xc: {  	v0 =	vimm.f32 $1.000000000e+00;
	s10 =	simm.s32 $0x2;
	s11 =	simm.s32 $0x50;
	s6 =	sadd.s32 $0x3400, s6  }
.LBB2_1:
0xd: {  	s14 =	simm.s32 $0x40;
	s15 =	simm.s32 $0x0  }
.LBB2_2:
0xe: {  	p0 =	sne.s32 s14, $0x13C0;
	[tilespmem:s15+$0x2710] =	vst v0;
	s15 =	smov.u32 s14;
	s14 =	sadd.s32 $0x40, s14  }
.Ltmp0:
0xf: {  	(pc) =	sbr.rel @p0 .LBB2_2-.Ltmp0, $2  }
0x10: {  	_ =	sdelay $0x2  }
0x11: {  	s15 =	sshra.s32 s15, $0x2  }
0x12: {  	[tilespmem:s15+$0x2710] =	vst v0  }
0x13: {  	[spmem:s9], [sflag:s5] =	dma.local [hbm:s4], $0x500  }
0x14: {  	_ =	swait.ge [sflag:s10], $0x500  }
0x15: {  	[sflag:s10] =	ssyncset.done $0x0  }
0x16: {  	s14 =	simm.s32 $0x0;
	[sflag:s10] =	ssyncadd.s32 $0xFFFFFB00  }
0x17: {  	[tilespmem:s14], [sflag:$0x2] =	stream.linear.gather [hbm4b:s6+s14], $0x2710, $0x38;
	[tilespmem:$0x5410] =	vst v63  }
0x18: {  	_ =	swait.ge [sflag:s10], $0x2710  }
0x19: {  	[sflag:s10] =	ssyncset.done $0x0  }
0x1a: {  	[sflag:s10] =	ssyncadd.s32 $0xFFFFD8F0  }
0x1b: {  	[bflag:$0x0] =	sbarrier.arrive $0xFFFF  }
.LBB2_4:
0x1c: {  	p0 =	sne.s32 s14, $0x9B00  }
.Ltmp1:
0x1d: {  	_ = 	snop;
	(pc) =	sbr.rel @p0 .LBB2_4-.Ltmp1, $3  }
0x1e: {  	_ =	sdelay $0x1  }
0x1f: {  	s15 =	sshra.s32 s14, $0x2;
	s14 =	sadd.s32 $0x140, s14  }
0x20: {  	[spmem:s2] =	stream.indirect.scatter.add.f32 [tilespmem:s12], [sflag:$0x1], $0x10, s15, s11, $0xb8;
	[tilespmem:$0x5410] =	vst v63  }
0x21: {  	_ =	swait.ge [sflag:s13], $0x500  }
0x22: {  	s14 =	simm.s32 $0x7C;
	[sflag:s13] =	ssyncset.done $0x0  }
.LBB2_6:
0x23: {  	p0 =	sne.s32 s14, $0x1;
	s14 =	sadd.s32 $0xFFFFFFFF, s14;
	[sflag:s13] =	ssyncadd.s32 $0xFFFFFB00  }
.Ltmp2:
0x24: {  	(pc) =	sbr.rel @p0 .LBB2_6-.Ltmp2, $3  }
0x25: {  	_ =	sdelay $0x1  }
0x26: {  	_ =	swait.ge [sflag:s13], $0x500  }
0x27: {  	[sflag:s13] =	ssyncset.done $0x0  }
0x28: {  	s3 =	sadd.s32 $0x1, s3  }
0x29: {  	[sflag:s13] =	ssyncadd.s32 $0xFFFFFB00;
	p0 =	sne.s32 s3, s8  }
.Ltmp3:
0x2a: {  	[bflag:$0x0] =	sbarrier.arrive $0xFFFF;
	(pc) =	sbr.rel @p0 .LBB2_1-.Ltmp3, $4  }
0x2b: {  	[hbm:s7], [sflag:s5] =	dma.local [spmem:s9], $0x500  }
0x2c: {  	_ =	swait.ge [sflag:s10], $0x500  }
0x2d: {  	[sflag:s10] =	ssyncset.done $0x0  }
0x2e: {  	[sflag:s10] =	ssyncadd.s32 $0xFFFFFB00  }
0x2f: {  	_ =	sfence.sel $0x180000  }
0x30: {  	[bflag:$0x0] =	sbarrier.arrive $0xFFFF  }
0x31: {  	p0 =	sne.s32 s0, $0x0;
	_ =	strace $0x90000047  }
0x32: {  	s0 =	sadd.s32 @!p0 $0x100000, s1;
	[bflag:$0x2] =	sbarrier.arrive $0xFFFF  }
0x33: {  	[sflag:s0] =	ssyncadd.tile.s32 @!p0 $0x1;
	_ =	shalt  }
.Lfunc_end2:
_tile_overlayer_lowered:
.L_overlay_start_2:
0x34: {  	(tag) =	ssettag $0x2  }
0x35: {  	s0 =	rddreg [dreg:$0x0];
	s2 =	stileid.u32  }
0x36: {  	s1 =	rddreg [dreg:$0x1];
	p0 =	sne.s32 s2, $0x0  }
0x37: {  	s3 =	rddreg [dreg:$0x2];
	[bflag:$0x3] =	sbarrier.arrive $0xFFFF;
	s2 =	simm.s32 @!p0 $0x1C02  }
0x38: {  	[timem:s3], [sflag:s2] =	dma.local @!p0 [hbm:s0], s1  }
0x39: {  	s0 =	simm.s32 @!p0 $0x2  }
0x3a: {  	_ =	swait.ge @!p0 [sflag:s0], s1  }
0x3b: {  	s1 =	ssub.s32 @!p0 $0x0, s1;
	[sflag:s0] =	ssyncset.done @!p0 $0x0  }
0x3c: {  	[sflag:s0] =	ssyncadd.s32 @!p0 s1  }
0x3d: {  	[bflag:$0x3] =	sbarrier.arrive $0xFFFF  }
0x3e: {  	_ =	shalt  }

// kernel: kernel.14.cloned.1.call-start
scs
__scs_entry_jumppad:
0x0: {  	(pc) =	sbr.rel $0x88, $3  }
0x1: {  	(tag) =	ssettag $0x0;
	lr =	simm.s32 $0x1  }
0x2: {  	[smem:$0x3F96] =	sst lr;
	_ =	strace $0xD0000000  }
0x3: {  	_ = 	snop  }
0x4: {  	_ = 	snop  }
0x5: {  	_ = 	snop  }
0x6: {  	_ = 	snop  }
0x7: {  	_ = 	snop  }
__scs_overlays_trampoline_lowered:
0x8: {  	[smem:$0x3FA5] =	sst s0  }
0x9: {  	[smem:$0x3FA6] =	sst s1  }
0xa: {  	[smem:$0x3FA7] =	sst s2  }
0xb: {  	[smem:$0x3FA8] =	sst s3  }
0xc: {  	[smem:$0x3FA9] =	sst s4  }
0xd: {  	[smem:$0x3FAA] =	sst s5  }
0xe: {  	[smem:$0x3FAB] =	sst s6  }
0xf: {  	[smem:$0x3FAC] =	sst s7  }
0x10: {  	[smem:$0x3FAD] =	sst s8  }
0x11: {  	[smem:$0x3FAE] =	sst s9;
	s0 =	simm.s32 @!p0 $0x0  }
0x12: {  	s1 =	sld [smem:$0x3F94];
	s0 =	simm.s32 @p0 $0x1  }
0x13: {  	[smem:$0x3FAF] =	sst s0;
	s0 =	simm.s32 @!p1 $0x0  }
0x14: {  	s2 =	sld [smem:$0x3F93];
	s0 =	simm.s32 @p1 $0x1  }
0x15: {  	[smem:$0x3FB0] =	sst s0;
	s0 =	simm.s32 @!p2 $0x0  }
0x16: {  	s3 =	sld [smem:$0x3FDB];
	s0 =	simm.s32 @p2 $0x1  }
0x17: {  	s4 =	simm.s32 $0x1BF5;
	[smem:$0x3FB2] =	sst s0  }
0x18: {  	s0 =	sld [smem:$0x3F95];
	_ =	swait.ge [sflag:s4], $0x0  }
0x19: {  	s7 =	sld [smem:$0x3F96]  }
0x1a: {  	s8 =	sadd.s32 $0xFFFFE003, lr  }
0x1b: {  	s9 =	sadd.s32 $0xFFFFFEF7, lr;
	s5 =	simm.s32 $0xFFFFFFFF;
	p2 =	slt.u32 s8, $0xFFFFF086  }
0x1c: {  	p1 =	slt.u32 s9, $0xF7A;
	s5 =	simm.s32 @!p2 $0x0  }
0x1d: {  	s5 =	simm.s32 @p1 $0x1;
	p0 =	seq.s32 s7, s2  }
0x1e: {  	s7 =	smul.u32 @!p0 $0xF7A, s2;
	p2 =	seq.s32 @!p0 s5, $0x0  }
0x1f: {  	s9 =	smul.u32 $0xF7A, s1;
	s8 =	simm.s32 @!p0 $0x1BF5;
	p2 =	por !p2, p0  }
0x20: {  	[sflag:s8] =	ssyncset.s32 @!p0 $0xFFFFF086;
	s6 =	sadd.s32 @!p0 s3, s7;
	s7 =	simm.s32 @!p0 $0x108  }
0x21: {  	s3 =	sadd.s32 s3, s9;
	s6 =	sadd.s32 @!p0 $0x88, s6;
	s7 =	simm.s32 @p2 $0x1082  }
0x22: {  	[simem:s7], [sflag:s8] =	dma.local @!p0 [hbm:s6], $0xF7A  }
0x23: {  	s9 =	sor.u32 $0xD0000000, s2;
	s6 =	simm.s32 $0x108;
	_ =	swait.ge @!p0 [sflag:s8], $0x0  }
0x24: {  	s3 =	sadd.s32 $0x88, s3;
	s6 =	simm.s32 @!p1 $0x1082;
	[sflag:s4] =	ssyncset.s32 $0xFFFFF086  }
0x25: {  	[simem:s6], [sflag:s4] =	dma.local [hbm:s3], $0xF7A  }
0x26: {  	[smem:$0x3F96] =	sst s1;
	(tag) =	ssettag s2;
	_ =	strace s9  }
0x27: {  	s1 =	sld [smem:$0x3FA6]  }
0x28: {  	s2 =	sld [smem:$0x3FA7]  }
0x29: {  	s4 =	sld [smem:$0x3FA9]  }
0x2a: {  	p0 =	seq.s32 s5, $0x0;
	s5 =	sld [smem:$0x3FAA]  }
0x2b: {  	s6 =	sld [smem:$0x3FAB]  }
0x2c: {  	s7 =	sld [smem:$0x3FAC]  }
0x2d: {  	s3 =	simm.s32 $0x108;
	s8 =	sld [smem:$0x3FAD]  }
0x2e: {  	s3 =	simm.s32 @!p0 $0x1082;
	s9 =	sld [smem:$0x3FAE]  }
0x2f: {  	lr =	sadd.s32 s0, s3;
	s0 =	sld [smem:$0x3FA5]  }
0x30: {  	s3 =	sld [smem:$0x3FA8]  }
0x31: {  	[smem:$0x3FB1] =	sst s10  }
0x32: {  	s10 =	sld [smem:$0x3FAF];
	_ =	sdelay $0x3  }
0x33: {  	p0 =	seq.s32 s10, $0x1;
	s10 =	sld [smem:$0x3FB1];
	_ =	sdelay $0x3  }
0x34: {  	[smem:$0x3FB1] =	sst s10  }
0x35: {  	s10 =	sld [smem:$0x3FB0];
	_ =	sdelay $0x3  }
0x36: {  	p1 =	seq.s32 s10, $0x1;
	s10 =	sld [smem:$0x3FB1];
	_ =	sdelay $0x3  }
0x37: {  	[smem:$0x3FB1] =	sst s10  }
0x38: {  	s10 =	sld [smem:$0x3FB2]  }
0x39: {  	_ = 	snop;
	(pc) =	sbr.ind lr, $3  }
0x3a: {  	_ = 	snop  }
0x3b: {  	_ = 	snop  }
0x3c: {  	p2 =	seq.s32 s10, $0x1;
	s10 =	sld [smem:$0x3FB1]  }
0x3d: {  	_ =	shalt  }
0x3e: {  	_ =	shalt  }
0x3f: {  	_ =	shalt  }
0x40: {  	_ =	shalt  }
0x41: {  	_ =	shalt  }
0x42: {  	_ =	shalt  }
0x43: {  	_ =	shalt  }
0x44: {  	_ =	shalt  }
0x45: {  	_ =	shalt  }
0x46: {  	_ =	shalt  }
0x47: {  	_ =	shalt  }
0x48: {  	_ =	shalt  }
0x49: {  	_ =	shalt  }
0x4a: {  	_ =	shalt  }
0x4b: {  	_ =	shalt  }
0x4c: {  	_ =	shalt  }
0x4d: {  	_ =	shalt  }
0x4e: {  	_ =	shalt  }
0x4f: {  	_ =	shalt  }
0x50: {  	_ =	shalt  }
0x51: {  	_ =	shalt  }
0x52: {  	_ =	shalt  }
0x53: {  	_ =	shalt  }
0x54: {  	_ =	shalt  }
0x55: {  	_ =	shalt  }
0x56: {  	_ =	shalt  }
0x57: {  	_ =	shalt  }
0x58: {  	_ =	shalt  }
0x59: {  	_ =	shalt  }
0x5a: {  	_ =	shalt  }
0x5b: {  	_ =	shalt  }
0x5c: {  	_ =	shalt  }
0x5d: {  	_ =	shalt  }
0x5e: {  	_ =	shalt  }
0x5f: {  	_ =	shalt  }
0x60: {  	_ =	shalt  }
0x61: {  	_ =	shalt  }
0x62: {  	_ =	shalt  }
0x63: {  	_ =	shalt  }
0x64: {  	_ =	shalt  }
0x65: {  	_ =	shalt  }
0x66: {  	_ =	shalt  }
0x67: {  	_ =	shalt  }
0x68: {  	_ =	shalt  }
0x69: {  	_ =	shalt  }
0x6a: {  	_ =	shalt  }
0x6b: {  	_ =	shalt  }
0x6c: {  	_ =	shalt  }
0x6d: {  	_ =	shalt  }
0x6e: {  	_ =	shalt  }
0x6f: {  	_ =	shalt  }
0x70: {  	_ =	shalt  }
0x71: {  	_ =	shalt  }
0x72: {  	_ =	shalt  }
0x73: {  	_ =	shalt  }
0x74: {  	_ =	shalt  }
0x75: {  	_ =	shalt  }
0x76: {  	_ =	shalt  }
0x77: {  	_ =	shalt  }
0x78: {  	_ =	shalt  }
0x79: {  	_ =	shalt  }
0x7a: {  	_ =	shalt  }
0x7b: {  	_ =	shalt  }
0x7c: {  	_ =	shalt  }
0x7d: {  	_ =	shalt  }
0x7e: {  	_ =	shalt  }
0x7f: {  	_ =	shalt  }
0x80: {  	_ =	shalt  }
0x81: {  	_ =	shalt  }
0x82: {  	_ =	shalt  }
0x83: {  	_ =	shalt  }
0x84: {  	_ =	shalt  }
0x85: {  	_ =	shalt  }
0x86: {  	_ =	shalt  }
0x87: {  	_ =	shalt  }
.Lfunc_end0:
.L_simem_size_0:
called_computation.1_lowered:
.L_overlay_start_0:
0x88: {  	s2 =	sld [smem:$0x3FD9]  }
0x89: {  	s3 =	sld [smem:$0x3FFE];
	_ =	sdelay $0x1  }
0x8a: {  	s1 =	srdreg.scid  }
0x8b: {  	s0 =	sand.u32 $0x1, s1  }
0x8c: {  	s16 =	sshll.u32 s0, $0xA;
	s2 =	sadd.s32 s3, s2  }
0x8d: {  	s2 =	sadd.s32 s2, s16  }
0x8e: {  	[smem:$0x3FBD] =	sst s2  }
0x8f: {  	_ = 	snop  }
0x90: {  	(tm) =	ssettm $0x1  }
0x91: {  	s17 =	sld [smem:$0x3FFB];
	_ =	sdelay $0x3  }
0x92: {  	_ =	strace s17  }
0x93: {  	s2 =	sld [smem:$0x3FFC];
	_ =	sdelay $0x3  }
0x94: {  	_ =	strace s2  }
0x95: {  	s2 =	sld [smem:$0x3FFD];
	_ =	sdelay $0x3  }
0x96: {  	_ =	strace s2  }
0x97: {  	_ =	strace $0x8FFFFFFF  }
0x98: {  	s18 =	sld [smem:$0x3FDB];
	_ =	sdelay $0x1  }
0x99: {  	s19 =	simm.s32 $_scs_section_size  }
0x9a: {  	s4 =	simm.s32 $_size__tile_overlayer_lowered;
	s5 =	simm.s32 $_tile_overlayer_lowered  }
0x9b: {  	s22 =	simm.s32 $0x1BFF;
	s21 =	sshll.u32 s5, $0x1;
	s2 =	sadd.s32 s19, s18  }
0x9c: {  	s6 =	simm.s32 $0x0;
	s20 =	sshll.u32 s4, $0x1;
	s4 =	sadd.s32 s21, s2  }
0x9d: {  	[timem:s6], [sflag:s22] =	dma.local [hbm:s4], s20  }
0x9e: {  	_ =	swait.ge [sflag:s22], s20  }
0x9f: {  	s3 =	ssub.s32 $0x0, s20;
	[sflag:s22] =	ssyncset.done $0x0  }
0xa0: {  	[sflag:s22] =	ssyncadd.s32 s3;
	_ =	sdelay $0x1  }
0xa1: {  	s23 =	simm.s32 $0x1B8B  }
0xa2: {  	_ =	swait.ge [sflag:s23], $0x1  }
0xa3: {  	[sflag:s23] =	ssyncset.done $0x0  }
0xa4: {  	s25 =	simm.s32 $0x1B8E;
	s24 =	sld [smem:$0x3FFE];
	[sflag:s23] =	ssyncadd.s32 $0xFFFFFFFF  }
0xa5: {  	s26 =	simm.s32 $execute0_lowered;
	[smem:$0x3FD2] =	sst s25  }
0xa6: {  	s4 =	sshll.u32 s26, $0x1;
	_ =	strace $0x80000049;
	[dreg:$0x1] =	wrdreg $0xFFFFFFFF  }
0xa7: {  	s28 =	simm.s32 $_size_execute0_lowered;
	s2 =	sadd.s32 s2, s4;
	[dreg:$0x0] =	wrdreg $0x0  }
0xa8: {  	s4 =	sshll.u32 s28, $0x1;
	[dreg:$0x2] =	wrdreg s2  }
0xa9: {  	[dreg:$0x3] =	wrdreg s4  }
0xaa: {  	[dreg:$0x4] =	wrdreg $0xC0  }
0xab: {  	_ =	task [dreg:s6], $0x5FFFF  }
0xac: {  	[dreg:$0x1] =	wrdreg $0xFFFFFFFF  }
0xad: {  	[dreg:$0x0] =	wrdreg $0x60  }
0xae: {  	[dreg:$0x2] =	wrdreg s24  }
0xaf: {  	[dreg:$0x3] =	wrdreg $0xA2800  }
0xb0: {  	[dreg:$0x4] =	wrdreg $0x9  }
0xb1: {  	_ =	task.clear_ibuf [dreg:s6], $0x5FFFF;
	_ =	strace $0x90000049  }
0xb2: {  	s29 =	simm.s32 $0x9;
	_ =	strace $0x8000004B  }
0xb3: {  	_ =	swait.ge [sflag:s29], $0x1  }
0xb4: {  	[sflag:s29] =	ssyncadd.s32 $0xFFFFFFFF  }
0xb5: {  	_ =	strace $0x9000004B  }
0xb6: {  	_ =	sfence  }
0xb7: {  	s30 =	sld [smem:$0x0];
	_ =	sdelay $0x2  }
0xb8: {  	s31 =	sshll.u32 s1, $0xD;
	s1 =	sshrl.u32 s1, $0x2  }
0xb9: {  	s3 =	sand.u32 $0x4000, s31;
	s1 =	sadd.s32 s1, s30  }
0xba: {  	s0 =	sor.u32 s3, s0;
	s1 =	sshll.u32 s1, $0x11  }
0xbb: {  	s0 =	sor.u32 s1, s0  }
0xbc: {  	s0 =	sadd.s32 $0x8F2B, s0  }
0xbd: {  	[sflag:s0] =	ssyncadd.remote.s32 $0x1  }
0xbe: {  	_ =	sfence.sel $0xFFFF  }
0xbf: {  	[dreg:$0x0] =	wrdreg $0xFFFFFFFF;
	(pc) =	sbr.abs _section_cstart, $3  }
0xc0: {  	[dreg:$0x1] =	wrdreg $0xFFFFFFFF  }
0xc1: {  	_ =	task.clear_ibuf [dreg:s6], $0x2FFFF;
	_ =	strace $0x9FFFFFFF  }
0xc2: {  	(tm) =	ssettm $0x7FFFFFFF  }
0xc3: {  	_ =	shalt  }
tec
execute0_lowered:
.L_overlay_start_1:
0x0: {  	(tag) =	ssettag $0x1  }
0x1: {  	s0 =	rddreg [dreg:$0x0]  }
0x2: {  	s1 =	rddreg [dreg:$0x1];
	s3 =	simm.s32 $0x0;
	s2 =	stileid.u32  }
0x3: {  	s6 =	srdreg.scid;
	s16 =	simm.s32 $0x3;
	s17 =	simm.s32 $0x50  }
0x4: {  	s18 =	simm.s32 $0x280;
	s19 =	simm.s32 $0xA0;
	s28 =	simm.s32 $0x2  }
0x5: {  	s29 =	simm.s32 $0x190;
	s30 =	simm.s32 $0x230;
	s31 =	simm.s32 $0x0  }
0x6: {  	[smem:$0x7FF] =	sst s3;
	s4 =	sadd.s32 $0x2FC00, s0;
	s5 =	smul.u32 $0x14000, s2  }
0x7: {  	s13 =	sadd.s32 $0x1C200, s0;
	s9 =	sand.u32 $0x1, s6;
	s20 =	smul.u32 $0x2800, s2  }
0x8: {  	s22 =	sshll.u32 s2, $0x6;
	s26 =	smul.u32 $0x9C4, s2;
	_ =	strace $0x8000004A  }
0x9: {  	s8 =	smul.u32 $0x28000, s9;
	s10 =	sshll.u32 s9, $0x4;
	s11 =	ssub.s32 $0x2, s9  }
0xa: {  	s14 =	smul.u32 $0x9C40, s9;
	s7 =	sshrl.u32 s5, $0x3;
	s10 =	sor.u32 s2, s10  }
0xb: {  	s21 =	sshrl.u32 s11, $0x1;
	s15 =	sadd.s32 s5, s1;
	s7 =	sadd.s32 s7, s0  }
0xc: {  	s6 =	sadd.s32 s20, s8;
	s12 =	smul.u32 $0x4E20, s10;
	s11 =	ssub.s32 s11, s21  }
0xd: {  	s23 =	smul.u32 $0x9C4, s10;
	s14 =	sadd.s32 s14, s13;
	s15 =	sshrl.u32 s15, $0x3  }
0xe: {  	s20 =	simm.s32 $0x2A80;
	s21 =	simm.s32 $0x1;
	s0 =	sadd.s32 s6, s0  }
0xf: {  	s25 =	sadd.s32 $0x56E00, s7;
	s6 =	sor.u32 $0x1C03, s22;
	s14 =	sadd.s32 s26, s14  }
0x10: {  	s22 =	simm.s32 $0xF0;
	s26 =	simm.s32 $0x7A80;
	s24 =	sshrl.u32 s12, $0x3  }
0x11: {  	[dreg:$0x3] =	wrdreg s25;
	s7 =	sadd.s32 s13, s23;
	s9 =	sadd.s32 $0x7EE00, s0  }
0x12: {  	s23 =	simm.s32 $0x140;
	s25 =	simm.s32 $0x1E0;
	s10 =	sadd.s32 s13, s24  }
0x13: {  	s12 =	sadd.s32 $0x50, s7;
	s13 =	sadd.s32 $0x988, s7;
	s24 =	simm.s32 $0x5280  }
0x14: {  	s8 =	sadd.s32 $0x9B0, s10;
	s10 =	smax.u32 s11, $0x1;
	s11 =	sadd.s32 $0x28, s7  }
.LBB2_1:
0x15: {  	s0 =	rddreg [dreg:$0x3]  }
0x16: {  	[spmem:s15], [sflag:s6] =	dma.local [hbm:s0], $0x2800  }
0x17: {  	_ =	swait.ge [sflag:s16], $0x2800  }
0x18: {  	[sflag:s16] =	ssyncset.done $0x0  }
0x19: {  	[sflag:s16] =	ssyncadd.s32 $0xFFFFD800  }
0x1a: {  	[bflag:$0x0] =	sbarrier.arrive $0xFFFF  }
0x1b: {  	[tilespmem:s3], [sflag:$0x3] =	stream.linear.gather [hbm4b:s7+s3], $0x140, $0x38;
	[tilespmem:$0x1E280] =	vst v63  }
0x1c: {  	_ =	swait.ge [sflag:s16], $0x140  }
0x1d: {  	[sflag:s16] =	ssyncset.done $0x0  }
0x1e: {  	[sflag:s16] =	ssyncadd.s32 $0xFFFFFEC0  }
0x1f: {  	[tilespmem:s18], [sflag:$0x1] =	stream.indirect.gather [hbm4b:s4+s17], $0x80, s3, s17, $0xb8;
	[tilespmem:$0x1E280] =	vst v63  }
0x20: {  	_ = 	snop  }
0x21: {  	[tilespmem:s20], [sflag:$0x1] =	stream.indirect.gather [hbm4b:s4+s17], $0x80, s19, s17, $0xb8;
	[tilespmem:$0x1E280] =	vst v63  }
0x22: {  	_ =	swait.ge [sflag:s21], $0x2800  }
0x23: {  	[sflag:s21] =	ssyncset.done $0x0  }
0x24: {  	[sflag:s21] =	ssyncadd.s32 $0xFFFFD800  }
0x25: {  	_ =	swait.ge [sflag:s21], $0x2800  }
0x26: {  	[sflag:s21] =	ssyncset.done $0x0  }
0x27: {  	[sflag:s21] =	ssyncadd.s32 $0xFFFFD800  }
0x28: {  	[spmem:s1] =	stream.indirect.scatter.add.f32 [tilespmem:s18], [sflag:$0x2], $0x80, s17, s17, $0xb8;
	[tilespmem:$0x1E280] =	vst v63  }
0x29: {  	_ = 	snop  }
0x2a: {  	[spmem:s1] =	stream.indirect.scatter.add.f32 [tilespmem:s20], [sflag:$0x2], $0x80, s22, s17, $0xb8;
	[tilespmem:$0x1E280] =	vst v63  }
0x2b: {  	_ = 	snop  }
0x2c: {  	[tilespmem:s23], [sflag:$0x3] =	stream.linear.gather [hbm4b:s11+s3], $0x140, $0x38;
	[tilespmem:$0x1E280] =	vst v63  }
0x2d: {  	_ =	swait.ge [sflag:s16], $0x140  }
0x2e: {  	[sflag:s16] =	ssyncset.done $0x0  }
0x2f: {  	[sflag:s16] =	ssyncadd.s32 $0xFFFFFEC0  }
0x30: {  	[tilespmem:s24], [sflag:$0x1] =	stream.indirect.gather [hbm4b:s4+s17], $0x80, s23, s17, $0xb8;
	[tilespmem:$0x1E280] =	vst v63  }
0x31: {  	_ = 	snop  }
0x32: {  	[tilespmem:s26], [sflag:$0x1] =	stream.indirect.gather [hbm4b:s4+s17], $0x80, s25, s17, $0xb8;
	[tilespmem:$0x1E280] =	vst v63  }
0x33: {  	_ =	swait.ge [sflag:s28], $0x2800  }
0x34: {  	[sflag:s28] =	ssyncset.done $0x0  }
0x35: {  	[sflag:s28] =	ssyncadd.s32 $0xFFFFD800  }
0x36: {  	_ =	swait.ge [sflag:s28], $0x2800  }
0x37: {  	[sflag:s28] =	ssyncset.done $0x0  }
0x38: {  	[sflag:s28] =	ssyncadd.s32 $0xFFFFD800  }
0x39: {  	[tilespmem:s3], [sflag:$0x3] =	stream.linear.gather [hbm4b:s12+s3], $0x140, $0x38;
	[tilespmem:$0x1E280] =	vst v63  }
0x3a: {  	_ =	swait.ge [sflag:s16], $0x140  }
0x3b: {  	[sflag:s16] =	ssyncset.done $0x0  }
0x3c: {  	[sflag:s16] =	ssyncadd.s32 $0xFFFFFEC0  }
0x3d: {  	[tilespmem:s18], [sflag:$0x1] =	stream.indirect.gather [hbm4b:s4+s17], $0x80, s3, s17, $0xb8;
	[tilespmem:$0x1E280] =	vst v63  }
0x3e: {  	_ = 	snop  }
0x3f: {  	[tilespmem:s20], [sflag:$0x1] =	stream.indirect.gather [hbm4b:s4+s17], $0x80, s19, s17, $0xb8;
	[tilespmem:$0x1E280] =	vst v63  }
0x40: {  	_ =	swait.ge [sflag:s21], $0x2800  }
0x41: {  	[sflag:s21] =	ssyncset.done $0x0  }
0x42: {  	[sflag:s21] =	ssyncadd.s32 $0xFFFFD800  }
0x43: {  	_ =	swait.ge [sflag:s21], $0x2800  }
0x44: {  	[sflag:s21] =	ssyncset.done $0x0  }
0x45: {  	[sflag:s21] =	ssyncadd.s32 $0xFFFFD800  }
0x46: {  	[spmem:s1] =	stream.indirect.scatter.add.f32 [tilespmem:s24], [sflag:$0x2], $0x80, s29, s17, $0xb8;
	[tilespmem:$0x1E280] =	vst v63  }
0x47: {  	_ = 	snop  }
0x48: {  	[spmem:s1] =	stream.indirect.scatter.add.f32 [tilespmem:s26], [sflag:$0x2], $0x80, s30, s17, $0xb8;
	[tilespmem:$0x1E280] =	vst v63  }
0x49: {  	_ =	swait.ge [sflag:s21], $0x2800  }
0x4a: {  	[sflag:s21] =	ssyncset.done $0x0  }
0x4b: {  	[sflag:s21] =	ssyncadd.s32 $0xFFFFD800  }
0x4c: {  	_ =	swait.ge [sflag:s21], $0x2800  }
0x4d: {  	[sflag:s21] =	ssyncset.done $0x0  }
0x4e: {  	[sflag:s21] =	ssyncadd.s32 $0xFFFFD800  }
0x4f: {  	[spmem:s1] =	stream.indirect.scatter.add.f32 [tilespmem:s18], [sflag:$0x2], $0x80, s17, s17, $0xb8;
	[tilespmem:$0x1E280] =	vst v63  }
0x50: {  	_ = 	snop  }
0x51: {  	[spmem:s1] =	stream.indirect.scatter.add.f32 [tilespmem:s20], [sflag:$0x2], $0x80, s22, s17, $0xb8;
	[tilespmem:$0x1E280] =	vst v63  }
0x52: {  	_ =	swait.ge [sflag:s28], $0x2800  }
0x53: {  	[sflag:s28] =	ssyncset.done $0x0  }
0x54: {  	[sflag:s28] =	ssyncadd.s32 $0xFFFFD800  }
0x55: {  	_ =	swait.ge [sflag:s28], $0x2800  }
0x56: {  	s5 =	sadd.s32 $0xFFFFF6F0, s14;
	[sflag:s28] =	ssyncset.done $0x0  }
0x57: {  	s2 =	sadd.s32 $0x988, s5;
	[sflag:s28] =	ssyncadd.s32 $0xFFFFD800  }
0x58: {  	[tilespmem:s23], [sflag:$0x3] =	stream.linear.gather [hbm4b:s2+s3], $0x140, $0x38;
	[tilespmem:$0x1E280] =	vst v63  }
0x59: {  	_ =	swait.ge [sflag:s16], $0x140  }
0x5a: {  	[sflag:s16] =	ssyncset.done $0x0  }
0x5b: {  	[sflag:s16] =	ssyncadd.s32 $0xFFFFFEC0  }
0x5c: {  	[tilespmem:s24], [sflag:$0x1] =	stream.indirect.gather [hbm4b:s4+s17], $0x80, s23, s17, $0xb8;
	[tilespmem:$0x1E280] =	vst v63  }
0x5d: {  	_ = 	snop  }
0x5e: {  	[tilespmem:s26], [sflag:$0x1] =	stream.indirect.gather [hbm4b:s4+s17], $0x80, s25, s17, $0xb8;
	[tilespmem:$0x1E280] =	vst v63  }
0x5f: {  	_ =	swait.ge [sflag:s28], $0x2800  }
0x60: {  	[sflag:s28] =	ssyncset.done $0x0  }
0x61: {  	[sflag:s28] =	ssyncadd.s32 $0xFFFFD800  }
0x62: {  	_ =	swait.ge [sflag:s28], $0x2800  }
0x63: {  	[sflag:s28] =	ssyncset.done $0x0  }
0x64: {  	s0 =	sadd.s32 $0x9B0, s5;
	[sflag:s28] =	ssyncadd.s32 $0xFFFFD800  }
0x65: {  	[tilespmem:s3], [sflag:$0x3] =	stream.linear.gather [hbm4b:s0+s3], $0x140, $0x38;
	[tilespmem:$0x1E280] =	vst v63  }
0x66: {  	_ =	swait.ge [sflag:s16], $0x140  }
0x67: {  	[sflag:s16] =	ssyncset.done $0x0  }
0x68: {  	[sflag:s16] =	ssyncadd.s32 $0xFFFFFEC0  }
0x69: {  	[tilespmem:s18], [sflag:$0x1] =	stream.indirect.gather [hbm4b:s4+s17], $0x80, s3, s17, $0xb8;
	[tilespmem:$0x1E280] =	vst v63  }
0x6a: {  	_ = 	snop  }
0x6b: {  	[tilespmem:s20], [sflag:$0x1] =	stream.indirect.gather [hbm4b:s4+s17], $0x80, s19, s17, $0xb8;
	[tilespmem:$0x1E280] =	vst v63  }
0x6c: {  	_ =	swait.ge [sflag:s21], $0x2800  }
0x6d: {  	[sflag:s21] =	ssyncset.done $0x0  }
0x6e: {  	[sflag:s21] =	ssyncadd.s32 $0xFFFFD800  }
0x6f: {  	_ =	swait.ge [sflag:s21], $0x2800  }
0x70: {  	[sflag:s21] =	ssyncset.done $0x0  }
0x71: {  	s0 =	simm.s32 $0xFFFFF740;
	[sflag:s21] =	ssyncadd.s32 $0xFFFFD800  }
0x72: {  	[spmem:s1] =	stream.indirect.scatter.add.f32 [tilespmem:s24], [sflag:$0x2], $0x80, s29, s17, $0xb8;
	[tilespmem:$0x1E280] =	vst v63  }
.LBB2_2:
0x73: {  	[spmem:s1] =	stream.indirect.scatter.add.f32 [tilespmem:s26], [sflag:$0x2], $0x80, s30, s17, $0xb8;
	[tilespmem:$0x1E280] =	vst v63  }
0x74: {  	s2 =	smov.u32 s0  }
0x75: {  	p0 =	sne.s32 s0, $0xFFFFFFB0;
	s0 =	sadd.s32 $0x50, s0;
	_ =	swait.ge [sflag:s21], $0x2800  }
0x76: {  	[sflag:s21] =	ssyncset.done $0x0  }
0x77: {  	[sflag:s21] =	ssyncadd.s32 $0xFFFFD800  }
0x78: {  	_ =	swait.ge [sflag:s21], $0x2800  }
0x79: {  	[sflag:s21] =	ssyncset.done $0x0  }
0x7a: {  	[sflag:s21] =	ssyncadd.s32 $0xFFFFD800  }
0x7b: {  	[spmem:s1] =	stream.indirect.scatter.add.f32 [tilespmem:s18], [sflag:$0x2], $0x80, s17, s17, $0xb8;
	[tilespmem:$0x1E280] =	vst v63  }
0x7c: {  	_ = 	snop  }
0x7d: {  	[spmem:s1] =	stream.indirect.scatter.add.f32 [tilespmem:s20], [sflag:$0x2], $0x80, s22, s17, $0xb8;
	[tilespmem:$0x1E280] =	vst v63  }
0x7e: {  	_ =	swait.ge [sflag:s28], $0x2800  }
0x7f: {  	[sflag:s28] =	ssyncset.done $0x0  }
0x80: {  	[sflag:s28] =	ssyncadd.s32 $0xFFFFD800  }
0x81: {  	_ =	swait.ge [sflag:s28], $0x2800  }
0x82: {  	s2 =	sadd.s32 s2, s14;
	[sflag:s28] =	ssyncset.done $0x0  }
0x83: {  	s5 =	sadd.s32 $0x988, s2;
	[sflag:s28] =	ssyncadd.s32 $0xFFFFD800  }
0x84: {  	[tilespmem:s23], [sflag:$0x3] =	stream.linear.gather [hbm4b:s5+s3], $0x140, $0x38;
	[tilespmem:$0x1E280] =	vst v63  }
0x85: {  	_ =	swait.ge [sflag:s16], $0x140  }
0x86: {  	[sflag:s16] =	ssyncset.done $0x0  }
0x87: {  	[sflag:s16] =	ssyncadd.s32 $0xFFFFFEC0  }
0x88: {  	[tilespmem:s24], [sflag:$0x1] =	stream.indirect.gather [hbm4b:s4+s17], $0x80, s23, s17, $0xb8;
	[tilespmem:$0x1E280] =	vst v63  }
0x89: {  	_ = 	snop  }
0x8a: {  	[tilespmem:s26], [sflag:$0x1] =	stream.indirect.gather [hbm4b:s4+s17], $0x80, s25, s17, $0xb8;
	[tilespmem:$0x1E280] =	vst v63  }
0x8b: {  	_ =	swait.ge [sflag:s28], $0x2800  }
0x8c: {  	[sflag:s28] =	ssyncset.done $0x0  }
0x8d: {  	[sflag:s28] =	ssyncadd.s32 $0xFFFFD800  }
0x8e: {  	_ =	swait.ge [sflag:s28], $0x2800  }
0x8f: {  	[sflag:s28] =	ssyncset.done $0x0  }
0x90: {  	s2 =	sadd.s32 $0x9B0, s2;
	[sflag:s28] =	ssyncadd.s32 $0xFFFFD800  }
0x91: {  	[tilespmem:s3], [sflag:$0x3] =	stream.linear.gather [hbm4b:s2+s3], $0x140, $0x38;
	[tilespmem:$0x1E280] =	vst v63  }
0x92: {  	_ =	swait.ge [sflag:s16], $0x140  }
0x93: {  	[sflag:s16] =	ssyncset.done $0x0  }
0x94: {  	[sflag:s16] =	ssyncadd.s32 $0xFFFFFEC0  }
0x95: {  	[tilespmem:s18], [sflag:$0x1] =	stream.indirect.gather [hbm4b:s4+s17], $0x80, s3, s17, $0xb8;
	[tilespmem:$0x1E280] =	vst v63  }
0x96: {  	_ = 	snop  }
0x97: {  	[tilespmem:s20], [sflag:$0x1] =	stream.indirect.gather [hbm4b:s4+s17], $0x80, s19, s17, $0xb8;
	[tilespmem:$0x1E280] =	vst v63  }
0x98: {  	_ =	swait.ge [sflag:s21], $0x2800  }
0x99: {  	[sflag:s21] =	ssyncset.done $0x0  }
.Ltmp0:
0x9a: {  	[sflag:s21] =	ssyncadd.s32 $0xFFFFD800;
	(pc) =	sbr.rel @p0 .LBB2_2-.Ltmp0, $4  }
0x9b: {  	_ =	swait.ge [sflag:s21], $0x2800  }
0x9c: {  	[sflag:s21] =	ssyncset.done $0x0  }
0x9d: {  	[sflag:s21] =	ssyncadd.s32 $0xFFFFD800  }
0x9e: {  	[spmem:s1] =	stream.indirect.scatter.add.f32 [tilespmem:s24], [sflag:$0x2], $0x80, s29, s17, $0xb8;
	[tilespmem:$0x1E280] =	vst v63  }
0x9f: {  	[spmem:s1] =	stream.indirect.scatter.add.f32 [tilespmem:s26], [sflag:$0x2], $0x80, s30, s17, $0xb8;
	[tilespmem:$0x1E280] =	vst v63  }
0xa0: {  	_ =	swait.ge [sflag:s21], $0x2800  }
0xa1: {  	[sflag:s21] =	ssyncset.done $0x0  }
0xa2: {  	[sflag:s21] =	ssyncadd.s32 $0xFFFFD800  }
0xa3: {  	_ =	swait.ge [sflag:s21], $0x2800  }
0xa4: {  	[sflag:s21] =	ssyncset.done $0x0  }
0xa5: {  	[sflag:s21] =	ssyncadd.s32 $0xFFFFD800  }
0xa6: {  	[spmem:s1] =	stream.indirect.scatter.add.f32 [tilespmem:s18], [sflag:$0x2], $0x80, s17, s17, $0xb8;
	[tilespmem:$0x1E280] =	vst v63  }
0xa7: {  	_ = 	snop  }
0xa8: {  	[spmem:s1] =	stream.indirect.scatter.add.f32 [tilespmem:s20], [sflag:$0x2], $0x80, s22, s17, $0xb8;
	[tilespmem:$0x1E280] =	vst v63  }
0xa9: {  	_ =	swait.ge [sflag:s28], $0x2800  }
0xaa: {  	[sflag:s28] =	ssyncset.done $0x0  }
0xab: {  	[sflag:s28] =	ssyncadd.s32 $0xFFFFD800  }
0xac: {  	_ =	swait.ge [sflag:s28], $0x2800  }
0xad: {  	[sflag:s28] =	ssyncset.done $0x0  }
0xae: {  	[sflag:s28] =	ssyncadd.s32 $0xFFFFD800  }
0xaf: {  	[tilespmem:s23], [sflag:$0x3] =	stream.linear.gather [hbm4b:s13+s3], $0x140, $0x38;
	[tilespmem:$0x1E280] =	vst v63  }
0xb0: {  	_ =	swait.ge [sflag:s16], $0x140  }
0xb1: {  	[sflag:s16] =	ssyncset.done $0x0  }
0xb2: {  	[sflag:s16] =	ssyncadd.s32 $0xFFFFFEC0  }
0xb3: {  	[tilespmem:s24], [sflag:$0x1] =	stream.indirect.gather [hbm4b:s4+s17], $0x80, s23, s17, $0xb8;
	[tilespmem:$0x1E280] =	vst v63  }
0xb4: {  	_ = 	snop  }
0xb5: {  	[tilespmem:s26], [sflag:$0x1] =	stream.indirect.gather [hbm4b:s4+s17], $0x80, s25, s17, $0xb8;
	[tilespmem:$0x1E280] =	vst v63  }
0xb6: {  	_ =	swait.ge [sflag:s28], $0x2800  }
0xb7: {  	[sflag:s28] =	ssyncset.done $0x0  }
0xb8: {  	[sflag:s28] =	ssyncadd.s32 $0xFFFFD800  }
0xb9: {  	_ =	swait.ge [sflag:s28], $0x2800  }
0xba: {  	[sflag:s28] =	ssyncset.done $0x0  }
0xbb: {  	[sflag:s28] =	ssyncadd.s32 $0xFFFFD800  }
0xbc: {  	_ =	swait.ge [sflag:s21], $0x2800  }
0xbd: {  	[sflag:s21] =	ssyncset.done $0x0  }
0xbe: {  	[sflag:s21] =	ssyncadd.s32 $0xFFFFD800  }
0xbf: {  	_ =	swait.ge [sflag:s21], $0x2800  }
0xc0: {  	[sflag:s21] =	ssyncset.done $0x0  }
0xc1: {  	[sflag:s21] =	ssyncadd.s32 $0xFFFFD800  }
0xc2: {  	[spmem:s1] =	stream.indirect.scatter.add.f32 [tilespmem:s24], [sflag:$0x2], $0x80, s29, s17, $0xb8;
	[tilespmem:$0x1E280] =	vst v63  }
0xc3: {  	_ = 	snop  }
0xc4: {  	[spmem:s1] =	stream.indirect.scatter.add.f32 [tilespmem:s26], [sflag:$0x2], $0x80, s30, s17, $0xb8;
	[tilespmem:$0x1E280] =	vst v63  }
0xc5: {  	_ =	swait.ge [sflag:s28], $0x2800  }
0xc6: {  	[sflag:s28] =	ssyncset.done $0x0  }
0xc7: {  	[sflag:s28] =	ssyncadd.s32 $0xFFFFD800  }
0xc8: {  	_ =	swait.ge [sflag:s28], $0x2800  }
0xc9: {  	[sflag:s28] =	ssyncset.done $0x0  }
0xca: {  	[sflag:s28] =	ssyncadd.s32 $0xFFFFD800  }
0xcb: {  	[tilespmem:s3], [sflag:$0x3] =	stream.linear.gather [hbm4b:s8+s3], $0xA0, $0x38;
	[tilespmem:$0x1E280] =	vst v63  }
0xcc: {  	_ =	swait.ge [sflag:s16], $0xA0  }
0xcd: {  	[sflag:s16] =	ssyncset.done $0x0  }
0xce: {  	[sflag:s16] =	ssyncadd.s32 $0xFFFFFF60  }
0xcf: {  	[tilespmem:s18], [sflag:$0x1] =	stream.indirect.gather [hbm4b:s4+s17], $0x80, s3, s17, $0xb8;
	[tilespmem:$0x1E280] =	vst v63  }
0xd0: {  	_ =	swait.ge [sflag:s21], $0x2800  }
0xd1: {  	[sflag:s21] =	ssyncset.done $0x0  }
0xd2: {  	[sflag:s21] =	ssyncadd.s32 $0xFFFFD800  }
0xd3: {  	[spmem:s1] =	stream.indirect.scatter.add.f32 [tilespmem:s18], [sflag:$0x3], $0x80, s17, s17, $0xb8;
	[tilespmem:$0x1E280] =	vst v63  }
0xd4: {  	_ =	swait.ge [sflag:s16], $0x2800  }
0xd5: {  	s31 =	sadd.s32 $0x1, s31;
	[sflag:s16] =	ssyncset.done $0x0  }
0xd6: {  	p0 =	sne.s32 s31, s10;
	[sflag:s16] =	ssyncadd.s32 $0xFFFFD800  }
.Ltmp1:
0xd7: {  	[bflag:$0x0] =	sbarrier.arrive $0xFFFF;
	(pc) =	sbr.rel @p0 .LBB2_1-.Ltmp1, $4  }
0xd8: {  	[hbm:s9], [sflag:s6] =	dma.local [spmem:s15], $0x2800  }
0xd9: {  	_ =	swait.ge [sflag:s16], $0x2800  }
0xda: {  	[sflag:s16] =	ssyncset.done $0x0  }
0xdb: {  	[sflag:s16] =	ssyncadd.s32 $0xFFFFD800  }
0xdc: {  	_ =	sfence.sel $0x180000  }
0xdd: {  	[bflag:$0x0] =	sbarrier.arrive $0xFFFF  }
0xde: {  	_ =	strace $0x9000004A  }
0xdf: {  	s0 =	stileid.u32;
	[bflag:$0x2] =	sbarrier.arrive $0xFFFF  }
0xe0: {  	p0 =	sne.s32 s0, $0x0;
	s0 =	rddreg [dreg:$0x2]  }
0xe1: {  	s0 =	sadd.s32 @!p0 $0x100000, s0  }
0xe2: {  	[sflag:s0] =	ssyncadd.tile.s32 @!p0 $0x1;
	_ =	shalt  }
.Lfunc_end2:
_tile_overlayer_lowered:
.L_overlay_start_2:
0xe3: {  	(tag) =	ssettag $0x2  }
0xe4: {  	s0 =	rddreg [dreg:$0x0];
	s2 =	stileid.u32  }
0xe5: {  	s1 =	rddreg [dreg:$0x1];
	p0 =	sne.s32 s2, $0x0  }
0xe6: {  	s3 =	rddreg [dreg:$0x2];
	[bflag:$0x3] =	sbarrier.arrive $0xFFFF;
	s2 =	simm.s32 @!p0 $0x1C03  }
0xe7: {  	[timem:s3], [sflag:s2] =	dma.local @!p0 [hbm:s0], s1  }
0xe8: {  	s0 =	simm.s32 @!p0 $0x3  }
0xe9: {  	_ =	swait.ge @!p0 [sflag:s0], s1  }
0xea: {  	s1 =	ssub.s32 @!p0 $0x0, s1;
	[sflag:s0] =	ssyncset.done @!p0 $0x0  }
0xeb: {  	[sflag:s0] =	ssyncadd.s32 @!p0 s1  }
0xec: {  	[bflag:$0x3] =	sbarrier.arrive $0xFFFF  }
0xed: {  	_ =	shalt  }

// kernel: kernel.17.cloned.1.call-start
scs
__scs_entry_jumppad:
0x0: {  	(pc) =	sbr.rel $0x88, $3  }
0x1: {  	(tag) =	ssettag $0x0;
	lr =	simm.s32 $0x1  }
0x2: {  	[smem:$0x3F96] =	sst lr;
	_ =	strace $0xD0000000  }
0x3: {  	_ = 	snop  }
0x4: {  	_ = 	snop  }
0x5: {  	_ = 	snop  }
0x6: {  	_ = 	snop  }
0x7: {  	_ = 	snop  }
__scs_overlays_trampoline_lowered:
0x8: {  	[smem:$0x3FA5] =	sst s0  }
0x9: {  	[smem:$0x3FA6] =	sst s1  }
0xa: {  	[smem:$0x3FA7] =	sst s2  }
0xb: {  	[smem:$0x3FA8] =	sst s3  }
0xc: {  	[smem:$0x3FA9] =	sst s4  }
0xd: {  	[smem:$0x3FAA] =	sst s5  }
0xe: {  	[smem:$0x3FAB] =	sst s6  }
0xf: {  	[smem:$0x3FAC] =	sst s7  }
0x10: {  	[smem:$0x3FAD] =	sst s8  }
0x11: {  	[smem:$0x3FAE] =	sst s9;
	s0 =	simm.s32 @!p0 $0x0  }
0x12: {  	s1 =	sld [smem:$0x3F94];
	s0 =	simm.s32 @p0 $0x1  }
0x13: {  	[smem:$0x3FAF] =	sst s0;
	s0 =	simm.s32 @!p1 $0x0  }
0x14: {  	s2 =	sld [smem:$0x3F93];
	s0 =	simm.s32 @p1 $0x1  }
0x15: {  	[smem:$0x3FB0] =	sst s0;
	s0 =	simm.s32 @!p2 $0x0  }
0x16: {  	s3 =	sld [smem:$0x3FDB];
	s0 =	simm.s32 @p2 $0x1  }
0x17: {  	s4 =	simm.s32 $0x1BF5;
	[smem:$0x3FB2] =	sst s0  }
0x18: {  	s0 =	sld [smem:$0x3F95];
	_ =	swait.ge [sflag:s4], $0x0  }
0x19: {  	s7 =	sld [smem:$0x3F96]  }
0x1a: {  	s8 =	sadd.s32 $0xFFFFE003, lr  }
0x1b: {  	s9 =	sadd.s32 $0xFFFFFEF7, lr;
	s5 =	simm.s32 $0xFFFFFFFF;
	p2 =	slt.u32 s8, $0xFFFFF086  }
0x1c: {  	p1 =	slt.u32 s9, $0xF7A;
	s5 =	simm.s32 @!p2 $0x0  }
0x1d: {  	s5 =	simm.s32 @p1 $0x1;
	p0 =	seq.s32 s7, s2  }
0x1e: {  	s7 =	smul.u32 @!p0 $0xF7A, s2;
	p2 =	seq.s32 @!p0 s5, $0x0  }
0x1f: {  	s9 =	smul.u32 $0xF7A, s1;
	s8 =	simm.s32 @!p0 $0x1BF5;
	p2 =	por !p2, p0  }
0x20: {  	[sflag:s8] =	ssyncset.s32 @!p0 $0xFFFFF086;
	s6 =	sadd.s32 @!p0 s3, s7;
	s7 =	simm.s32 @!p0 $0x108  }
0x21: {  	s3 =	sadd.s32 s3, s9;
	s6 =	sadd.s32 @!p0 $0x88, s6;
	s7 =	simm.s32 @p2 $0x1082  }
0x22: {  	[simem:s7], [sflag:s8] =	dma.local @!p0 [hbm:s6], $0xF7A  }
0x23: {  	s9 =	sor.u32 $0xD0000000, s2;
	s6 =	simm.s32 $0x108;
	_ =	swait.ge @!p0 [sflag:s8], $0x0  }
0x24: {  	s3 =	sadd.s32 $0x88, s3;
	s6 =	simm.s32 @!p1 $0x1082;
	[sflag:s4] =	ssyncset.s32 $0xFFFFF086  }
0x25: {  	[simem:s6], [sflag:s4] =	dma.local [hbm:s3], $0xF7A  }
0x26: {  	[smem:$0x3F96] =	sst s1;
	(tag) =	ssettag s2;
	_ =	strace s9  }
0x27: {  	s1 =	sld [smem:$0x3FA6]  }
0x28: {  	s2 =	sld [smem:$0x3FA7]  }
0x29: {  	s4 =	sld [smem:$0x3FA9]  }
0x2a: {  	p0 =	seq.s32 s5, $0x0;
	s5 =	sld [smem:$0x3FAA]  }
0x2b: {  	s6 =	sld [smem:$0x3FAB]  }
0x2c: {  	s7 =	sld [smem:$0x3FAC]  }
0x2d: {  	s3 =	simm.s32 $0x108;
	s8 =	sld [smem:$0x3FAD]  }
0x2e: {  	s3 =	simm.s32 @!p0 $0x1082;
	s9 =	sld [smem:$0x3FAE]  }
0x2f: {  	lr =	sadd.s32 s0, s3;
	s0 =	sld [smem:$0x3FA5]  }
0x30: {  	s3 =	sld [smem:$0x3FA8]  }
0x31: {  	[smem:$0x3FB1] =	sst s10  }
0x32: {  	s10 =	sld [smem:$0x3FAF];
	_ =	sdelay $0x3  }
0x33: {  	p0 =	seq.s32 s10, $0x1;
	s10 =	sld [smem:$0x3FB1];
	_ =	sdelay $0x3  }
0x34: {  	[smem:$0x3FB1] =	sst s10  }
0x35: {  	s10 =	sld [smem:$0x3FB0];
	_ =	sdelay $0x3  }
0x36: {  	p1 =	seq.s32 s10, $0x1;
	s10 =	sld [smem:$0x3FB1];
	_ =	sdelay $0x3  }
0x37: {  	[smem:$0x3FB1] =	sst s10  }
0x38: {  	s10 =	sld [smem:$0x3FB2]  }
0x39: {  	_ = 	snop;
	(pc) =	sbr.ind lr, $3  }
0x3a: {  	_ = 	snop  }
0x3b: {  	_ = 	snop  }
0x3c: {  	p2 =	seq.s32 s10, $0x1;
	s10 =	sld [smem:$0x3FB1]  }
0x3d: {  	_ =	shalt  }
0x3e: {  	_ =	shalt  }
0x3f: {  	_ =	shalt  }
0x40: {  	_ =	shalt  }
0x41: {  	_ =	shalt  }
0x42: {  	_ =	shalt  }
0x43: {  	_ =	shalt  }
0x44: {  	_ =	shalt  }
0x45: {  	_ =	shalt  }
0x46: {  	_ =	shalt  }
0x47: {  	_ =	shalt  }
0x48: {  	_ =	shalt  }
0x49: {  	_ =	shalt  }
0x4a: {  	_ =	shalt  }
0x4b: {  	_ =	shalt  }
0x4c: {  	_ =	shalt  }
0x4d: {  	_ =	shalt  }
0x4e: {  	_ =	shalt  }
0x4f: {  	_ =	shalt  }
0x50: {  	_ =	shalt  }
0x51: {  	_ =	shalt  }
0x52: {  	_ =	shalt  }
0x53: {  	_ =	shalt  }
0x54: {  	_ =	shalt  }
0x55: {  	_ =	shalt  }
0x56: {  	_ =	shalt  }
0x57: {  	_ =	shalt  }
0x58: {  	_ =	shalt  }
0x59: {  	_ =	shalt  }
0x5a: {  	_ =	shalt  }
0x5b: {  	_ =	shalt  }
0x5c: {  	_ =	shalt  }
0x5d: {  	_ =	shalt  }
0x5e: {  	_ =	shalt  }
0x5f: {  	_ =	shalt  }
0x60: {  	_ =	shalt  }
0x61: {  	_ =	shalt  }
0x62: {  	_ =	shalt  }
0x63: {  	_ =	shalt  }
0x64: {  	_ =	shalt  }
0x65: {  	_ =	shalt  }
0x66: {  	_ =	shalt  }
0x67: {  	_ =	shalt  }
0x68: {  	_ =	shalt  }
0x69: {  	_ =	shalt  }
0x6a: {  	_ =	shalt  }
0x6b: {  	_ =	shalt  }
0x6c: {  	_ =	shalt  }
0x6d: {  	_ =	shalt  }
0x6e: {  	_ =	shalt  }
0x6f: {  	_ =	shalt  }
0x70: {  	_ =	shalt  }
0x71: {  	_ =	shalt  }
0x72: {  	_ =	shalt  }
0x73: {  	_ =	shalt  }
0x74: {  	_ =	shalt  }
0x75: {  	_ =	shalt  }
0x76: {  	_ =	shalt  }
0x77: {  	_ =	shalt  }
0x78: {  	_ =	shalt  }
0x79: {  	_ =	shalt  }
0x7a: {  	_ =	shalt  }
0x7b: {  	_ =	shalt  }
0x7c: {  	_ =	shalt  }
0x7d: {  	_ =	shalt  }
0x7e: {  	_ =	shalt  }
0x7f: {  	_ =	shalt  }
0x80: {  	_ =	shalt  }
0x81: {  	_ =	shalt  }
0x82: {  	_ =	shalt  }
0x83: {  	_ =	shalt  }
0x84: {  	_ =	shalt  }
0x85: {  	_ =	shalt  }
0x86: {  	_ =	shalt  }
0x87: {  	_ =	shalt  }
.Lfunc_end0:
.L_simem_size_0:
called_computation.2_lowered:
.L_overlay_start_0:
0x88: {  	s2 =	sld [smem:$0x3FD9]  }
0x89: {  	s3 =	sld [smem:$0x3FFE];
	_ =	sdelay $0x1  }
0x8a: {  	s1 =	srdreg.scid  }
0x8b: {  	s0 =	sand.u32 $0x1, s1  }
0x8c: {  	s16 =	sshll.u32 s0, $0xA;
	s2 =	sadd.s32 s3, s2  }
0x8d: {  	s2 =	sadd.s32 s2, s16  }
0x8e: {  	[smem:$0x3FBD] =	sst s2  }
0x8f: {  	_ = 	snop  }
0x90: {  	(tm) =	ssettm $0x1  }
0x91: {  	s17 =	sld [smem:$0x3FFB];
	_ =	sdelay $0x3  }
0x92: {  	_ =	strace s17  }
0x93: {  	s2 =	sld [smem:$0x3FFC];
	_ =	sdelay $0x3  }
0x94: {  	_ =	strace s2  }
0x95: {  	s2 =	sld [smem:$0x3FFD];
	_ =	sdelay $0x3  }
0x96: {  	_ =	strace s2  }
0x97: {  	_ =	strace $0x8FFFFFFF  }
0x98: {  	s18 =	sld [smem:$0x3FDB];
	_ =	sdelay $0x1  }
0x99: {  	s19 =	simm.s32 $_scs_section_size  }
0x9a: {  	s4 =	simm.s32 $_size__tile_overlayer_lowered;
	s5 =	simm.s32 $_tile_overlayer_lowered  }
0x9b: {  	s22 =	simm.s32 $0x1BFF;
	s21 =	sshll.u32 s5, $0x1;
	s2 =	sadd.s32 s19, s18  }
0x9c: {  	s6 =	simm.s32 $0x0;
	s20 =	sshll.u32 s4, $0x1;
	s4 =	sadd.s32 s21, s2  }
0x9d: {  	[timem:s6], [sflag:s22] =	dma.local [hbm:s4], s20  }
0x9e: {  	_ =	swait.ge [sflag:s22], s20  }
0x9f: {  	s3 =	ssub.s32 $0x0, s20;
	[sflag:s22] =	ssyncset.done $0x0  }
0xa0: {  	[sflag:s22] =	ssyncadd.s32 s3;
	_ =	sdelay $0x1  }
0xa1: {  	s23 =	simm.s32 $0x1B8B  }
0xa2: {  	_ =	swait.ge [sflag:s23], $0x1  }
0xa3: {  	[sflag:s23] =	ssyncset.done $0x0  }
0xa4: {  	s25 =	simm.s32 $0x1B8E;
	s24 =	sld [smem:$0x3FFE];
	[sflag:s23] =	ssyncadd.s32 $0xFFFFFFFF  }
0xa5: {  	s26 =	simm.s32 $execute0_lowered;
	[smem:$0x3FD2] =	sst s25  }
0xa6: {  	s4 =	sshll.u32 s26, $0x1;
	_ =	strace $0x8000004C;
	[dreg:$0x1] =	wrdreg $0xFFFFFFFF  }
0xa7: {  	s28 =	simm.s32 $_size_execute0_lowered;
	s2 =	sadd.s32 s2, s4;
	[dreg:$0x0] =	wrdreg $0x0  }
0xa8: {  	s4 =	sshll.u32 s28, $0x1;
	[dreg:$0x2] =	wrdreg s2  }
0xa9: {  	[dreg:$0x3] =	wrdreg s4  }
0xaa: {  	[dreg:$0x4] =	wrdreg $0xC0  }
0xab: {  	_ =	task [dreg:s6], $0x5FFFF  }
0xac: {  	[dreg:$0x1] =	wrdreg $0xFFFFFFFF  }
0xad: {  	[dreg:$0x0] =	wrdreg $0x60  }
0xae: {  	[dreg:$0x2] =	wrdreg s24  }
0xaf: {  	[dreg:$0x3] =	wrdreg $0xA2800  }
0xb0: {  	[dreg:$0x4] =	wrdreg $0x9  }
0xb1: {  	_ =	task.clear_ibuf [dreg:s6], $0x5FFFF;
	_ =	strace $0x9000004C  }
0xb2: {  	s29 =	simm.s32 $0x9;
	_ =	strace $0x8000004E  }
0xb3: {  	_ =	swait.ge [sflag:s29], $0x1  }
0xb4: {  	[sflag:s29] =	ssyncadd.s32 $0xFFFFFFFF  }
0xb5: {  	_ =	strace $0x9000004E  }
0xb6: {  	_ =	sfence  }
0xb7: {  	s30 =	sld [smem:$0x0];
	_ =	sdelay $0x2  }
0xb8: {  	s31 =	sshll.u32 s1, $0xD;
	s1 =	sshrl.u32 s1, $0x2  }
0xb9: {  	s3 =	sand.u32 $0x4000, s31;
	s1 =	sadd.s32 s1, s30  }
0xba: {  	s0 =	sor.u32 s3, s0;
	s1 =	sshll.u32 s1, $0x11  }
0xbb: {  	s0 =	sor.u32 s1, s0  }
0xbc: {  	s0 =	sadd.s32 $0x8F2B, s0  }
0xbd: {  	[sflag:s0] =	ssyncadd.remote.s32 $0x1  }
0xbe: {  	_ =	sfence.sel $0xFFFF  }
0xbf: {  	[dreg:$0x0] =	wrdreg $0xFFFFFFFF;
	(pc) =	sbr.abs _section_cstart, $3  }
0xc0: {  	[dreg:$0x1] =	wrdreg $0xFFFFFFFF  }
0xc1: {  	_ =	task.clear_ibuf [dreg:s6], $0x2FFFF;
	_ =	strace $0x9FFFFFFF  }
0xc2: {  	(tm) =	ssettm $0x7FFFFFFF  }
0xc3: {  	_ =	shalt  }
tec
execute0_lowered:
.L_overlay_start_1:
0x0: {  	(tag) =	ssettag $0x1  }
0x1: {  	s0 =	rddreg [dreg:$0x0]  }
0x2: {  	s1 =	rddreg [dreg:$0x1];
	s3 =	simm.s32 $0x0;
	s2 =	stileid.u32  }
0x3: {  	s6 =	srdreg.scid;
	s16 =	simm.s32 $0x3;
	s17 =	simm.s32 $0x50  }
0x4: {  	s18 =	simm.s32 $0x280;
	s19 =	simm.s32 $0xA0;
	s28 =	simm.s32 $0x2  }
0x5: {  	s29 =	simm.s32 $0x190;
	s30 =	simm.s32 $0x230;
	s31 =	simm.s32 $0x0  }
0x6: {  	[smem:$0x7FF] =	sst s3;
	s4 =	sadd.s32 $0x2FC00, s0;
	s5 =	smul.u32 $0x14000, s2  }
0x7: {  	s13 =	sadd.s32 $0x1C200, s0;
	s9 =	sand.u32 $0x1, s6;
	s20 =	smul.u32 $0x2800, s2  }
0x8: {  	s22 =	sshll.u32 s2, $0x6;
	s26 =	smul.u32 $0x9C4, s2;
	_ =	strace $0x8000004D  }
0x9: {  	s8 =	smul.u32 $0x28000, s9;
	s10 =	sshll.u32 s9, $0x4;
	s11 =	ssub.s32 $0x2, s9  }
0xa: {  	s14 =	smul.u32 $0x9C40, s9;
	s7 =	sshrl.u32 s5, $0x3;
	s10 =	sor.u32 s2, s10  }
0xb: {  	s21 =	sshrl.u32 s11, $0x1;
	s15 =	sadd.s32 s5, s1;
	s7 =	sadd.s32 s7, s0  }
0xc: {  	s6 =	sadd.s32 s20, s8;
	s12 =	smul.u32 $0x4E20, s10;
	s11 =	ssub.s32 s11, s21  }
0xd: {  	s23 =	smul.u32 $0x9C4, s10;
	s14 =	sadd.s32 s14, s13;
	s15 =	sshrl.u32 s15, $0x3  }
0xe: {  	s20 =	simm.s32 $0x2A80;
	s21 =	simm.s32 $0x1;
	s0 =	sadd.s32 s6, s0  }
0xf: {  	s25 =	sadd.s32 $0x56E00, s7;
	s6 =	sor.u32 $0x1C03, s22;
	s14 =	sadd.s32 s26, s14  }
0x10: {  	s22 =	simm.s32 $0xF0;
	s26 =	simm.s32 $0x7A80;
	s24 =	sshrl.u32 s12, $0x3  }
0x11: {  	[dreg:$0x3] =	wrdreg s25;
	s7 =	sadd.s32 s13, s23;
	s9 =	sadd.s32 $0x7EE00, s0  }
0x12: {  	s23 =	simm.s32 $0x140;
	s25 =	simm.s32 $0x1E0;
	s10 =	sadd.s32 s13, s24  }
0x13: {  	s12 =	sadd.s32 $0x50, s7;
	s13 =	sadd.s32 $0x988, s7;
	s24 =	simm.s32 $0x5280  }
0x14: {  	s8 =	sadd.s32 $0x9B0, s10;
	s10 =	smax.u32 s11, $0x1;
	s11 =	sadd.s32 $0x28, s7  }
.LBB2_1:
0x15: {  	s0 =	rddreg [dreg:$0x3]  }
0x16: {  	[spmem:s15], [sflag:s6] =	dma.local [hbm:s0], $0x2800  }
0x17: {  	_ =	swait.ge [sflag:s16], $0x2800  }
0x18: {  	[sflag:s16] =	ssyncset.done $0x0  }
0x19: {  	[sflag:s16] =	ssyncadd.s32 $0xFFFFD800  }
0x1a: {  	[bflag:$0x0] =	sbarrier.arrive $0xFFFF  }
0x1b: {  	[tilespmem:s3], [sflag:$0x3] =	stream.linear.gather [hbm4b:s7+s3], $0x140, $0x38;
	[tilespmem:$0x1E280] =	vst v63  }
0x1c: {  	_ =	swait.ge [sflag:s16], $0x140  }
0x1d: {  	[sflag:s16] =	ssyncset.done $0x0  }
0x1e: {  	[sflag:s16] =	ssyncadd.s32 $0xFFFFFEC0  }
0x1f: {  	[tilespmem:s18], [sflag:$0x1] =	stream.indirect.gather [hbm4b:s4+s17], $0x80, s3, s17, $0xb8;
	[tilespmem:$0x1E280] =	vst v63  }
0x20: {  	_ = 	snop  }
0x21: {  	[tilespmem:s20], [sflag:$0x1] =	stream.indirect.gather [hbm4b:s4+s17], $0x80, s19, s17, $0xb8;
	[tilespmem:$0x1E280] =	vst v63  }
0x22: {  	_ =	swait.ge [sflag:s21], $0x2800  }
0x23: {  	[sflag:s21] =	ssyncset.done $0x0  }
0x24: {  	[sflag:s21] =	ssyncadd.s32 $0xFFFFD800  }
0x25: {  	_ =	swait.ge [sflag:s21], $0x2800  }
0x26: {  	[sflag:s21] =	ssyncset.done $0x0  }
0x27: {  	[sflag:s21] =	ssyncadd.s32 $0xFFFFD800  }
0x28: {  	[spmem:s1] =	stream.indirect.scatter.add.f32 [tilespmem:s18], [sflag:$0x2], $0x80, s17, s17, $0xb8;
	[tilespmem:$0x1E280] =	vst v63  }
0x29: {  	_ = 	snop  }
0x2a: {  	[spmem:s1] =	stream.indirect.scatter.add.f32 [tilespmem:s20], [sflag:$0x2], $0x80, s22, s17, $0xb8;
	[tilespmem:$0x1E280] =	vst v63  }
0x2b: {  	_ = 	snop  }
0x2c: {  	[tilespmem:s23], [sflag:$0x3] =	stream.linear.gather [hbm4b:s11+s3], $0x140, $0x38;
	[tilespmem:$0x1E280] =	vst v63  }
0x2d: {  	_ =	swait.ge [sflag:s16], $0x140  }
0x2e: {  	[sflag:s16] =	ssyncset.done $0x0  }
0x2f: {  	[sflag:s16] =	ssyncadd.s32 $0xFFFFFEC0  }
0x30: {  	[tilespmem:s24], [sflag:$0x1] =	stream.indirect.gather [hbm4b:s4+s17], $0x80, s23, s17, $0xb8;
	[tilespmem:$0x1E280] =	vst v63  }
0x31: {  	_ = 	snop  }
0x32: {  	[tilespmem:s26], [sflag:$0x1] =	stream.indirect.gather [hbm4b:s4+s17], $0x80, s25, s17, $0xb8;
	[tilespmem:$0x1E280] =	vst v63  }
0x33: {  	_ =	swait.ge [sflag:s28], $0x2800  }
0x34: {  	[sflag:s28] =	ssyncset.done $0x0  }
0x35: {  	[sflag:s28] =	ssyncadd.s32 $0xFFFFD800  }
0x36: {  	_ =	swait.ge [sflag:s28], $0x2800  }
0x37: {  	[sflag:s28] =	ssyncset.done $0x0  }
0x38: {  	[sflag:s28] =	ssyncadd.s32 $0xFFFFD800  }
0x39: {  	[tilespmem:s3], [sflag:$0x3] =	stream.linear.gather [hbm4b:s12+s3], $0x140, $0x38;
	[tilespmem:$0x1E280] =	vst v63  }
0x3a: {  	_ =	swait.ge [sflag:s16], $0x140  }
0x3b: {  	[sflag:s16] =	ssyncset.done $0x0  }
0x3c: {  	[sflag:s16] =	ssyncadd.s32 $0xFFFFFEC0  }
0x3d: {  	[tilespmem:s18], [sflag:$0x1] =	stream.indirect.gather [hbm4b:s4+s17], $0x80, s3, s17, $0xb8;
	[tilespmem:$0x1E280] =	vst v63  }
0x3e: {  	_ = 	snop  }
0x3f: {  	[tilespmem:s20], [sflag:$0x1] =	stream.indirect.gather [hbm4b:s4+s17], $0x80, s19, s17, $0xb8;
	[tilespmem:$0x1E280] =	vst v63  }
0x40: {  	_ =	swait.ge [sflag:s21], $0x2800  }
0x41: {  	[sflag:s21] =	ssyncset.done $0x0  }
0x42: {  	[sflag:s21] =	ssyncadd.s32 $0xFFFFD800  }
0x43: {  	_ =	swait.ge [sflag:s21], $0x2800  }
0x44: {  	[sflag:s21] =	ssyncset.done $0x0  }
0x45: {  	[sflag:s21] =	ssyncadd.s32 $0xFFFFD800  }
0x46: {  	[spmem:s1] =	stream.indirect.scatter.add.f32 [tilespmem:s24], [sflag:$0x2], $0x80, s29, s17, $0xb8;
	[tilespmem:$0x1E280] =	vst v63  }
0x47: {  	_ = 	snop  }
0x48: {  	[spmem:s1] =	stream.indirect.scatter.add.f32 [tilespmem:s26], [sflag:$0x2], $0x80, s30, s17, $0xb8;
	[tilespmem:$0x1E280] =	vst v63  }
0x49: {  	_ =	swait.ge [sflag:s21], $0x2800  }
0x4a: {  	[sflag:s21] =	ssyncset.done $0x0  }
0x4b: {  	[sflag:s21] =	ssyncadd.s32 $0xFFFFD800  }
0x4c: {  	_ =	swait.ge [sflag:s21], $0x2800  }
0x4d: {  	[sflag:s21] =	ssyncset.done $0x0  }
0x4e: {  	[sflag:s21] =	ssyncadd.s32 $0xFFFFD800  }
0x4f: {  	[spmem:s1] =	stream.indirect.scatter.add.f32 [tilespmem:s18], [sflag:$0x2], $0x80, s17, s17, $0xb8;
	[tilespmem:$0x1E280] =	vst v63  }
0x50: {  	_ = 	snop  }
0x51: {  	[spmem:s1] =	stream.indirect.scatter.add.f32 [tilespmem:s20], [sflag:$0x2], $0x80, s22, s17, $0xb8;
	[tilespmem:$0x1E280] =	vst v63  }
0x52: {  	_ =	swait.ge [sflag:s28], $0x2800  }
0x53: {  	[sflag:s28] =	ssyncset.done $0x0  }
0x54: {  	[sflag:s28] =	ssyncadd.s32 $0xFFFFD800  }
0x55: {  	_ =	swait.ge [sflag:s28], $0x2800  }
0x56: {  	s5 =	sadd.s32 $0xFFFFF6F0, s14;
	[sflag:s28] =	ssyncset.done $0x0  }
0x57: {  	s2 =	sadd.s32 $0x988, s5;
	[sflag:s28] =	ssyncadd.s32 $0xFFFFD800  }
0x58: {  	[tilespmem:s23], [sflag:$0x3] =	stream.linear.gather [hbm4b:s2+s3], $0x140, $0x38;
	[tilespmem:$0x1E280] =	vst v63  }
0x59: {  	_ =	swait.ge [sflag:s16], $0x140  }
0x5a: {  	[sflag:s16] =	ssyncset.done $0x0  }
0x5b: {  	[sflag:s16] =	ssyncadd.s32 $0xFFFFFEC0  }
0x5c: {  	[tilespmem:s24], [sflag:$0x1] =	stream.indirect.gather [hbm4b:s4+s17], $0x80, s23, s17, $0xb8;
	[tilespmem:$0x1E280] =	vst v63  }
0x5d: {  	_ = 	snop  }
0x5e: {  	[tilespmem:s26], [sflag:$0x1] =	stream.indirect.gather [hbm4b:s4+s17], $0x80, s25, s17, $0xb8;
	[tilespmem:$0x1E280] =	vst v63  }
0x5f: {  	_ =	swait.ge [sflag:s28], $0x2800  }
0x60: {  	[sflag:s28] =	ssyncset.done $0x0  }
0x61: {  	[sflag:s28] =	ssyncadd.s32 $0xFFFFD800  }
0x62: {  	_ =	swait.ge [sflag:s28], $0x2800  }
0x63: {  	[sflag:s28] =	ssyncset.done $0x0  }
0x64: {  	s0 =	sadd.s32 $0x9B0, s5;
	[sflag:s28] =	ssyncadd.s32 $0xFFFFD800  }
0x65: {  	[tilespmem:s3], [sflag:$0x3] =	stream.linear.gather [hbm4b:s0+s3], $0x140, $0x38;
	[tilespmem:$0x1E280] =	vst v63  }
0x66: {  	_ =	swait.ge [sflag:s16], $0x140  }
0x67: {  	[sflag:s16] =	ssyncset.done $0x0  }
0x68: {  	[sflag:s16] =	ssyncadd.s32 $0xFFFFFEC0  }
0x69: {  	[tilespmem:s18], [sflag:$0x1] =	stream.indirect.gather [hbm4b:s4+s17], $0x80, s3, s17, $0xb8;
	[tilespmem:$0x1E280] =	vst v63  }
0x6a: {  	_ = 	snop  }
0x6b: {  	[tilespmem:s20], [sflag:$0x1] =	stream.indirect.gather [hbm4b:s4+s17], $0x80, s19, s17, $0xb8;
	[tilespmem:$0x1E280] =	vst v63  }
0x6c: {  	_ =	swait.ge [sflag:s21], $0x2800  }
0x6d: {  	[sflag:s21] =	ssyncset.done $0x0  }
0x6e: {  	[sflag:s21] =	ssyncadd.s32 $0xFFFFD800  }
0x6f: {  	_ =	swait.ge [sflag:s21], $0x2800  }
0x70: {  	[sflag:s21] =	ssyncset.done $0x0  }
0x71: {  	s0 =	simm.s32 $0xFFFFF740;
	[sflag:s21] =	ssyncadd.s32 $0xFFFFD800  }
0x72: {  	[spmem:s1] =	stream.indirect.scatter.add.f32 [tilespmem:s24], [sflag:$0x2], $0x80, s29, s17, $0xb8;
	[tilespmem:$0x1E280] =	vst v63  }
.LBB2_2:
0x73: {  	[spmem:s1] =	stream.indirect.scatter.add.f32 [tilespmem:s26], [sflag:$0x2], $0x80, s30, s17, $0xb8;
	[tilespmem:$0x1E280] =	vst v63  }
0x74: {  	s2 =	smov.u32 s0  }
0x75: {  	p0 =	sne.s32 s0, $0xFFFFFFB0;
	s0 =	sadd.s32 $0x50, s0;
	_ =	swait.ge [sflag:s21], $0x2800  }
0x76: {  	[sflag:s21] =	ssyncset.done $0x0  }
0x77: {  	[sflag:s21] =	ssyncadd.s32 $0xFFFFD800  }
0x78: {  	_ =	swait.ge [sflag:s21], $0x2800  }
0x79: {  	[sflag:s21] =	ssyncset.done $0x0  }
0x7a: {  	[sflag:s21] =	ssyncadd.s32 $0xFFFFD800  }
0x7b: {  	[spmem:s1] =	stream.indirect.scatter.add.f32 [tilespmem:s18], [sflag:$0x2], $0x80, s17, s17, $0xb8;
	[tilespmem:$0x1E280] =	vst v63  }
0x7c: {  	_ = 	snop  }
0x7d: {  	[spmem:s1] =	stream.indirect.scatter.add.f32 [tilespmem:s20], [sflag:$0x2], $0x80, s22, s17, $0xb8;
	[tilespmem:$0x1E280] =	vst v63  }
0x7e: {  	_ =	swait.ge [sflag:s28], $0x2800  }
0x7f: {  	[sflag:s28] =	ssyncset.done $0x0  }
0x80: {  	[sflag:s28] =	ssyncadd.s32 $0xFFFFD800  }
0x81: {  	_ =	swait.ge [sflag:s28], $0x2800  }
0x82: {  	s2 =	sadd.s32 s2, s14;
	[sflag:s28] =	ssyncset.done $0x0  }
0x83: {  	s5 =	sadd.s32 $0x988, s2;
	[sflag:s28] =	ssyncadd.s32 $0xFFFFD800  }
0x84: {  	[tilespmem:s23], [sflag:$0x3] =	stream.linear.gather [hbm4b:s5+s3], $0x140, $0x38;
	[tilespmem:$0x1E280] =	vst v63  }
0x85: {  	_ =	swait.ge [sflag:s16], $0x140  }
0x86: {  	[sflag:s16] =	ssyncset.done $0x0  }
0x87: {  	[sflag:s16] =	ssyncadd.s32 $0xFFFFFEC0  }
0x88: {  	[tilespmem:s24], [sflag:$0x1] =	stream.indirect.gather [hbm4b:s4+s17], $0x80, s23, s17, $0xb8;
	[tilespmem:$0x1E280] =	vst v63  }
0x89: {  	_ = 	snop  }
0x8a: {  	[tilespmem:s26], [sflag:$0x1] =	stream.indirect.gather [hbm4b:s4+s17], $0x80, s25, s17, $0xb8;
	[tilespmem:$0x1E280] =	vst v63  }
0x8b: {  	_ =	swait.ge [sflag:s28], $0x2800  }
0x8c: {  	[sflag:s28] =	ssyncset.done $0x0  }
0x8d: {  	[sflag:s28] =	ssyncadd.s32 $0xFFFFD800  }
0x8e: {  	_ =	swait.ge [sflag:s28], $0x2800  }
0x8f: {  	[sflag:s28] =	ssyncset.done $0x0  }
0x90: {  	s2 =	sadd.s32 $0x9B0, s2;
	[sflag:s28] =	ssyncadd.s32 $0xFFFFD800  }
0x91: {  	[tilespmem:s3], [sflag:$0x3] =	stream.linear.gather [hbm4b:s2+s3], $0x140, $0x38;
	[tilespmem:$0x1E280] =	vst v63  }
0x92: {  	_ =	swait.ge [sflag:s16], $0x140  }
0x93: {  	[sflag:s16] =	ssyncset.done $0x0  }
0x94: {  	[sflag:s16] =	ssyncadd.s32 $0xFFFFFEC0  }
0x95: {  	[tilespmem:s18], [sflag:$0x1] =	stream.indirect.gather [hbm4b:s4+s17], $0x80, s3, s17, $0xb8;
	[tilespmem:$0x1E280] =	vst v63  }
0x96: {  	_ = 	snop  }
0x97: {  	[tilespmem:s20], [sflag:$0x1] =	stream.indirect.gather [hbm4b:s4+s17], $0x80, s19, s17, $0xb8;
	[tilespmem:$0x1E280] =	vst v63  }
0x98: {  	_ =	swait.ge [sflag:s21], $0x2800  }
0x99: {  	[sflag:s21] =	ssyncset.done $0x0  }
.Ltmp0:
0x9a: {  	[sflag:s21] =	ssyncadd.s32 $0xFFFFD800;
	(pc) =	sbr.rel @p0 .LBB2_2-.Ltmp0, $4  }
0x9b: {  	_ =	swait.ge [sflag:s21], $0x2800  }
0x9c: {  	[sflag:s21] =	ssyncset.done $0x0  }
0x9d: {  	[sflag:s21] =	ssyncadd.s32 $0xFFFFD800  }
0x9e: {  	[spmem:s1] =	stream.indirect.scatter.add.f32 [tilespmem:s24], [sflag:$0x2], $0x80, s29, s17, $0xb8;
	[tilespmem:$0x1E280] =	vst v63  }
0x9f: {  	[spmem:s1] =	stream.indirect.scatter.add.f32 [tilespmem:s26], [sflag:$0x2], $0x80, s30, s17, $0xb8;
	[tilespmem:$0x1E280] =	vst v63  }
0xa0: {  	_ =	swait.ge [sflag:s21], $0x2800  }
0xa1: {  	[sflag:s21] =	ssyncset.done $0x0  }
0xa2: {  	[sflag:s21] =	ssyncadd.s32 $0xFFFFD800  }
0xa3: {  	_ =	swait.ge [sflag:s21], $0x2800  }
0xa4: {  	[sflag:s21] =	ssyncset.done $0x0  }
0xa5: {  	[sflag:s21] =	ssyncadd.s32 $0xFFFFD800  }
0xa6: {  	[spmem:s1] =	stream.indirect.scatter.add.f32 [tilespmem:s18], [sflag:$0x2], $0x80, s17, s17, $0xb8;
	[tilespmem:$0x1E280] =	vst v63  }
0xa7: {  	_ = 	snop  }
0xa8: {  	[spmem:s1] =	stream.indirect.scatter.add.f32 [tilespmem:s20], [sflag:$0x2], $0x80, s22, s17, $0xb8;
	[tilespmem:$0x1E280] =	vst v63  }
0xa9: {  	_ =	swait.ge [sflag:s28], $0x2800  }
0xaa: {  	[sflag:s28] =	ssyncset.done $0x0  }
0xab: {  	[sflag:s28] =	ssyncadd.s32 $0xFFFFD800  }
0xac: {  	_ =	swait.ge [sflag:s28], $0x2800  }
0xad: {  	[sflag:s28] =	ssyncset.done $0x0  }
0xae: {  	[sflag:s28] =	ssyncadd.s32 $0xFFFFD800  }
0xaf: {  	[tilespmem:s23], [sflag:$0x3] =	stream.linear.gather [hbm4b:s13+s3], $0x140, $0x38;
	[tilespmem:$0x1E280] =	vst v63  }
0xb0: {  	_ =	swait.ge [sflag:s16], $0x140  }
0xb1: {  	[sflag:s16] =	ssyncset.done $0x0  }
0xb2: {  	[sflag:s16] =	ssyncadd.s32 $0xFFFFFEC0  }
0xb3: {  	[tilespmem:s24], [sflag:$0x1] =	stream.indirect.gather [hbm4b:s4+s17], $0x80, s23, s17, $0xb8;
	[tilespmem:$0x1E280] =	vst v63  }
0xb4: {  	_ = 	snop  }
0xb5: {  	[tilespmem:s26], [sflag:$0x1] =	stream.indirect.gather [hbm4b:s4+s17], $0x80, s25, s17, $0xb8;
	[tilespmem:$0x1E280] =	vst v63  }
0xb6: {  	_ =	swait.ge [sflag:s28], $0x2800  }
0xb7: {  	[sflag:s28] =	ssyncset.done $0x0  }
0xb8: {  	[sflag:s28] =	ssyncadd.s32 $0xFFFFD800  }
0xb9: {  	_ =	swait.ge [sflag:s28], $0x2800  }
0xba: {  	[sflag:s28] =	ssyncset.done $0x0  }
0xbb: {  	[sflag:s28] =	ssyncadd.s32 $0xFFFFD800  }
0xbc: {  	_ =	swait.ge [sflag:s21], $0x2800  }
0xbd: {  	[sflag:s21] =	ssyncset.done $0x0  }
0xbe: {  	[sflag:s21] =	ssyncadd.s32 $0xFFFFD800  }
0xbf: {  	_ =	swait.ge [sflag:s21], $0x2800  }
0xc0: {  	[sflag:s21] =	ssyncset.done $0x0  }
0xc1: {  	[sflag:s21] =	ssyncadd.s32 $0xFFFFD800  }
0xc2: {  	[spmem:s1] =	stream.indirect.scatter.add.f32 [tilespmem:s24], [sflag:$0x2], $0x80, s29, s17, $0xb8;
	[tilespmem:$0x1E280] =	vst v63  }
0xc3: {  	_ = 	snop  }
0xc4: {  	[spmem:s1] =	stream.indirect.scatter.add.f32 [tilespmem:s26], [sflag:$0x2], $0x80, s30, s17, $0xb8;
	[tilespmem:$0x1E280] =	vst v63  }
0xc5: {  	_ =	swait.ge [sflag:s28], $0x2800  }
0xc6: {  	[sflag:s28] =	ssyncset.done $0x0  }
0xc7: {  	[sflag:s28] =	ssyncadd.s32 $0xFFFFD800  }
0xc8: {  	_ =	swait.ge [sflag:s28], $0x2800  }
0xc9: {  	[sflag:s28] =	ssyncset.done $0x0  }
0xca: {  	[sflag:s28] =	ssyncadd.s32 $0xFFFFD800  }
0xcb: {  	[tilespmem:s3], [sflag:$0x3] =	stream.linear.gather [hbm4b:s8+s3], $0xA0, $0x38;
	[tilespmem:$0x1E280] =	vst v63  }
0xcc: {  	_ =	swait.ge [sflag:s16], $0xA0  }
0xcd: {  	[sflag:s16] =	ssyncset.done $0x0  }
0xce: {  	[sflag:s16] =	ssyncadd.s32 $0xFFFFFF60  }
0xcf: {  	[tilespmem:s18], [sflag:$0x1] =	stream.indirect.gather [hbm4b:s4+s17], $0x80, s3, s17, $0xb8;
	[tilespmem:$0x1E280] =	vst v63  }
0xd0: {  	_ =	swait.ge [sflag:s21], $0x2800  }
0xd1: {  	[sflag:s21] =	ssyncset.done $0x0  }
0xd2: {  	[sflag:s21] =	ssyncadd.s32 $0xFFFFD800  }
0xd3: {  	[spmem:s1] =	stream.indirect.scatter.add.f32 [tilespmem:s18], [sflag:$0x3], $0x80, s17, s17, $0xb8;
	[tilespmem:$0x1E280] =	vst v63  }
0xd4: {  	_ =	swait.ge [sflag:s16], $0x2800  }
0xd5: {  	s31 =	sadd.s32 $0x1, s31;
	[sflag:s16] =	ssyncset.done $0x0  }
0xd6: {  	p0 =	sne.s32 s31, s10;
	[sflag:s16] =	ssyncadd.s32 $0xFFFFD800  }
.Ltmp1:
0xd7: {  	[bflag:$0x0] =	sbarrier.arrive $0xFFFF;
	(pc) =	sbr.rel @p0 .LBB2_1-.Ltmp1, $4  }
0xd8: {  	[hbm:s9], [sflag:s6] =	dma.local [spmem:s15], $0x2800  }
0xd9: {  	_ =	swait.ge [sflag:s16], $0x2800  }
0xda: {  	[sflag:s16] =	ssyncset.done $0x0  }
0xdb: {  	[sflag:s16] =	ssyncadd.s32 $0xFFFFD800  }
0xdc: {  	_ =	sfence.sel $0x180000  }
0xdd: {  	[bflag:$0x0] =	sbarrier.arrive $0xFFFF  }
0xde: {  	_ =	strace $0x9000004D  }
0xdf: {  	s0 =	stileid.u32;
	[bflag:$0x2] =	sbarrier.arrive $0xFFFF  }
0xe0: {  	p0 =	sne.s32 s0, $0x0;
	s0 =	rddreg [dreg:$0x2]  }
0xe1: {  	s0 =	sadd.s32 @!p0 $0x100000, s0  }
0xe2: {  	[sflag:s0] =	ssyncadd.tile.s32 @!p0 $0x1;
	_ =	shalt  }
.Lfunc_end2:
_tile_overlayer_lowered:
.L_overlay_start_2:
0xe3: {  	(tag) =	ssettag $0x2  }
0xe4: {  	s0 =	rddreg [dreg:$0x0];
	s2 =	stileid.u32  }
0xe5: {  	s1 =	rddreg [dreg:$0x1];
	p0 =	sne.s32 s2, $0x0  }
0xe6: {  	s3 =	rddreg [dreg:$0x2];
	[bflag:$0x3] =	sbarrier.arrive $0xFFFF;
	s2 =	simm.s32 @!p0 $0x1C03  }
0xe7: {  	[timem:s3], [sflag:s2] =	dma.local @!p0 [hbm:s0], s1  }
0xe8: {  	s0 =	simm.s32 @!p0 $0x3  }
0xe9: {  	_ =	swait.ge @!p0 [sflag:s0], s1  }
0xea: {  	s1 =	ssub.s32 @!p0 $0x0, s1;
	[sflag:s0] =	ssyncset.done @!p0 $0x0  }
0xeb: {  	[sflag:s0] =	ssyncadd.s32 @!p0 s1  }
0xec: {  	[bflag:$0x3] =	sbarrier.arrive $0xFFFF  }
0xed: {  	_ =	shalt  }

// kernel: kernel.20.cloned.1.call-start
scs
__scs_entry_jumppad:
0x0: {  	(pc) =	sbr.rel $0x88, $3  }
0x1: {  	(tag) =	ssettag $0x0;
	lr =	simm.s32 $0x1  }
0x2: {  	[smem:$0x3F96] =	sst lr;
	_ =	strace $0xD0000000  }
0x3: {  	_ = 	snop  }
0x4: {  	_ = 	snop  }
0x5: {  	_ = 	snop  }
0x6: {  	_ = 	snop  }
0x7: {  	_ = 	snop  }
__scs_overlays_trampoline_lowered:
0x8: {  	[smem:$0x3FA5] =	sst s0  }
0x9: {  	[smem:$0x3FA6] =	sst s1  }
0xa: {  	[smem:$0x3FA7] =	sst s2  }
0xb: {  	[smem:$0x3FA8] =	sst s3  }
0xc: {  	[smem:$0x3FA9] =	sst s4  }
0xd: {  	[smem:$0x3FAA] =	sst s5  }
0xe: {  	[smem:$0x3FAB] =	sst s6  }
0xf: {  	[smem:$0x3FAC] =	sst s7  }
0x10: {  	[smem:$0x3FAD] =	sst s8  }
0x11: {  	[smem:$0x3FAE] =	sst s9;
	s0 =	simm.s32 @!p0 $0x0  }
0x12: {  	s1 =	sld [smem:$0x3F94];
	s0 =	simm.s32 @p0 $0x1  }
0x13: {  	[smem:$0x3FAF] =	sst s0;
	s0 =	simm.s32 @!p1 $0x0  }
0x14: {  	s2 =	sld [smem:$0x3F93];
	s0 =	simm.s32 @p1 $0x1  }
0x15: {  	[smem:$0x3FB0] =	sst s0;
	s0 =	simm.s32 @!p2 $0x0  }
0x16: {  	s3 =	sld [smem:$0x3FDB];
	s0 =	simm.s32 @p2 $0x1  }
0x17: {  	s4 =	simm.s32 $0x1BF5;
	[smem:$0x3FB2] =	sst s0  }
0x18: {  	s0 =	sld [smem:$0x3F95];
	_ =	swait.ge [sflag:s4], $0x0  }
0x19: {  	s7 =	sld [smem:$0x3F96]  }
0x1a: {  	s8 =	sadd.s32 $0xFFFFE003, lr  }
0x1b: {  	s9 =	sadd.s32 $0xFFFFFEF7, lr;
	s5 =	simm.s32 $0xFFFFFFFF;
	p2 =	slt.u32 s8, $0xFFFFF086  }
0x1c: {  	p1 =	slt.u32 s9, $0xF7A;
	s5 =	simm.s32 @!p2 $0x0  }
0x1d: {  	s5 =	simm.s32 @p1 $0x1;
	p0 =	seq.s32 s7, s2  }
0x1e: {  	s7 =	smul.u32 @!p0 $0xF7A, s2;
	p2 =	seq.s32 @!p0 s5, $0x0  }
0x1f: {  	s9 =	smul.u32 $0xF7A, s1;
	s8 =	simm.s32 @!p0 $0x1BF5;
	p2 =	por !p2, p0  }
0x20: {  	[sflag:s8] =	ssyncset.s32 @!p0 $0xFFFFF086;
	s6 =	sadd.s32 @!p0 s3, s7;
	s7 =	simm.s32 @!p0 $0x108  }
0x21: {  	s3 =	sadd.s32 s3, s9;
	s6 =	sadd.s32 @!p0 $0x88, s6;
	s7 =	simm.s32 @p2 $0x1082  }
0x22: {  	[simem:s7], [sflag:s8] =	dma.local @!p0 [hbm:s6], $0xF7A  }
0x23: {  	s9 =	sor.u32 $0xD0000000, s2;
	s6 =	simm.s32 $0x108;
	_ =	swait.ge @!p0 [sflag:s8], $0x0  }
0x24: {  	s3 =	sadd.s32 $0x88, s3;
	s6 =	simm.s32 @!p1 $0x1082;
	[sflag:s4] =	ssyncset.s32 $0xFFFFF086  }
0x25: {  	[simem:s6], [sflag:s4] =	dma.local [hbm:s3], $0xF7A  }
0x26: {  	[smem:$0x3F96] =	sst s1;
	(tag) =	ssettag s2;
	_ =	strace s9  }
0x27: {  	s1 =	sld [smem:$0x3FA6]  }
0x28: {  	s2 =	sld [smem:$0x3FA7]  }
0x29: {  	s4 =	sld [smem:$0x3FA9]  }
0x2a: {  	p0 =	seq.s32 s5, $0x0;
	s5 =	sld [smem:$0x3FAA]  }
0x2b: {  	s6 =	sld [smem:$0x3FAB]  }
0x2c: {  	s7 =	sld [smem:$0x3FAC]  }
0x2d: {  	s3 =	simm.s32 $0x108;
	s8 =	sld [smem:$0x3FAD]  }
0x2e: {  	s3 =	simm.s32 @!p0 $0x1082;
	s9 =	sld [smem:$0x3FAE]  }
0x2f: {  	lr =	sadd.s32 s0, s3;
	s0 =	sld [smem:$0x3FA5]  }
0x30: {  	s3 =	sld [smem:$0x3FA8]  }
0x31: {  	[smem:$0x3FB1] =	sst s10  }
0x32: {  	s10 =	sld [smem:$0x3FAF];
	_ =	sdelay $0x3  }
0x33: {  	p0 =	seq.s32 s10, $0x1;
	s10 =	sld [smem:$0x3FB1];
	_ =	sdelay $0x3  }
0x34: {  	[smem:$0x3FB1] =	sst s10  }
0x35: {  	s10 =	sld [smem:$0x3FB0];
	_ =	sdelay $0x3  }
0x36: {  	p1 =	seq.s32 s10, $0x1;
	s10 =	sld [smem:$0x3FB1];
	_ =	sdelay $0x3  }
0x37: {  	[smem:$0x3FB1] =	sst s10  }
0x38: {  	s10 =	sld [smem:$0x3FB2]  }
0x39: {  	_ = 	snop;
	(pc) =	sbr.ind lr, $3  }
0x3a: {  	_ = 	snop  }
0x3b: {  	_ = 	snop  }
0x3c: {  	p2 =	seq.s32 s10, $0x1;
	s10 =	sld [smem:$0x3FB1]  }
0x3d: {  	_ =	shalt  }
0x3e: {  	_ =	shalt  }
0x3f: {  	_ =	shalt  }
0x40: {  	_ =	shalt  }
0x41: {  	_ =	shalt  }
0x42: {  	_ =	shalt  }
0x43: {  	_ =	shalt  }
0x44: {  	_ =	shalt  }
0x45: {  	_ =	shalt  }
0x46: {  	_ =	shalt  }
0x47: {  	_ =	shalt  }
0x48: {  	_ =	shalt  }
0x49: {  	_ =	shalt  }
0x4a: {  	_ =	shalt  }
0x4b: {  	_ =	shalt  }
0x4c: {  	_ =	shalt  }
0x4d: {  	_ =	shalt  }
0x4e: {  	_ =	shalt  }
0x4f: {  	_ =	shalt  }
0x50: {  	_ =	shalt  }
0x51: {  	_ =	shalt  }
0x52: {  	_ =	shalt  }
0x53: {  	_ =	shalt  }
0x54: {  	_ =	shalt  }
0x55: {  	_ =	shalt  }
0x56: {  	_ =	shalt  }
0x57: {  	_ =	shalt  }
0x58: {  	_ =	shalt  }
0x59: {  	_ =	shalt  }
0x5a: {  	_ =	shalt  }
0x5b: {  	_ =	shalt  }
0x5c: {  	_ =	shalt  }
0x5d: {  	_ =	shalt  }
0x5e: {  	_ =	shalt  }
0x5f: {  	_ =	shalt  }
0x60: {  	_ =	shalt  }
0x61: {  	_ =	shalt  }
0x62: {  	_ =	shalt  }
0x63: {  	_ =	shalt  }
0x64: {  	_ =	shalt  }
0x65: {  	_ =	shalt  }
0x66: {  	_ =	shalt  }
0x67: {  	_ =	shalt  }
0x68: {  	_ =	shalt  }
0x69: {  	_ =	shalt  }
0x6a: {  	_ =	shalt  }
0x6b: {  	_ =	shalt  }
0x6c: {  	_ =	shalt  }
0x6d: {  	_ =	shalt  }
0x6e: {  	_ =	shalt  }
0x6f: {  	_ =	shalt  }
0x70: {  	_ =	shalt  }
0x71: {  	_ =	shalt  }
0x72: {  	_ =	shalt  }
0x73: {  	_ =	shalt  }
0x74: {  	_ =	shalt  }
0x75: {  	_ =	shalt  }
0x76: {  	_ =	shalt  }
0x77: {  	_ =	shalt  }
0x78: {  	_ =	shalt  }
0x79: {  	_ =	shalt  }
0x7a: {  	_ =	shalt  }
0x7b: {  	_ =	shalt  }
0x7c: {  	_ =	shalt  }
0x7d: {  	_ =	shalt  }
0x7e: {  	_ =	shalt  }
0x7f: {  	_ =	shalt  }
0x80: {  	_ =	shalt  }
0x81: {  	_ =	shalt  }
0x82: {  	_ =	shalt  }
0x83: {  	_ =	shalt  }
0x84: {  	_ =	shalt  }
0x85: {  	_ =	shalt  }
0x86: {  	_ =	shalt  }
0x87: {  	_ =	shalt  }
.Lfunc_end0:
.L_simem_size_0:
called_computation.3_lowered:
.L_overlay_start_0:
0x88: {  	s2 =	sld [smem:$0x3FD9]  }
0x89: {  	s3 =	sld [smem:$0x3FFE];
	_ =	sdelay $0x1  }
0x8a: {  	s1 =	srdreg.scid  }
0x8b: {  	s0 =	sand.u32 $0x1, s1  }
0x8c: {  	s16 =	sshll.u32 s0, $0xA;
	s2 =	sadd.s32 s3, s2  }
0x8d: {  	s2 =	sadd.s32 s2, s16  }
0x8e: {  	[smem:$0x3FBD] =	sst s2  }
0x8f: {  	_ = 	snop  }
0x90: {  	(tm) =	ssettm $0x1  }
0x91: {  	s17 =	sld [smem:$0x3FFB];
	_ =	sdelay $0x3  }
0x92: {  	_ =	strace s17  }
0x93: {  	s2 =	sld [smem:$0x3FFC];
	_ =	sdelay $0x3  }
0x94: {  	_ =	strace s2  }
0x95: {  	s2 =	sld [smem:$0x3FFD];
	_ =	sdelay $0x3  }
0x96: {  	_ =	strace s2  }
0x97: {  	_ =	strace $0x8FFFFFFF  }
0x98: {  	s18 =	sld [smem:$0x3FDB];
	_ =	sdelay $0x1  }
0x99: {  	s19 =	simm.s32 $_scs_section_size  }
0x9a: {  	s4 =	simm.s32 $_size__tile_overlayer_lowered;
	s5 =	simm.s32 $_tile_overlayer_lowered  }
0x9b: {  	s22 =	simm.s32 $0x1BFF;
	s21 =	sshll.u32 s5, $0x1;
	s2 =	sadd.s32 s19, s18  }
0x9c: {  	s6 =	simm.s32 $0x0;
	s20 =	sshll.u32 s4, $0x1;
	s4 =	sadd.s32 s21, s2  }
0x9d: {  	[timem:s6], [sflag:s22] =	dma.local [hbm:s4], s20  }
0x9e: {  	_ =	swait.ge [sflag:s22], s20  }
0x9f: {  	s3 =	ssub.s32 $0x0, s20;
	[sflag:s22] =	ssyncset.done $0x0  }
0xa0: {  	[sflag:s22] =	ssyncadd.s32 s3;
	_ =	sdelay $0x1  }
0xa1: {  	s23 =	simm.s32 $0x1B8B  }
0xa2: {  	_ =	swait.ge [sflag:s23], $0x1  }
0xa3: {  	[sflag:s23] =	ssyncset.done $0x0  }
0xa4: {  	s25 =	simm.s32 $0x1B8E;
	s24 =	sld [smem:$0x3FFE];
	[sflag:s23] =	ssyncadd.s32 $0xFFFFFFFF  }
0xa5: {  	s26 =	simm.s32 $execute0_lowered;
	[smem:$0x3FD2] =	sst s25  }
0xa6: {  	s4 =	sshll.u32 s26, $0x1;
	_ =	strace $0x8000004F;
	[dreg:$0x1] =	wrdreg $0xFFFFFFFF  }
0xa7: {  	s28 =	simm.s32 $_size_execute0_lowered;
	s2 =	sadd.s32 s2, s4;
	[dreg:$0x0] =	wrdreg $0x0  }
0xa8: {  	s4 =	sshll.u32 s28, $0x1;
	[dreg:$0x2] =	wrdreg s2  }
0xa9: {  	[dreg:$0x3] =	wrdreg s4  }
0xaa: {  	[dreg:$0x4] =	wrdreg $0xC0  }
0xab: {  	_ =	task [dreg:s6], $0x5FFFF  }
0xac: {  	[dreg:$0x1] =	wrdreg $0xFFFFFFFF  }
0xad: {  	[dreg:$0x0] =	wrdreg $0x60  }
0xae: {  	[dreg:$0x2] =	wrdreg s24  }
0xaf: {  	[dreg:$0x3] =	wrdreg $0xA2800  }
0xb0: {  	[dreg:$0x4] =	wrdreg $0x9  }
0xb1: {  	_ =	task.clear_ibuf [dreg:s6], $0x5FFFF;
	_ =	strace $0x9000004F  }
0xb2: {  	s29 =	simm.s32 $0x9;
	_ =	strace $0x80000051  }
0xb3: {  	_ =	swait.ge [sflag:s29], $0x1  }
0xb4: {  	[sflag:s29] =	ssyncadd.s32 $0xFFFFFFFF  }
0xb5: {  	_ =	strace $0x90000051  }
0xb6: {  	_ =	sfence  }
0xb7: {  	s30 =	sld [smem:$0x0];
	_ =	sdelay $0x2  }
0xb8: {  	s31 =	sshll.u32 s1, $0xD;
	s1 =	sshrl.u32 s1, $0x2  }
0xb9: {  	s3 =	sand.u32 $0x4000, s31;
	s1 =	sadd.s32 s1, s30  }
0xba: {  	s0 =	sor.u32 s3, s0;
	s1 =	sshll.u32 s1, $0x11  }
0xbb: {  	s0 =	sor.u32 s1, s0  }
0xbc: {  	s0 =	sadd.s32 $0x8F2B, s0  }
0xbd: {  	[sflag:s0] =	ssyncadd.remote.s32 $0x1  }
0xbe: {  	_ =	sfence.sel $0xFFFF  }
0xbf: {  	[dreg:$0x0] =	wrdreg $0xFFFFFFFF;
	(pc) =	sbr.abs _section_cstart, $3  }
0xc0: {  	[dreg:$0x1] =	wrdreg $0xFFFFFFFF  }
0xc1: {  	_ =	task.clear_ibuf [dreg:s6], $0x2FFFF;
	_ =	strace $0x9FFFFFFF  }
0xc2: {  	(tm) =	ssettm $0x7FFFFFFF  }
0xc3: {  	_ =	shalt  }
tec
execute0_lowered:
.L_overlay_start_1:
0x0: {  	(tag) =	ssettag $0x1  }
0x1: {  	s0 =	rddreg [dreg:$0x0]  }
0x2: {  	s1 =	rddreg [dreg:$0x1];
	s3 =	simm.s32 $0x0;
	s2 =	stileid.u32  }
0x3: {  	s6 =	srdreg.scid;
	s16 =	simm.s32 $0x3;
	s17 =	simm.s32 $0x50  }
0x4: {  	s18 =	simm.s32 $0x280;
	s19 =	simm.s32 $0xA0;
	s28 =	simm.s32 $0x2  }
0x5: {  	s29 =	simm.s32 $0x190;
	s30 =	simm.s32 $0x230;
	s31 =	simm.s32 $0x0  }
0x6: {  	[smem:$0x7FF] =	sst s3;
	s4 =	sadd.s32 $0x2FC00, s0;
	s5 =	smul.u32 $0x14000, s2  }
0x7: {  	s13 =	sadd.s32 $0x1C200, s0;
	s9 =	sand.u32 $0x1, s6;
	s20 =	smul.u32 $0x2800, s2  }
0x8: {  	s22 =	sshll.u32 s2, $0x6;
	s26 =	smul.u32 $0x9C4, s2;
	_ =	strace $0x80000050  }
0x9: {  	s8 =	smul.u32 $0x28000, s9;
	s10 =	sshll.u32 s9, $0x4;
	s11 =	ssub.s32 $0x2, s9  }
0xa: {  	s14 =	smul.u32 $0x9C40, s9;
	s7 =	sshrl.u32 s5, $0x3;
	s10 =	sor.u32 s2, s10  }
0xb: {  	s21 =	sshrl.u32 s11, $0x1;
	s15 =	sadd.s32 s5, s1;
	s7 =	sadd.s32 s7, s0  }
0xc: {  	s6 =	sadd.s32 s20, s8;
	s12 =	smul.u32 $0x4E20, s10;
	s11 =	ssub.s32 s11, s21  }
0xd: {  	s23 =	smul.u32 $0x9C4, s10;
	s14 =	sadd.s32 s14, s13;
	s15 =	sshrl.u32 s15, $0x3  }
0xe: {  	s20 =	simm.s32 $0x2A80;
	s21 =	simm.s32 $0x1;
	s0 =	sadd.s32 s6, s0  }
0xf: {  	s25 =	sadd.s32 $0x56E00, s7;
	s6 =	sor.u32 $0x1C03, s22;
	s14 =	sadd.s32 s26, s14  }
0x10: {  	s22 =	simm.s32 $0xF0;
	s26 =	simm.s32 $0x7A80;
	s24 =	sshrl.u32 s12, $0x3  }
0x11: {  	[dreg:$0x3] =	wrdreg s25;
	s7 =	sadd.s32 s13, s23;
	s9 =	sadd.s32 $0x7EE00, s0  }
0x12: {  	s23 =	simm.s32 $0x140;
	s25 =	simm.s32 $0x1E0;
	s10 =	sadd.s32 s13, s24  }
0x13: {  	s12 =	sadd.s32 $0x50, s7;
	s13 =	sadd.s32 $0x988, s7;
	s24 =	simm.s32 $0x5280  }
0x14: {  	s8 =	sadd.s32 $0x9B0, s10;
	s10 =	smax.u32 s11, $0x1;
	s11 =	sadd.s32 $0x28, s7  }
.LBB2_1:
0x15: {  	s0 =	rddreg [dreg:$0x3]  }
0x16: {  	[spmem:s15], [sflag:s6] =	dma.local [hbm:s0], $0x2800  }
0x17: {  	_ =	swait.ge [sflag:s16], $0x2800  }
0x18: {  	[sflag:s16] =	ssyncset.done $0x0  }
0x19: {  	[sflag:s16] =	ssyncadd.s32 $0xFFFFD800  }
0x1a: {  	[bflag:$0x0] =	sbarrier.arrive $0xFFFF  }
0x1b: {  	[tilespmem:s3], [sflag:$0x3] =	stream.linear.gather [hbm4b:s7+s3], $0x140, $0x38;
	[tilespmem:$0x1E280] =	vst v63  }
0x1c: {  	_ =	swait.ge [sflag:s16], $0x140  }
0x1d: {  	[sflag:s16] =	ssyncset.done $0x0  }
0x1e: {  	[sflag:s16] =	ssyncadd.s32 $0xFFFFFEC0  }
0x1f: {  	[tilespmem:s18], [sflag:$0x1] =	stream.indirect.gather [hbm4b:s4+s17], $0x80, s3, s17, $0xb8;
	[tilespmem:$0x1E280] =	vst v63  }
0x20: {  	_ = 	snop  }
0x21: {  	[tilespmem:s20], [sflag:$0x1] =	stream.indirect.gather [hbm4b:s4+s17], $0x80, s19, s17, $0xb8;
	[tilespmem:$0x1E280] =	vst v63  }
0x22: {  	_ =	swait.ge [sflag:s21], $0x2800  }
0x23: {  	[sflag:s21] =	ssyncset.done $0x0  }
0x24: {  	[sflag:s21] =	ssyncadd.s32 $0xFFFFD800  }
0x25: {  	_ =	swait.ge [sflag:s21], $0x2800  }
0x26: {  	[sflag:s21] =	ssyncset.done $0x0  }
0x27: {  	[sflag:s21] =	ssyncadd.s32 $0xFFFFD800  }
0x28: {  	[spmem:s1] =	stream.indirect.scatter.add.f32 [tilespmem:s18], [sflag:$0x2], $0x80, s17, s17, $0xb8;
	[tilespmem:$0x1E280] =	vst v63  }
0x29: {  	_ = 	snop  }
0x2a: {  	[spmem:s1] =	stream.indirect.scatter.add.f32 [tilespmem:s20], [sflag:$0x2], $0x80, s22, s17, $0xb8;
	[tilespmem:$0x1E280] =	vst v63  }
0x2b: {  	_ = 	snop  }
0x2c: {  	[tilespmem:s23], [sflag:$0x3] =	stream.linear.gather [hbm4b:s11+s3], $0x140, $0x38;
	[tilespmem:$0x1E280] =	vst v63  }
0x2d: {  	_ =	swait.ge [sflag:s16], $0x140  }
0x2e: {  	[sflag:s16] =	ssyncset.done $0x0  }
0x2f: {  	[sflag:s16] =	ssyncadd.s32 $0xFFFFFEC0  }
0x30: {  	[tilespmem:s24], [sflag:$0x1] =	stream.indirect.gather [hbm4b:s4+s17], $0x80, s23, s17, $0xb8;
	[tilespmem:$0x1E280] =	vst v63  }
0x31: {  	_ = 	snop  }
0x32: {  	[tilespmem:s26], [sflag:$0x1] =	stream.indirect.gather [hbm4b:s4+s17], $0x80, s25, s17, $0xb8;
	[tilespmem:$0x1E280] =	vst v63  }
0x33: {  	_ =	swait.ge [sflag:s28], $0x2800  }
0x34: {  	[sflag:s28] =	ssyncset.done $0x0  }
0x35: {  	[sflag:s28] =	ssyncadd.s32 $0xFFFFD800  }
0x36: {  	_ =	swait.ge [sflag:s28], $0x2800  }
0x37: {  	[sflag:s28] =	ssyncset.done $0x0  }
0x38: {  	[sflag:s28] =	ssyncadd.s32 $0xFFFFD800  }
0x39: {  	[tilespmem:s3], [sflag:$0x3] =	stream.linear.gather [hbm4b:s12+s3], $0x140, $0x38;
	[tilespmem:$0x1E280] =	vst v63  }
0x3a: {  	_ =	swait.ge [sflag:s16], $0x140  }
0x3b: {  	[sflag:s16] =	ssyncset.done $0x0  }
0x3c: {  	[sflag:s16] =	ssyncadd.s32 $0xFFFFFEC0  }
0x3d: {  	[tilespmem:s18], [sflag:$0x1] =	stream.indirect.gather [hbm4b:s4+s17], $0x80, s3, s17, $0xb8;
	[tilespmem:$0x1E280] =	vst v63  }
0x3e: {  	_ = 	snop  }
0x3f: {  	[tilespmem:s20], [sflag:$0x1] =	stream.indirect.gather [hbm4b:s4+s17], $0x80, s19, s17, $0xb8;
	[tilespmem:$0x1E280] =	vst v63  }
0x40: {  	_ =	swait.ge [sflag:s21], $0x2800  }
0x41: {  	[sflag:s21] =	ssyncset.done $0x0  }
0x42: {  	[sflag:s21] =	ssyncadd.s32 $0xFFFFD800  }
0x43: {  	_ =	swait.ge [sflag:s21], $0x2800  }
0x44: {  	[sflag:s21] =	ssyncset.done $0x0  }
0x45: {  	[sflag:s21] =	ssyncadd.s32 $0xFFFFD800  }
0x46: {  	[spmem:s1] =	stream.indirect.scatter.add.f32 [tilespmem:s24], [sflag:$0x2], $0x80, s29, s17, $0xb8;
	[tilespmem:$0x1E280] =	vst v63  }
0x47: {  	_ = 	snop  }
0x48: {  	[spmem:s1] =	stream.indirect.scatter.add.f32 [tilespmem:s26], [sflag:$0x2], $0x80, s30, s17, $0xb8;
	[tilespmem:$0x1E280] =	vst v63  }
0x49: {  	_ =	swait.ge [sflag:s21], $0x2800  }
0x4a: {  	[sflag:s21] =	ssyncset.done $0x0  }
0x4b: {  	[sflag:s21] =	ssyncadd.s32 $0xFFFFD800  }
0x4c: {  	_ =	swait.ge [sflag:s21], $0x2800  }
0x4d: {  	[sflag:s21] =	ssyncset.done $0x0  }
0x4e: {  	[sflag:s21] =	ssyncadd.s32 $0xFFFFD800  }
0x4f: {  	[spmem:s1] =	stream.indirect.scatter.add.f32 [tilespmem:s18], [sflag:$0x2], $0x80, s17, s17, $0xb8;
	[tilespmem:$0x1E280] =	vst v63  }
0x50: {  	_ = 	snop  }
0x51: {  	[spmem:s1] =	stream.indirect.scatter.add.f32 [tilespmem:s20], [sflag:$0x2], $0x80, s22, s17, $0xb8;
	[tilespmem:$0x1E280] =	vst v63  }
0x52: {  	_ =	swait.ge [sflag:s28], $0x2800  }
0x53: {  	[sflag:s28] =	ssyncset.done $0x0  }
0x54: {  	[sflag:s28] =	ssyncadd.s32 $0xFFFFD800  }
0x55: {  	_ =	swait.ge [sflag:s28], $0x2800  }
0x56: {  	s5 =	sadd.s32 $0xFFFFF6F0, s14;
	[sflag:s28] =	ssyncset.done $0x0  }
0x57: {  	s2 =	sadd.s32 $0x988, s5;
	[sflag:s28] =	ssyncadd.s32 $0xFFFFD800  }
0x58: {  	[tilespmem:s23], [sflag:$0x3] =	stream.linear.gather [hbm4b:s2+s3], $0x140, $0x38;
	[tilespmem:$0x1E280] =	vst v63  }
0x59: {  	_ =	swait.ge [sflag:s16], $0x140  }
0x5a: {  	[sflag:s16] =	ssyncset.done $0x0  }
0x5b: {  	[sflag:s16] =	ssyncadd.s32 $0xFFFFFEC0  }
0x5c: {  	[tilespmem:s24], [sflag:$0x1] =	stream.indirect.gather [hbm4b:s4+s17], $0x80, s23, s17, $0xb8;
	[tilespmem:$0x1E280] =	vst v63  }
0x5d: {  	_ = 	snop  }
0x5e: {  	[tilespmem:s26], [sflag:$0x1] =	stream.indirect.gather [hbm4b:s4+s17], $0x80, s25, s17, $0xb8;
	[tilespmem:$0x1E280] =	vst v63  }
0x5f: {  	_ =	swait.ge [sflag:s28], $0x2800  }
0x60: {  	[sflag:s28] =	ssyncset.done $0x0  }
0x61: {  	[sflag:s28] =	ssyncadd.s32 $0xFFFFD800  }
0x62: {  	_ =	swait.ge [sflag:s28], $0x2800  }
0x63: {  	[sflag:s28] =	ssyncset.done $0x0  }
0x64: {  	s0 =	sadd.s32 $0x9B0, s5;
	[sflag:s28] =	ssyncadd.s32 $0xFFFFD800  }
0x65: {  	[tilespmem:s3], [sflag:$0x3] =	stream.linear.gather [hbm4b:s0+s3], $0x140, $0x38;
	[tilespmem:$0x1E280] =	vst v63  }
0x66: {  	_ =	swait.ge [sflag:s16], $0x140  }
0x67: {  	[sflag:s16] =	ssyncset.done $0x0  }
0x68: {  	[sflag:s16] =	ssyncadd.s32 $0xFFFFFEC0  }
0x69: {  	[tilespmem:s18], [sflag:$0x1] =	stream.indirect.gather [hbm4b:s4+s17], $0x80, s3, s17, $0xb8;
	[tilespmem:$0x1E280] =	vst v63  }
0x6a: {  	_ = 	snop  }
0x6b: {  	[tilespmem:s20], [sflag:$0x1] =	stream.indirect.gather [hbm4b:s4+s17], $0x80, s19, s17, $0xb8;
	[tilespmem:$0x1E280] =	vst v63  }
0x6c: {  	_ =	swait.ge [sflag:s21], $0x2800  }
0x6d: {  	[sflag:s21] =	ssyncset.done $0x0  }
0x6e: {  	[sflag:s21] =	ssyncadd.s32 $0xFFFFD800  }
0x6f: {  	_ =	swait.ge [sflag:s21], $0x2800  }
0x70: {  	[sflag:s21] =	ssyncset.done $0x0  }
0x71: {  	s0 =	simm.s32 $0xFFFFF740;
	[sflag:s21] =	ssyncadd.s32 $0xFFFFD800  }
0x72: {  	[spmem:s1] =	stream.indirect.scatter.add.f32 [tilespmem:s24], [sflag:$0x2], $0x80, s29, s17, $0xb8;
	[tilespmem:$0x1E280] =	vst v63  }
.LBB2_2:
0x73: {  	[spmem:s1] =	stream.indirect.scatter.add.f32 [tilespmem:s26], [sflag:$0x2], $0x80, s30, s17, $0xb8;
	[tilespmem:$0x1E280] =	vst v63  }
0x74: {  	s2 =	smov.u32 s0  }
0x75: {  	p0 =	sne.s32 s0, $0xFFFFFFB0;
	s0 =	sadd.s32 $0x50, s0;
	_ =	swait.ge [sflag:s21], $0x2800  }
0x76: {  	[sflag:s21] =	ssyncset.done $0x0  }
0x77: {  	[sflag:s21] =	ssyncadd.s32 $0xFFFFD800  }
0x78: {  	_ =	swait.ge [sflag:s21], $0x2800  }
0x79: {  	[sflag:s21] =	ssyncset.done $0x0  }
0x7a: {  	[sflag:s21] =	ssyncadd.s32 $0xFFFFD800  }
0x7b: {  	[spmem:s1] =	stream.indirect.scatter.add.f32 [tilespmem:s18], [sflag:$0x2], $0x80, s17, s17, $0xb8;
	[tilespmem:$0x1E280] =	vst v63  }
0x7c: {  	_ = 	snop  }
0x7d: {  	[spmem:s1] =	stream.indirect.scatter.add.f32 [tilespmem:s20], [sflag:$0x2], $0x80, s22, s17, $0xb8;
	[tilespmem:$0x1E280] =	vst v63  }
0x7e: {  	_ =	swait.ge [sflag:s28], $0x2800  }
0x7f: {  	[sflag:s28] =	ssyncset.done $0x0  }
0x80: {  	[sflag:s28] =	ssyncadd.s32 $0xFFFFD800  }
0x81: {  	_ =	swait.ge [sflag:s28], $0x2800  }
0x82: {  	s2 =	sadd.s32 s2, s14;
	[sflag:s28] =	ssyncset.done $0x0  }
0x83: {  	s5 =	sadd.s32 $0x988, s2;
	[sflag:s28] =	ssyncadd.s32 $0xFFFFD800  }
0x84: {  	[tilespmem:s23], [sflag:$0x3] =	stream.linear.gather [hbm4b:s5+s3], $0x140, $0x38;
	[tilespmem:$0x1E280] =	vst v63  }
0x85: {  	_ =	swait.ge [sflag:s16], $0x140  }
0x86: {  	[sflag:s16] =	ssyncset.done $0x0  }
0x87: {  	[sflag:s16] =	ssyncadd.s32 $0xFFFFFEC0  }
0x88: {  	[tilespmem:s24], [sflag:$0x1] =	stream.indirect.gather [hbm4b:s4+s17], $0x80, s23, s17, $0xb8;
	[tilespmem:$0x1E280] =	vst v63  }
0x89: {  	_ = 	snop  }
0x8a: {  	[tilespmem:s26], [sflag:$0x1] =	stream.indirect.gather [hbm4b:s4+s17], $0x80, s25, s17, $0xb8;
	[tilespmem:$0x1E280] =	vst v63  }
0x8b: {  	_ =	swait.ge [sflag:s28], $0x2800  }
0x8c: {  	[sflag:s28] =	ssyncset.done $0x0  }
0x8d: {  	[sflag:s28] =	ssyncadd.s32 $0xFFFFD800  }
0x8e: {  	_ =	swait.ge [sflag:s28], $0x2800  }
0x8f: {  	[sflag:s28] =	ssyncset.done $0x0  }
0x90: {  	s2 =	sadd.s32 $0x9B0, s2;
	[sflag:s28] =	ssyncadd.s32 $0xFFFFD800  }
0x91: {  	[tilespmem:s3], [sflag:$0x3] =	stream.linear.gather [hbm4b:s2+s3], $0x140, $0x38;
	[tilespmem:$0x1E280] =	vst v63  }
0x92: {  	_ =	swait.ge [sflag:s16], $0x140  }
0x93: {  	[sflag:s16] =	ssyncset.done $0x0  }
0x94: {  	[sflag:s16] =	ssyncadd.s32 $0xFFFFFEC0  }
0x95: {  	[tilespmem:s18], [sflag:$0x1] =	stream.indirect.gather [hbm4b:s4+s17], $0x80, s3, s17, $0xb8;
	[tilespmem:$0x1E280] =	vst v63  }
0x96: {  	_ = 	snop  }
0x97: {  	[tilespmem:s20], [sflag:$0x1] =	stream.indirect.gather [hbm4b:s4+s17], $0x80, s19, s17, $0xb8;
	[tilespmem:$0x1E280] =	vst v63  }
0x98: {  	_ =	swait.ge [sflag:s21], $0x2800  }
0x99: {  	[sflag:s21] =	ssyncset.done $0x0  }
.Ltmp0:
0x9a: {  	[sflag:s21] =	ssyncadd.s32 $0xFFFFD800;
	(pc) =	sbr.rel @p0 .LBB2_2-.Ltmp0, $4  }
0x9b: {  	_ =	swait.ge [sflag:s21], $0x2800  }
0x9c: {  	[sflag:s21] =	ssyncset.done $0x0  }
0x9d: {  	[sflag:s21] =	ssyncadd.s32 $0xFFFFD800  }
0x9e: {  	[spmem:s1] =	stream.indirect.scatter.add.f32 [tilespmem:s24], [sflag:$0x2], $0x80, s29, s17, $0xb8;
	[tilespmem:$0x1E280] =	vst v63  }
0x9f: {  	[spmem:s1] =	stream.indirect.scatter.add.f32 [tilespmem:s26], [sflag:$0x2], $0x80, s30, s17, $0xb8;
	[tilespmem:$0x1E280] =	vst v63  }
0xa0: {  	_ =	swait.ge [sflag:s21], $0x2800  }
0xa1: {  	[sflag:s21] =	ssyncset.done $0x0  }
0xa2: {  	[sflag:s21] =	ssyncadd.s32 $0xFFFFD800  }
0xa3: {  	_ =	swait.ge [sflag:s21], $0x2800  }
0xa4: {  	[sflag:s21] =	ssyncset.done $0x0  }
0xa5: {  	[sflag:s21] =	ssyncadd.s32 $0xFFFFD800  }
0xa6: {  	[spmem:s1] =	stream.indirect.scatter.add.f32 [tilespmem:s18], [sflag:$0x2], $0x80, s17, s17, $0xb8;
	[tilespmem:$0x1E280] =	vst v63  }
0xa7: {  	_ = 	snop  }
0xa8: {  	[spmem:s1] =	stream.indirect.scatter.add.f32 [tilespmem:s20], [sflag:$0x2], $0x80, s22, s17, $0xb8;
	[tilespmem:$0x1E280] =	vst v63  }
0xa9: {  	_ =	swait.ge [sflag:s28], $0x2800  }
0xaa: {  	[sflag:s28] =	ssyncset.done $0x0  }
0xab: {  	[sflag:s28] =	ssyncadd.s32 $0xFFFFD800  }
0xac: {  	_ =	swait.ge [sflag:s28], $0x2800  }
0xad: {  	[sflag:s28] =	ssyncset.done $0x0  }
0xae: {  	[sflag:s28] =	ssyncadd.s32 $0xFFFFD800  }
0xaf: {  	[tilespmem:s23], [sflag:$0x3] =	stream.linear.gather [hbm4b:s13+s3], $0x140, $0x38;
	[tilespmem:$0x1E280] =	vst v63  }
0xb0: {  	_ =	swait.ge [sflag:s16], $0x140  }
0xb1: {  	[sflag:s16] =	ssyncset.done $0x0  }
0xb2: {  	[sflag:s16] =	ssyncadd.s32 $0xFFFFFEC0  }
0xb3: {  	[tilespmem:s24], [sflag:$0x1] =	stream.indirect.gather [hbm4b:s4+s17], $0x80, s23, s17, $0xb8;
	[tilespmem:$0x1E280] =	vst v63  }
0xb4: {  	_ = 	snop  }
0xb5: {  	[tilespmem:s26], [sflag:$0x1] =	stream.indirect.gather [hbm4b:s4+s17], $0x80, s25, s17, $0xb8;
	[tilespmem:$0x1E280] =	vst v63  }
0xb6: {  	_ =	swait.ge [sflag:s28], $0x2800  }
0xb7: {  	[sflag:s28] =	ssyncset.done $0x0  }
0xb8: {  	[sflag:s28] =	ssyncadd.s32 $0xFFFFD800  }
0xb9: {  	_ =	swait.ge [sflag:s28], $0x2800  }
0xba: {  	[sflag:s28] =	ssyncset.done $0x0  }
0xbb: {  	[sflag:s28] =	ssyncadd.s32 $0xFFFFD800  }
0xbc: {  	_ =	swait.ge [sflag:s21], $0x2800  }
0xbd: {  	[sflag:s21] =	ssyncset.done $0x0  }
0xbe: {  	[sflag:s21] =	ssyncadd.s32 $0xFFFFD800  }
0xbf: {  	_ =	swait.ge [sflag:s21], $0x2800  }
0xc0: {  	[sflag:s21] =	ssyncset.done $0x0  }
0xc1: {  	[sflag:s21] =	ssyncadd.s32 $0xFFFFD800  }
0xc2: {  	[spmem:s1] =	stream.indirect.scatter.add.f32 [tilespmem:s24], [sflag:$0x2], $0x80, s29, s17, $0xb8;
	[tilespmem:$0x1E280] =	vst v63  }
0xc3: {  	_ = 	snop  }
0xc4: {  	[spmem:s1] =	stream.indirect.scatter.add.f32 [tilespmem:s26], [sflag:$0x2], $0x80, s30, s17, $0xb8;
	[tilespmem:$0x1E280] =	vst v63  }
0xc5: {  	_ =	swait.ge [sflag:s28], $0x2800  }
0xc6: {  	[sflag:s28] =	ssyncset.done $0x0  }
0xc7: {  	[sflag:s28] =	ssyncadd.s32 $0xFFFFD800  }
0xc8: {  	_ =	swait.ge [sflag:s28], $0x2800  }
0xc9: {  	[sflag:s28] =	ssyncset.done $0x0  }
0xca: {  	[sflag:s28] =	ssyncadd.s32 $0xFFFFD800  }
0xcb: {  	[tilespmem:s3], [sflag:$0x3] =	stream.linear.gather [hbm4b:s8+s3], $0xA0, $0x38;
	[tilespmem:$0x1E280] =	vst v63  }
0xcc: {  	_ =	swait.ge [sflag:s16], $0xA0  }
0xcd: {  	[sflag:s16] =	ssyncset.done $0x0  }
0xce: {  	[sflag:s16] =	ssyncadd.s32 $0xFFFFFF60  }
0xcf: {  	[tilespmem:s18], [sflag:$0x1] =	stream.indirect.gather [hbm4b:s4+s17], $0x80, s3, s17, $0xb8;
	[tilespmem:$0x1E280] =	vst v63  }
0xd0: {  	_ =	swait.ge [sflag:s21], $0x2800  }
0xd1: {  	[sflag:s21] =	ssyncset.done $0x0  }
0xd2: {  	[sflag:s21] =	ssyncadd.s32 $0xFFFFD800  }
0xd3: {  	[spmem:s1] =	stream.indirect.scatter.add.f32 [tilespmem:s18], [sflag:$0x3], $0x80, s17, s17, $0xb8;
	[tilespmem:$0x1E280] =	vst v63  }
0xd4: {  	_ =	swait.ge [sflag:s16], $0x2800  }
0xd5: {  	s31 =	sadd.s32 $0x1, s31;
	[sflag:s16] =	ssyncset.done $0x0  }
0xd6: {  	p0 =	sne.s32 s31, s10;
	[sflag:s16] =	ssyncadd.s32 $0xFFFFD800  }
.Ltmp1:
0xd7: {  	[bflag:$0x0] =	sbarrier.arrive $0xFFFF;
	(pc) =	sbr.rel @p0 .LBB2_1-.Ltmp1, $4  }
0xd8: {  	[hbm:s9], [sflag:s6] =	dma.local [spmem:s15], $0x2800  }
0xd9: {  	_ =	swait.ge [sflag:s16], $0x2800  }
0xda: {  	[sflag:s16] =	ssyncset.done $0x0  }
0xdb: {  	[sflag:s16] =	ssyncadd.s32 $0xFFFFD800  }
0xdc: {  	_ =	sfence.sel $0x180000  }
0xdd: {  	[bflag:$0x0] =	sbarrier.arrive $0xFFFF  }
0xde: {  	_ =	strace $0x90000050  }
0xdf: {  	s0 =	stileid.u32;
	[bflag:$0x2] =	sbarrier.arrive $0xFFFF  }
0xe0: {  	p0 =	sne.s32 s0, $0x0;
	s0 =	rddreg [dreg:$0x2]  }
0xe1: {  	s0 =	sadd.s32 @!p0 $0x100000, s0  }
0xe2: {  	[sflag:s0] =	ssyncadd.tile.s32 @!p0 $0x1;
	_ =	shalt  }
.Lfunc_end2:
_tile_overlayer_lowered:
.L_overlay_start_2:
0xe3: {  	(tag) =	ssettag $0x2  }
0xe4: {  	s0 =	rddreg [dreg:$0x0];
	s2 =	stileid.u32  }
0xe5: {  	s1 =	rddreg [dreg:$0x1];
	p0 =	sne.s32 s2, $0x0  }
0xe6: {  	s3 =	rddreg [dreg:$0x2];
	[bflag:$0x3] =	sbarrier.arrive $0xFFFF;
	s2 =	simm.s32 @!p0 $0x1C03  }
0xe7: {  	[timem:s3], [sflag:s2] =	dma.local @!p0 [hbm:s0], s1  }
0xe8: {  	s0 =	simm.s32 @!p0 $0x3  }
0xe9: {  	_ =	swait.ge @!p0 [sflag:s0], s1  }
0xea: {  	s1 =	ssub.s32 @!p0 $0x0, s1;
	[sflag:s0] =	ssyncset.done @!p0 $0x0  }
0xeb: {  	[sflag:s0] =	ssyncadd.s32 @!p0 s1  }
0xec: {  	[bflag:$0x3] =	sbarrier.arrive $0xFFFF  }
0xed: {  	_ =	shalt  }

</sc_bundles>
